<compile_context>
chip_gen: v7x
topology: tpu7x:2x2x1
jax: 0.10.2.dev20260603
libtpu: 0.0.44.dev20260713+nightly
codegen_flags: <defaults>
</compile_context>

<pallas_src>
import functools
import math

import jax
import jax.numpy as jnp
from jax import lax
from jax.experimental import pallas as pl
from jax.experimental.pallas import tpu as pltpu
from jax.experimental.pallas import tpu_sc as plsc

_B = 1024
_SL = 50
_SLP = 56
_SENT = 16
_D = 128
_NLP_DIM = 768
_NLP_FF = 1024
_NLP_H = 12
_HEADS = 4
_COMB = 384
_E = 8
_CAP = 256
_TT = 3
_SEQ_DIM = 20000
_NEG = -1e9

_f32 = jnp.float32


def _sc_gather(table, idx, chunk):
    v, d = table.shape
    n = idx.shape[0]
    info = plsc.get_sparse_core_info()
    nw = info.num_cores * info.num_subcores
    n_per_w = n // nw
    nchunks = n_per_w // chunk
    mesh = plsc.VectorSubcoreMesh(core_axis_name="c", subcore_axis_name="s")

    @functools.partial(
        pl.kernel,
        mesh=mesh,
        out_type=jax.ShapeDtypeStruct((n, d), _f32),
        scratch_types=[
            pltpu.VMEM((n_per_w,), jnp.int32),
            pltpu.VMEM((chunk, d), _f32),
            pltpu.VMEM((chunk, d), _f32),
            pltpu.SemaphoreType.DMA,
            pltpu.SemaphoreType.DMA,
            pltpu.SemaphoreType.DMA,
            pltpu.SemaphoreType.DMA,
        ],
    )
    def k(table_hbm, idx_hbm, out_hbm, idx_v, rows0, rows1, si0, si1, so0,
          so1):
        wid = lax.axis_index("s") * info.num_cores + lax.axis_index("c")
        base = wid * n_per_w
        pltpu.sync_copy(idx_hbm.at[pl.ds(base, n_per_w)], idx_v)
        bufs = (rows0, rows1)
        isems = (si0, si1)
        osems = (so0, so1)
        gather = [None] * nchunks
        drain = [None] * nchunks

        def start(c):
            gather[c] = pltpu.async_copy(
                table_hbm.at[idx_v.at[pl.ds(c * chunk, chunk)]],
                bufs[c % 2], isems[c % 2])

        start(0)
        for c in range(nchunks):
            if c + 1 < nchunks:
                if c >= 1:
                    drain[c - 1].wait()
                start(c + 1)
            gather[c].wait()
            drain[c] = pltpu.async_copy(
                bufs[c % 2], out_hbm.at[pl.ds(base + c * chunk, chunk)],
                osems[c % 2])
        if nchunks >= 2:
            drain[nchunks - 2].wait()
        drain[nchunks - 1].wait()

    return k(table, idx)


_bf16 = jnp.bfloat16


def _mm(a, b):
    return lax.dot_general(a.astype(_bf16), b.astype(_bf16),
                           (((1,), (0,)), ((), ())),
                           preferred_element_type=_f32)


def _mmt(a, b):
    return lax.dot_general(a.astype(_bf16), b.astype(_bf16),
                           (((1,), (1,)), ((), ())),
                           preferred_element_type=_f32)


def _mmf(a, b):
    return lax.dot_general(a, b, (((1,), (0,)), ((), ())),
                           preferred_element_type=_f32)


def _ln(x, s, b):
    d = x.shape[-1]
    if d > 128:
        ones_d = jnp.full((d, 1), 1.0 / d, _f32)
        m = _mmf(x, ones_d)
        sq = _mmf(x * x, ones_d)
    else:
        m = jnp.mean(x, -1, keepdims=True)
        sq = jnp.mean(x * x, -1, keepdims=True)
    inv = lax.rsqrt(sq - m * m + 1e-5)
    return (x - m) * inv * s + b


def _leaky(x):
    return jnp.where(x >= 0, x, 0.2 * x)


def _r(v):
    return v.reshape(1, -1)


_N_LAYER_ARGS = 12


def _c(w):
    return w.astype(_bf16)


def _layer_args(lp):
    wqkv = jnp.concatenate([lp["q"]["w"], lp["k"]["w"], lp["v"]["w"]], 1)
    bqkv = jnp.concatenate([lp["q"]["b"], lp["k"]["b"], lp["v"]["b"]])
    return (_c(wqkv), _r(bqkv), _c(lp["o"]["w"]), _r(lp["o"]["b"]),
            _c(lp["f1"]["w"]), _r(lp["f1"]["b"]), _c(lp["f2"]["w"]),
            _r(lp["f2"]["b"]),
            _r(lp["ln1s"]), _r(lp["ln1b"]), _r(lp["ln2s"]), _r(lp["ln2b"]))


def _full_spec(x, grid_nd):
    nd = x.ndim
    return pl.BlockSpec(x.shape, lambda *_: (0,) * nd)


def _enc_block(x, refs, mask01, heads):
    (wqkv, bqkv, wo, bo,
     w1, b1, w2, b2, l1s, l1b, l2s, l2b) = [r[:] for r in refs]
    d = x.shape[-1]
    dh = d // heads
    scale = 1.0 / math.sqrt(dh)
    qkv = _mm(x, wqkv) + bqkv
    q = qkv[:, :d] * scale
    k = qkv[:, d:2 * d]
    v = qkv[:, 2 * d:]
    outs = []
    for h in range(heads):
        sl = slice(h * dh, (h + 1) * dh)
        s = _mmt(q[:, sl], k[:, sl])
        e = jnp.exp(s) * mask01
        denom = jnp.sum(e, -1, keepdims=True)
        outs.append(_mm(e, v[:, sl]) * lax.reciprocal(denom))
    o = jnp.concatenate(outs, axis=-1)
    x = _ln(x + _mm(o, wo) + bo, l1s, l1b)
    hdn = jax.nn.gelu(_mm(x, w1) + b1)
    return _ln(x + _mm(hdn, w2) + b2, l2s, l2b)


_NLP_TM = 128


def _nlp_call(x, pos_tile, bmask, embs, embb, sel, layer0, layer1, wd, bd):
    grid = (x.shape[0] // _NLP_TM,)
    args = (x, pos_tile, bmask, embs, embb, sel) + layer0 + layer1 + (wd, bd)

    def body(*refs):
        x_ref, pos_ref, bm_ref = refs[0], refs[1], refs[2]
        es, eb, sel_ref = refs[3], refs[4], refs[5]
        l0 = refs[6:6 + _N_LAYER_ARGS]
        l1 = refs[6 + _N_LAYER_ARGS:6 + 2 * _N_LAYER_ARGS]
        wd_ref = refs[6 + 2 * _N_LAYER_ARGS]
        bd_ref = refs[7 + 2 * _N_LAYER_ARGS]
        o_ref = refs[8 + 2 * _N_LAYER_ARGS]
        h = _ln(x_ref[:] + pos_ref[:], es[:], eb[:])
        h = _enc_block(h, l0, bm_ref[:], _NLP_H)
        h = _enc_block(h, l1, bm_ref[:], _NLP_H)
        cls = _mm(sel_ref[:], h)
        o_ref[:] = _mm(cls, wd_ref[:]) + bd_ref[:]

    in_specs = [pl.BlockSpec((_NLP_TM, _NLP_DIM), lambda i: (i, 0))]
    in_specs += [_full_spec(a, 1) for a in args[1:]]
    return pl.pallas_call(
        body,
        grid=grid,
        in_specs=in_specs,
        out_specs=pl.BlockSpec((_NLP_TM // _SENT, _D), lambda i: (i, 0)),
        out_shape=jax.ShapeDtypeStruct((_B, _D), _f32),
    )(*args)


_SEQ_G = 4
_SEQ_TM = _SEQ_G * _SLP


def _seq_call(h0, colbias, rowsel, bmask, layers, wd, bd):
    grid = (h0.shape[0] // _SEQ_TM,)
    args = (h0, colbias, rowsel, bmask) + layers[0] + layers[1] + (wd, bd)

    def body(*refs):
        h_ref, cb_ref, rs_ref, bm_ref = refs[0], refs[1], refs[2], refs[3]
        l0 = refs[4:4 + _N_LAYER_ARGS]
        l1 = refs[4 + _N_LAYER_ARGS:4 + 2 * _N_LAYER_ARGS]
        wd_ref = refs[4 + 2 * _N_LAYER_ARGS]
        bd_ref = refs[5 + 2 * _N_LAYER_ARGS]
        o_ref = refs[6 + 2 * _N_LAYER_ARGS]
        mask01 = bm_ref[:] * cb_ref[0]
        x = h_ref[:]
        x = _enc_block(x, l0, mask01, _HEADS)
        x = _enc_block(x, l1, mask01, _HEADS)
        pooled = _mm(rs_ref[0], x)
        o_ref[:] = (_mm(pooled, wd_ref[:]) + bd_ref[:])[None]

    in_specs = [
        pl.BlockSpec((_SEQ_TM, _D), lambda i: (i, 0)),
        pl.BlockSpec((1, 1, _SEQ_TM), lambda i: (i, 0, 0)),
        pl.BlockSpec((1, _SEQ_G, _SEQ_TM), lambda i: (i, 0, 0)),
    ]
    in_specs += [_full_spec(a, 1) for a in args[3:]]
    return pl.pallas_call(
        body,
        grid=grid,
        in_specs=in_specs,
        out_specs=pl.BlockSpec((1, _SEQ_G, _D), lambda i: (i, 0, 0)),
        out_shape=jax.ShapeDtypeStruct((grid[0], _SEQ_G, _D), _f32),
    )(*args)


def _moe_call(seq_out, deep_g, wide, search_out, tmask, tri, hw1, hb1, p):
    args = (seq_out, deep_g, wide, search_out, tmask, tri,
            p["ctx_deep"]["w"], _r(p["ctx_deep"]["b"]),
            p["ctx_wide"]["w"], _r(p["ctx_wide"]["b"]),
            p["task_emb"], p["router"],
            _c(p["moe_w1"]), p["moe_b1"].reshape(_E, 1, _COMB),
            _c(p["moe_w2"]), p["moe_b2"].reshape(_E, 1, _COMB),
            hw1, hb1)

    def body(seq_ref, deep_ref, wide_ref, srch_ref, tm_ref, tri_ref,
             cdw, cdb, cww, cwb, temb, rtr, w1, b1, w2, b2, hw1_ref, hb1_ref,
             outs_ref, aux_ref, user_ref):
        ctx_d = _leaky(_mm(deep_ref[:], cdw[:]) + cdb[:])
        ctx_w = _leaky(_mm(wide_ref[:], cww[:]) + cwb[:])
        outs = jnp.concatenate([seq_ref[:], ctx_d, ctx_w, srch_ref[:]], -1)
        outs = outs * _mm(tm_ref[:], temb[:])
        logits = _mmf(outs, rtr[:])
        probs = jax.nn.softmax(logits, -1)
        gate = jnp.max(probs, -1, keepdims=True)
        eio = lax.broadcasted_iota(jnp.int32, (_B, _E), 1)
        eidx = jnp.min(jnp.where(probs >= gate, eio, _E), -1, keepdims=True)
        onehot = (eio == eidx).astype(_f32)
        pos = _mm(tri_ref[:], onehot) * onehot
        keep = onehot * (pos <= float(_CAP)).astype(_f32)
        moe = jnp.zeros((_B, _COMB), _f32)
        for e in range(_E):
            hh = jnp.maximum(_mm(outs, w1[e]) + b1[e], 0.0)
            yy = _mm(hh, w2[e]) + b2[e]
            moe = moe + keep[:, e:e + 1] * yy
        outs2 = outs + gate * moe
        outs_ref[:] = outs2
        user = jnp.zeros((_B, _COMB // 2), _f32)
        for t in range(_TT):
            h1 = _leaky(_mm(outs2, hw1_ref[t]) + hb1_ref[t])
            user = user + tm_ref[:, t:t + 1] * h1
        user_ref[:] = user
        frac = jnp.mean(onehot, 0, keepdims=True)
        pmean = jnp.mean(probs, 0, keepdims=True)
        aux = float(_E) * jnp.sum(frac * pmean, -1, keepdims=True)
        aux_ref[:] = jnp.broadcast_to(aux, (1, 128))

    in_specs = [_full_spec(a, 0) for a in args]
    return pl.pallas_call(
        body,
        in_specs=in_specs,
        out_specs=[pl.BlockSpec(s, (lambda s=s: (0,) * len(s)))
                   for s in ((_B, _COMB), (1, 128), (_B, _COMB // 2))],
        out_shape=[jax.ShapeDtypeStruct((_B, _COMB), _f32),
                   jax.ShapeDtypeStruct((1, 128), _f32),
                   jax.ShapeDtypeStruct((_B, _COMB // 2), _f32)],
    )(*args)


_HB = 256
_HV = 2048


def _heads_call(outs, tmask, w1, b1, w2, b2):
    grid = (pl.cdiv(_SEQ_DIM, _HV), _B // _HB)

    def body(x_ref, tm_ref, w1_ref, b1_ref, w2_ref, b2_ref, o_ref):
        x = x_ref[:]
        acc = jnp.zeros((_HB, _HV), _f32)
        for t in range(_TT):
            m = tm_ref[:, t:t + 1]
            h1 = _leaky(_mm(x, w1_ref[t]) + b1_ref[t])
            acc = acc + m * (_mm(h1, w2_ref[t]) + b2_ref[t])
        o_ref[:] = acc

    in_specs = [
        pl.BlockSpec((_HB, _COMB), lambda v, b: (b, 0)),
        pl.BlockSpec((_HB, _TT), lambda v, b: (b, 0)),
        pl.BlockSpec((_TT, _COMB, _COMB // 2), lambda v, b: (0, 0, 0)),
        pl.BlockSpec((_TT, 1, _COMB // 2), lambda v, b: (0, 0, 0)),
        pl.BlockSpec((_TT, _COMB // 2, _HV), lambda v, b: (0, 0, v)),
        pl.BlockSpec((_TT, 1, _HV), lambda v, b: (0, 0, v)),
    ]
    return pl.pallas_call(
        body,
        grid=grid,
        in_specs=in_specs,
        out_specs=pl.BlockSpec((_HB, _HV), lambda v, b: (b, v)),
        out_shape=jax.ShapeDtypeStruct((_B, _SEQ_DIM), _f32),
    )(outs, tmask, w1, b1, w2, b2)


def kernel(deep_in, page_in, item_in, vl_in, task_in, wide_in, input_ids,
           attention_mask, params):
    p = params
    del attention_mask

    tok = _sc_gather(p["nlp_tok"], input_ids.reshape(-1).astype(jnp.int32), 64)
    pg = _sc_gather(p["page_emb"], page_in.reshape(-1).astype(jnp.int32), 160)
    it = _sc_gather(p["item_emb"], item_in.reshape(-1).astype(jnp.int32), 160)
    dtab = jnp.pad(jnp.concatenate(p["deep_emb"], 0), ((0, 0), (0, 64)))
    didx = (deep_in.astype(jnp.int32)
            + (jnp.arange(4, dtype=jnp.int32) * 1000)[None, :]).reshape(-1)
    deep_g = _sc_gather(dtab, didx, 128)[:, :64].reshape(_B, 4 * 64)

    gpt = _NLP_TM // _SENT
    pos_tile = jnp.tile(p["nlp_pos"], (gpt, 1))
    ii = jnp.arange(_NLP_TM) // _SENT
    bmask_nlp = (ii[:, None] == ii[None, :]).astype(_f32)
    sel = (jax.nn.one_hot(jnp.arange(gpt) * _SENT, _NLP_TM)).astype(_f32)
    l0 = _layer_args(p["nlp_layers"][0])
    l1 = _layer_args(p["nlp_layers"][1])
    search_out = _nlp_call(tok, pos_tile, bmask_nlp, _r(p["nlp_lns"]),
                           _r(p["nlp_lnb"]), sel, l0, l1,
                           _c(p["nlp_dense"]["w"]), _r(p["nlp_dense"]["b"]))

    h0 = (pg + it).reshape(_B, _SL, _D)
    h0 = jnp.pad(h0, ((0, 0), (0, _SLP - _SL), (0, 0))).reshape(-1, _D)
    vl = jnp.clip(vl_in, 1, _SL).astype(jnp.int32)
    smask = (jnp.arange(_SLP)[None, :] < vl[:, None]).astype(_f32)
    ntile = _B // _SEQ_G
    colbias = smask.reshape(ntile, 1, _SEQ_TM)
    jj = jnp.arange(_SEQ_TM) // _SLP
    bmask_seq = (jj[:, None] == jj[None, :]).astype(_f32)
    rs = jax.nn.one_hot(vl - 1, _SLP).astype(_f32).reshape(ntile, _SEQ_G, _SLP)
    rowsel = jnp.einsum("tgs,gh->tghs", rs, jnp.eye(_SEQ_G, dtype=_f32))
    rowsel = rowsel.reshape(ntile, _SEQ_G, _SEQ_TM)
    sl0 = _layer_args(p["seq_layers"][0])
    sl1 = _layer_args(p["seq_layers"][1])
    seq_out = _seq_call(h0, colbias, rowsel, bmask_seq, (sl0, sl1),
                        _c(p["seq_dense"]["w"]), _r(p["seq_dense"]["b"]))
    seq_out = seq_out.reshape(_B, _D)

    tmask = jax.nn.one_hot(task_in, _TT).astype(_f32)
    tri = jnp.tril(jnp.ones((_B, _B), _bf16))
    w1 = _c(jnp.stack([p["t1"][t]["w"] for t in range(_TT)]))
    b1 = jnp.stack([p["t1"][t]["b"] for t in range(_TT)]).reshape(_TT, 1, -1)
    w2 = _c(jnp.stack([p["t2"][t]["w"] for t in range(_TT)]))
    b2 = jnp.stack([p["t2"][t]["b"] for t in range(_TT)]).reshape(_TT, 1, -1)
    outs2, aux, user_out = _moe_call(seq_out, deep_g, wide_in, search_out,
                                     tmask, tri, w1, b1, p)

    out = _heads_call(outs2, tmask, w1, b1, w2, b2)
    return out, user_out, aux[0, 0]

# --- scband reference (transcript-rebuilt; emitter-appended) ---
"""Pipeline reference for scband-pa-rs-17360257810802 (READ-ONLY COPY).

The authoritative reference and input builder live on the scoring server;
editing this copy changes nothing except your own understanding.
"""

import jax, jax.numpy as jnp
import numpy as np

B = 1024; SL = 50; SENT = 16
PAGE_DIM = 10000; SEQ_DIM = 20000; D = 128
N_DEEP = 4; DEEP_DIM = 1000; DEEP_EMB = 64; WAD = 128; NLP_EMB = 128; NLP_DIM = 768
NLP_VOCAB = 30522; NLP_L = 2; NLP_H = 12; NLP_FF = 1024
TT = 3; COMB = NLP_EMB + WAD + D
E = 8; CAP = 256; HEADS = 4; LAYERS = 2; NUM_WIDE = 8


def ln(x, s, b):
    m = jnp.mean(x, -1, keepdims=True)
    v = jnp.var(x, -1, keepdims=True)
    return (x - m) / jnp.sqrt(v + 1e-5) * s + b


def dense_p(k, i, o):
    return {"w": jax.random.normal(k, (i, o), jnp.float32) * 0.02,
            "b": jnp.zeros((o,), jnp.float32)}


def block_p(k, d, ff):
    ks = jax.random.split(k, 6)
    return {"q": dense_p(ks[0], d, d), "k": dense_p(ks[1], d, d),
            "v": dense_p(ks[2], d, d), "o": dense_p(ks[3], d, d),
            "f1": dense_p(ks[4], d, ff), "f2": dense_p(ks[5], ff, d),
            "ln1s": jnp.ones((d,), jnp.float32), "ln1b": jnp.zeros((d,), jnp.float32),
            "ln2s": jnp.ones((d,), jnp.float32), "ln2b": jnp.zeros((d,), jnp.float32)}


def mha(x, p, mask, h):
    b, s, d = x.shape
    dh = d // h
    q = (x @ p["q"]["w"] + p["q"]["b"]).reshape(b, s, h, dh).transpose(0, 2, 1, 3)
    k = (x @ p["k"]["w"] + p["k"]["b"]).reshape(b, s, h, dh).transpose(0, 2, 1, 3)
    v = (x @ p["v"]["w"] + p["v"]["b"]).reshape(b, s, h, dh).transpose(0, 2, 1, 3)
    a = jnp.einsum("bhqd,bhkd->bhqk", q, k) / jnp.sqrt(dh)
    a = a + (1.0 - mask[:, None, None, :]) * -1e9
    a = jax.nn.softmax(a, -1)
    o = jnp.einsum("bhqk,bhkd->bhqd", a, v).transpose(0, 2, 1, 3).reshape(b, s, d)
    return o @ p["o"]["w"] + p["o"]["b"]


def encoder(x, layers, mask, h):
    for p in layers:
        x = ln(x + mha(x, p, mask, h), p["ln1s"], p["ln1b"])
        hdn = jax.nn.gelu(x @ p["f1"]["w"] + p["f1"]["b"])
        x = ln(x + hdn @ p["f2"]["w"] + p["f2"]["b"], p["ln2s"], p["ln2b"])
    return x


def setup_inputs(seed: int = 0):
    key = jax.random.key(seed)
    ks = iter(jax.random.split(key, 64))
    deep_in = jax.random.randint(next(ks), (B, N_DEEP), 0, DEEP_DIM)
    page_in = jax.random.randint(next(ks), (B, SL), 0, PAGE_DIM)
    item_in = jax.random.randint(next(ks), (B, SL), 0, SEQ_DIM)
    vl_in = jax.random.randint(next(ks), (B,), 1, SL + 1)
    task_in = jax.random.randint(next(ks), (B,), 0, TT)
    wide_in = jax.random.normal(next(ks), (B, NUM_WIDE), jnp.float32)
    input_ids = jax.random.randint(next(ks), (B, SENT), 0, NLP_VOCAB)
    attention_mask = jnp.ones((B, SENT), jnp.int32)
    params = {
        "nlp_tok": jax.random.normal(next(ks), (NLP_VOCAB, NLP_DIM), jnp.float32) * 0.02,
        "nlp_pos": jax.random.normal(next(ks), (SENT, NLP_DIM), jnp.float32) * 0.02,
        "nlp_lns": jnp.ones((NLP_DIM,), jnp.float32),
        "nlp_lnb": jnp.zeros((NLP_DIM,), jnp.float32),
        "nlp_layers": [block_p(next(ks), NLP_DIM, NLP_FF) for _ in range(NLP_L)],
        "nlp_dense": dense_p(next(ks), NLP_DIM, NLP_EMB),
        "deep_emb": [jax.random.normal(next(ks), (DEEP_DIM, DEEP_EMB), jnp.float32) * 0.02 for _ in range(N_DEEP)],
        "ctx_deep": dense_p(next(ks), N_DEEP * DEEP_EMB, WAD // 2),
        "ctx_wide": dense_p(next(ks), NUM_WIDE, WAD // 2),
        "page_emb": jax.random.normal(next(ks), (PAGE_DIM, D), jnp.float32) * 0.02,
        "item_emb": jax.random.normal(next(ks), (SEQ_DIM, D), jnp.float32) * 0.02,
        "seq_layers": [block_p(next(ks), D, 4 * D) for _ in range(LAYERS)],
        "seq_dense": dense_p(next(ks), D, D),
        "task_emb": jax.random.normal(next(ks), (TT, COMB), jnp.float32) * 0.02,
        "router": jax.random.normal(next(ks), (COMB, E), jnp.float32) * 0.02,
        "moe_w1": jax.random.normal(next(ks), (E, COMB, COMB), jnp.float32) * 0.02,
        "moe_b1": jnp.zeros((E, COMB), jnp.float32),
        "moe_w2": jax.random.normal(next(ks), (E, COMB, COMB), jnp.float32) * 0.02,
        "moe_b2": jnp.zeros((E, COMB), jnp.float32),
        "t1": [dense_p(next(ks), COMB, COMB // 2) for _ in range(TT)],
        "t2": [dense_p(next(ks), COMB // 2, SEQ_DIM) for _ in range(TT)],
    }
    return {"deep_in": deep_in, "page_in": page_in, "item_in": item_in,
            "vl_in": vl_in, "task_in": task_in, "wide_in": wide_in,
            "input_ids": input_ids, "attention_mask": attention_mask,
            "params": params}


def _forward(params, deep_in, page_in, item_in, vl_in, task_in, wide_in, input_ids, attention_mask):
    p = params
    # NLP encoder (DistilBert-style stub) -> CLS token -> nlp_dense
    am = attention_mask.astype(jnp.float32)
    x = p["nlp_tok"][input_ids] + p["nlp_pos"][None, :, :]
    x = ln(x, p["nlp_lns"], p["nlp_lnb"])
    x = encoder(x, p["nlp_layers"], am, NLP_H)
    search_out = x[:, 0, :].astype(jnp.float32)
    search_out = search_out @ p["nlp_dense"]["w"] + p["nlp_dense"]["b"]
    # ContextHead: deep embedding lookups + wide features -> wad_embed_dim
    deep = jnp.concatenate([p["deep_emb"][i][deep_in[:, i]] for i in range(N_DEEP)], axis=1)
    ctx_d = jax.nn.leaky_relu(deep @ p["ctx_deep"]["w"] + p["ctx_deep"]["b"], 0.2)
    ctx_w = jax.nn.leaky_relu(wide_in @ p["ctx_wide"]["w"] + p["ctx_wide"]["b"], 0.2)
    ctx_out = jnp.concatenate([ctx_d, ctx_w], axis=1)
    # ParallelTransformerAEP: page+item embedding, masked transformer, last-valid pooling
    vl = jnp.clip(vl_in, 1, SL)
    smask = (jnp.arange(SL)[None, :] < vl[:, None]).astype(jnp.float32)
    h = p["page_emb"][page_in] + p["item_emb"][item_in]
    h = encoder(h, p["seq_layers"], smask, HEADS)
    seq_out = h[jnp.arange(B), vl - 1]
    seq_out = seq_out @ p["seq_dense"]["w"] + p["seq_dense"]["b"]
    # combine + task-type gating
    outs = jnp.concatenate([seq_out, ctx_out, search_out], axis=1)
    outs = outs * p["task_emb"][task_in]
    # MoEFFLayer: switch-style top-1 routing with expert capacity
    logits = outs @ p["router"]
    probs = jax.nn.softmax(logits, -1)
    gate = jnp.max(probs, -1)
    eidx = jnp.argmax(probs, -1)
    onehot = jax.nn.one_hot(eidx, E, dtype=outs.dtype)
    pos = jnp.cumsum(onehot, axis=0) * onehot
    keep = onehot * (pos <= CAP).astype(outs.dtype)
    hh = jax.nn.relu(jnp.einsum("nd,edh->enh", outs, p["moe_w1"]) + p["moe_b1"][:, None, :])
    yy = jnp.einsum("enh,ehd->end", hh, p["moe_w2"]) + p["moe_b2"][:, None, :]
    moe_out = jnp.einsum("end,ne,n->nd", yy, keep, gate)
    frac = jnp.mean(onehot, axis=0)
    pmean = jnp.mean(probs, axis=0)
    aux_loss = E * jnp.sum(frac * pmean)
    outs = outs + moe_out
    # per-task heads, scattered back by task id (masked-sum == index_put)
    tmask = jax.nn.one_hot(task_in, TT, dtype=outs.dtype)
    out = jnp.zeros((B, SEQ_DIM), outs.dtype)
    user_out = jnp.zeros((B, COMB // 2), outs.dtype)
    for t in range(TT):
        h1 = jax.nn.leaky_relu(outs @ p["t1"][t]["w"] + p["t1"][t]["b"], 0.2)
        o2 = h1 @ p["t2"][t]["w"] + p["t2"][t]["b"]
        out = out + tmask[:, t:t + 1] * o2
        user_out = user_out + tmask[:, t:t + 1] * h1
    return out, user_out, aux_loss


def reference(deep_in, page_in, item_in, vl_in, task_in, wide_in, input_ids, attention_mask, params):
    return _forward(params, deep_in, page_in, item_in, vl_in, task_in, wide_in, input_ids, attention_mask)

if __name__ == "__main__":
    import jax
    _d = setup_inputs()
    print(jax.jit(kernel)(*tuple(_d.values())))

</pallas_src>

<mosaic_0001>
#map = affine_map<(d0, d1) -> (0, 0)>
#map1 = affine_map<(d0, d1) -> (0)>
module attributes {stable_mosaic.version = 14 : i64} {
  func.func @k(%arg0: i32, %arg1: i32, %arg2: memref<10000x128xf32, #tpu.memory_space<hbm>>, %arg3: memref<51200xi32, #tpu.memory_space<hbm>>, %arg4: memref<51200x128xf32, #tpu.memory_space<hbm>>, %arg5: memref<1600xi32, #tpu.memory_space<vmem>>, %arg6: memref<160x128xf32, #tpu.memory_space<vmem>>, %arg7: memref<160x128xf32, #tpu.memory_space<vmem>>, %arg8: memref<!tpu.dma_semaphore, #tpu.memory_space<semaphore_mem>>, %arg9: memref<!tpu.dma_semaphore, #tpu.memory_space<semaphore_mem>>, %arg10: memref<!tpu.dma_semaphore, #tpu.memory_space<semaphore_mem>>, %arg11: memref<!tpu.dma_semaphore, #tpu.memory_space<semaphore_mem>>) attributes {dimension_semantics = [#tpu.dimension_semantics<core_parallel>, #tpu.dimension_semantics<subcore_parallel>], iteration_bounds = array<i64: 2, 16>, scalar_prefetch = 0 : i64, scratch_operands = 7 : i64, tpu.core_type = #tpu.core_type<sc_vector_subcore>, window_params = [{transform_indices = #map}, {transform_indices = #map1}, {transform_indices = #map}]} {
    %mul3A = arith.constant 2 : i32
    %mul3A_0 = arith.muli %arg1, %mul3A : i32
    %add3A = arith.addi %mul3A_0, %arg0 : i32
    %mul3A_1 = arith.constant 1600 : i32
    %mul3A_2 = arith.muli %add3A, %mul3A_1 : i32
    "tpu.region"() ({
      %run_scoped3A = tpu.sem_alloc : memref<!tpu.dma_semaphore, #tpu.memory_space<semaphore_mem>>
      %dma_start3A_201 = tpu.memref_slice %arg3[%mul3A_2] : memref<51200xi32, #tpu.memory_space<hbm>> -> memref<1600xi32, #tpu.memory_space<hbm>>
      %dma_start3A_202 = tpu.memref_slice %arg3[%mul3A_2] : memref<51200xi32, #tpu.memory_space<hbm>> -> memref<1600xi32, #tpu.memory_space<hbm>>
      tpu.enqueue_dma source(%dma_start3A_202 : memref<1600xi32, #tpu.memory_space<hbm>>) target(%arg5 : memref<1600xi32, #tpu.memory_space<vmem>>) target_semaphore(%run_scoped3A : memref<!tpu.dma_semaphore, #tpu.memory_space<semaphore_mem>>)
      %dma_wait3A_203 = tpu.memref_slice %arg3[%mul3A_2] : memref<51200xi32, #tpu.memory_space<hbm>> -> memref<1600xi32, #tpu.memory_space<hbm>>
      %dma_wait3A_204 = tpu.memref_slice %arg3[%mul3A_2] : memref<51200xi32, #tpu.memory_space<hbm>> -> memref<1600xi32, #tpu.memory_space<hbm>>
      tpu.wait_dma2 semaphore(%run_scoped3A : memref<!tpu.dma_semaphore, #tpu.memory_space<semaphore_mem>>) src(%dma_wait3A_204 : memref<1600xi32, #tpu.memory_space<hbm>>) dst(%arg5 : memref<1600xi32, #tpu.memory_space<vmem>>)
      tpu.yield
    }) : () -> ()
    %dma_start3A = arith.constant 0 : i32
    %dma_start3A_3 = tpu.memref_slice %arg5[%dma_start3A] : memref<1600xi32, #tpu.memory_space<vmem>> -> memref<160xi32, #tpu.memory_space<vmem>>
    %dma_start3A_4 = arith.constant 0 : i32
    %dma_start3A_5 = arith.constant 0 : i32
    %dma_start3A_6 = tpu.memref_slice %arg2[%dma_start3A_4, %dma_start3A_5] : memref<10000x128xf32, #tpu.memory_space<hbm>> -> memref<10000x128xf32, #tpu.memory_space<hbm>>
    tpu.enqueue_indirect_dma source(%dma_start3A_6 : memref<10000x128xf32, #tpu.memory_space<hbm>>) target(%arg6 : memref<160x128xf32, #tpu.memory_space<vmem>>) offsets(%dma_start3A_3 : memref<160xi32, #tpu.memory_space<vmem>>) semaphore(%arg8 : memref<!tpu.dma_semaphore, #tpu.memory_space<semaphore_mem>>)
    %dma_start3A_7 = arith.constant 160 : i32
    %dma_start3A_8 = tpu.memref_slice %arg5[%dma_start3A_7] : memref<1600xi32, #tpu.memory_space<vmem>> -> memref<160xi32, #tpu.memory_space<vmem>>
    %dma_start3A_9 = arith.constant 0 : i32
    %dma_start3A_10 = arith.constant 0 : i32
    %dma_start3A_11 = tpu.memref_slice %arg2[%dma_start3A_9, %dma_start3A_10] : memref<10000x128xf32, #tpu.memory_space<hbm>> -> memref<10000x128xf32, #tpu.memory_space<hbm>>
    tpu.enqueue_indirect_dma source(%dma_start3A_11 : memref<10000x128xf32, #tpu.memory_space<hbm>>) target(%arg7 : memref<160x128xf32, #tpu.memory_space<vmem>>) offsets(%dma_start3A_8 : memref<160xi32, #tpu.memory_space<vmem>>) semaphore(%arg9 : memref<!tpu.dma_semaphore, #tpu.memory_space<semaphore_mem>>)
    %dma_wait3A = arith.constant 0 : i32
    %dma_wait3A_12 = tpu.memref_slice %arg5[%dma_wait3A] : memref<1600xi32, #tpu.memory_space<vmem>> -> memref<160xi32, #tpu.memory_space<vmem>>
    %dma_wait3A_13 = arith.constant 0 : i32
    %dma_wait3A_14 = arith.constant 0 : i32
    %dma_wait3A_15 = tpu.memref_slice %arg2[%dma_wait3A_13, %dma_wait3A_14] : memref<10000x128xf32, #tpu.memory_space<hbm>> -> memref<10000x128xf32, #tpu.memory_space<hbm>>
    tpu.wait_indirect_dma semaphore(%arg8 : memref<!tpu.dma_semaphore, #tpu.memory_space<semaphore_mem>>) src(%dma_wait3A_15 : memref<10000x128xf32, #tpu.memory_space<hbm>>) dst(%arg6 : memref<160x128xf32, #tpu.memory_space<vmem>>)
    %add3A_16 = arith.constant 0 : i32
    %add3A_17 = arith.addi %mul3A_2, %add3A_16 : i32
    %dma_start3A_18 = arith.constant 0 : i32
    %dma_start3A_19 = tpu.memref_slice %arg4[%add3A_17, %dma_start3A_18] : memref<51200x128xf32, #tpu.memory_space<hbm>> -> memref<160x128xf32, #tpu.memory_space<hbm>>
    %dma_start3A_20 = arith.constant 0 : i32
    %dma_start3A_21 = tpu.memref_slice %arg4[%add3A_17, %dma_start3A_20] : memref<51200x128xf32, #tpu.memory_space<hbm>> -> memref<160x128xf32, #tpu.memory_space<hbm>>
    tpu.enqueue_dma source(%arg6 : memref<160x128xf32, #tpu.memory_space<vmem>>) target(%dma_start3A_21 : memref<160x128xf32, #tpu.memory_space<hbm>>) target_semaphore(%arg10 : memref<!tpu.dma_semaphore, #tpu.memory_space<semaphore_mem>>)
    %dma_wait3A_22 = arith.constant 0 : i32
    %dma_wait3A_23 = tpu.memref_slice %arg4[%add3A_17, %dma_wait3A_22] : memref<51200x128xf32, #tpu.memory_space<hbm>> -> memref<160x128xf32, #tpu.memory_space<hbm>>
    %dma_wait3A_24 = arith.constant 0 : i32
    %dma_wait3A_25 = tpu.memref_slice %arg4[%add3A_17, %dma_wait3A_24] : memref<51200x128xf32, #tpu.memory_space<hbm>> -> memref<160x128xf32, #tpu.memory_space<hbm>>
    tpu.wait_dma2 semaphore(%arg10 : memref<!tpu.dma_semaphore, #tpu.memory_space<semaphore_mem>>) src(%arg6 : memref<160x128xf32, #tpu.memory_space<vmem>>) dst(%dma_wait3A_25 : memref<160x128xf32, #tpu.memory_space<hbm>>)
    %dma_start3A_26 = arith.constant 320 : i32
    %dma_start3A_27 = tpu.memref_slice %arg5[%dma_start3A_26] : memref<1600xi32, #tpu.memory_space<vmem>> -> memref<160xi32, #tpu.memory_space<vmem>>
    %dma_start3A_28 = arith.constant 0 : i32
    %dma_start3A_29 = arith.constant 0 : i32
    %dma_start3A_30 = tpu.memref_slice %arg2[%dma_start3A_28, %dma_start3A_29] : memref<10000x128xf32, #tpu.memory_space<hbm>> -> memref<10000x128xf32, #tpu.memory_space<hbm>>
    tpu.enqueue_indirect_dma source(%dma_start3A_30 : memref<10000x128xf32, #tpu.memory_space<hbm>>) target(%arg6 : memref<160x128xf32, #tpu.memory_space<vmem>>) offsets(%dma_start3A_27 : memref<160xi32, #tpu.memory_space<vmem>>) semaphore(%arg8 : memref<!tpu.dma_semaphore, #tpu.memory_space<semaphore_mem>>)
    %dma_wait3A_31 = arith.constant 160 : i32
    %dma_wait3A_32 = tpu.memref_slice %arg5[%dma_wait3A_31] : memref<1600xi32, #tpu.memory_space<vmem>> -> memref<160xi32, #tpu.memory_space<vmem>>
    %dma_wait3A_33 = arith.constant 0 : i32
    %dma_wait3A_34 = arith.constant 0 : i32
    %dma_wait3A_35 = tpu.memref_slice %arg2[%dma_wait3A_33, %dma_wait3A_34] : memref<10000x128xf32, #tpu.memory_space<hbm>> -> memref<10000x128xf32, #tpu.memory_space<hbm>>
    tpu.wait_indirect_dma semaphore(%arg9 : memref<!tpu.dma_semaphore, #tpu.memory_space<semaphore_mem>>) src(%dma_wait3A_35 : memref<10000x128xf32, #tpu.memory_space<hbm>>) dst(%arg7 : memref<160x128xf32, #tpu.memory_space<vmem>>)
    %add3A_36 = arith.constant 160 : i32
    %add3A_37 = arith.addi %mul3A_2, %add3A_36 : i32
    %dma_start3A_38 = arith.constant 0 : i32
    %dma_start3A_39 = tpu.memref_slice %arg4[%add3A_37, %dma_start3A_38] : memref<51200x128xf32, #tpu.memory_space<hbm>> -> memref<160x128xf32, #tpu.memory_space<hbm>>
    %dma_start3A_40 = arith.constant 0 : i32
    %dma_start3A_41 = tpu.memref_slice %arg4[%add3A_37, %dma_start3A_40] : memref<51200x128xf32, #tpu.memory_space<hbm>> -> memref<160x128xf32, #tpu.memory_space<hbm>>
    tpu.enqueue_dma source(%arg7 : memref<160x128xf32, #tpu.memory_space<vmem>>) target(%dma_start3A_41 : memref<160x128xf32, #tpu.memory_space<hbm>>) target_semaphore(%arg11 : memref<!tpu.dma_semaphore, #tpu.memory_space<semaphore_mem>>)
    %dma_wait3A_42 = arith.constant 0 : i32
    %dma_wait3A_43 = tpu.memref_slice %arg4[%add3A_37, %dma_wait3A_42] : memref<51200x128xf32, #tpu.memory_space<hbm>> -> memref<160x128xf32, #tpu.memory_space<hbm>>
    %dma_wait3A_44 = arith.constant 0 : i32
    %dma_wait3A_45 = tpu.memref_slice %arg4[%add3A_37, %dma_wait3A_44] : memref<51200x128xf32, #tpu.memory_space<hbm>> -> memref<160x128xf32, #tpu.memory_space<hbm>>
    tpu.wait_dma2 semaphore(%arg11 : memref<!tpu.dma_semaphore, #tpu.memory_space<semaphore_mem>>) src(%arg7 : memref<160x128xf32, #tpu.memory_space<vmem>>) dst(%dma_wait3A_45 : memref<160x128xf32, #tpu.memory_space<hbm>>)
    %dma_start3A_46 = arith.constant 480 : i32
    %dma_start3A_47 = tpu.memref_slice %arg5[%dma_start3A_46] : memref<1600xi32, #tpu.memory_space<vmem>> -> memref<160xi32, #tpu.memory_space<vmem>>
    %dma_start3A_48 = arith.constant 0 : i32
    %dma_start3A_49 = arith.constant 0 : i32
    %dma_start3A_50 = tpu.memref_slice %arg2[%dma_start3A_48, %dma_start3A_49] : memref<10000x128xf32, #tpu.memory_space<hbm>> -> memref<10000x128xf32, #tpu.memory_space<hbm>>
    tpu.enqueue_indirect_dma source(%dma_start3A_50 : memref<10000x128xf32, #tpu.memory_space<hbm>>) target(%arg7 : memref<160x128xf32, #tpu.memory_space<vmem>>) offsets(%dma_start3A_47 : memref<160xi32, #tpu.memory_space<vmem>>) semaphore(%arg9 : memref<!tpu.dma_semaphore, #tpu.memory_space<semaphore_mem>>)
    %dma_wait3A_51 = arith.constant 320 : i32
    %dma_wait3A_52 = tpu.memref_slice %arg5[%dma_wait3A_51] : memref<1600xi32, #tpu.memory_space<vmem>> -> memref<160xi32, #tpu.memory_space<vmem>>
    %dma_wait3A_53 = arith.constant 0 : i32
    %dma_wait3A_54 = arith.constant 0 : i32
    %dma_wait3A_55 = tpu.memref_slice %arg2[%dma_wait3A_53, %dma_wait3A_54] : memref<10000x128xf32, #tpu.memory_space<hbm>> -> memref<10000x128xf32, #tpu.memory_space<hbm>>
    tpu.wait_indirect_dma semaphore(%arg8 : memref<!tpu.dma_semaphore, #tpu.memory_space<semaphore_mem>>) src(%dma_wait3A_55 : memref<10000x128xf32, #tpu.memory_space<hbm>>) dst(%arg6 : memref<160x128xf32, #tpu.memory_space<vmem>>)
    %add3A_56 = arith.constant 320 : i32
    %add3A_57 = arith.addi %mul3A_2, %add3A_56 : i32
    %dma_start3A_58 = arith.constant 0 : i32
    %dma_start3A_59 = tpu.memref_slice %arg4[%add3A_57, %dma_start3A_58] : memref<51200x128xf32, #tpu.memory_space<hbm>> -> memref<160x128xf32, #tpu.memory_space<hbm>>
    %dma_start3A_60 = arith.constant 0 : i32
    %dma_start3A_61 = tpu.memref_slice %arg4[%add3A_57, %dma_start3A_60] : memref<51200x128xf32, #tpu.memory_space<hbm>> -> memref<160x128xf32, #tpu.memory_space<hbm>>
    tpu.enqueue_dma source(%arg6 : memref<160x128xf32, #tpu.memory_space<vmem>>) target(%dma_start3A_61 : memref<160x128xf32, #tpu.memory_space<hbm>>) target_semaphore(%arg10 : memref<!tpu.dma_semaphore, #tpu.memory_space<semaphore_mem>>)
    %dma_wait3A_62 = arith.constant 0 : i32
    %dma_wait3A_63 = tpu.memref_slice %arg4[%add3A_57, %dma_wait3A_62] : memref<51200x128xf32, #tpu.memory_space<hbm>> -> memref<160x128xf32, #tpu.memory_space<hbm>>
    %dma_wait3A_64 = arith.constant 0 : i32
    %dma_wait3A_65 = tpu.memref_slice %arg4[%add3A_57, %dma_wait3A_64] : memref<51200x128xf32, #tpu.memory_space<hbm>> -> memref<160x128xf32, #tpu.memory_space<hbm>>
    tpu.wait_dma2 semaphore(%arg10 : memref<!tpu.dma_semaphore, #tpu.memory_space<semaphore_mem>>) src(%arg6 : memref<160x128xf32, #tpu.memory_space<vmem>>) dst(%dma_wait3A_65 : memref<160x128xf32, #tpu.memory_space<hbm>>)
    %dma_start3A_66 = arith.constant 640 : i32
    %dma_start3A_67 = tpu.memref_slice %arg5[%dma_start3A_66] : memref<1600xi32, #tpu.memory_space<vmem>> -> memref<160xi32, #tpu.memory_space<vmem>>
    %dma_start3A_68 = arith.constant 0 : i32
    %dma_start3A_69 = arith.constant 0 : i32
    %dma_start3A_70 = tpu.memref_slice %arg2[%dma_start3A_68, %dma_start3A_69] : memref<10000x128xf32, #tpu.memory_space<hbm>> -> memref<10000x128xf32, #tpu.memory_space<hbm>>
    tpu.enqueue_indirect_dma source(%dma_start3A_70 : memref<10000x128xf32, #tpu.memory_space<hbm>>) target(%arg6 : memref<160x128xf32, #tpu.memory_space<vmem>>) offsets(%dma_start3A_67 : memref<160xi32, #tpu.memory_space<vmem>>) semaphore(%arg8 : memref<!tpu.dma_semaphore, #tpu.memory_space<semaphore_mem>>)
    %dma_wait3A_71 = arith.constant 480 : i32
    %dma_wait3A_72 = tpu.memref_slice %arg5[%dma_wait3A_71] : memref<1600xi32, #tpu.memory_space<vmem>> -> memref<160xi32, #tpu.memory_space<vmem>>
    %dma_wait3A_73 = arith.constant 0 : i32
    %dma_wait3A_74 = arith.constant 0 : i32
    %dma_wait3A_75 = tpu.memref_slice %arg2[%dma_wait3A_73, %dma_wait3A_74] : memref<10000x128xf32, #tpu.memory_space<hbm>> -> memref<10000x128xf32, #tpu.memory_space<hbm>>
    tpu.wait_indirect_dma semaphore(%arg9 : memref<!tpu.dma_semaphore, #tpu.memory_space<semaphore_mem>>) src(%dma_wait3A_75 : memref<10000x128xf32, #tpu.memory_space<hbm>>) dst(%arg7 : memref<160x128xf32, #tpu.memory_space<vmem>>)
    %add3A_76 = arith.constant 480 : i32
    %add3A_77 = arith.addi %mul3A_2, %add3A_76 : i32
    %dma_start3A_78 = arith.constant 0 : i32
    %dma_start3A_79 = tpu.memref_slice %arg4[%add3A_77, %dma_start3A_78] : memref<51200x128xf32, #tpu.memory_space<hbm>> -> memref<160x128xf32, #tpu.memory_space<hbm>>
    %dma_start3A_80 = arith.constant 0 : i32
    %dma_start3A_81 = tpu.memref_slice %arg4[%add3A_77, %dma_start3A_80] : memref<51200x128xf32, #tpu.memory_space<hbm>> -> memref<160x128xf32, #tpu.memory_space<hbm>>
    tpu.enqueue_dma source(%arg7 : memref<160x128xf32, #tpu.memory_space<vmem>>) target(%dma_start3A_81 : memref<160x128xf32, #tpu.memory_space<hbm>>) target_semaphore(%arg11 : memref<!tpu.dma_semaphore, #tpu.memory_space<semaphore_mem>>)
    %dma_wait3A_82 = arith.constant 0 : i32
    %dma_wait3A_83 = tpu.memref_slice %arg4[%add3A_77, %dma_wait3A_82] : memref<51200x128xf32, #tpu.memory_space<hbm>> -> memref<160x128xf32, #tpu.memory_space<hbm>>
    %dma_wait3A_84 = arith.constant 0 : i32
    %dma_wait3A_85 = tpu.memref_slice %arg4[%add3A_77, %dma_wait3A_84] : memref<51200x128xf32, #tpu.memory_space<hbm>> -> memref<160x128xf32, #tpu.memory_space<hbm>>
    tpu.wait_dma2 semaphore(%arg11 : memref<!tpu.dma_semaphore, #tpu.memory_space<semaphore_mem>>) src(%arg7 : memref<160x128xf32, #tpu.memory_space<vmem>>) dst(%dma_wait3A_85 : memref<160x128xf32, #tpu.memory_space<hbm>>)
    %dma_start3A_86 = arith.constant 800 : i32
    %dma_start3A_87 = tpu.memref_slice %arg5[%dma_start3A_86] : memref<1600xi32, #tpu.memory_space<vmem>> -> memref<160xi32, #tpu.memory_space<vmem>>
    %dma_start3A_88 = arith.constant 0 : i32
    %dma_start3A_89 = arith.constant 0 : i32
    %dma_start3A_90 = tpu.memref_slice %arg2[%dma_start3A_88, %dma_start3A_89] : memref<10000x128xf32, #tpu.memory_space<hbm>> -> memref<10000x128xf32, #tpu.memory_space<hbm>>
    tpu.enqueue_indirect_dma source(%dma_start3A_90 : memref<10000x128xf32, #tpu.memory_space<hbm>>) target(%arg7 : memref<160x128xf32, #tpu.memory_space<vmem>>) offsets(%dma_start3A_87 : memref<160xi32, #tpu.memory_space<vmem>>) semaphore(%arg9 : memref<!tpu.dma_semaphore, #tpu.memory_space<semaphore_mem>>)
    %dma_wait3A_91 = arith.constant 640 : i32
    %dma_wait3A_92 = tpu.memref_slice %arg5[%dma_wait3A_91] : memref<1600xi32, #tpu.memory_space<vmem>> -> memref<160xi32, #tpu.memory_space<vmem>>
    %dma_wait3A_93 = arith.constant 0 : i32
    %dma_wait3A_94 = arith.constant 0 : i32
    %dma_wait3A_95 = tpu.memref_slice %arg2[%dma_wait3A_93, %dma_wait3A_94] : memref<10000x128xf32, #tpu.memory_space<hbm>> -> memref<10000x128xf32, #tpu.memory_space<hbm>>
    tpu.wait_indirect_dma semaphore(%arg8 : memref<!tpu.dma_semaphore, #tpu.memory_space<semaphore_mem>>) src(%dma_wait3A_95 : memref<10000x128xf32, #tpu.memory_space<hbm>>) dst(%arg6 : memref<160x128xf32, #tpu.memory_space<vmem>>)
    %add3A_96 = arith.constant 640 : i32
    %add3A_97 = arith.addi %mul3A_2, %add3A_96 : i32
    %dma_start3A_98 = arith.constant 0 : i32
    %dma_start3A_99 = tpu.memref_slice %arg4[%add3A_97, %dma_start3A_98] : memref<51200x128xf32, #tpu.memory_space<hbm>> -> memref<160x128xf32, #tpu.memory_space<hbm>>
    %dma_start3A_100 = arith.constant 0 : i32
    %dma_start3A_101 = tpu.memref_slice %arg4[%add3A_97, %dma_start3A_100] : memref<51200x128xf32, #tpu.memory_space<hbm>> -> memref<160x128xf32, #tpu.memory_space<hbm>>
    tpu.enqueue_dma source(%arg6 : memref<160x128xf32, #tpu.memory_space<vmem>>) target(%dma_start3A_101 : memref<160x128xf32, #tpu.memory_space<hbm>>) target_semaphore(%arg10 : memref<!tpu.dma_semaphore, #tpu.memory_space<semaphore_mem>>)
    %dma_wait3A_102 = arith.constant 0 : i32
    %dma_wait3A_103 = tpu.memref_slice %arg4[%add3A_97, %dma_wait3A_102] : memref<51200x128xf32, #tpu.memory_space<hbm>> -> memref<160x128xf32, #tpu.memory_space<hbm>>
    %dma_wait3A_104 = arith.constant 0 : i32
    %dma_wait3A_105 = tpu.memref_slice %arg4[%add3A_97, %dma_wait3A_104] : memref<51200x128xf32, #tpu.memory_space<hbm>> -> memref<160x128xf32, #tpu.memory_space<hbm>>
    tpu.wait_dma2 semaphore(%arg10 : memref<!tpu.dma_semaphore, #tpu.memory_space<semaphore_mem>>) src(%arg6 : memref<160x128xf32, #tpu.memory_space<vmem>>) dst(%dma_wait3A_105 : memref<160x128xf32, #tpu.memory_space<hbm>>)
    %dma_start3A_106 = arith.constant 960 : i32
    %dma_start3A_107 = tpu.memref_slice %arg5[%dma_start3A_106] : memref<1600xi32, #tpu.memory_space<vmem>> -> memref<160xi32, #tpu.memory_space<vmem>>
    %dma_start3A_108 = arith.constant 0 : i32
    %dma_start3A_109 = arith.constant 0 : i32
    %dma_start3A_110 = tpu.memref_slice %arg2[%dma_start3A_108, %dma_start3A_109] : memref<10000x128xf32, #tpu.memory_space<hbm>> -> memref<10000x128xf32, #tpu.memory_space<hbm>>
    tpu.enqueue_indirect_dma source(%dma_start3A_110 : memref<10000x128xf32, #tpu.memory_space<hbm>>) target(%arg6 : memref<160x128xf32, #tpu.memory_space<vmem>>) offsets(%dma_start3A_107 : memref<160xi32, #tpu.memory_space<vmem>>) semaphore(%arg8 : memref<!tpu.dma_semaphore, #tpu.memory_space<semaphore_mem>>)
    %dma_wait3A_111 = arith.constant 800 : i32
    %dma_wait3A_112 = tpu.memref_slice %arg5[%dma_wait3A_111] : memref<1600xi32, #tpu.memory_space<vmem>> -> memref<160xi32, #tpu.memory_space<vmem>>
    %dma_wait3A_113 = arith.constant 0 : i32
    %dma_wait3A_114 = arith.constant 0 : i32
    %dma_wait3A_115 = tpu.memref_slice %arg2[%dma_wait3A_113, %dma_wait3A_114] : memref<10000x128xf32, #tpu.memory_space<hbm>> -> memref<10000x128xf32, #tpu.memory_space<hbm>>
    tpu.wait_indirect_dma semaphore(%arg9 : memref<!tpu.dma_semaphore, #tpu.memory_space<semaphore_mem>>) src(%dma_wait3A_115 : memref<10000x128xf32, #tpu.memory_space<hbm>>) dst(%arg7 : memref<160x128xf32, #tpu.memory_space<vmem>>)
    %add3A_116 = arith.constant 800 : i32
    %add3A_117 = arith.addi %mul3A_2, %add3A_116 : i32
    %dma_start3A_118 = arith.constant 0 : i32
    %dma_start3A_119 = tpu.memref_slice %arg4[%add3A_117, %dma_start3A_118] : memref<51200x128xf32, #tpu.memory_space<hbm>> -> memref<160x128xf32, #tpu.memory_space<hbm>>
    %dma_start3A_120 = arith.constant 0 : i32
    %dma_start3A_121 = tpu.memref_slice %arg4[%add3A_117, %dma_start3A_120] : memref<51200x128xf32, #tpu.memory_space<hbm>> -> memref<160x128xf32, #tpu.memory_space<hbm>>
    tpu.enqueue_dma source(%arg7 : memref<160x128xf32, #tpu.memory_space<vmem>>) target(%dma_start3A_121 : memref<160x128xf32, #tpu.memory_space<hbm>>) target_semaphore(%arg11 : memref<!tpu.dma_semaphore, #tpu.memory_space<semaphore_mem>>)
    %dma_wait3A_122 = arith.constant 0 : i32
    %dma_wait3A_123 = tpu.memref_slice %arg4[%add3A_117, %dma_wait3A_122] : memref<51200x128xf32, #tpu.memory_space<hbm>> -> memref<160x128xf32, #tpu.memory_space<hbm>>
    %dma_wait3A_124 = arith.constant 0 : i32
    %dma_wait3A_125 = tpu.memref_slice %arg4[%add3A_117, %dma_wait3A_124] : memref<51200x128xf32, #tpu.memory_space<hbm>> -> memref<160x128xf32, #tpu.memory_space<hbm>>
    tpu.wait_dma2 semaphore(%arg11 : memref<!tpu.dma_semaphore, #tpu.memory_space<semaphore_mem>>) src(%arg7 : memref<160x128xf32, #tpu.memory_space<vmem>>) dst(%dma_wait3A_125 : memref<160x128xf32, #tpu.memory_space<hbm>>)
    %dma_start3A_126 = arith.constant 1120 : i32
    %dma_start3A_127 = tpu.memref_slice %arg5[%dma_start3A_126] : memref<1600xi32, #tpu.memory_space<vmem>> -> memref<160xi32, #tpu.memory_space<vmem>>
    %dma_start3A_128 = arith.constant 0 : i32
    %dma_start3A_129 = arith.constant 0 : i32
    %dma_start3A_130 = tpu.memref_slice %arg2[%dma_start3A_128, %dma_start3A_129] : memref<10000x128xf32, #tpu.memory_space<hbm>> -> memref<10000x128xf32, #tpu.memory_space<hbm>>
    tpu.enqueue_indirect_dma source(%dma_start3A_130 : memref<10000x128xf32, #tpu.memory_space<hbm>>) target(%arg7 : memref<160x128xf32, #tpu.memory_space<vmem>>) offsets(%dma_start3A_127 : memref<160xi32, #tpu.memory_space<vmem>>) semaphore(%arg9 : memref<!tpu.dma_semaphore, #tpu.memory_space<semaphore_mem>>)
    %dma_wait3A_131 = arith.constant 960 : i32
    %dma_wait3A_132 = tpu.memref_slice %arg5[%dma_wait3A_131] : memref<1600xi32, #tpu.memory_space<vmem>> -> memref<160xi32, #tpu.memory_space<vmem>>
    %dma_wait3A_133 = arith.constant 0 : i32
    %dma_wait3A_134 = arith.constant 0 : i32
    %dma_wait3A_135 = tpu.memref_slice %arg2[%dma_wait3A_133, %dma_wait3A_134] : memref<10000x128xf32, #tpu.memory_space<hbm>> -> memref<10000x128xf32, #tpu.memory_space<hbm>>
    tpu.wait_indirect_dma semaphore(%arg8 : memref<!tpu.dma_semaphore, #tpu.memory_space<semaphore_mem>>) src(%dma_wait3A_135 : memref<10000x128xf32, #tpu.memory_space<hbm>>) dst(%arg6 : memref<160x128xf32, #tpu.memory_space<vmem>>)
    %add3A_136 = arith.constant 960 : i32
    %add3A_137 = arith.addi %mul3A_2, %add3A_136 : i32
    %dma_start3A_138 = arith.constant 0 : i32
    %dma_start3A_139 = tpu.memref_slice %arg4[%add3A_137, %dma_start3A_138] : memref<51200x128xf32, #tpu.memory_space<hbm>> -> memref<160x128xf32, #tpu.memory_space<hbm>>
    %dma_start3A_140 = arith.constant 0 : i32
    %dma_start3A_141 = tpu.memref_slice %arg4[%add3A_137, %dma_start3A_140] : memref<51200x128xf32, #tpu.memory_space<hbm>> -> memref<160x128xf32, #tpu.memory_space<hbm>>
    tpu.enqueue_dma source(%arg6 : memref<160x128xf32, #tpu.memory_space<vmem>>) target(%dma_start3A_141 : memref<160x128xf32, #tpu.memory_space<hbm>>) target_semaphore(%arg10 : memref<!tpu.dma_semaphore, #tpu.memory_space<semaphore_mem>>)
    %dma_wait3A_142 = arith.constant 0 : i32
    %dma_wait3A_143 = tpu.memref_slice %arg4[%add3A_137, %dma_wait3A_142] : memref<51200x128xf32, #tpu.memory_space<hbm>> -> memref<160x128xf32, #tpu.memory_space<hbm>>
    %dma_wait3A_144 = arith.constant 0 : i32
    %dma_wait3A_145 = tpu.memref_slice %arg4[%add3A_137, %dma_wait3A_144] : memref<51200x128xf32, #tpu.memory_space<hbm>> -> memref<160x128xf32, #tpu.memory_space<hbm>>
    tpu.wait_dma2 semaphore(%arg10 : memref<!tpu.dma_semaphore, #tpu.memory_space<semaphore_mem>>) src(%arg6 : memref<160x128xf32, #tpu.memory_space<vmem>>) dst(%dma_wait3A_145 : memref<160x128xf32, #tpu.memory_space<hbm>>)
    %dma_start3A_146 = arith.constant 1280 : i32
    %dma_start3A_147 = tpu.memref_slice %arg5[%dma_start3A_146] : memref<1600xi32, #tpu.memory_space<vmem>> -> memref<160xi32, #tpu.memory_space<vmem>>
    %dma_start3A_148 = arith.constant 0 : i32
    %dma_start3A_149 = arith.constant 0 : i32
    %dma_start3A_150 = tpu.memref_slice %arg2[%dma_start3A_148, %dma_start3A_149] : memref<10000x128xf32, #tpu.memory_space<hbm>> -> memref<10000x128xf32, #tpu.memory_space<hbm>>
    tpu.enqueue_indirect_dma source(%dma_start3A_150 : memref<10000x128xf32, #tpu.memory_space<hbm>>) target(%arg6 : memref<160x128xf32, #tpu.memory_space<vmem>>) offsets(%dma_start3A_147 : memref<160xi32, #tpu.memory_space<vmem>>) semaphore(%arg8 : memref<!tpu.dma_semaphore, #tpu.memory_space<semaphore_mem>>)
    %dma_wait3A_151 = arith.constant 1120 : i32
    %dma_wait3A_152 = tpu.memref_slice %arg5[%dma_wait3A_151] : memref<1600xi32, #tpu.memory_space<vmem>> -> memref<160xi32, #tpu.memory_space<vmem>>
    %dma_wait3A_153 = arith.constant 0 : i32
    %dma_wait3A_154 = arith.constant 0 : i32
    %dma_wait3A_155 = tpu.memref_slice %arg2[%dma_wait3A_153, %dma_wait3A_154] : memref<10000x128xf32, #tpu.memory_space<hbm>> -> memref<10000x128xf32, #tpu.memory_space<hbm>>
    tpu.wait_indirect_dma semaphore(%arg9 : memref<!tpu.dma_semaphore, #tpu.memory_space<semaphore_mem>>) src(%dma_wait3A_155 : memref<10000x128xf32, #tpu.memory_space<hbm>>) dst(%arg7 : memref<160x128xf32, #tpu.memory_space<vmem>>)
    %add3A_156 = arith.constant 1120 : i32
    %add3A_157 = arith.addi %mul3A_2, %add3A_156 : i32
    %dma_start3A_158 = arith.constant 0 : i32
    %dma_start3A_159 = tpu.memref_slice %arg4[%add3A_157, %dma_start3A_158] : memref<51200x128xf32, #tpu.memory_space<hbm>> -> memref<160x128xf32, #tpu.memory_space<hbm>>
    %dma_start3A_160 = arith.constant 0 : i32
    %dma_start3A_161 = tpu.memref_slice %arg4[%add3A_157, %dma_start3A_160] : memref<51200x128xf32, #tpu.memory_space<hbm>> -> memref<160x128xf32, #tpu.memory_space<hbm>>
    tpu.enqueue_dma source(%arg7 : memref<160x128xf32, #tpu.memory_space<vmem>>) target(%dma_start3A_161 : memref<160x128xf32, #tpu.memory_space<hbm>>) target_semaphore(%arg11 : memref<!tpu.dma_semaphore, #tpu.memory_space<semaphore_mem>>)
    %dma_wait3A_162 = arith.constant 0 : i32
    %dma_wait3A_163 = tpu.memref_slice %arg4[%add3A_157, %dma_wait3A_162] : memref<51200x128xf32, #tpu.memory_space<hbm>> -> memref<160x128xf32, #tpu.memory_space<hbm>>
    %dma_wait3A_164 = arith.constant 0 : i32
    %dma_wait3A_165 = tpu.memref_slice %arg4[%add3A_157, %dma_wait3A_164] : memref<51200x128xf32, #tpu.memory_space<hbm>> -> memref<160x128xf32, #tpu.memory_space<hbm>>
    tpu.wait_dma2 semaphore(%arg11 : memref<!tpu.dma_semaphore, #tpu.memory_space<semaphore_mem>>) src(%arg7 : memref<160x128xf32, #tpu.memory_space<vmem>>) dst(%dma_wait3A_165 : memref<160x128xf32, #tpu.memory_space<hbm>>)
    %dma_start3A_166 = arith.constant 1440 : i32
    %dma_start3A_167 = tpu.memref_slice %arg5[%dma_start3A_166] : memref<1600xi32, #tpu.memory_space<vmem>> -> memref<160xi32, #tpu.memory_space<vmem>>
    %dma_start3A_168 = arith.constant 0 : i32
    %dma_start3A_169 = arith.constant 0 : i32
    %dma_start3A_170 = tpu.memref_slice %arg2[%dma_start3A_168, %dma_start3A_169] : memref<10000x128xf32, #tpu.memory_space<hbm>> -> memref<10000x128xf32, #tpu.memory_space<hbm>>
    tpu.enqueue_indirect_dma source(%dma_start3A_170 : memref<10000x128xf32, #tpu.memory_space<hbm>>) target(%arg7 : memref<160x128xf32, #tpu.memory_space<vmem>>) offsets(%dma_start3A_167 : memref<160xi32, #tpu.memory_space<vmem>>) semaphore(%arg9 : memref<!tpu.dma_semaphore, #tpu.memory_space<semaphore_mem>>)
    %dma_wait3A_171 = arith.constant 1280 : i32
    %dma_wait3A_172 = tpu.memref_slice %arg5[%dma_wait3A_171] : memref<1600xi32, #tpu.memory_space<vmem>> -> memref<160xi32, #tpu.memory_space<vmem>>
    %dma_wait3A_173 = arith.constant 0 : i32
    %dma_wait3A_174 = arith.constant 0 : i32
    %dma_wait3A_175 = tpu.memref_slice %arg2[%dma_wait3A_173, %dma_wait3A_174] : memref<10000x128xf32, #tpu.memory_space<hbm>> -> memref<10000x128xf32, #tpu.memory_space<hbm>>
    tpu.wait_indirect_dma semaphore(%arg8 : memref<!tpu.dma_semaphore, #tpu.memory_space<semaphore_mem>>) src(%dma_wait3A_175 : memref<10000x128xf32, #tpu.memory_space<hbm>>) dst(%arg6 : memref<160x128xf32, #tpu.memory_space<vmem>>)
    %add3A_176 = arith.constant 1280 : i32
    %add3A_177 = arith.addi %mul3A_2, %add3A_176 : i32
    %dma_start3A_178 = arith.constant 0 : i32
    %dma_start3A_179 = tpu.memref_slice %arg4[%add3A_177, %dma_start3A_178] : memref<51200x128xf32, #tpu.memory_space<hbm>> -> memref<160x128xf32, #tpu.memory_space<hbm>>
    %dma_start3A_180 = arith.constant 0 : i32
    %dma_start3A_181 = tpu.memref_slice %arg4[%add3A_177, %dma_start3A_180] : memref<51200x128xf32, #tpu.memory_space<hbm>> -> memref<160x128xf32, #tpu.memory_space<hbm>>
    tpu.enqueue_dma source(%arg6 : memref<160x128xf32, #tpu.memory_space<vmem>>) target(%dma_start3A_181 : memref<160x128xf32, #tpu.memory_space<hbm>>) target_semaphore(%arg10 : memref<!tpu.dma_semaphore, #tpu.memory_space<semaphore_mem>>)
    %dma_wait3A_182 = arith.constant 1440 : i32
    %dma_wait3A_183 = tpu.memref_slice %arg5[%dma_wait3A_182] : memref<1600xi32, #tpu.memory_space<vmem>> -> memref<160xi32, #tpu.memory_space<vmem>>
    %dma_wait3A_184 = arith.constant 0 : i32
    %dma_wait3A_185 = arith.constant 0 : i32
    %dma_wait3A_186 = tpu.memref_slice %arg2[%dma_wait3A_184, %dma_wait3A_185] : memref<10000x128xf32, #tpu.memory_space<hbm>> -> memref<10000x128xf32, #tpu.memory_space<hbm>>
    tpu.wait_indirect_dma semaphore(%arg9 : memref<!tpu.dma_semaphore, #tpu.memory_space<semaphore_mem>>) src(%dma_wait3A_186 : memref<10000x128xf32, #tpu.memory_space<hbm>>) dst(%arg7 : memref<160x128xf32, #tpu.memory_space<vmem>>)
    %add3A_187 = arith.constant 1440 : i32
    %add3A_188 = arith.addi %mul3A_2, %add3A_187 : i32
    %dma_start3A_189 = arith.constant 0 : i32
    %dma_start3A_190 = tpu.memref_slice %arg4[%add3A_188, %dma_start3A_189] : memref<51200x128xf32, #tpu.memory_space<hbm>> -> memref<160x128xf32, #tpu.memory_space<hbm>>
    %dma_start3A_191 = arith.constant 0 : i32
    %dma_start3A_192 = tpu.memref_slice %arg4[%add3A_188, %dma_start3A_191] : memref<51200x128xf32, #tpu.memory_space<hbm>> -> memref<160x128xf32, #tpu.memory_space<hbm>>
    tpu.enqueue_dma source(%arg7 : memref<160x128xf32, #tpu.memory_space<vmem>>) target(%dma_start3A_192 : memref<160x128xf32, #tpu.memory_space<hbm>>) target_semaphore(%arg11 : memref<!tpu.dma_semaphore, #tpu.memory_space<semaphore_mem>>)
    %dma_wait3A_193 = arith.constant 0 : i32
    %dma_wait3A_194 = tpu.memref_slice %arg4[%add3A_177, %dma_wait3A_193] : memref<51200x128xf32, #tpu.memory_space<hbm>> -> memref<160x128xf32, #tpu.memory_space<hbm>>
    %dma_wait3A_195 = arith.constant 0 : i32
    %dma_wait3A_196 = tpu.memref_slice %arg4[%add3A_177, %dma_wait3A_195] : memref<51200x128xf32, #tpu.memory_space<hbm>> -> memref<160x128xf32, #tpu.memory_space<hbm>>
    tpu.wait_dma2 semaphore(%arg10 : memref<!tpu.dma_semaphore, #tpu.memory_space<semaphore_mem>>) src(%arg6 : memref<160x128xf32, #tpu.memory_space<vmem>>) dst(%dma_wait3A_196 : memref<160x128xf32, #tpu.memory_space<hbm>>)
    %dma_wait3A_197 = arith.constant 0 : i32
    %dma_wait3A_198 = tpu.memref_slice %arg4[%add3A_188, %dma_wait3A_197] : memref<51200x128xf32, #tpu.memory_space<hbm>> -> memref<160x128xf32, #tpu.memory_space<hbm>>
    %dma_wait3A_199 = arith.constant 0 : i32
    %dma_wait3A_200 = tpu.memref_slice %arg4[%add3A_188, %dma_wait3A_199] : memref<51200x128xf32, #tpu.memory_space<hbm>> -> memref<160x128xf32, #tpu.memory_space<hbm>>
    tpu.wait_dma2 semaphore(%arg11 : memref<!tpu.dma_semaphore, #tpu.memory_space<semaphore_mem>>) src(%arg7 : memref<160x128xf32, #tpu.memory_space<vmem>>) dst(%dma_wait3A_200 : memref<160x128xf32, #tpu.memory_space<hbm>>)
    return
  }
}

#map = affine_map<(d0, d1) -> (0, 0)>
#map1 = affine_map<(d0, d1) -> (0)>
module attributes {stable_mosaic.version = 14 : i64} {
  func.func @k(%arg0: i32, %arg1: i32, %arg2: memref<4000x128xf32, #tpu.memory_space<hbm>>, %arg3: memref<4096xi32, #tpu.memory_space<hbm>>, %arg4: memref<4096x128xf32, #tpu.memory_space<hbm>>, %arg5: memref<128xi32, #tpu.memory_space<vmem>>, %arg6: memref<128x128xf32, #tpu.memory_space<vmem>>, %arg7: memref<128x128xf32, #tpu.memory_space<vmem>>, %arg8: memref<!tpu.dma_semaphore, #tpu.memory_space<semaphore_mem>>, %arg9: memref<!tpu.dma_semaphore, #tpu.memory_space<semaphore_mem>>, %arg10: memref<!tpu.dma_semaphore, #tpu.memory_space<semaphore_mem>>, %arg11: memref<!tpu.dma_semaphore, #tpu.memory_space<semaphore_mem>>) attributes {dimension_semantics = [#tpu.dimension_semantics<core_parallel>, #tpu.dimension_semantics<subcore_parallel>], iteration_bounds = array<i64: 2, 16>, scalar_prefetch = 0 : i64, scratch_operands = 7 : i64, tpu.core_type = #tpu.core_type<sc_vector_subcore>, window_params = [{transform_indices = #map}, {transform_indices = #map1}, {transform_indices = #map}]} {
    %mul3A = arith.constant 2 : i32
    %mul3A_0 = arith.muli %arg1, %mul3A : i32
    %add3A = arith.addi %mul3A_0, %arg0 : i32
    %mul3A_1 = arith.constant 128 : i32
    %mul3A_2 = arith.muli %add3A, %mul3A_1 : i32
    "tpu.region"() ({
      %run_scoped3A = tpu.sem_alloc : memref<!tpu.dma_semaphore, #tpu.memory_space<semaphore_mem>>
      %dma_start3A_21 = tpu.memref_slice %arg3[%mul3A_2] : memref<4096xi32, #tpu.memory_space<hbm>> -> memref<128xi32, #tpu.memory_space<hbm>>
      %dma_start3A_22 = tpu.memref_slice %arg3[%mul3A_2] : memref<4096xi32, #tpu.memory_space<hbm>> -> memref<128xi32, #tpu.memory_space<hbm>>
      tpu.enqueue_dma source(%dma_start3A_22 : memref<128xi32, #tpu.memory_space<hbm>>) target(%arg5 : memref<128xi32, #tpu.memory_space<vmem>>) target_semaphore(%run_scoped3A : memref<!tpu.dma_semaphore, #tpu.memory_space<semaphore_mem>>)
      %dma_wait3A_23 = tpu.memref_slice %arg3[%mul3A_2] : memref<4096xi32, #tpu.memory_space<hbm>> -> memref<128xi32, #tpu.memory_space<hbm>>
      %dma_wait3A_24 = tpu.memref_slice %arg3[%mul3A_2] : memref<4096xi32, #tpu.memory_space<hbm>> -> memref<128xi32, #tpu.memory_space<hbm>>
      tpu.wait_dma2 semaphore(%run_scoped3A : memref<!tpu.dma_semaphore, #tpu.memory_space<semaphore_mem>>) src(%dma_wait3A_24 : memref<128xi32, #tpu.memory_space<hbm>>) dst(%arg5 : memref<128xi32, #tpu.memory_space<vmem>>)
      tpu.yield
    }) : () -> ()
    %dma_start3A = arith.constant 0 : i32
    %dma_start3A_3 = tpu.memref_slice %arg5[%dma_start3A] : memref<128xi32, #tpu.memory_space<vmem>> -> memref<128xi32, #tpu.memory_space<vmem>>
    %dma_start3A_4 = arith.constant 0 : i32
    %dma_start3A_5 = arith.constant 0 : i32
    %dma_start3A_6 = tpu.memref_slice %arg2[%dma_start3A_4, %dma_start3A_5] : memref<4000x128xf32, #tpu.memory_space<hbm>> -> memref<4000x128xf32, #tpu.memory_space<hbm>>
    tpu.enqueue_indirect_dma source(%dma_start3A_6 : memref<4000x128xf32, #tpu.memory_space<hbm>>) target(%arg6 : memref<128x128xf32, #tpu.memory_space<vmem>>) offsets(%dma_start3A_3 : memref<128xi32, #tpu.memory_space<vmem>>) semaphore(%arg8 : memref<!tpu.dma_semaphore, #tpu.memory_space<semaphore_mem>>)
    %dma_wait3A = arith.constant 0 : i32
    %dma_wait3A_7 = tpu.memref_slice %arg5[%dma_wait3A] : memref<128xi32, #tpu.memory_space<vmem>> -> memref<128xi32, #tpu.memory_space<vmem>>
    %dma_wait3A_8 = arith.constant 0 : i32
    %dma_wait3A_9 = arith.constant 0 : i32
    %dma_wait3A_10 = tpu.memref_slice %arg2[%dma_wait3A_8, %dma_wait3A_9] : memref<4000x128xf32, #tpu.memory_space<hbm>> -> memref<4000x128xf32, #tpu.memory_space<hbm>>
    tpu.wait_indirect_dma semaphore(%arg8 : memref<!tpu.dma_semaphore, #tpu.memory_space<semaphore_mem>>) src(%dma_wait3A_10 : memref<4000x128xf32, #tpu.memory_space<hbm>>) dst(%arg6 : memref<128x128xf32, #tpu.memory_space<vmem>>)
    %add3A_11 = arith.constant 0 : i32
    %add3A_12 = arith.addi %mul3A_2, %add3A_11 : i32
    %dma_start3A_13 = arith.constant 0 : i32
    %dma_start3A_14 = tpu.memref_slice %arg4[%add3A_12, %dma_start3A_13] : memref<4096x128xf32, #tpu.memory_space<hbm>> -> memref<128x128xf32, #tpu.memory_space<hbm>>
    %dma_start3A_15 = arith.constant 0 : i32
    %dma_start3A_16 = tpu.memref_slice %arg4[%add3A_12, %dma_start3A_15] : memref<4096x128xf32, #tpu.memory_space<hbm>> -> memref<128x128xf32, #tpu.memory_space<hbm>>
    tpu.enqueue_dma source(%arg6 : memref<128x128xf32, #tpu.memory_space<vmem>>) target(%dma_start3A_16 : memref<128x128xf32, #tpu.memory_space<hbm>>) target_semaphore(%arg10 : memref<!tpu.dma_semaphore, #tpu.memory_space<semaphore_mem>>)
    %dma_wait3A_17 = arith.constant 0 : i32
    %dma_wait3A_18 = tpu.memref_slice %arg4[%add3A_12, %dma_wait3A_17] : memref<4096x128xf32, #tpu.memory_space<hbm>> -> memref<128x128xf32, #tpu.memory_space<hbm>>
    %dma_wait3A_19 = arith.constant 0 : i32
    %dma_wait3A_20 = tpu.memref_slice %arg4[%add3A_12, %dma_wait3A_19] : memref<4096x128xf32, #tpu.memory_space<hbm>> -> memref<128x128xf32, #tpu.memory_space<hbm>>
    tpu.wait_dma2 semaphore(%arg10 : memref<!tpu.dma_semaphore, #tpu.memory_space<semaphore_mem>>) src(%arg6 : memref<128x128xf32, #tpu.memory_space<vmem>>) dst(%dma_wait3A_20 : memref<128x128xf32, #tpu.memory_space<hbm>>)
    return
  }
}

#map = affine_map<(d0, d1) -> (0, 0)>
#map1 = affine_map<(d0, d1) -> (0)>
module attributes {stable_mosaic.version = 14 : i64} {
  func.func @k(%arg0: i32, %arg1: i32, %arg2: memref<20000x128xf32, #tpu.memory_space<hbm>>, %arg3: memref<51200xi32, #tpu.memory_space<hbm>>, %arg4: memref<51200x128xf32, #tpu.memory_space<hbm>>, %arg5: memref<1600xi32, #tpu.memory_space<vmem>>, %arg6: memref<160x128xf32, #tpu.memory_space<vmem>>, %arg7: memref<160x128xf32, #tpu.memory_space<vmem>>, %arg8: memref<!tpu.dma_semaphore, #tpu.memory_space<semaphore_mem>>, %arg9: memref<!tpu.dma_semaphore, #tpu.memory_space<semaphore_mem>>, %arg10: memref<!tpu.dma_semaphore, #tpu.memory_space<semaphore_mem>>, %arg11: memref<!tpu.dma_semaphore, #tpu.memory_space<semaphore_mem>>) attributes {dimension_semantics = [#tpu.dimension_semantics<core_parallel>, #tpu.dimension_semantics<subcore_parallel>], iteration_bounds = array<i64: 2, 16>, scalar_prefetch = 0 : i64, scratch_operands = 7 : i64, tpu.core_type = #tpu.core_type<sc_vector_subcore>, window_params = [{transform_indices = #map}, {transform_indices = #map1}, {transform_indices = #map}]} {
    %mul3A = arith.constant 2 : i32
    %mul3A_0 = arith.muli %arg1, %mul3A : i32
    %add3A = arith.addi %mul3A_0, %arg0 : i32
    %mul3A_1 = arith.constant 1600 : i32
    %mul3A_2 = arith.muli %add3A, %mul3A_1 : i32
    "tpu.region"() ({
      %run_scoped3A = tpu.sem_alloc : memref<!tpu.dma_semaphore, #tpu.memory_space<semaphore_mem>>
      %dma_start3A_201 = tpu.memref_slice %arg3[%mul3A_2] : memref<51200xi32, #tpu.memory_space<hbm>> -> memref<1600xi32, #tpu.memory_space<hbm>>
      %dma_start3A_202 = tpu.memref_slice %arg3[%mul3A_2] : memref<51200xi32, #tpu.memory_space<hbm>> -> memref<1600xi32, #tpu.memory_space<hbm>>
      tpu.enqueue_dma source(%dma_start3A_202 : memref<1600xi32, #tpu.memory_space<hbm>>) target(%arg5 : memref<1600xi32, #tpu.memory_space<vmem>>) target_semaphore(%run_scoped3A : memref<!tpu.dma_semaphore, #tpu.memory_space<semaphore_mem>>)
      %dma_wait3A_203 = tpu.memref_slice %arg3[%mul3A_2] : memref<51200xi32, #tpu.memory_space<hbm>> -> memref<1600xi32, #tpu.memory_space<hbm>>
      %dma_wait3A_204 = tpu.memref_slice %arg3[%mul3A_2] : memref<51200xi32, #tpu.memory_space<hbm>> -> memref<1600xi32, #tpu.memory_space<hbm>>
      tpu.wait_dma2 semaphore(%run_scoped3A : memref<!tpu.dma_semaphore, #tpu.memory_space<semaphore_mem>>) src(%dma_wait3A_204 : memref<1600xi32, #tpu.memory_space<hbm>>) dst(%arg5 : memref<1600xi32, #tpu.memory_space<vmem>>)
      tpu.yield
    }) : () -> ()
    %dma_start3A = arith.constant 0 : i32
    %dma_start3A_3 = tpu.memref_slice %arg5[%dma_start3A] : memref<1600xi32, #tpu.memory_space<vmem>> -> memref<160xi32, #tpu.memory_space<vmem>>
    %dma_start3A_4 = arith.constant 0 : i32
    %dma_start3A_5 = arith.constant 0 : i32
    %dma_start3A_6 = tpu.memref_slice %arg2[%dma_start3A_4, %dma_start3A_5] : memref<20000x128xf32, #tpu.memory_space<hbm>> -> memref<20000x128xf32, #tpu.memory_space<hbm>>
    tpu.enqueue_indirect_dma source(%dma_start3A_6 : memref<20000x128xf32, #tpu.memory_space<hbm>>) target(%arg6 : memref<160x128xf32, #tpu.memory_space<vmem>>) offsets(%dma_start3A_3 : memref<160xi32, #tpu.memory_space<vmem>>) semaphore(%arg8 : memref<!tpu.dma_semaphore, #tpu.memory_space<semaphore_mem>>)
    %dma_start3A_7 = arith.constant 160 : i32
    %dma_start3A_8 = tpu.memref_slice %arg5[%dma_start3A_7] : memref<1600xi32, #tpu.memory_space<vmem>> -> memref<160xi32, #tpu.memory_space<vmem>>
    %dma_start3A_9 = arith.constant 0 : i32
    %dma_start3A_10 = arith.constant 0 : i32
    %dma_start3A_11 = tpu.memref_slice %arg2[%dma_start3A_9, %dma_start3A_10] : memref<20000x128xf32, #tpu.memory_space<hbm>> -> memref<20000x128xf32, #tpu.memory_space<hbm>>
    tpu.enqueue_indirect_dma source(%dma_start3A_11 : memref<20000x128xf32, #tpu.memory_space<hbm>>) target(%arg7 : memref<160x128xf32, #tpu.memory_space<vmem>>) offsets(%dma_start3A_8 : memref<160xi32, #tpu.memory_space<vmem>>) semaphore(%arg9 : memref<!tpu.dma_semaphore, #tpu.memory_space<semaphore_mem>>)
    %dma_wait3A = arith.constant 0 : i32
    %dma_wait3A_12 = tpu.memref_slice %arg5[%dma_wait3A] : memref<1600xi32, #tpu.memory_space<vmem>> -> memref<160xi32, #tpu.memory_space<vmem>>
    %dma_wait3A_13 = arith.constant 0 : i32
    %dma_wait3A_14 = arith.constant 0 : i32
    %dma_wait3A_15 = tpu.memref_slice %arg2[%dma_wait3A_13, %dma_wait3A_14] : memref<20000x128xf32, #tpu.memory_space<hbm>> -> memref<20000x128xf32, #tpu.memory_space<hbm>>
    tpu.wait_indirect_dma semaphore(%arg8 : memref<!tpu.dma_semaphore, #tpu.memory_space<semaphore_mem>>) src(%dma_wait3A_15 : memref<20000x128xf32, #tpu.memory_space<hbm>>) dst(%arg6 : memref<160x128xf32, #tpu.memory_space<vmem>>)
    %add3A_16 = arith.constant 0 : i32
    %add3A_17 = arith.addi %mul3A_2, %add3A_16 : i32
    %dma_start3A_18 = arith.constant 0 : i32
    %dma_start3A_19 = tpu.memref_slice %arg4[%add3A_17, %dma_start3A_18] : memref<51200x128xf32, #tpu.memory_space<hbm>> -> memref<160x128xf32, #tpu.memory_space<hbm>>
    %dma_start3A_20 = arith.constant 0 : i32
    %dma_start3A_21 = tpu.memref_slice %arg4[%add3A_17, %dma_start3A_20] : memref<51200x128xf32, #tpu.memory_space<hbm>> -> memref<160x128xf32, #tpu.memory_space<hbm>>
    tpu.enqueue_dma source(%arg6 : memref<160x128xf32, #tpu.memory_space<vmem>>) target(%dma_start3A_21 : memref<160x128xf32, #tpu.memory_space<hbm>>) target_semaphore(%arg10 : memref<!tpu.dma_semaphore, #tpu.memory_space<semaphore_mem>>)
    %dma_wait3A_22 = arith.constant 0 : i32
    %dma_wait3A_23 = tpu.memref_slice %arg4[%add3A_17, %dma_wait3A_22] : memref<51200x128xf32, #tpu.memory_space<hbm>> -> memref<160x128xf32, #tpu.memory_space<hbm>>
    %dma_wait3A_24 = arith.constant 0 : i32
    %dma_wait3A_25 = tpu.memref_slice %arg4[%add3A_17, %dma_wait3A_24] : memref<51200x128xf32, #tpu.memory_space<hbm>> -> memref<160x128xf32, #tpu.memory_space<hbm>>
    tpu.wait_dma2 semaphore(%arg10 : memref<!tpu.dma_semaphore, #tpu.memory_space<semaphore_mem>>) src(%arg6 : memref<160x128xf32, #tpu.memory_space<vmem>>) dst(%dma_wait3A_25 : memref<160x128xf32, #tpu.memory_space<hbm>>)
    %dma_start3A_26 = arith.constant 320 : i32
    %dma_start3A_27 = tpu.memref_slice %arg5[%dma_start3A_26] : memref<1600xi32, #tpu.memory_space<vmem>> -> memref<160xi32, #tpu.memory_space<vmem>>
    %dma_start3A_28 = arith.constant 0 : i32
    %dma_start3A_29 = arith.constant 0 : i32
    %dma_start3A_30 = tpu.memref_slice %arg2[%dma_start3A_28, %dma_start3A_29] : memref<20000x128xf32, #tpu.memory_space<hbm>> -> memref<20000x128xf32, #tpu.memory_space<hbm>>
    tpu.enqueue_indirect_dma source(%dma_start3A_30 : memref<20000x128xf32, #tpu.memory_space<hbm>>) target(%arg6 : memref<160x128xf32, #tpu.memory_space<vmem>>) offsets(%dma_start3A_27 : memref<160xi32, #tpu.memory_space<vmem>>) semaphore(%arg8 : memref<!tpu.dma_semaphore, #tpu.memory_space<semaphore_mem>>)
    %dma_wait3A_31 = arith.constant 160 : i32
    %dma_wait3A_32 = tpu.memref_slice %arg5[%dma_wait3A_31] : memref<1600xi32, #tpu.memory_space<vmem>> -> memref<160xi32, #tpu.memory_space<vmem>>
    %dma_wait3A_33 = arith.constant 0 : i32
    %dma_wait3A_34 = arith.constant 0 : i32
    %dma_wait3A_35 = tpu.memref_slice %arg2[%dma_wait3A_33, %dma_wait3A_34] : memref<20000x128xf32, #tpu.memory_space<hbm>> -> memref<20000x128xf32, #tpu.memory_space<hbm>>
    tpu.wait_indirect_dma semaphore(%arg9 : memref<!tpu.dma_semaphore, #tpu.memory_space<semaphore_mem>>) src(%dma_wait3A_35 : memref<20000x128xf32, #tpu.memory_space<hbm>>) dst(%arg7 : memref<160x128xf32, #tpu.memory_space<vmem>>)
    %add3A_36 = arith.constant 160 : i32
    %add3A_37 = arith.addi %mul3A_2, %add3A_36 : i32
    %dma_start3A_38 = arith.constant 0 : i32
    %dma_start3A_39 = tpu.memref_slice %arg4[%add3A_37, %dma_start3A_38] : memref<51200x128xf32, #tpu.memory_space<hbm>> -> memref<160x128xf32, #tpu.memory_space<hbm>>
    %dma_start3A_40 = arith.constant 0 : i32
    %dma_start3A_41 = tpu.memref_slice %arg4[%add3A_37, %dma_start3A_40] : memref<51200x128xf32, #tpu.memory_space<hbm>> -> memref<160x128xf32, #tpu.memory_space<hbm>>
    tpu.enqueue_dma source(%arg7 : memref<160x128xf32, #tpu.memory_space<vmem>>) target(%dma_start3A_41 : memref<160x128xf32, #tpu.memory_space<hbm>>) target_semaphore(%arg11 : memref<!tpu.dma_semaphore, #tpu.memory_space<semaphore_mem>>)
    %dma_wait3A_42 = arith.constant 0 : i32
    %dma_wait3A_43 = tpu.memref_slice %arg4[%add3A_37, %dma_wait3A_42] : memref<51200x128xf32, #tpu.memory_space<hbm>> -> memref<160x128xf32, #tpu.memory_space<hbm>>
    %dma_wait3A_44 = arith.constant 0 : i32
    %dma_wait3A_45 = tpu.memref_slice %arg4[%add3A_37, %dma_wait3A_44] : memref<51200x128xf32, #tpu.memory_space<hbm>> -> memref<160x128xf32, #tpu.memory_space<hbm>>
    tpu.wait_dma2 semaphore(%arg11 : memref<!tpu.dma_semaphore, #tpu.memory_space<semaphore_mem>>) src(%arg7 : memref<160x128xf32, #tpu.memory_space<vmem>>) dst(%dma_wait3A_45 : memref<160x128xf32, #tpu.memory_space<hbm>>)
    %dma_start3A_46 = arith.constant 480 : i32
    %dma_start3A_47 = tpu.memref_slice %arg5[%dma_start3A_46] : memref<1600xi32, #tpu.memory_space<vmem>> -> memref<160xi32, #tpu.memory_space<vmem>>
    %dma_start3A_48 = arith.constant 0 : i32
    %dma_start3A_49 = arith.constant 0 : i32
    %dma_start3A_50 = tpu.memref_slice %arg2[%dma_start3A_48, %dma_start3A_49] : memref<20000x128xf32, #tpu.memory_space<hbm>> -> memref<20000x128xf32, #tpu.memory_space<hbm>>
    tpu.enqueue_indirect_dma source(%dma_start3A_50 : memref<20000x128xf32, #tpu.memory_space<hbm>>) target(%arg7 : memref<160x128xf32, #tpu.memory_space<vmem>>) offsets(%dma_start3A_47 : memref<160xi32, #tpu.memory_space<vmem>>) semaphore(%arg9 : memref<!tpu.dma_semaphore, #tpu.memory_space<semaphore_mem>>)
    %dma_wait3A_51 = arith.constant 320 : i32
    %dma_wait3A_52 = tpu.memref_slice %arg5[%dma_wait3A_51] : memref<1600xi32, #tpu.memory_space<vmem>> -> memref<160xi32, #tpu.memory_space<vmem>>
    %dma_wait3A_53 = arith.constant 0 : i32
    %dma_wait3A_54 = arith.constant 0 : i32
    %dma_wait3A_55 = tpu.memref_slice %arg2[%dma_wait3A_53, %dma_wait3A_54] : memref<20000x128xf32, #tpu.memory_space<hbm>> -> memref<20000x128xf32, #tpu.memory_space<hbm>>
    tpu.wait_indirect_dma semaphore(%arg8 : memref<!tpu.dma_semaphore, #tpu.memory_space<semaphore_mem>>) src(%dma_wait3A_55 : memref<20000x128xf32, #tpu.memory_space<hbm>>) dst(%arg6 : memref<160x128xf32, #tpu.memory_space<vmem>>)
    %add3A_56 = arith.constant 320 : i32
    %add3A_57 = arith.addi %mul3A_2, %add3A_56 : i32
    %dma_start3A_58 = arith.constant 0 : i32
    %dma_start3A_59 = tpu.memref_slice %arg4[%add3A_57, %dma_start3A_58] : memref<51200x128xf32, #tpu.memory_space<hbm>> -> memref<160x128xf32, #tpu.memory_space<hbm>>
    %dma_start3A_60 = arith.constant 0 : i32
    %dma_start3A_61 = tpu.memref_slice %arg4[%add3A_57, %dma_start3A_60] : memref<51200x128xf32, #tpu.memory_space<hbm>> -> memref<160x128xf32, #tpu.memory_space<hbm>>
    tpu.enqueue_dma source(%arg6 : memref<160x128xf32, #tpu.memory_space<vmem>>) target(%dma_start3A_61 : memref<160x128xf32, #tpu.memory_space<hbm>>) target_semaphore(%arg10 : memref<!tpu.dma_semaphore, #tpu.memory_space<semaphore_mem>>)
    %dma_wait3A_62 = arith.constant 0 : i32
    %dma_wait3A_63 = tpu.memref_slice %arg4[%add3A_57, %dma_wait3A_62] : memref<51200x128xf32, #tpu.memory_space<hbm>> -> memref<160x128xf32, #tpu.memory_space<hbm>>
    %dma_wait3A_64 = arith.constant 0 : i32
    %dma_wait3A_65 = tpu.memref_slice %arg4[%add3A_57, %dma_wait3A_64] : memref<51200x128xf32, #tpu.memory_space<hbm>> -> memref<160x128xf32, #tpu.memory_space<hbm>>
    tpu.wait_dma2 semaphore(%arg10 : memref<!tpu.dma_semaphore, #tpu.memory_space<semaphore_mem>>) src(%arg6 : memref<160x128xf32, #tpu.memory_space<vmem>>) dst(%dma_wait3A_65 : memref<160x128xf32, #tpu.memory_space<hbm>>)
    %dma_start3A_66 = arith.constant 640 : i32
    %dma_start3A_67 = tpu.memref_slice %arg5[%dma_start3A_66] : memref<1600xi32, #tpu.memory_space<vmem>> -> memref<160xi32, #tpu.memory_space<vmem>>
    %dma_start3A_68 = arith.constant 0 : i32
    %dma_start3A_69 = arith.constant 0 : i32
    %dma_start3A_70 = tpu.memref_slice %arg2[%dma_start3A_68, %dma_start3A_69] : memref<20000x128xf32, #tpu.memory_space<hbm>> -> memref<20000x128xf32, #tpu.memory_space<hbm>>
    tpu.enqueue_indirect_dma source(%dma_start3A_70 : memref<20000x128xf32, #tpu.memory_space<hbm>>) target(%arg6 : memref<160x128xf32, #tpu.memory_space<vmem>>) offsets(%dma_start3A_67 : memref<160xi32, #tpu.memory_space<vmem>>) semaphore(%arg8 : memref<!tpu.dma_semaphore, #tpu.memory_space<semaphore_mem>>)
    %dma_wait3A_71 = arith.constant 480 : i32
    %dma_wait3A_72 = tpu.memref_slice %arg5[%dma_wait3A_71] : memref<1600xi32, #tpu.memory_space<vmem>> -> memref<160xi32, #tpu.memory_space<vmem>>
    %dma_wait3A_73 = arith.constant 0 : i32
    %dma_wait3A_74 = arith.constant 0 : i32
    %dma_wait3A_75 = tpu.memref_slice %arg2[%dma_wait3A_73, %dma_wait3A_74] : memref<20000x128xf32, #tpu.memory_space<hbm>> -> memref<20000x128xf32, #tpu.memory_space<hbm>>
    tpu.wait_indirect_dma semaphore(%arg9 : memref<!tpu.dma_semaphore, #tpu.memory_space<semaphore_mem>>) src(%dma_wait3A_75 : memref<20000x128xf32, #tpu.memory_space<hbm>>) dst(%arg7 : memref<160x128xf32, #tpu.memory_space<vmem>>)
    %add3A_76 = arith.constant 480 : i32
    %add3A_77 = arith.addi %mul3A_2, %add3A_76 : i32
    %dma_start3A_78 = arith.constant 0 : i32
    %dma_start3A_79 = tpu.memref_slice %arg4[%add3A_77, %dma_start3A_78] : memref<51200x128xf32, #tpu.memory_space<hbm>> -> memref<160x128xf32, #tpu.memory_space<hbm>>
    %dma_start3A_80 = arith.constant 0 : i32
    %dma_start3A_81 = tpu.memref_slice %arg4[%add3A_77, %dma_start3A_80] : memref<51200x128xf32, #tpu.memory_space<hbm>> -> memref<160x128xf32, #tpu.memory_space<hbm>>
    tpu.enqueue_dma source(%arg7 : memref<160x128xf32, #tpu.memory_space<vmem>>) target(%dma_start3A_81 : memref<160x128xf32, #tpu.memory_space<hbm>>) target_semaphore(%arg11 : memref<!tpu.dma_semaphore, #tpu.memory_space<semaphore_mem>>)
    %dma_wait3A_82 = arith.constant 0 : i32
    %dma_wait3A_83 = tpu.memref_slice %arg4[%add3A_77, %dma_wait3A_82] : memref<51200x128xf32, #tpu.memory_space<hbm>> -> memref<160x128xf32, #tpu.memory_space<hbm>>
    %dma_wait3A_84 = arith.constant 0 : i32
    %dma_wait3A_85 = tpu.memref_slice %arg4[%add3A_77, %dma_wait3A_84] : memref<51200x128xf32, #tpu.memory_space<hbm>> -> memref<160x128xf32, #tpu.memory_space<hbm>>
    tpu.wait_dma2 semaphore(%arg11 : memref<!tpu.dma_semaphore, #tpu.memory_space<semaphore_mem>>) src(%arg7 : memref<160x128xf32, #tpu.memory_space<vmem>>) dst(%dma_wait3A_85 : memref<160x128xf32, #tpu.memory_space<hbm>>)
    %dma_start3A_86 = arith.constant 800 : i32
    %dma_start3A_87 = tpu.memref_slice %arg5[%dma_start3A_86] : memref<1600xi32, #tpu.memory_space<vmem>> -> memref<160xi32, #tpu.memory_space<vmem>>
    %dma_start3A_88 = arith.constant 0 : i32
    %dma_start3A_89 = arith.constant 0 : i32
    %dma_start3A_90 = tpu.memref_slice %arg2[%dma_start3A_88, %dma_start3A_89] : memref<20000x128xf32, #tpu.memory_space<hbm>> -> memref<20000x128xf32, #tpu.memory_space<hbm>>
    tpu.enqueue_indirect_dma source(%dma_start3A_90 : memref<20000x128xf32, #tpu.memory_space<hbm>>) target(%arg7 : memref<160x128xf32, #tpu.memory_space<vmem>>) offsets(%dma_start3A_87 : memref<160xi32, #tpu.memory_space<vmem>>) semaphore(%arg9 : memref<!tpu.dma_semaphore, #tpu.memory_space<semaphore_mem>>)
    %dma_wait3A_91 = arith.constant 640 : i32
    %dma_wait3A_92 = tpu.memref_slice %arg5[%dma_wait3A_91] : memref<1600xi32, #tpu.memory_space<vmem>> -> memref<160xi32, #tpu.memory_space<vmem>>
    %dma_wait3A_93 = arith.constant 0 : i32
    %dma_wait3A_94 = arith.constant 0 : i32
    %dma_wait3A_95 = tpu.memref_slice %arg2[%dma_wait3A_93, %dma_wait3A_94] : memref<20000x128xf32, #tpu.memory_space<hbm>> -> memref<20000x128xf32, #tpu.memory_space<hbm>>
    tpu.wait_indirect_dma semaphore(%arg8 : memref<!tpu.dma_semaphore, #tpu.memory_space<semaphore_mem>>) src(%dma_wait3A_95 : memref<20000x128xf32, #tpu.memory_space<hbm>>) dst(%arg6 : memref<160x128xf32, #tpu.memory_space<vmem>>)
    %add3A_96 = arith.constant 640 : i32
    %add3A_97 = arith.addi %mul3A_2, %add3A_96 : i32
    %dma_start3A_98 = arith.constant 0 : i32
    %dma_start3A_99 = tpu.memref_slice %arg4[%add3A_97, %dma_start3A_98] : memref<51200x128xf32, #tpu.memory_space<hbm>> -> memref<160x128xf32, #tpu.memory_space<hbm>>
    %dma_start3A_100 = arith.constant 0 : i32
    %dma_start3A_101 = tpu.memref_slice %arg4[%add3A_97, %dma_start3A_100] : memref<51200x128xf32, #tpu.memory_space<hbm>> -> memref<160x128xf32, #tpu.memory_space<hbm>>
    tpu.enqueue_dma source(%arg6 : memref<160x128xf32, #tpu.memory_space<vmem>>) target(%dma_start3A_101 : memref<160x128xf32, #tpu.memory_space<hbm>>) target_semaphore(%arg10 : memref<!tpu.dma_semaphore, #tpu.memory_space<semaphore_mem>>)
    %dma_wait3A_102 = arith.constant 0 : i32
    %dma_wait3A_103 = tpu.memref_slice %arg4[%add3A_97, %dma_wait3A_102] : memref<51200x128xf32, #tpu.memory_space<hbm>> -> memref<160x128xf32, #tpu.memory_space<hbm>>
    %dma_wait3A_104 = arith.constant 0 : i32
    %dma_wait3A_105 = tpu.memref_slice %arg4[%add3A_97, %dma_wait3A_104] : memref<51200x128xf32, #tpu.memory_space<hbm>> -> memref<160x128xf32, #tpu.memory_space<hbm>>
    tpu.wait_dma2 semaphore(%arg10 : memref<!tpu.dma_semaphore, #tpu.memory_space<semaphore_mem>>) src(%arg6 : memref<160x128xf32, #tpu.memory_space<vmem>>) dst(%dma_wait3A_105 : memref<160x128xf32, #tpu.memory_space<hbm>>)
    %dma_start3A_106 = arith.constant 960 : i32
    %dma_start3A_107 = tpu.memref_slice %arg5[%dma_start3A_106] : memref<1600xi32, #tpu.memory_space<vmem>> -> memref<160xi32, #tpu.memory_space<vmem>>
    %dma_start3A_108 = arith.constant 0 : i32
    %dma_start3A_109 = arith.constant 0 : i32
    %dma_start3A_110 = tpu.memref_slice %arg2[%dma_start3A_108, %dma_start3A_109] : memref<20000x128xf32, #tpu.memory_space<hbm>> -> memref<20000x128xf32, #tpu.memory_space<hbm>>
    tpu.enqueue_indirect_dma source(%dma_start3A_110 : memref<20000x128xf32, #tpu.memory_space<hbm>>) target(%arg6 : memref<160x128xf32, #tpu.memory_space<vmem>>) offsets(%dma_start3A_107 : memref<160xi32, #tpu.memory_space<vmem>>) semaphore(%arg8 : memref<!tpu.dma_semaphore, #tpu.memory_space<semaphore_mem>>)
    %dma_wait3A_111 = arith.constant 800 : i32
    %dma_wait3A_112 = tpu.memref_slice %arg5[%dma_wait3A_111] : memref<1600xi32, #tpu.memory_space<vmem>> -> memref<160xi32, #tpu.memory_space<vmem>>
    %dma_wait3A_113 = arith.constant 0 : i32
    %dma_wait3A_114 = arith.constant 0 : i32
    %dma_wait3A_115 = tpu.memref_slice %arg2[%dma_wait3A_113, %dma_wait3A_114] : memref<20000x128xf32, #tpu.memory_space<hbm>> -> memref<20000x128xf32, #tpu.memory_space<hbm>>
    tpu.wait_indirect_dma semaphore(%arg9 : memref<!tpu.dma_semaphore, #tpu.memory_space<semaphore_mem>>) src(%dma_wait3A_115 : memref<20000x128xf32, #tpu.memory_space<hbm>>) dst(%arg7 : memref<160x128xf32, #tpu.memory_space<vmem>>)
    %add3A_116 = arith.constant 800 : i32
    %add3A_117 = arith.addi %mul3A_2, %add3A_116 : i32
    %dma_start3A_118 = arith.constant 0 : i32
    %dma_start3A_119 = tpu.memref_slice %arg4[%add3A_117, %dma_start3A_118] : memref<51200x128xf32, #tpu.memory_space<hbm>> -> memref<160x128xf32, #tpu.memory_space<hbm>>
    %dma_start3A_120 = arith.constant 0 : i32
    %dma_start3A_121 = tpu.memref_slice %arg4[%add3A_117, %dma_start3A_120] : memref<51200x128xf32, #tpu.memory_space<hbm>> -> memref<160x128xf32, #tpu.memory_space<hbm>>
    tpu.enqueue_dma source(%arg7 : memref<160x128xf32, #tpu.memory_space<vmem>>) target(%dma_start3A_121 : memref<160x128xf32, #tpu.memory_space<hbm>>) target_semaphore(%arg11 : memref<!tpu.dma_semaphore, #tpu.memory_space<semaphore_mem>>)
    %dma_wait3A_122 = arith.constant 0 : i32
    %dma_wait3A_123 = tpu.memref_slice %arg4[%add3A_117, %dma_wait3A_122] : memref<51200x128xf32, #tpu.memory_space<hbm>> -> memref<160x128xf32, #tpu.memory_space<hbm>>
    %dma_wait3A_124 = arith.constant 0 : i32
    %dma_wait3A_125 = tpu.memref_slice %arg4[%add3A_117, %dma_wait3A_124] : memref<51200x128xf32, #tpu.memory_space<hbm>> -> memref<160x128xf32, #tpu.memory_space<hbm>>
    tpu.wait_dma2 semaphore(%arg11 : memref<!tpu.dma_semaphore, #tpu.memory_space<semaphore_mem>>) src(%arg7 : memref<160x128xf32, #tpu.memory_space<vmem>>) dst(%dma_wait3A_125 : memref<160x128xf32, #tpu.memory_space<hbm>>)
    %dma_start3A_126 = arith.constant 1120 : i32
    %dma_start3A_127 = tpu.memref_slice %arg5[%dma_start3A_126] : memref<1600xi32, #tpu.memory_space<vmem>> -> memref<160xi32, #tpu.memory_space<vmem>>
    %dma_start3A_128 = arith.constant 0 : i32
    %dma_start3A_129 = arith.constant 0 : i32
    %dma_start3A_130 = tpu.memref_slice %arg2[%dma_start3A_128, %dma_start3A_129] : memref<20000x128xf32, #tpu.memory_space<hbm>> -> memref<20000x128xf32, #tpu.memory_space<hbm>>
    tpu.enqueue_indirect_dma source(%dma_start3A_130 : memref<20000x128xf32, #tpu.memory_space<hbm>>) target(%arg7 : memref<160x128xf32, #tpu.memory_space<vmem>>) offsets(%dma_start3A_127 : memref<160xi32, #tpu.memory_space<vmem>>) semaphore(%arg9 : memref<!tpu.dma_semaphore, #tpu.memory_space<semaphore_mem>>)
    %dma_wait3A_131 = arith.constant 960 : i32
    %dma_wait3A_132 = tpu.memref_slice %arg5[%dma_wait3A_131] : memref<1600xi32, #tpu.memory_space<vmem>> -> memref<160xi32, #tpu.memory_space<vmem>>
    %dma_wait3A_133 = arith.constant 0 : i32
    %dma_wait3A_134 = arith.constant 0 : i32
    %dma_wait3A_135 = tpu.memref_slice %arg2[%dma_wait3A_133, %dma_wait3A_134] : memref<20000x128xf32, #tpu.memory_space<hbm>> -> memref<20000x128xf32, #tpu.memory_space<hbm>>
    tpu.wait_indirect_dma semaphore(%arg8 : memref<!tpu.dma_semaphore, #tpu.memory_space<semaphore_mem>>) src(%dma_wait3A_135 : memref<20000x128xf32, #tpu.memory_space<hbm>>) dst(%arg6 : memref<160x128xf32, #tpu.memory_space<vmem>>)
    %add3A_136 = arith.constant 960 : i32
    %add3A_137 = arith.addi %mul3A_2, %add3A_136 : i32
    %dma_start3A_138 = arith.constant 0 : i32
    %dma_start3A_139 = tpu.memref_slice %arg4[%add3A_137, %dma_start3A_138] : memref<51200x128xf32, #tpu.memory_space<hbm>> -> memref<160x128xf32, #tpu.memory_space<hbm>>
    %dma_start3A_140 = arith.constant 0 : i32
    %dma_start3A_141 = tpu.memref_slice %arg4[%add3A_137, %dma_start3A_140] : memref<51200x128xf32, #tpu.memory_space<hbm>> -> memref<160x128xf32, #tpu.memory_space<hbm>>
    tpu.enqueue_dma source(%arg6 : memref<160x128xf32, #tpu.memory_space<vmem>>) target(%dma_start3A_141 : memref<160x128xf32, #tpu.memory_space<hbm>>) target_semaphore(%arg10 : memref<!tpu.dma_semaphore, #tpu.memory_space<semaphore_mem>>)
    %dma_wait3A_142 = arith.constant 0 : i32
    %dma_wait3A_143 = tpu.memref_slice %arg4[%add3A_137, %dma_wait3A_142] : memref<51200x128xf32, #tpu.memory_space<hbm>> -> memref<160x128xf32, #tpu.memory_space<hbm>>
    %dma_wait3A_144 = arith.constant 0 : i32
    %dma_wait3A_145 = tpu.memref_slice %arg4[%add3A_137, %dma_wait3A_144] : memref<51200x128xf32, #tpu.memory_space<hbm>> -> memref<160x128xf32, #tpu.memory_space<hbm>>
    tpu.wait_dma2 semaphore(%arg10 : memref<!tpu.dma_semaphore, #tpu.memory_space<semaphore_mem>>) src(%arg6 : memref<160x128xf32, #tpu.memory_space<vmem>>) dst(%dma_wait3A_145 : memref<160x128xf32, #tpu.memory_space<hbm>>)
    %dma_start3A_146 = arith.constant 1280 : i32
    %dma_start3A_147 = tpu.memref_slice %arg5[%dma_start3A_146] : memref<1600xi32, #tpu.memory_space<vmem>> -> memref<160xi32, #tpu.memory_space<vmem>>
    %dma_start3A_148 = arith.constant 0 : i32
    %dma_start3A_149 = arith.constant 0 : i32
    %dma_start3A_150 = tpu.memref_slice %arg2[%dma_start3A_148, %dma_start3A_149] : memref<20000x128xf32, #tpu.memory_space<hbm>> -> memref<20000x128xf32, #tpu.memory_space<hbm>>
    tpu.enqueue_indirect_dma source(%dma_start3A_150 : memref<20000x128xf32, #tpu.memory_space<hbm>>) target(%arg6 : memref<160x128xf32, #tpu.memory_space<vmem>>) offsets(%dma_start3A_147 : memref<160xi32, #tpu.memory_space<vmem>>) semaphore(%arg8 : memref<!tpu.dma_semaphore, #tpu.memory_space<semaphore_mem>>)
    %dma_wait3A_151 = arith.constant 1120 : i32
    %dma_wait3A_152 = tpu.memref_slice %arg5[%dma_wait3A_151] : memref<1600xi32, #tpu.memory_space<vmem>> -> memref<160xi32, #tpu.memory_space<vmem>>
    %dma_wait3A_153 = arith.constant 0 : i32
    %dma_wait3A_154 = arith.constant 0 : i32
    %dma_wait3A_155 = tpu.memref_slice %arg2[%dma_wait3A_153, %dma_wait3A_154] : memref<20000x128xf32, #tpu.memory_space<hbm>> -> memref<20000x128xf32, #tpu.memory_space<hbm>>
    tpu.wait_indirect_dma semaphore(%arg9 : memref<!tpu.dma_semaphore, #tpu.memory_space<semaphore_mem>>) src(%dma_wait3A_155 : memref<20000x128xf32, #tpu.memory_space<hbm>>) dst(%arg7 : memref<160x128xf32, #tpu.memory_space<vmem>>)
    %add3A_156 = arith.constant 1120 : i32
    %add3A_157 = arith.addi %mul3A_2, %add3A_156 : i32
    %dma_start3A_158 = arith.constant 0 : i32
    %dma_start3A_159 = tpu.memref_slice %arg4[%add3A_157, %dma_start3A_158] : memref<51200x128xf32, #tpu.memory_space<hbm>> -> memref<160x128xf32, #tpu.memory_space<hbm>>
    %dma_start3A_160 = arith.constant 0 : i32
    %dma_start3A_161 = tpu.memref_slice %arg4[%add3A_157, %dma_start3A_160] : memref<51200x128xf32, #tpu.memory_space<hbm>> -> memref<160x128xf32, #tpu.memory_space<hbm>>
    tpu.enqueue_dma source(%arg7 : memref<160x128xf32, #tpu.memory_space<vmem>>) target(%dma_start3A_161 : memref<160x128xf32, #tpu.memory_space<hbm>>) target_semaphore(%arg11 : memref<!tpu.dma_semaphore, #tpu.memory_space<semaphore_mem>>)
    %dma_wait3A_162 = arith.constant 0 : i32
    %dma_wait3A_163 = tpu.memref_slice %arg4[%add3A_157, %dma_wait3A_162] : memref<51200x128xf32, #tpu.memory_space<hbm>> -> memref<160x128xf32, #tpu.memory_space<hbm>>
    %dma_wait3A_164 = arith.constant 0 : i32
    %dma_wait3A_165 = tpu.memref_slice %arg4[%add3A_157, %dma_wait3A_164] : memref<51200x128xf32, #tpu.memory_space<hbm>> -> memref<160x128xf32, #tpu.memory_space<hbm>>
    tpu.wait_dma2 semaphore(%arg11 : memref<!tpu.dma_semaphore, #tpu.memory_space<semaphore_mem>>) src(%arg7 : memref<160x128xf32, #tpu.memory_space<vmem>>) dst(%dma_wait3A_165 : memref<160x128xf32, #tpu.memory_space<hbm>>)
    %dma_start3A_166 = arith.constant 1440 : i32
    %dma_start3A_167 = tpu.memref_slice %arg5[%dma_start3A_166] : memref<1600xi32, #tpu.memory_space<vmem>> -> memref<160xi32, #tpu.memory_space<vmem>>
    %dma_start3A_168 = arith.constant 0 : i32
    %dma_start3A_169 = arith.constant 0 : i32
    %dma_start3A_170 = tpu.memref_slice %arg2[%dma_start3A_168, %dma_start3A_169] : memref<20000x128xf32, #tpu.memory_space<hbm>> -> memref<20000x128xf32, #tpu.memory_space<hbm>>
    tpu.enqueue_indirect_dma source(%dma_start3A_170 : memref<20000x128xf32, #tpu.memory_space<hbm>>) target(%arg7 : memref<160x128xf32, #tpu.memory_space<vmem>>) offsets(%dma_start3A_167 : memref<160xi32, #tpu.memory_space<vmem>>) semaphore(%arg9 : memref<!tpu.dma_semaphore, #tpu.memory_space<semaphore_mem>>)
    %dma_wait3A_171 = arith.constant 1280 : i32
    %dma_wait3A_172 = tpu.memref_slice %arg5[%dma_wait3A_171] : memref<1600xi32, #tpu.memory_space<vmem>> -> memref<160xi32, #tpu.memory_space<vmem>>
    %dma_wait3A_173 = arith.constant 0 : i32
    %dma_wait3A_174 = arith.constant 0 : i32
    %dma_wait3A_175 = tpu.memref_slice %arg2[%dma_wait3A_173, %dma_wait3A_174] : memref<20000x128xf32, #tpu.memory_space<hbm>> -> memref<20000x128xf32, #tpu.memory_space<hbm>>
    tpu.wait_indirect_dma semaphore(%arg8 : memref<!tpu.dma_semaphore, #tpu.memory_space<semaphore_mem>>) src(%dma_wait3A_175 : memref<20000x128xf32, #tpu.memory_space<hbm>>) dst(%arg6 : memref<160x128xf32, #tpu.memory_space<vmem>>)
    %add3A_176 = arith.constant 1280 : i32
    %add3A_177 = arith.addi %mul3A_2, %add3A_176 : i32
    %dma_start3A_178 = arith.constant 0 : i32
    %dma_start3A_179 = tpu.memref_slice %arg4[%add3A_177, %dma_start3A_178] : memref<51200x128xf32, #tpu.memory_space<hbm>> -> memref<160x128xf32, #tpu.memory_space<hbm>>
    %dma_start3A_180 = arith.constant 0 : i32
    %dma_start3A_181 = tpu.memref_slice %arg4[%add3A_177, %dma_start3A_180] : memref<51200x128xf32, #tpu.memory_space<hbm>> -> memref<160x128xf32, #tpu.memory_space<hbm>>
    tpu.enqueue_dma source(%arg6 : memref<160x128xf32, #tpu.memory_space<vmem>>) target(%dma_start3A_181 : memref<160x128xf32, #tpu.memory_space<hbm>>) target_semaphore(%arg10 : memref<!tpu.dma_semaphore, #tpu.memory_space<semaphore_mem>>)
    %dma_wait3A_182 = arith.constant 1440 : i32
    %dma_wait3A_183 = tpu.memref_slice %arg5[%dma_wait3A_182] : memref<1600xi32, #tpu.memory_space<vmem>> -> memref<160xi32, #tpu.memory_space<vmem>>
    %dma_wait3A_184 = arith.constant 0 : i32
    %dma_wait3A_185 = arith.constant 0 : i32
    %dma_wait3A_186 = tpu.memref_slice %arg2[%dma_wait3A_184, %dma_wait3A_185] : memref<20000x128xf32, #tpu.memory_space<hbm>> -> memref<20000x128xf32, #tpu.memory_space<hbm>>
    tpu.wait_indirect_dma semaphore(%arg9 : memref<!tpu.dma_semaphore, #tpu.memory_space<semaphore_mem>>) src(%dma_wait3A_186 : memref<20000x128xf32, #tpu.memory_space<hbm>>) dst(%arg7 : memref<160x128xf32, #tpu.memory_space<vmem>>)
    %add3A_187 = arith.constant 1440 : i32
    %add3A_188 = arith.addi %mul3A_2, %add3A_187 : i32
    %dma_start3A_189 = arith.constant 0 : i32
    %dma_start3A_190 = tpu.memref_slice %arg4[%add3A_188, %dma_start3A_189] : memref<51200x128xf32, #tpu.memory_space<hbm>> -> memref<160x128xf32, #tpu.memory_space<hbm>>
    %dma_start3A_191 = arith.constant 0 : i32
    %dma_start3A_192 = tpu.memref_slice %arg4[%add3A_188, %dma_start3A_191] : memref<51200x128xf32, #tpu.memory_space<hbm>> -> memref<160x128xf32, #tpu.memory_space<hbm>>
    tpu.enqueue_dma source(%arg7 : memref<160x128xf32, #tpu.memory_space<vmem>>) target(%dma_start3A_192 : memref<160x128xf32, #tpu.memory_space<hbm>>) target_semaphore(%arg11 : memref<!tpu.dma_semaphore, #tpu.memory_space<semaphore_mem>>)
    %dma_wait3A_193 = arith.constant 0 : i32
    %dma_wait3A_194 = tpu.memref_slice %arg4[%add3A_177, %dma_wait3A_193] : memref<51200x128xf32, #tpu.memory_space<hbm>> -> memref<160x128xf32, #tpu.memory_space<hbm>>
    %dma_wait3A_195 = arith.constant 0 : i32
    %dma_wait3A_196 = tpu.memref_slice %arg4[%add3A_177, %dma_wait3A_195] : memref<51200x128xf32, #tpu.memory_space<hbm>> -> memref<160x128xf32, #tpu.memory_space<hbm>>
    tpu.wait_dma2 semaphore(%arg10 : memref<!tpu.dma_semaphore, #tpu.memory_space<semaphore_mem>>) src(%arg6 : memref<160x128xf32, #tpu.memory_space<vmem>>) dst(%dma_wait3A_196 : memref<160x128xf32, #tpu.memory_space<hbm>>)
    %dma_wait3A_197 = arith.constant 0 : i32
    %dma_wait3A_198 = tpu.memref_slice %arg4[%add3A_188, %dma_wait3A_197] : memref<51200x128xf32, #tpu.memory_space<hbm>> -> memref<160x128xf32, #tpu.memory_space<hbm>>
    %dma_wait3A_199 = arith.constant 0 : i32
    %dma_wait3A_200 = tpu.memref_slice %arg4[%add3A_188, %dma_wait3A_199] : memref<51200x128xf32, #tpu.memory_space<hbm>> -> memref<160x128xf32, #tpu.memory_space<hbm>>
    tpu.wait_dma2 semaphore(%arg11 : memref<!tpu.dma_semaphore, #tpu.memory_space<semaphore_mem>>) src(%arg7 : memref<160x128xf32, #tpu.memory_space<vmem>>) dst(%dma_wait3A_200 : memref<160x128xf32, #tpu.memory_space<hbm>>)
    return
  }
}

#map = affine_map<(d0, d1) -> (0, 0)>
#map1 = affine_map<(d0, d1) -> (0)>
module attributes {stable_mosaic.version = 14 : i64} {
  func.func @k(%arg0: i32, %arg1: i32, %arg2: memref<30522x768xf32, #tpu.memory_space<hbm>>, %arg3: memref<16384xi32, #tpu.memory_space<hbm>>, %arg4: memref<16384x768xf32, #tpu.memory_space<hbm>>, %arg5: memref<512xi32, #tpu.memory_space<vmem>>, %arg6: memref<64x768xf32, #tpu.memory_space<vmem>>, %arg7: memref<64x768xf32, #tpu.memory_space<vmem>>, %arg8: memref<!tpu.dma_semaphore, #tpu.memory_space<semaphore_mem>>, %arg9: memref<!tpu.dma_semaphore, #tpu.memory_space<semaphore_mem>>, %arg10: memref<!tpu.dma_semaphore, #tpu.memory_space<semaphore_mem>>, %arg11: memref<!tpu.dma_semaphore, #tpu.memory_space<semaphore_mem>>) attributes {dimension_semantics = [#tpu.dimension_semantics<core_parallel>, #tpu.dimension_semantics<subcore_parallel>], iteration_bounds = array<i64: 2, 16>, scalar_prefetch = 0 : i64, scratch_operands = 7 : i64, tpu.core_type = #tpu.core_type<sc_vector_subcore>, window_params = [{transform_indices = #map}, {transform_indices = #map1}, {transform_indices = #map}]} {
    %mul3A = arith.constant 2 : i32
    %mul3A_0 = arith.muli %arg1, %mul3A : i32
    %add3A = arith.addi %mul3A_0, %arg0 : i32
    %mul3A_1 = arith.constant 512 : i32
    %mul3A_2 = arith.muli %add3A, %mul3A_1 : i32
    "tpu.region"() ({
      %run_scoped3A = tpu.sem_alloc : memref<!tpu.dma_semaphore, #tpu.memory_space<semaphore_mem>>
      %dma_start3A_161 = tpu.memref_slice %arg3[%mul3A_2] : memref<16384xi32, #tpu.memory_space<hbm>> -> memref<512xi32, #tpu.memory_space<hbm>>
      %dma_start3A_162 = tpu.memref_slice %arg3[%mul3A_2] : memref<16384xi32, #tpu.memory_space<hbm>> -> memref<512xi32, #tpu.memory_space<hbm>>
      tpu.enqueue_dma source(%dma_start3A_162 : memref<512xi32, #tpu.memory_space<hbm>>) target(%arg5 : memref<512xi32, #tpu.memory_space<vmem>>) target_semaphore(%run_scoped3A : memref<!tpu.dma_semaphore, #tpu.memory_space<semaphore_mem>>)
      %dma_wait3A_163 = tpu.memref_slice %arg3[%mul3A_2] : memref<16384xi32, #tpu.memory_space<hbm>> -> memref<512xi32, #tpu.memory_space<hbm>>
      %dma_wait3A_164 = tpu.memref_slice %arg3[%mul3A_2] : memref<16384xi32, #tpu.memory_space<hbm>> -> memref<512xi32, #tpu.memory_space<hbm>>
      tpu.wait_dma2 semaphore(%run_scoped3A : memref<!tpu.dma_semaphore, #tpu.memory_space<semaphore_mem>>) src(%dma_wait3A_164 : memref<512xi32, #tpu.memory_space<hbm>>) dst(%arg5 : memref<512xi32, #tpu.memory_space<vmem>>)
      tpu.yield
    }) : () -> ()
    %dma_start3A = arith.constant 0 : i32
    %dma_start3A_3 = tpu.memref_slice %arg5[%dma_start3A] : memref<512xi32, #tpu.memory_space<vmem>> -> memref<64xi32, #tpu.memory_space<vmem>>
    %dma_start3A_4 = arith.constant 0 : i32
    %dma_start3A_5 = arith.constant 0 : i32
    %dma_start3A_6 = tpu.memref_slice %arg2[%dma_start3A_4, %dma_start3A_5] : memref<30522x768xf32, #tpu.memory_space<hbm>> -> memref<30522x768xf32, #tpu.memory_space<hbm>>
    tpu.enqueue_indirect_dma source(%dma_start3A_6 : memref<30522x768xf32, #tpu.memory_space<hbm>>) target(%arg6 : memref<64x768xf32, #tpu.memory_space<vmem>>) offsets(%dma_start3A_3 : memref<64xi32, #tpu.memory_space<vmem>>) semaphore(%arg8 : memref<!tpu.dma_semaphore, #tpu.memory_space<semaphore_mem>>)
    %dma_start3A_7 = arith.constant 64 : i32
    %dma_start3A_8 = tpu.memref_slice %arg5[%dma_start3A_7] : memref<512xi32, #tpu.memory_space<vmem>> -> memref<64xi32, #tpu.memory_space<vmem>>
    %dma_start3A_9 = arith.constant 0 : i32
    %dma_start3A_10 = arith.constant 0 : i32
    %dma_start3A_11 = tpu.memref_slice %arg2[%dma_start3A_9, %dma_start3A_10] : memref<30522x768xf32, #tpu.memory_space<hbm>> -> memref<30522x768xf32, #tpu.memory_space<hbm>>
    tpu.enqueue_indirect_dma source(%dma_start3A_11 : memref<30522x768xf32, #tpu.memory_space<hbm>>) target(%arg7 : memref<64x768xf32, #tpu.memory_space<vmem>>) offsets(%dma_start3A_8 : memref<64xi32, #tpu.memory_space<vmem>>) semaphore(%arg9 : memref<!tpu.dma_semaphore, #tpu.memory_space<semaphore_mem>>)
    %dma_wait3A = arith.constant 0 : i32
    %dma_wait3A_12 = tpu.memref_slice %arg5[%dma_wait3A] : memref<512xi32, #tpu.memory_space<vmem>> -> memref<64xi32, #tpu.memory_space<vmem>>
    %dma_wait3A_13 = arith.constant 0 : i32
    %dma_wait3A_14 = arith.constant 0 : i32
    %dma_wait3A_15 = tpu.memref_slice %arg2[%dma_wait3A_13, %dma_wait3A_14] : memref<30522x768xf32, #tpu.memory_space<hbm>> -> memref<30522x768xf32, #tpu.memory_space<hbm>>
    tpu.wait_indirect_dma semaphore(%arg8 : memref<!tpu.dma_semaphore, #tpu.memory_space<semaphore_mem>>) src(%dma_wait3A_15 : memref<30522x768xf32, #tpu.memory_space<hbm>>) dst(%arg6 : memref<64x768xf32, #tpu.memory_space<vmem>>)
    %add3A_16 = arith.constant 0 : i32
    %add3A_17 = arith.addi %mul3A_2, %add3A_16 : i32
    %dma_start3A_18 = arith.constant 0 : i32
    %dma_start3A_19 = tpu.memref_slice %arg4[%add3A_17, %dma_start3A_18] : memref<16384x768xf32, #tpu.memory_space<hbm>> -> memref<64x768xf32, #tpu.memory_space<hbm>>
    %dma_start3A_20 = arith.constant 0 : i32
    %dma_start3A_21 = tpu.memref_slice %arg4[%add3A_17, %dma_start3A_20] : memref<16384x768xf32, #tpu.memory_space<hbm>> -> memref<64x768xf32, #tpu.memory_space<hbm>>
    tpu.enqueue_dma source(%arg6 : memref<64x768xf32, #tpu.memory_space<vmem>>) target(%dma_start3A_21 : memref<64x768xf32, #tpu.memory_space<hbm>>) target_semaphore(%arg10 : memref<!tpu.dma_semaphore, #tpu.memory_space<semaphore_mem>>)
    %dma_wait3A_22 = arith.constant 0 : i32
    %dma_wait3A_23 = tpu.memref_slice %arg4[%add3A_17, %dma_wait3A_22] : memref<16384x768xf32, #tpu.memory_space<hbm>> -> memref<64x768xf32, #tpu.memory_space<hbm>>
    %dma_wait3A_24 = arith.constant 0 : i32
    %dma_wait3A_25 = tpu.memref_slice %arg4[%add3A_17, %dma_wait3A_24] : memref<16384x768xf32, #tpu.memory_space<hbm>> -> memref<64x768xf32, #tpu.memory_space<hbm>>
    tpu.wait_dma2 semaphore(%arg10 : memref<!tpu.dma_semaphore, #tpu.memory_space<semaphore_mem>>) src(%arg6 : memref<64x768xf32, #tpu.memory_space<vmem>>) dst(%dma_wait3A_25 : memref<64x768xf32, #tpu.memory_space<hbm>>)
    %dma_start3A_26 = arith.constant 128 : i32
    %dma_start3A_27 = tpu.memref_slice %arg5[%dma_start3A_26] : memref<512xi32, #tpu.memory_space<vmem>> -> memref<64xi32, #tpu.memory_space<vmem>>
    %dma_start3A_28 = arith.constant 0 : i32
    %dma_start3A_29 = arith.constant 0 : i32
    %dma_start3A_30 = tpu.memref_slice %arg2[%dma_start3A_28, %dma_start3A_29] : memref<30522x768xf32, #tpu.memory_space<hbm>> -> memref<30522x768xf32, #tpu.memory_space<hbm>>
    tpu.enqueue_indirect_dma source(%dma_start3A_30 : memref<30522x768xf32, #tpu.memory_space<hbm>>) target(%arg6 : memref<64x768xf32, #tpu.memory_space<vmem>>) offsets(%dma_start3A_27 : memref<64xi32, #tpu.memory_space<vmem>>) semaphore(%arg8 : memref<!tpu.dma_semaphore, #tpu.memory_space<semaphore_mem>>)
    %dma_wait3A_31 = arith.constant 64 : i32
    %dma_wait3A_32 = tpu.memref_slice %arg5[%dma_wait3A_31] : memref<512xi32, #tpu.memory_space<vmem>> -> memref<64xi32, #tpu.memory_space<vmem>>
    %dma_wait3A_33 = arith.constant 0 : i32
    %dma_wait3A_34 = arith.constant 0 : i32
    %dma_wait3A_35 = tpu.memref_slice %arg2[%dma_wait3A_33, %dma_wait3A_34] : memref<30522x768xf32, #tpu.memory_space<hbm>> -> memref<30522x768xf32, #tpu.memory_space<hbm>>
    tpu.wait_indirect_dma semaphore(%arg9 : memref<!tpu.dma_semaphore, #tpu.memory_space<semaphore_mem>>) src(%dma_wait3A_35 : memref<30522x768xf32, #tpu.memory_space<hbm>>) dst(%arg7 : memref<64x768xf32, #tpu.memory_space<vmem>>)
    %add3A_36 = arith.constant 64 : i32
    %add3A_37 = arith.addi %mul3A_2, %add3A_36 : i32
    %dma_start3A_38 = arith.constant 0 : i32
    %dma_start3A_39 = tpu.memref_slice %arg4[%add3A_37, %dma_start3A_38] : memref<16384x768xf32, #tpu.memory_space<hbm>> -> memref<64x768xf32, #tpu.memory_space<hbm>>
    %dma_start3A_40 = arith.constant 0 : i32
    %dma_start3A_41 = tpu.memref_slice %arg4[%add3A_37, %dma_start3A_40] : memref<16384x768xf32, #tpu.memory_space<hbm>> -> memref<64x768xf32, #tpu.memory_space<hbm>>
    tpu.enqueue_dma source(%arg7 : memref<64x768xf32, #tpu.memory_space<vmem>>) target(%dma_start3A_41 : memref<64x768xf32, #tpu.memory_space<hbm>>) target_semaphore(%arg11 : memref<!tpu.dma_semaphore, #tpu.memory_space<semaphore_mem>>)
    %dma_wait3A_42 = arith.constant 0 : i32
    %dma_wait3A_43 = tpu.memref_slice %arg4[%add3A_37, %dma_wait3A_42] : memref<16384x768xf32, #tpu.memory_space<hbm>> -> memref<64x768xf32, #tpu.memory_space<hbm>>
    %dma_wait3A_44 = arith.constant 0 : i32
    %dma_wait3A_45 = tpu.memref_slice %arg4[%add3A_37, %dma_wait3A_44] : memref<16384x768xf32, #tpu.memory_space<hbm>> -> memref<64x768xf32, #tpu.memory_space<hbm>>
    tpu.wait_dma2 semaphore(%arg11 : memref<!tpu.dma_semaphore, #tpu.memory_space<semaphore_mem>>) src(%arg7 : memref<64x768xf32, #tpu.memory_space<vmem>>) dst(%dma_wait3A_45 : memref<64x768xf32, #tpu.memory_space<hbm>>)
    %dma_start3A_46 = arith.constant 192 : i32
    %dma_start3A_47 = tpu.memref_slice %arg5[%dma_start3A_46] : memref<512xi32, #tpu.memory_space<vmem>> -> memref<64xi32, #tpu.memory_space<vmem>>
    %dma_start3A_48 = arith.constant 0 : i32
    %dma_start3A_49 = arith.constant 0 : i32
    %dma_start3A_50 = tpu.memref_slice %arg2[%dma_start3A_48, %dma_start3A_49] : memref<30522x768xf32, #tpu.memory_space<hbm>> -> memref<30522x768xf32, #tpu.memory_space<hbm>>
    tpu.enqueue_indirect_dma source(%dma_start3A_50 : memref<30522x768xf32, #tpu.memory_space<hbm>>) target(%arg7 : memref<64x768xf32, #tpu.memory_space<vmem>>) offsets(%dma_start3A_47 : memref<64xi32, #tpu.memory_space<vmem>>) semaphore(%arg9 : memref<!tpu.dma_semaphore, #tpu.memory_space<semaphore_mem>>)
    %dma_wait3A_51 = arith.constant 128 : i32
    %dma_wait3A_52 = tpu.memref_slice %arg5[%dma_wait3A_51] : memref<512xi32, #tpu.memory_space<vmem>> -> memref<64xi32, #tpu.memory_space<vmem>>
    %dma_wait3A_53 = arith.constant 0 : i32
    %dma_wait3A_54 = arith.constant 0 : i32
    %dma_wait3A_55 = tpu.memref_slice %arg2[%dma_wait3A_53, %dma_wait3A_54] : memref<30522x768xf32, #tpu.memory_space<hbm>> -> memref<30522x768xf32, #tpu.memory_space<hbm>>
    tpu.wait_indirect_dma semaphore(%arg8 : memref<!tpu.dma_semaphore, #tpu.memory_space<semaphore_mem>>) src(%dma_wait3A_55 : memref<30522x768xf32, #tpu.memory_space<hbm>>) dst(%arg6 : memref<64x768xf32, #tpu.memory_space<vmem>>)
    %add3A_56 = arith.constant 128 : i32
    %add3A_57 = arith.addi %mul3A_2, %add3A_56 : i32
    %dma_start3A_58 = arith.constant 0 : i32
    %dma_start3A_59 = tpu.memref_slice %arg4[%add3A_57, %dma_start3A_58] : memref<16384x768xf32, #tpu.memory_space<hbm>> -> memref<64x768xf32, #tpu.memory_space<hbm>>
    %dma_start3A_60 = arith.constant 0 : i32
    %dma_start3A_61 = tpu.memref_slice %arg4[%add3A_57, %dma_start3A_60] : memref<16384x768xf32, #tpu.memory_space<hbm>> -> memref<64x768xf32, #tpu.memory_space<hbm>>
    tpu.enqueue_dma source(%arg6 : memref<64x768xf32, #tpu.memory_space<vmem>>) target(%dma_start3A_61 : memref<64x768xf32, #tpu.memory_space<hbm>>) target_semaphore(%arg10 : memref<!tpu.dma_semaphore, #tpu.memory_space<semaphore_mem>>)
    %dma_wait3A_62 = arith.constant 0 : i32
    %dma_wait3A_63 = tpu.memref_slice %arg4[%add3A_57, %dma_wait3A_62] : memref<16384x768xf32, #tpu.memory_space<hbm>> -> memref<64x768xf32, #tpu.memory_space<hbm>>
    %dma_wait3A_64 = arith.constant 0 : i32
    %dma_wait3A_65 = tpu.memref_slice %arg4[%add3A_57, %dma_wait3A_64] : memref<16384x768xf32, #tpu.memory_space<hbm>> -> memref<64x768xf32, #tpu.memory_space<hbm>>
    tpu.wait_dma2 semaphore(%arg10 : memref<!tpu.dma_semaphore, #tpu.memory_space<semaphore_mem>>) src(%arg6 : memref<64x768xf32, #tpu.memory_space<vmem>>) dst(%dma_wait3A_65 : memref<64x768xf32, #tpu.memory_space<hbm>>)
    %dma_start3A_66 = arith.constant 256 : i32
    %dma_start3A_67 = tpu.memref_slice %arg5[%dma_start3A_66] : memref<512xi32, #tpu.memory_space<vmem>> -> memref<64xi32, #tpu.memory_space<vmem>>
    %dma_start3A_68 = arith.constant 0 : i32
    %dma_start3A_69 = arith.constant 0 : i32
    %dma_start3A_70 = tpu.memref_slice %arg2[%dma_start3A_68, %dma_start3A_69] : memref<30522x768xf32, #tpu.memory_space<hbm>> -> memref<30522x768xf32, #tpu.memory_space<hbm>>
    tpu.enqueue_indirect_dma source(%dma_start3A_70 : memref<30522x768xf32, #tpu.memory_space<hbm>>) target(%arg6 : memref<64x768xf32, #tpu.memory_space<vmem>>) offsets(%dma_start3A_67 : memref<64xi32, #tpu.memory_space<vmem>>) semaphore(%arg8 : memref<!tpu.dma_semaphore, #tpu.memory_space<semaphore_mem>>)
    %dma_wait3A_71 = arith.constant 192 : i32
    %dma_wait3A_72 = tpu.memref_slice %arg5[%dma_wait3A_71] : memref<512xi32, #tpu.memory_space<vmem>> -> memref<64xi32, #tpu.memory_space<vmem>>
    %dma_wait3A_73 = arith.constant 0 : i32
    %dma_wait3A_74 = arith.constant 0 : i32
    %dma_wait3A_75 = tpu.memref_slice %arg2[%dma_wait3A_73, %dma_wait3A_74] : memref<30522x768xf32, #tpu.memory_space<hbm>> -> memref<30522x768xf32, #tpu.memory_space<hbm>>
    tpu.wait_indirect_dma semaphore(%arg9 : memref<!tpu.dma_semaphore, #tpu.memory_space<semaphore_mem>>) src(%dma_wait3A_75 : memref<30522x768xf32, #tpu.memory_space<hbm>>) dst(%arg7 : memref<64x768xf32, #tpu.memory_space<vmem>>)
    %add3A_76 = arith.constant 192 : i32
    %add3A_77 = arith.addi %mul3A_2, %add3A_76 : i32
    %dma_start3A_78 = arith.constant 0 : i32
    %dma_start3A_79 = tpu.memref_slice %arg4[%add3A_77, %dma_start3A_78] : memref<16384x768xf32, #tpu.memory_space<hbm>> -> memref<64x768xf32, #tpu.memory_space<hbm>>
    %dma_start3A_80 = arith.constant 0 : i32
    %dma_start3A_81 = tpu.memref_slice %arg4[%add3A_77, %dma_start3A_80] : memref<16384x768xf32, #tpu.memory_space<hbm>> -> memref<64x768xf32, #tpu.memory_space<hbm>>
    tpu.enqueue_dma source(%arg7 : memref<64x768xf32, #tpu.memory_space<vmem>>) target(%dma_start3A_81 : memref<64x768xf32, #tpu.memory_space<hbm>>) target_semaphore(%arg11 : memref<!tpu.dma_semaphore, #tpu.memory_space<semaphore_mem>>)
    %dma_wait3A_82 = arith.constant 0 : i32
    %dma_wait3A_83 = tpu.memref_slice %arg4[%add3A_77, %dma_wait3A_82] : memref<16384x768xf32, #tpu.memory_space<hbm>> -> memref<64x768xf32, #tpu.memory_space<hbm>>
    %dma_wait3A_84 = arith.constant 0 : i32
    %dma_wait3A_85 = tpu.memref_slice %arg4[%add3A_77, %dma_wait3A_84] : memref<16384x768xf32, #tpu.memory_space<hbm>> -> memref<64x768xf32, #tpu.memory_space<hbm>>
    tpu.wait_dma2 semaphore(%arg11 : memref<!tpu.dma_semaphore, #tpu.memory_space<semaphore_mem>>) src(%arg7 : memref<64x768xf32, #tpu.memory_space<vmem>>) dst(%dma_wait3A_85 : memref<64x768xf32, #tpu.memory_space<hbm>>)
    %dma_start3A_86 = arith.constant 320 : i32
    %dma_start3A_87 = tpu.memref_slice %arg5[%dma_start3A_86] : memref<512xi32, #tpu.memory_space<vmem>> -> memref<64xi32, #tpu.memory_space<vmem>>
    %dma_start3A_88 = arith.constant 0 : i32
    %dma_start3A_89 = arith.constant 0 : i32
    %dma_start3A_90 = tpu.memref_slice %arg2[%dma_start3A_88, %dma_start3A_89] : memref<30522x768xf32, #tpu.memory_space<hbm>> -> memref<30522x768xf32, #tpu.memory_space<hbm>>
    tpu.enqueue_indirect_dma source(%dma_start3A_90 : memref<30522x768xf32, #tpu.memory_space<hbm>>) target(%arg7 : memref<64x768xf32, #tpu.memory_space<vmem>>) offsets(%dma_start3A_87 : memref<64xi32, #tpu.memory_space<vmem>>) semaphore(%arg9 : memref<!tpu.dma_semaphore, #tpu.memory_space<semaphore_mem>>)
    %dma_wait3A_91 = arith.constant 256 : i32
    %dma_wait3A_92 = tpu.memref_slice %arg5[%dma_wait3A_91] : memref<512xi32, #tpu.memory_space<vmem>> -> memref<64xi32, #tpu.memory_space<vmem>>
    %dma_wait3A_93 = arith.constant 0 : i32
    %dma_wait3A_94 = arith.constant 0 : i32
    %dma_wait3A_95 = tpu.memref_slice %arg2[%dma_wait3A_93, %dma_wait3A_94] : memref<30522x768xf32, #tpu.memory_space<hbm>> -> memref<30522x768xf32, #tpu.memory_space<hbm>>
    tpu.wait_indirect_dma semaphore(%arg8 : memref<!tpu.dma_semaphore, #tpu.memory_space<semaphore_mem>>) src(%dma_wait3A_95 : memref<30522x768xf32, #tpu.memory_space<hbm>>) dst(%arg6 : memref<64x768xf32, #tpu.memory_space<vmem>>)
    %add3A_96 = arith.constant 256 : i32
    %add3A_97 = arith.addi %mul3A_2, %add3A_96 : i32
    %dma_start3A_98 = arith.constant 0 : i32
    %dma_start3A_99 = tpu.memref_slice %arg4[%add3A_97, %dma_start3A_98] : memref<16384x768xf32, #tpu.memory_space<hbm>> -> memref<64x768xf32, #tpu.memory_space<hbm>>
    %dma_start3A_100 = arith.constant 0 : i32
    %dma_start3A_101 = tpu.memref_slice %arg4[%add3A_97, %dma_start3A_100] : memref<16384x768xf32, #tpu.memory_space<hbm>> -> memref<64x768xf32, #tpu.memory_space<hbm>>
    tpu.enqueue_dma source(%arg6 : memref<64x768xf32, #tpu.memory_space<vmem>>) target(%dma_start3A_101 : memref<64x768xf32, #tpu.memory_space<hbm>>) target_semaphore(%arg10 : memref<!tpu.dma_semaphore, #tpu.memory_space<semaphore_mem>>)
    %dma_wait3A_102 = arith.constant 0 : i32
    %dma_wait3A_103 = tpu.memref_slice %arg4[%add3A_97, %dma_wait3A_102] : memref<16384x768xf32, #tpu.memory_space<hbm>> -> memref<64x768xf32, #tpu.memory_space<hbm>>
    %dma_wait3A_104 = arith.constant 0 : i32
    %dma_wait3A_105 = tpu.memref_slice %arg4[%add3A_97, %dma_wait3A_104] : memref<16384x768xf32, #tpu.memory_space<hbm>> -> memref<64x768xf32, #tpu.memory_space<hbm>>
    tpu.wait_dma2 semaphore(%arg10 : memref<!tpu.dma_semaphore, #tpu.memory_space<semaphore_mem>>) src(%arg6 : memref<64x768xf32, #tpu.memory_space<vmem>>) dst(%dma_wait3A_105 : memref<64x768xf32, #tpu.memory_space<hbm>>)
    %dma_start3A_106 = arith.constant 384 : i32
    %dma_start3A_107 = tpu.memref_slice %arg5[%dma_start3A_106] : memref<512xi32, #tpu.memory_space<vmem>> -> memref<64xi32, #tpu.memory_space<vmem>>
    %dma_start3A_108 = arith.constant 0 : i32
    %dma_start3A_109 = arith.constant 0 : i32
    %dma_start3A_110 = tpu.memref_slice %arg2[%dma_start3A_108, %dma_start3A_109] : memref<30522x768xf32, #tpu.memory_space<hbm>> -> memref<30522x768xf32, #tpu.memory_space<hbm>>
    tpu.enqueue_indirect_dma source(%dma_start3A_110 : memref<30522x768xf32, #tpu.memory_space<hbm>>) target(%arg6 : memref<64x768xf32, #tpu.memory_space<vmem>>) offsets(%dma_start3A_107 : memref<64xi32, #tpu.memory_space<vmem>>) semaphore(%arg8 : memref<!tpu.dma_semaphore, #tpu.memory_space<semaphore_mem>>)
    %dma_wait3A_111 = arith.constant 320 : i32
    %dma_wait3A_112 = tpu.memref_slice %arg5[%dma_wait3A_111] : memref<512xi32, #tpu.memory_space<vmem>> -> memref<64xi32, #tpu.memory_space<vmem>>
    %dma_wait3A_113 = arith.constant 0 : i32
    %dma_wait3A_114 = arith.constant 0 : i32
    %dma_wait3A_115 = tpu.memref_slice %arg2[%dma_wait3A_113, %dma_wait3A_114] : memref<30522x768xf32, #tpu.memory_space<hbm>> -> memref<30522x768xf32, #tpu.memory_space<hbm>>
    tpu.wait_indirect_dma semaphore(%arg9 : memref<!tpu.dma_semaphore, #tpu.memory_space<semaphore_mem>>) src(%dma_wait3A_115 : memref<30522x768xf32, #tpu.memory_space<hbm>>) dst(%arg7 : memref<64x768xf32, #tpu.memory_space<vmem>>)
    %add3A_116 = arith.constant 320 : i32
    %add3A_117 = arith.addi %mul3A_2, %add3A_116 : i32
    %dma_start3A_118 = arith.constant 0 : i32
    %dma_start3A_119 = tpu.memref_slice %arg4[%add3A_117, %dma_start3A_118] : memref<16384x768xf32, #tpu.memory_space<hbm>> -> memref<64x768xf32, #tpu.memory_space<hbm>>
    %dma_start3A_120 = arith.constant 0 : i32
    %dma_start3A_121 = tpu.memref_slice %arg4[%add3A_117, %dma_start3A_120] : memref<16384x768xf32, #tpu.memory_space<hbm>> -> memref<64x768xf32, #tpu.memory_space<hbm>>
    tpu.enqueue_dma source(%arg7 : memref<64x768xf32, #tpu.memory_space<vmem>>) target(%dma_start3A_121 : memref<64x768xf32, #tpu.memory_space<hbm>>) target_semaphore(%arg11 : memref<!tpu.dma_semaphore, #tpu.memory_space<semaphore_mem>>)
    %dma_wait3A_122 = arith.constant 0 : i32
    %dma_wait3A_123 = tpu.memref_slice %arg4[%add3A_117, %dma_wait3A_122] : memref<16384x768xf32, #tpu.memory_space<hbm>> -> memref<64x768xf32, #tpu.memory_space<hbm>>
    %dma_wait3A_124 = arith.constant 0 : i32
    %dma_wait3A_125 = tpu.memref_slice %arg4[%add3A_117, %dma_wait3A_124] : memref<16384x768xf32, #tpu.memory_space<hbm>> -> memref<64x768xf32, #tpu.memory_space<hbm>>
    tpu.wait_dma2 semaphore(%arg11 : memref<!tpu.dma_semaphore, #tpu.memory_space<semaphore_mem>>) src(%arg7 : memref<64x768xf32, #tpu.memory_space<vmem>>) dst(%dma_wait3A_125 : memref<64x768xf32, #tpu.memory_space<hbm>>)
    %dma_start3A_126 = arith.constant 448 : i32
    %dma_start3A_127 = tpu.memref_slice %arg5[%dma_start3A_126] : memref<512xi32, #tpu.memory_space<vmem>> -> memref<64xi32, #tpu.memory_space<vmem>>
    %dma_start3A_128 = arith.constant 0 : i32
    %dma_start3A_129 = arith.constant 0 : i32
    %dma_start3A_130 = tpu.memref_slice %arg2[%dma_start3A_128, %dma_start3A_129] : memref<30522x768xf32, #tpu.memory_space<hbm>> -> memref<30522x768xf32, #tpu.memory_space<hbm>>
    tpu.enqueue_indirect_dma source(%dma_start3A_130 : memref<30522x768xf32, #tpu.memory_space<hbm>>) target(%arg7 : memref<64x768xf32, #tpu.memory_space<vmem>>) offsets(%dma_start3A_127 : memref<64xi32, #tpu.memory_space<vmem>>) semaphore(%arg9 : memref<!tpu.dma_semaphore, #tpu.memory_space<semaphore_mem>>)
    %dma_wait3A_131 = arith.constant 384 : i32
    %dma_wait3A_132 = tpu.memref_slice %arg5[%dma_wait3A_131] : memref<512xi32, #tpu.memory_space<vmem>> -> memref<64xi32, #tpu.memory_space<vmem>>
    %dma_wait3A_133 = arith.constant 0 : i32
    %dma_wait3A_134 = arith.constant 0 : i32
    %dma_wait3A_135 = tpu.memref_slice %arg2[%dma_wait3A_133, %dma_wait3A_134] : memref<30522x768xf32, #tpu.memory_space<hbm>> -> memref<30522x768xf32, #tpu.memory_space<hbm>>
    tpu.wait_indirect_dma semaphore(%arg8 : memref<!tpu.dma_semaphore, #tpu.memory_space<semaphore_mem>>) src(%dma_wait3A_135 : memref<30522x768xf32, #tpu.memory_space<hbm>>) dst(%arg6 : memref<64x768xf32, #tpu.memory_space<vmem>>)
    %add3A_136 = arith.constant 384 : i32
    %add3A_137 = arith.addi %mul3A_2, %add3A_136 : i32
    %dma_start3A_138 = arith.constant 0 : i32
    %dma_start3A_139 = tpu.memref_slice %arg4[%add3A_137, %dma_start3A_138] : memref<16384x768xf32, #tpu.memory_space<hbm>> -> memref<64x768xf32, #tpu.memory_space<hbm>>
    %dma_start3A_140 = arith.constant 0 : i32
    %dma_start3A_141 = tpu.memref_slice %arg4[%add3A_137, %dma_start3A_140] : memref<16384x768xf32, #tpu.memory_space<hbm>> -> memref<64x768xf32, #tpu.memory_space<hbm>>
    tpu.enqueue_dma source(%arg6 : memref<64x768xf32, #tpu.memory_space<vmem>>) target(%dma_start3A_141 : memref<64x768xf32, #tpu.memory_space<hbm>>) target_semaphore(%arg10 : memref<!tpu.dma_semaphore, #tpu.memory_space<semaphore_mem>>)
    %dma_wait3A_142 = arith.constant 448 : i32
    %dma_wait3A_143 = tpu.memref_slice %arg5[%dma_wait3A_142] : memref<512xi32, #tpu.memory_space<vmem>> -> memref<64xi32, #tpu.memory_space<vmem>>
    %dma_wait3A_144 = arith.constant 0 : i32
    %dma_wait3A_145 = arith.constant 0 : i32
    %dma_wait3A_146 = tpu.memref_slice %arg2[%dma_wait3A_144, %dma_wait3A_145] : memref<30522x768xf32, #tpu.memory_space<hbm>> -> memref<30522x768xf32, #tpu.memory_space<hbm>>
    tpu.wait_indirect_dma semaphore(%arg9 : memref<!tpu.dma_semaphore, #tpu.memory_space<semaphore_mem>>) src(%dma_wait3A_146 : memref<30522x768xf32, #tpu.memory_space<hbm>>) dst(%arg7 : memref<64x768xf32, #tpu.memory_space<vmem>>)
    %add3A_147 = arith.constant 448 : i32
    %add3A_148 = arith.addi %mul3A_2, %add3A_147 : i32
    %dma_start3A_149 = arith.constant 0 : i32
    %dma_start3A_150 = tpu.memref_slice %arg4[%add3A_148, %dma_start3A_149] : memref<16384x768xf32, #tpu.memory_space<hbm>> -> memref<64x768xf32, #tpu.memory_space<hbm>>
    %dma_start3A_151 = arith.constant 0 : i32
    %dma_start3A_152 = tpu.memref_slice %arg4[%add3A_148, %dma_start3A_151] : memref<16384x768xf32, #tpu.memory_space<hbm>> -> memref<64x768xf32, #tpu.memory_space<hbm>>
    tpu.enqueue_dma source(%arg7 : memref<64x768xf32, #tpu.memory_space<vmem>>) target(%dma_start3A_152 : memref<64x768xf32, #tpu.memory_space<hbm>>) target_semaphore(%arg11 : memref<!tpu.dma_semaphore, #tpu.memory_space<semaphore_mem>>)
    %dma_wait3A_153 = arith.constant 0 : i32
    %dma_wait3A_154 = tpu.memref_slice %arg4[%add3A_137, %dma_wait3A_153] : memref<16384x768xf32, #tpu.memory_space<hbm>> -> memref<64x768xf32, #tpu.memory_space<hbm>>
    %dma_wait3A_155 = arith.constant 0 : i32
    %dma_wait3A_156 = tpu.memref_slice %arg4[%add3A_137, %dma_wait3A_155] : memref<16384x768xf32, #tpu.memory_space<hbm>> -> memref<64x768xf32, #tpu.memory_space<hbm>>
    tpu.wait_dma2 semaphore(%arg10 : memref<!tpu.dma_semaphore, #tpu.memory_space<semaphore_mem>>) src(%arg6 : memref<64x768xf32, #tpu.memory_space<vmem>>) dst(%dma_wait3A_156 : memref<64x768xf32, #tpu.memory_space<hbm>>)
    %dma_wait3A_157 = arith.constant 0 : i32
    %dma_wait3A_158 = tpu.memref_slice %arg4[%add3A_148, %dma_wait3A_157] : memref<16384x768xf32, #tpu.memory_space<hbm>> -> memref<64x768xf32, #tpu.memory_space<hbm>>
    %dma_wait3A_159 = arith.constant 0 : i32
    %dma_wait3A_160 = tpu.memref_slice %arg4[%add3A_148, %dma_wait3A_159] : memref<16384x768xf32, #tpu.memory_space<hbm>> -> memref<64x768xf32, #tpu.memory_space<hbm>>
    tpu.wait_dma2 semaphore(%arg11 : memref<!tpu.dma_semaphore, #tpu.memory_space<semaphore_mem>>) src(%arg7 : memref<64x768xf32, #tpu.memory_space<vmem>>) dst(%dma_wait3A_160 : memref<64x768xf32, #tpu.memory_space<hbm>>)
    return
  }
}

module attributes {stable_mosaic.version = 14 : i64} {
  func.func @body(%arg0: i32, %arg1: memref<224x128xf32, #tpu.memory_space<vmem>>, %arg2: memref<1x1x224xf32, #tpu.memory_space<vmem>>, %arg3: memref<1x4x224xf32, #tpu.memory_space<vmem>>, %arg4: memref<224x224xf32, #tpu.memory_space<vmem>>, %arg5: memref<128x384xbf16, #tpu.memory_space<vmem>>, %arg6: memref<1x384xf32, #tpu.memory_space<vmem>>, %arg7: memref<128x128xbf16, #tpu.memory_space<vmem>>, %arg8: memref<1x128xf32, #tpu.memory_space<vmem>>, %arg9: memref<128x512xbf16, #tpu.memory_space<vmem>>, %arg10: memref<1x512xf32, #tpu.memory_space<vmem>>, %arg11: memref<512x128xbf16, #tpu.memory_space<vmem>>, %arg12: memref<1x128xf32, #tpu.memory_space<vmem>>, %arg13: memref<1x128xf32, #tpu.memory_space<vmem>>, %arg14: memref<1x128xf32, #tpu.memory_space<vmem>>, %arg15: memref<1x128xf32, #tpu.memory_space<vmem>>, %arg16: memref<1x128xf32, #tpu.memory_space<vmem>>, %arg17: memref<128x384xbf16, #tpu.memory_space<vmem>>, %arg18: memref<1x384xf32, #tpu.memory_space<vmem>>, %arg19: memref<128x128xbf16, #tpu.memory_space<vmem>>, %arg20: memref<1x128xf32, #tpu.memory_space<vmem>>, %arg21: memref<128x512xbf16, #tpu.memory_space<vmem>>, %arg22: memref<1x512xf32, #tpu.memory_space<vmem>>, %arg23: memref<512x128xbf16, #tpu.memory_space<vmem>>, %arg24: memref<1x128xf32, #tpu.memory_space<vmem>>, %arg25: memref<1x128xf32, #tpu.memory_space<vmem>>, %arg26: memref<1x128xf32, #tpu.memory_space<vmem>>, %arg27: memref<1x128xf32, #tpu.memory_space<vmem>>, %arg28: memref<1x128xf32, #tpu.memory_space<vmem>>, %arg29: memref<128x128xbf16, #tpu.memory_space<vmem>>, %arg30: memref<1x128xf32, #tpu.memory_space<vmem>>, %arg31: memref<1x4x128xf32, #tpu.memory_space<vmem>>) attributes {dimension_semantics = [#tpu.dimension_semantics<arbitrary>], iteration_bounds = array<i64: 256>, scalar_prefetch = 0 : i64, scratch_operands = 0 : i64, tpu.core_type = #tpu.core_type<tc>, window_params = [{transform_indices = @transform_0, window_bounds = array<i64: 224, 128>}, {transform_indices = @transform_1, window_bounds = array<i64: 1, 1, 224>}, {transform_indices = @transform_2, window_bounds = array<i64: 1, 4, 224>}, {pipeline_mode = #tpu.pipeline_mode<synchronous>, transform_indices = @transform_3, window_bounds = array<i64: 224, 224>}, {pipeline_mode = #tpu.pipeline_mode<synchronous>, transform_indices = @transform_4, window_bounds = array<i64: 128, 384>}, {pipeline_mode = #tpu.pipeline_mode<synchronous>, transform_indices = @transform_5, window_bounds = array<i64: 1, 384>}, {pipeline_mode = #tpu.pipeline_mode<synchronous>, transform_indices = @transform_6, window_bounds = array<i64: 128, 128>}, {pipeline_mode = #tpu.pipeline_mode<synchronous>, transform_indices = @transform_7, window_bounds = array<i64: 1, 128>}, {pipeline_mode = #tpu.pipeline_mode<synchronous>, transform_indices = @transform_8, window_bounds = array<i64: 128, 512>}, {pipeline_mode = #tpu.pipeline_mode<synchronous>, transform_indices = @transform_9, window_bounds = array<i64: 1, 512>}, {pipeline_mode = #tpu.pipeline_mode<synchronous>, transform_indices = @transform_10, window_bounds = array<i64: 512, 128>}, {pipeline_mode = #tpu.pipeline_mode<synchronous>, transform_indices = @transform_11, window_bounds = array<i64: 1, 128>}, {pipeline_mode = #tpu.pipeline_mode<synchronous>, transform_indices = @transform_12, window_bounds = array<i64: 1, 128>}, {pipeline_mode = #tpu.pipeline_mode<synchronous>, transform_indices = @transform_13, window_bounds = array<i64: 1, 128>}, {pipeline_mode = #tpu.pipeline_mode<synchronous>, transform_indices = @transform_14, window_bounds = array<i64: 1, 128>}, {pipeline_mode = #tpu.pipeline_mode<synchronous>, transform_indices = @transform_15, window_bounds = array<i64: 1, 128>}, {pipeline_mode = #tpu.pipeline_mode<synchronous>, transform_indices = @transform_16, window_bounds = array<i64: 128, 384>}, {pipeline_mode = #tpu.pipeline_mode<synchronous>, transform_indices = @transform_17, window_bounds = array<i64: 1, 384>}, {pipeline_mode = #tpu.pipeline_mode<synchronous>, transform_indices = @transform_18, window_bounds = array<i64: 128, 128>}, {pipeline_mode = #tpu.pipeline_mode<synchronous>, transform_indices = @transform_19, window_bounds = array<i64: 1, 128>}, {pipeline_mode = #tpu.pipeline_mode<synchronous>, transform_indices = @transform_20, window_bounds = array<i64: 128, 512>}, {pipeline_mode = #tpu.pipeline_mode<synchronous>, transform_indices = @transform_21, window_bounds = array<i64: 1, 512>}, {pipeline_mode = #tpu.pipeline_mode<synchronous>, transform_indices = @transform_22, window_bounds = array<i64: 512, 128>}, {pipeline_mode = #tpu.pipeline_mode<synchronous>, transform_indices = @transform_23, window_bounds = array<i64: 1, 128>}, {pipeline_mode = #tpu.pipeline_mode<synchronous>, transform_indices = @transform_24, window_bounds = array<i64: 1, 128>}, {pipeline_mode = #tpu.pipeline_mode<synchronous>, transform_indices = @transform_25, window_bounds = array<i64: 1, 128>}, {pipeline_mode = #tpu.pipeline_mode<synchronous>, transform_indices = @transform_26, window_bounds = array<i64: 1, 128>}, {pipeline_mode = #tpu.pipeline_mode<synchronous>, transform_indices = @transform_27, window_bounds = array<i64: 1, 128>}, {pipeline_mode = #tpu.pipeline_mode<synchronous>, transform_indices = @transform_28, window_bounds = array<i64: 128, 128>}, {pipeline_mode = #tpu.pipeline_mode<synchronous>, transform_indices = @transform_29, window_bounds = array<i64: 1, 128>}, {transform_indices = @transform_30, window_bounds = array<i64: 1, 4, 128>}]} {
    %get3A = arith.constant 0 : index
    %get3A_0 = arith.constant 0 : index
    %get3A_1 = vector.load %arg4[%get3A, %get3A_0] : memref<224x224xf32, #tpu.memory_space<vmem>>, vector<224x224xf32>
    %get3A_2 = arith.constant 0 : index
    %get3A_3 = arith.constant 0 : index
    %get3A_4 = arith.constant 0 : index
    %get3A_5 = vector.load %arg2[%get3A_2, %get3A_3, %get3A_4] : memref<1x1x224xf32, #tpu.memory_space<vmem>>, vector<1x1x224xf32>
    %get3A_6 = vector.shape_cast %get3A_5 : vector<1x1x224xf32> to vector<1x224xf32>
    %mul3A = vector.broadcast %get3A_6 : vector<1x224xf32> to vector<224x224xf32>
    %mul3A_7 = arith.mulf %get3A_1, %mul3A : vector<224x224xf32>
    %get3A_8 = arith.constant 0 : index
    %get3A_9 = arith.constant 0 : index
    %get3A_10 = vector.load %arg1[%get3A_8, %get3A_9] : memref<224x128xf32, #tpu.memory_space<vmem>>, vector<224x128xf32>
    %get3A_11 = arith.constant 0 : index
    %get3A_12 = arith.constant 0 : index
    %get3A_13 = vector.load %arg5[%get3A_11, %get3A_12] : memref<128x384xbf16, #tpu.memory_space<vmem>>, vector<128x384xbf16>
    %get3A_14 = arith.constant 0 : index
    %get3A_15 = arith.constant 0 : index
    %get3A_16 = vector.load %arg6[%get3A_14, %get3A_15] : memref<1x384xf32, #tpu.memory_space<vmem>>, vector<1x384xf32>
    %get3A_17 = arith.constant 0 : index
    %get3A_18 = arith.constant 0 : index
    %get3A_19 = vector.load %arg7[%get3A_17, %get3A_18] : memref<128x128xbf16, #tpu.memory_space<vmem>>, vector<128x128xbf16>
    %get3A_20 = arith.constant 0 : index
    %get3A_21 = arith.constant 0 : index
    %get3A_22 = vector.load %arg8[%get3A_20, %get3A_21] : memref<1x128xf32, #tpu.memory_space<vmem>>, vector<1x128xf32>
    %get3A_23 = arith.constant 0 : index
    %get3A_24 = arith.constant 0 : index
    %get3A_25 = vector.load %arg9[%get3A_23, %get3A_24] : memref<128x512xbf16, #tpu.memory_space<vmem>>, vector<128x512xbf16>
    %get3A_26 = arith.constant 0 : index
    %get3A_27 = arith.constant 0 : index
    %get3A_28 = vector.load %arg10[%get3A_26, %get3A_27] : memref<1x512xf32, #tpu.memory_space<vmem>>, vector<1x512xf32>
    %get3A_29 = arith.constant 0 : index
    %get3A_30 = arith.constant 0 : index
    %get3A_31 = vector.load %arg11[%get3A_29, %get3A_30] : memref<512x128xbf16, #tpu.memory_space<vmem>>, vector<512x128xbf16>
    %get3A_32 = arith.constant 0 : index
    %get3A_33 = arith.constant 0 : index
    %get3A_34 = vector.load %arg12[%get3A_32, %get3A_33] : memref<1x128xf32, #tpu.memory_space<vmem>>, vector<1x128xf32>
    %get3A_35 = arith.constant 0 : index
    %get3A_36 = arith.constant 0 : index
    %get3A_37 = vector.load %arg13[%get3A_35, %get3A_36] : memref<1x128xf32, #tpu.memory_space<vmem>>, vector<1x128xf32>
    %get3A_38 = arith.constant 0 : index
    %get3A_39 = arith.constant 0 : index
    %get3A_40 = vector.load %arg14[%get3A_38, %get3A_39] : memref<1x128xf32, #tpu.memory_space<vmem>>, vector<1x128xf32>
    %get3A_41 = arith.constant 0 : index
    %get3A_42 = arith.constant 0 : index
    %get3A_43 = vector.load %arg15[%get3A_41, %get3A_42] : memref<1x128xf32, #tpu.memory_space<vmem>>, vector<1x128xf32>
    %get3A_44 = arith.constant 0 : index
    %get3A_45 = arith.constant 0 : index
    %get3A_46 = vector.load %arg16[%get3A_44, %get3A_45] : memref<1x128xf32, #tpu.memory_space<vmem>>, vector<1x128xf32>
    %convert_element_type3A = arith.truncf %get3A_10 : vector<224x128xf32> to vector<224x128xbf16>
    %dot_general3A = arith.constant dense<0.000000e+00> : vector<224x384xf32>
    %dot_general3A_47 = tpu.matmul %convert_element_type3A, %get3A_13, %dot_general3A {dimension_numbers = #tpu.dot_dimension_numbers<[1], [0], [0], [1], [0, 0, 1, 1], [], []>, transpose_lhs_hint = false} : vector<224x128xbf16>, vector<128x384xbf16>, vector<224x384xf32> -> vector<224x384xf32>
    %add3A = vector.broadcast %get3A_16 : vector<1x384xf32> to vector<224x384xf32>
    %add3A_48 = arith.addf %dot_general3A_47, %add3A : vector<224x384xf32>
    %slice3A = vector.extract_strided_slice %add3A_48 {offsets = [0, 0], sizes = [224, 128], strides = [1, 1]} : vector<224x384xf32> to vector<224x128xf32>
    %mul3A_49 = arith.constant 0.176776692 : f32
    %mul3A_50 = vector.broadcast %mul3A_49 : f32 to vector<224x128xf32>
    %mul3A_51 = arith.mulf %slice3A, %mul3A_50 : vector<224x128xf32>
    %slice3A_52 = vector.extract_strided_slice %add3A_48 {offsets = [0, 128], sizes = [224, 128], strides = [1, 1]} : vector<224x384xf32> to vector<224x128xf32>
    %slice3A_53 = vector.extract_strided_slice %add3A_48 {offsets = [0, 256], sizes = [224, 128], strides = [1, 1]} : vector<224x384xf32> to vector<224x128xf32>
    %slice3A_54 = vector.extract_strided_slice %mul3A_51 {offsets = [0, 0], sizes = [224, 32], strides = [1, 1]} : vector<224x128xf32> to vector<224x32xf32>
    %slice3A_55 = vector.extract_strided_slice %slice3A_52 {offsets = [0, 0], sizes = [224, 32], strides = [1, 1]} : vector<224x128xf32> to vector<224x32xf32>
    %convert_element_type3A_56 = arith.truncf %slice3A_54 : vector<224x32xf32> to vector<224x32xbf16>
    %convert_element_type3A_57 = arith.truncf %slice3A_55 : vector<224x32xf32> to vector<224x32xbf16>
    %dot_general3A_58 = arith.constant dense<0.000000e+00> : vector<224x224xf32>
    %dot_general3A_59 = tpu.matmul %convert_element_type3A_56, %convert_element_type3A_57, %dot_general3A_58 {dimension_numbers = #tpu.dot_dimension_numbers<[1], [1], [0], [0], [0, 0, 1, 0], [], []>, transpose_lhs_hint = false} : vector<224x32xbf16>, vector<224x32xbf16>, vector<224x224xf32> -> vector<224x224xf32>
    %exp3A = math.exp %dot_general3A_59 : vector<224x224xf32>
    %mul3A_60 = arith.mulf %exp3A, %mul3A_7 : vector<224x224xf32>
    %reduce_sum3A = arith.constant dense<0.000000e+00> : vector<224xf32>
    %reduce_sum3A_61 = vector.multi_reduction <add>, %mul3A_60, %reduce_sum3A [1] : vector<224x224xf32> to vector<224xf32>
    %broadcast_in_dim3A = vector.shape_cast %reduce_sum3A_61 : vector<224xf32> to vector<224x1xf32>
    %slice3A_62 = vector.extract_strided_slice %slice3A_53 {offsets = [0, 0], sizes = [224, 32], strides = [1, 1]} : vector<224x128xf32> to vector<224x32xf32>
    %convert_element_type3A_63 = arith.truncf %mul3A_60 : vector<224x224xf32> to vector<224x224xbf16>
    %convert_element_type3A_64 = arith.truncf %slice3A_62 : vector<224x32xf32> to vector<224x32xbf16>
    %dot_general3A_65 = arith.constant dense<0.000000e+00> : vector<224x32xf32>
    %dot_general3A_66 = tpu.matmul %convert_element_type3A_63, %convert_element_type3A_64, %dot_general3A_65 {dimension_numbers = #tpu.dot_dimension_numbers<[1], [0], [0], [1], [0, 0, 1, 1], [], []>, transpose_lhs_hint = false} : vector<224x224xbf16>, vector<224x32xbf16>, vector<224x32xf32> -> vector<224x32xf32>
    %integer_pow3A = arith.constant 1.000000e+00 : f32
    %integer_pow3A_67 = vector.broadcast %integer_pow3A : f32 to vector<224x1xf32>
    %integer_pow3A_68 = arith.divf %integer_pow3A_67, %broadcast_in_dim3A : vector<224x1xf32>
    %mul3A_69 = vector.broadcast %integer_pow3A_68 : vector<224x1xf32> to vector<224x32xf32>
    %mul3A_70 = arith.mulf %dot_general3A_66, %mul3A_69 : vector<224x32xf32>
    %slice3A_71 = vector.extract_strided_slice %mul3A_51 {offsets = [0, 32], sizes = [224, 32], strides = [1, 1]} : vector<224x128xf32> to vector<224x32xf32>
    %slice3A_72 = vector.extract_strided_slice %slice3A_52 {offsets = [0, 32], sizes = [224, 32], strides = [1, 1]} : vector<224x128xf32> to vector<224x32xf32>
    %convert_element_type3A_73 = arith.truncf %slice3A_71 : vector<224x32xf32> to vector<224x32xbf16>
    %convert_element_type3A_74 = arith.truncf %slice3A_72 : vector<224x32xf32> to vector<224x32xbf16>
    %dot_general3A_75 = arith.constant dense<0.000000e+00> : vector<224x224xf32>
    %dot_general3A_76 = tpu.matmul %convert_element_type3A_73, %convert_element_type3A_74, %dot_general3A_75 {dimension_numbers = #tpu.dot_dimension_numbers<[1], [1], [0], [0], [0, 0, 1, 0], [], []>, transpose_lhs_hint = false} : vector<224x32xbf16>, vector<224x32xbf16>, vector<224x224xf32> -> vector<224x224xf32>
    %exp3A_77 = math.exp %dot_general3A_76 : vector<224x224xf32>
    %mul3A_78 = arith.mulf %exp3A_77, %mul3A_7 : vector<224x224xf32>
    %reduce_sum3A_79 = arith.constant dense<0.000000e+00> : vector<224xf32>
    %reduce_sum3A_80 = vector.multi_reduction <add>, %mul3A_78, %reduce_sum3A_79 [1] : vector<224x224xf32> to vector<224xf32>
    %broadcast_in_dim3A_81 = vector.shape_cast %reduce_sum3A_80 : vector<224xf32> to vector<224x1xf32>
    %slice3A_82 = vector.extract_strided_slice %slice3A_53 {offsets = [0, 32], sizes = [224, 32], strides = [1, 1]} : vector<224x128xf32> to vector<224x32xf32>
    %convert_element_type3A_83 = arith.truncf %mul3A_78 : vector<224x224xf32> to vector<224x224xbf16>
    %convert_element_type3A_84 = arith.truncf %slice3A_82 : vector<224x32xf32> to vector<224x32xbf16>
    %dot_general3A_85 = arith.constant dense<0.000000e+00> : vector<224x32xf32>
    %dot_general3A_86 = tpu.matmul %convert_element_type3A_83, %convert_element_type3A_84, %dot_general3A_85 {dimension_numbers = #tpu.dot_dimension_numbers<[1], [0], [0], [1], [0, 0, 1, 1], [], []>, transpose_lhs_hint = false} : vector<224x224xbf16>, vector<224x32xbf16>, vector<224x32xf32> -> vector<224x32xf32>
    %integer_pow3A_87 = arith.constant 1.000000e+00 : f32
    %integer_pow3A_88 = vector.broadcast %integer_pow3A_87 : f32 to vector<224x1xf32>
    %integer_pow3A_89 = arith.divf %integer_pow3A_88, %broadcast_in_dim3A_81 : vector<224x1xf32>
    %mul3A_90 = vector.broadcast %integer_pow3A_89 : vector<224x1xf32> to vector<224x32xf32>
    %mul3A_91 = arith.mulf %dot_general3A_86, %mul3A_90 : vector<224x32xf32>
    %slice3A_92 = vector.extract_strided_slice %mul3A_51 {offsets = [0, 64], sizes = [224, 32], strides = [1, 1]} : vector<224x128xf32> to vector<224x32xf32>
    %slice3A_93 = vector.extract_strided_slice %slice3A_52 {offsets = [0, 64], sizes = [224, 32], strides = [1, 1]} : vector<224x128xf32> to vector<224x32xf32>
    %convert_element_type3A_94 = arith.truncf %slice3A_92 : vector<224x32xf32> to vector<224x32xbf16>
    %convert_element_type3A_95 = arith.truncf %slice3A_93 : vector<224x32xf32> to vector<224x32xbf16>
    %dot_general3A_96 = arith.constant dense<0.000000e+00> : vector<224x224xf32>
    %dot_general3A_97 = tpu.matmul %convert_element_type3A_94, %convert_element_type3A_95, %dot_general3A_96 {dimension_numbers = #tpu.dot_dimension_numbers<[1], [1], [0], [0], [0, 0, 1, 0], [], []>, transpose_lhs_hint = false} : vector<224x32xbf16>, vector<224x32xbf16>, vector<224x224xf32> -> vector<224x224xf32>
    %exp3A_98 = math.exp %dot_general3A_97 : vector<224x224xf32>
    %mul3A_99 = arith.mulf %exp3A_98, %mul3A_7 : vector<224x224xf32>
    %reduce_sum3A_100 = arith.constant dense<0.000000e+00> : vector<224xf32>
    %reduce_sum3A_101 = vector.multi_reduction <add>, %mul3A_99, %reduce_sum3A_100 [1] : vector<224x224xf32> to vector<224xf32>
    %broadcast_in_dim3A_102 = vector.shape_cast %reduce_sum3A_101 : vector<224xf32> to vector<224x1xf32>
    %slice3A_103 = vector.extract_strided_slice %slice3A_53 {offsets = [0, 64], sizes = [224, 32], strides = [1, 1]} : vector<224x128xf32> to vector<224x32xf32>
    %convert_element_type3A_104 = arith.truncf %mul3A_99 : vector<224x224xf32> to vector<224x224xbf16>
    %convert_element_type3A_105 = arith.truncf %slice3A_103 : vector<224x32xf32> to vector<224x32xbf16>
    %dot_general3A_106 = arith.constant dense<0.000000e+00> : vector<224x32xf32>
    %dot_general3A_107 = tpu.matmul %convert_element_type3A_104, %convert_element_type3A_105, %dot_general3A_106 {dimension_numbers = #tpu.dot_dimension_numbers<[1], [0], [0], [1], [0, 0, 1, 1], [], []>, transpose_lhs_hint = false} : vector<224x224xbf16>, vector<224x32xbf16>, vector<224x32xf32> -> vector<224x32xf32>
    %integer_pow3A_108 = arith.constant 1.000000e+00 : f32
    %integer_pow3A_109 = vector.broadcast %integer_pow3A_108 : f32 to vector<224x1xf32>
    %integer_pow3A_110 = arith.divf %integer_pow3A_109, %broadcast_in_dim3A_102 : vector<224x1xf32>
    %mul3A_111 = vector.broadcast %integer_pow3A_110 : vector<224x1xf32> to vector<224x32xf32>
    %mul3A_112 = arith.mulf %dot_general3A_107, %mul3A_111 : vector<224x32xf32>
    %slice3A_113 = vector.extract_strided_slice %mul3A_51 {offsets = [0, 96], sizes = [224, 32], strides = [1, 1]} : vector<224x128xf32> to vector<224x32xf32>
    %slice3A_114 = vector.extract_strided_slice %slice3A_52 {offsets = [0, 96], sizes = [224, 32], strides = [1, 1]} : vector<224x128xf32> to vector<224x32xf32>
    %convert_element_type3A_115 = arith.truncf %slice3A_113 : vector<224x32xf32> to vector<224x32xbf16>
    %convert_element_type3A_116 = arith.truncf %slice3A_114 : vector<224x32xf32> to vector<224x32xbf16>
    %dot_general3A_117 = arith.constant dense<0.000000e+00> : vector<224x224xf32>
    %dot_general3A_118 = tpu.matmul %convert_element_type3A_115, %convert_element_type3A_116, %dot_general3A_117 {dimension_numbers = #tpu.dot_dimension_numbers<[1], [1], [0], [0], [0, 0, 1, 0], [], []>, transpose_lhs_hint = false} : vector<224x32xbf16>, vector<224x32xbf16>, vector<224x224xf32> -> vector<224x224xf32>
    %exp3A_119 = math.exp %dot_general3A_118 : vector<224x224xf32>
    %mul3A_120 = arith.mulf %exp3A_119, %mul3A_7 : vector<224x224xf32>
    %reduce_sum3A_121 = arith.constant dense<0.000000e+00> : vector<224xf32>
    %reduce_sum3A_122 = vector.multi_reduction <add>, %mul3A_120, %reduce_sum3A_121 [1] : vector<224x224xf32> to vector<224xf32>
    %broadcast_in_dim3A_123 = vector.shape_cast %reduce_sum3A_122 : vector<224xf32> to vector<224x1xf32>
    %slice3A_124 = vector.extract_strided_slice %slice3A_53 {offsets = [0, 96], sizes = [224, 32], strides = [1, 1]} : vector<224x128xf32> to vector<224x32xf32>
    %convert_element_type3A_125 = arith.truncf %mul3A_120 : vector<224x224xf32> to vector<224x224xbf16>
    %convert_element_type3A_126 = arith.truncf %slice3A_124 : vector<224x32xf32> to vector<224x32xbf16>
    %dot_general3A_127 = arith.constant dense<0.000000e+00> : vector<224x32xf32>
    %dot_general3A_128 = tpu.matmul %convert_element_type3A_125, %convert_element_type3A_126, %dot_general3A_127 {dimension_numbers = #tpu.dot_dimension_numbers<[1], [0], [0], [1], [0, 0, 1, 1], [], []>, transpose_lhs_hint = false} : vector<224x224xbf16>, vector<224x32xbf16>, vector<224x32xf32> -> vector<224x32xf32>
    %integer_pow3A_129 = arith.constant 1.000000e+00 : f32
    %integer_pow3A_130 = vector.broadcast %integer_pow3A_129 : f32 to vector<224x1xf32>
    %integer_pow3A_131 = arith.divf %integer_pow3A_130, %broadcast_in_dim3A_123 : vector<224x1xf32>
    %mul3A_132 = vector.broadcast %integer_pow3A_131 : vector<224x1xf32> to vector<224x32xf32>
    %mul3A_133 = arith.mulf %dot_general3A_128, %mul3A_132 : vector<224x32xf32>
    %concatenate3A = tpu.concatenate %mul3A_70, %mul3A_91, %mul3A_112, %mul3A_133 in 1 : vector<224x32xf32>, vector<224x32xf32>, vector<224x32xf32>, vector<224x32xf32> -> vector<224x128xf32>
    %convert_element_type3A_134 = arith.truncf %concatenate3A : vector<224x128xf32> to vector<224x128xbf16>
    %dot_general3A_135 = arith.constant dense<0.000000e+00> : vector<224x128xf32>
    %dot_general3A_136 = tpu.matmul %convert_element_type3A_134, %get3A_19, %dot_general3A_135 {dimension_numbers = #tpu.dot_dimension_numbers<[1], [0], [0], [1], [0, 0, 1, 1], [], []>, transpose_lhs_hint = false} : vector<224x128xbf16>, vector<128x128xbf16>, vector<224x128xf32> -> vector<224x128xf32>
    %add3A_137 = arith.addf %get3A_10, %dot_general3A_136 : vector<224x128xf32>
    %add3A_138 = vector.broadcast %get3A_22 : vector<1x128xf32> to vector<224x128xf32>
    %add3A_139 = arith.addf %add3A_137, %add3A_138 : vector<224x128xf32>
    %reduce_sum3A_140 = arith.constant dense<0.000000e+00> : vector<224xf32>
    %reduce_sum3A_141 = vector.multi_reduction <add>, %add3A_139, %reduce_sum3A_140 [1] : vector<224x128xf32> to vector<224xf32>
    %broadcast_in_dim3A_142 = vector.shape_cast %reduce_sum3A_141 : vector<224xf32> to vector<224x1xf32>
    %div3A = arith.constant 1.280000e+02 : f32
    %div3A_143 = vector.broadcast %div3A : f32 to vector<224x1xf32>
    %div3A_144 = arith.divf %broadcast_in_dim3A_142, %div3A_143 : vector<224x1xf32>
    %mul3A_145 = arith.mulf %add3A_139, %add3A_139 : vector<224x128xf32>
    %reduce_sum3A_146 = arith.constant dense<0.000000e+00> : vector<224xf32>
    %reduce_sum3A_147 = vector.multi_reduction <add>, %mul3A_145, %reduce_sum3A_146 [1] : vector<224x128xf32> to vector<224xf32>
    %broadcast_in_dim3A_148 = vector.shape_cast %reduce_sum3A_147 : vector<224xf32> to vector<224x1xf32>
    %div3A_149 = arith.constant 1.280000e+02 : f32
    %div3A_150 = vector.broadcast %div3A_149 : f32 to vector<224x1xf32>
    %div3A_151 = arith.divf %broadcast_in_dim3A_148, %div3A_150 : vector<224x1xf32>
    %mul3A_152 = arith.mulf %div3A_144, %div3A_144 : vector<224x1xf32>
    %sub3A = arith.subf %div3A_151, %mul3A_152 : vector<224x1xf32>
    %add3A_153 = arith.constant 9.99999974E-6 : f32
    %add3A_154 = vector.broadcast %add3A_153 : f32 to vector<224x1xf32>
    %add3A_155 = arith.addf %sub3A, %add3A_154 : vector<224x1xf32>
    %rsqrt3A = math.rsqrt %add3A_155 : vector<224x1xf32>
    %sub3A_156 = vector.broadcast %div3A_144 : vector<224x1xf32> to vector<224x128xf32>
    %sub3A_157 = arith.subf %add3A_139, %sub3A_156 : vector<224x128xf32>
    %mul3A_158 = vector.broadcast %rsqrt3A : vector<224x1xf32> to vector<224x128xf32>
    %mul3A_159 = arith.mulf %sub3A_157, %mul3A_158 : vector<224x128xf32>
    %mul3A_160 = vector.broadcast %get3A_37 : vector<1x128xf32> to vector<224x128xf32>
    %mul3A_161 = arith.mulf %mul3A_159, %mul3A_160 : vector<224x128xf32>
    %add3A_162 = vector.broadcast %get3A_40 : vector<1x128xf32> to vector<224x128xf32>
    %add3A_163 = arith.addf %mul3A_161, %add3A_162 : vector<224x128xf32>
    %convert_element_type3A_164 = arith.truncf %add3A_163 : vector<224x128xf32> to vector<224x128xbf16>
    %dot_general3A_165 = arith.constant dense<0.000000e+00> : vector<224x512xf32>
    %dot_general3A_166 = tpu.matmul %convert_element_type3A_164, %get3A_25, %dot_general3A_165 {dimension_numbers = #tpu.dot_dimension_numbers<[1], [0], [0], [1], [0, 0, 1, 1], [], []>, transpose_lhs_hint = false} : vector<224x128xbf16>, vector<128x512xbf16>, vector<224x512xf32> -> vector<224x512xf32>
    %add3A_167 = vector.broadcast %get3A_28 : vector<1x512xf32> to vector<224x512xf32>
    %add3A_168 = arith.addf %dot_general3A_166, %add3A_167 : vector<224x512xf32>
    %integer_pow3A_169 = arith.mulf %add3A_168, %add3A_168 : vector<224x512xf32>
    %integer_pow3A_170 = arith.mulf %add3A_168, %integer_pow3A_169 : vector<224x512xf32>
    %mul3A_171 = arith.constant 4.471500e-02 : f32
    %mul3A_172 = vector.broadcast %mul3A_171 : f32 to vector<224x512xf32>
    %mul3A_173 = arith.mulf %mul3A_172, %integer_pow3A_170 : vector<224x512xf32>
    %add3A_174 = arith.addf %add3A_168, %mul3A_173 : vector<224x512xf32>
    %mul3A_175 = arith.constant 0.797884583 : f32
    %mul3A_176 = vector.broadcast %mul3A_175 : f32 to vector<224x512xf32>
    %mul3A_177 = arith.mulf %mul3A_176, %add3A_174 : vector<224x512xf32>
    %tanh3A = math.tanh %mul3A_177 : vector<224x512xf32>
    %add3A_178 = arith.constant 1.000000e+00 : f32
    %add3A_179 = vector.broadcast %add3A_178 : f32 to vector<224x512xf32>
    %add3A_180 = arith.addf %add3A_179, %tanh3A : vector<224x512xf32>
    %mul3A_181 = arith.constant 5.000000e-01 : f32
    %mul3A_182 = vector.broadcast %mul3A_181 : f32 to vector<224x512xf32>
    %mul3A_183 = arith.mulf %mul3A_182, %add3A_180 : vector<224x512xf32>
    %mul3A_184 = arith.mulf %add3A_168, %mul3A_183 : vector<224x512xf32>
    %convert_element_type3A_185 = arith.truncf %mul3A_184 : vector<224x512xf32> to vector<224x512xbf16>
    %dot_general3A_186 = arith.constant dense<0.000000e+00> : vector<224x128xf32>
    %dot_general3A_187 = tpu.matmul %convert_element_type3A_185, %get3A_31, %dot_general3A_186 {dimension_numbers = #tpu.dot_dimension_numbers<[1], [0], [0], [1], [0, 0, 1, 1], [], []>, transpose_lhs_hint = false} : vector<224x512xbf16>, vector<512x128xbf16>, vector<224x128xf32> -> vector<224x128xf32>
    %add3A_188 = arith.addf %add3A_163, %dot_general3A_187 : vector<224x128xf32>
    %add3A_189 = vector.broadcast %get3A_34 : vector<1x128xf32> to vector<224x128xf32>
    %add3A_190 = arith.addf %add3A_188, %add3A_189 : vector<224x128xf32>
    %reduce_sum3A_191 = arith.constant dense<0.000000e+00> : vector<224xf32>
    %reduce_sum3A_192 = vector.multi_reduction <add>, %add3A_190, %reduce_sum3A_191 [1] : vector<224x128xf32> to vector<224xf32>
    %broadcast_in_dim3A_193 = vector.shape_cast %reduce_sum3A_192 : vector<224xf32> to vector<224x1xf32>
    %div3A_194 = arith.constant 1.280000e+02 : f32
    %div3A_195 = vector.broadcast %div3A_194 : f32 to vector<224x1xf32>
    %div3A_196 = arith.divf %broadcast_in_dim3A_193, %div3A_195 : vector<224x1xf32>
    %mul3A_197 = arith.mulf %add3A_190, %add3A_190 : vector<224x128xf32>
    %reduce_sum3A_198 = arith.constant dense<0.000000e+00> : vector<224xf32>
    %reduce_sum3A_199 = vector.multi_reduction <add>, %mul3A_197, %reduce_sum3A_198 [1] : vector<224x128xf32> to vector<224xf32>
    %broadcast_in_dim3A_200 = vector.shape_cast %reduce_sum3A_199 : vector<224xf32> to vector<224x1xf32>
    %div3A_201 = arith.constant 1.280000e+02 : f32
    %div3A_202 = vector.broadcast %div3A_201 : f32 to vector<224x1xf32>
    %div3A_203 = arith.divf %broadcast_in_dim3A_200, %div3A_202 : vector<224x1xf32>
    %mul3A_204 = arith.mulf %div3A_196, %div3A_196 : vector<224x1xf32>
    %sub3A_205 = arith.subf %div3A_203, %mul3A_204 : vector<224x1xf32>
    %add3A_206 = arith.constant 9.99999974E-6 : f32
    %add3A_207 = vector.broadcast %add3A_206 : f32 to vector<224x1xf32>
    %add3A_208 = arith.addf %sub3A_205, %add3A_207 : vector<224x1xf32>
    %rsqrt3A_209 = math.rsqrt %add3A_208 : vector<224x1xf32>
    %sub3A_210 = vector.broadcast %div3A_196 : vector<224x1xf32> to vector<224x128xf32>
    %sub3A_211 = arith.subf %add3A_190, %sub3A_210 : vector<224x128xf32>
    %mul3A_212 = vector.broadcast %rsqrt3A_209 : vector<224x1xf32> to vector<224x128xf32>
    %mul3A_213 = arith.mulf %sub3A_211, %mul3A_212 : vector<224x128xf32>
    %mul3A_214 = vector.broadcast %get3A_43 : vector<1x128xf32> to vector<224x128xf32>
    %mul3A_215 = arith.mulf %mul3A_213, %mul3A_214 : vector<224x128xf32>
    %add3A_216 = vector.broadcast %get3A_46 : vector<1x128xf32> to vector<224x128xf32>
    %add3A_217 = arith.addf %mul3A_215, %add3A_216 : vector<224x128xf32>
    %get3A_218 = arith.constant 0 : index
    %get3A_219 = arith.constant 0 : index
    %get3A_220 = vector.load %arg17[%get3A_218, %get3A_219] : memref<128x384xbf16, #tpu.memory_space<vmem>>, vector<128x384xbf16>
    %get3A_221 = arith.constant 0 : index
    %get3A_222 = arith.constant 0 : index
    %get3A_223 = vector.load %arg18[%get3A_221, %get3A_222] : memref<1x384xf32, #tpu.memory_space<vmem>>, vector<1x384xf32>
    %get3A_224 = arith.constant 0 : index
    %get3A_225 = arith.constant 0 : index
    %get3A_226 = vector.load %arg19[%get3A_224, %get3A_225] : memref<128x128xbf16, #tpu.memory_space<vmem>>, vector<128x128xbf16>
    %get3A_227 = arith.constant 0 : index
    %get3A_228 = arith.constant 0 : index
    %get3A_229 = vector.load %arg20[%get3A_227, %get3A_228] : memref<1x128xf32, #tpu.memory_space<vmem>>, vector<1x128xf32>
    %get3A_230 = arith.constant 0 : index
    %get3A_231 = arith.constant 0 : index
    %get3A_232 = vector.load %arg21[%get3A_230, %get3A_231] : memref<128x512xbf16, #tpu.memory_space<vmem>>, vector<128x512xbf16>
    %get3A_233 = arith.constant 0 : index
    %get3A_234 = arith.constant 0 : index
    %get3A_235 = vector.load %arg22[%get3A_233, %get3A_234] : memref<1x512xf32, #tpu.memory_space<vmem>>, vector<1x512xf32>
    %get3A_236 = arith.constant 0 : index
    %get3A_237 = arith.constant 0 : index
    %get3A_238 = vector.load %arg23[%get3A_236, %get3A_237] : memref<512x128xbf16, #tpu.memory_space<vmem>>, vector<512x128xbf16>
    %get3A_239 = arith.constant 0 : index
    %get3A_240 = arith.constant 0 : index
    %get3A_241 = vector.load %arg24[%get3A_239, %get3A_240] : memref<1x128xf32, #tpu.memory_space<vmem>>, vector<1x128xf32>
    %get3A_242 = arith.constant 0 : index
    %get3A_243 = arith.constant 0 : index
    %get3A_244 = vector.load %arg25[%get3A_242, %get3A_243] : memref<1x128xf32, #tpu.memory_space<vmem>>, vector<1x128xf32>
    %get3A_245 = arith.constant 0 : index
    %get3A_246 = arith.constant 0 : index
    %get3A_247 = vector.load %arg26[%get3A_245, %get3A_246] : memref<1x128xf32, #tpu.memory_space<vmem>>, vector<1x128xf32>
    %get3A_248 = arith.constant 0 : index
    %get3A_249 = arith.constant 0 : index
    %get3A_250 = vector.load %arg27[%get3A_248, %get3A_249] : memref<1x128xf32, #tpu.memory_space<vmem>>, vector<1x128xf32>
    %get3A_251 = arith.constant 0 : index
    %get3A_252 = arith.constant 0 : index
    %get3A_253 = vector.load %arg28[%get3A_251, %get3A_252] : memref<1x128xf32, #tpu.memory_space<vmem>>, vector<1x128xf32>
    %convert_element_type3A_254 = arith.truncf %add3A_217 : vector<224x128xf32> to vector<224x128xbf16>
    %dot_general3A_255 = arith.constant dense<0.000000e+00> : vector<224x384xf32>
    %dot_general3A_256 = tpu.matmul %convert_element_type3A_254, %get3A_220, %dot_general3A_255 {dimension_numbers = #tpu.dot_dimension_numbers<[1], [0], [0], [1], [0, 0, 1, 1], [], []>, transpose_lhs_hint = false} : vector<224x128xbf16>, vector<128x384xbf16>, vector<224x384xf32> -> vector<224x384xf32>
    %add3A_257 = vector.broadcast %get3A_223 : vector<1x384xf32> to vector<224x384xf32>
    %add3A_258 = arith.addf %dot_general3A_256, %add3A_257 : vector<224x384xf32>
    %slice3A_259 = vector.extract_strided_slice %add3A_258 {offsets = [0, 0], sizes = [224, 128], strides = [1, 1]} : vector<224x384xf32> to vector<224x128xf32>
    %mul3A_260 = arith.constant 0.176776692 : f32
    %mul3A_261 = vector.broadcast %mul3A_260 : f32 to vector<224x128xf32>
    %mul3A_262 = arith.mulf %slice3A_259, %mul3A_261 : vector<224x128xf32>
    %slice3A_263 = vector.extract_strided_slice %add3A_258 {offsets = [0, 128], sizes = [224, 128], strides = [1, 1]} : vector<224x384xf32> to vector<224x128xf32>
    %slice3A_264 = vector.extract_strided_slice %add3A_258 {offsets = [0, 256], sizes = [224, 128], strides = [1, 1]} : vector<224x384xf32> to vector<224x128xf32>
    %slice3A_265 = vector.extract_strided_slice %mul3A_262 {offsets = [0, 0], sizes = [224, 32], strides = [1, 1]} : vector<224x128xf32> to vector<224x32xf32>
    %slice3A_266 = vector.extract_strided_slice %slice3A_263 {offsets = [0, 0], sizes = [224, 32], strides = [1, 1]} : vector<224x128xf32> to vector<224x32xf32>
    %convert_element_type3A_267 = arith.truncf %slice3A_265 : vector<224x32xf32> to vector<224x32xbf16>
    %convert_element_type3A_268 = arith.truncf %slice3A_266 : vector<224x32xf32> to vector<224x32xbf16>
    %dot_general3A_269 = arith.constant dense<0.000000e+00> : vector<224x224xf32>
    %dot_general3A_270 = tpu.matmul %convert_element_type3A_267, %convert_element_type3A_268, %dot_general3A_269 {dimension_numbers = #tpu.dot_dimension_numbers<[1], [1], [0], [0], [0, 0, 1, 0], [], []>, transpose_lhs_hint = false} : vector<224x32xbf16>, vector<224x32xbf16>, vector<224x224xf32> -> vector<224x224xf32>
    %exp3A_271 = math.exp %dot_general3A_270 : vector<224x224xf32>
    %mul3A_272 = arith.mulf %exp3A_271, %mul3A_7 : vector<224x224xf32>
    %reduce_sum3A_273 = arith.constant dense<0.000000e+00> : vector<224xf32>
    %reduce_sum3A_274 = vector.multi_reduction <add>, %mul3A_272, %reduce_sum3A_273 [1] : vector<224x224xf32> to vector<224xf32>
    %broadcast_in_dim3A_275 = vector.shape_cast %reduce_sum3A_274 : vector<224xf32> to vector<224x1xf32>
    %slice3A_276 = vector.extract_strided_slice %slice3A_264 {offsets = [0, 0], sizes = [224, 32], strides = [1, 1]} : vector<224x128xf32> to vector<224x32xf32>
    %convert_element_type3A_277 = arith.truncf %mul3A_272 : vector<224x224xf32> to vector<224x224xbf16>
    %convert_element_type3A_278 = arith.truncf %slice3A_276 : vector<224x32xf32> to vector<224x32xbf16>
    %dot_general3A_279 = arith.constant dense<0.000000e+00> : vector<224x32xf32>
    %dot_general3A_280 = tpu.matmul %convert_element_type3A_277, %convert_element_type3A_278, %dot_general3A_279 {dimension_numbers = #tpu.dot_dimension_numbers<[1], [0], [0], [1], [0, 0, 1, 1], [], []>, transpose_lhs_hint = false} : vector<224x224xbf16>, vector<224x32xbf16>, vector<224x32xf32> -> vector<224x32xf32>
    %integer_pow3A_281 = arith.constant 1.000000e+00 : f32
    %integer_pow3A_282 = vector.broadcast %integer_pow3A_281 : f32 to vector<224x1xf32>
    %integer_pow3A_283 = arith.divf %integer_pow3A_282, %broadcast_in_dim3A_275 : vector<224x1xf32>
    %mul3A_284 = vector.broadcast %integer_pow3A_283 : vector<224x1xf32> to vector<224x32xf32>
    %mul3A_285 = arith.mulf %dot_general3A_280, %mul3A_284 : vector<224x32xf32>
    %slice3A_286 = vector.extract_strided_slice %mul3A_262 {offsets = [0, 32], sizes = [224, 32], strides = [1, 1]} : vector<224x128xf32> to vector<224x32xf32>
    %slice3A_287 = vector.extract_strided_slice %slice3A_263 {offsets = [0, 32], sizes = [224, 32], strides = [1, 1]} : vector<224x128xf32> to vector<224x32xf32>
    %convert_element_type3A_288 = arith.truncf %slice3A_286 : vector<224x32xf32> to vector<224x32xbf16>
    %convert_element_type3A_289 = arith.truncf %slice3A_287 : vector<224x32xf32> to vector<224x32xbf16>
    %dot_general3A_290 = arith.constant dense<0.000000e+00> : vector<224x224xf32>
    %dot_general3A_291 = tpu.matmul %convert_element_type3A_288, %convert_element_type3A_289, %dot_general3A_290 {dimension_numbers = #tpu.dot_dimension_numbers<[1], [1], [0], [0], [0, 0, 1, 0], [], []>, transpose_lhs_hint = false} : vector<224x32xbf16>, vector<224x32xbf16>, vector<224x224xf32> -> vector<224x224xf32>
    %exp3A_292 = math.exp %dot_general3A_291 : vector<224x224xf32>
    %mul3A_293 = arith.mulf %exp3A_292, %mul3A_7 : vector<224x224xf32>
    %reduce_sum3A_294 = arith.constant dense<0.000000e+00> : vector<224xf32>
    %reduce_sum3A_295 = vector.multi_reduction <add>, %mul3A_293, %reduce_sum3A_294 [1] : vector<224x224xf32> to vector<224xf32>
    %broadcast_in_dim3A_296 = vector.shape_cast %reduce_sum3A_295 : vector<224xf32> to vector<224x1xf32>
    %slice3A_297 = vector.extract_strided_slice %slice3A_264 {offsets = [0, 32], sizes = [224, 32], strides = [1, 1]} : vector<224x128xf32> to vector<224x32xf32>
    %convert_element_type3A_298 = arith.truncf %mul3A_293 : vector<224x224xf32> to vector<224x224xbf16>
    %convert_element_type3A_299 = arith.truncf %slice3A_297 : vector<224x32xf32> to vector<224x32xbf16>
    %dot_general3A_300 = arith.constant dense<0.000000e+00> : vector<224x32xf32>
    %dot_general3A_301 = tpu.matmul %convert_element_type3A_298, %convert_element_type3A_299, %dot_general3A_300 {dimension_numbers = #tpu.dot_dimension_numbers<[1], [0], [0], [1], [0, 0, 1, 1], [], []>, transpose_lhs_hint = false} : vector<224x224xbf16>, vector<224x32xbf16>, vector<224x32xf32> -> vector<224x32xf32>
    %integer_pow3A_302 = arith.constant 1.000000e+00 : f32
    %integer_pow3A_303 = vector.broadcast %integer_pow3A_302 : f32 to vector<224x1xf32>
    %integer_pow3A_304 = arith.divf %integer_pow3A_303, %broadcast_in_dim3A_296 : vector<224x1xf32>
    %mul3A_305 = vector.broadcast %integer_pow3A_304 : vector<224x1xf32> to vector<224x32xf32>
    %mul3A_306 = arith.mulf %dot_general3A_301, %mul3A_305 : vector<224x32xf32>
    %slice3A_307 = vector.extract_strided_slice %mul3A_262 {offsets = [0, 64], sizes = [224, 32], strides = [1, 1]} : vector<224x128xf32> to vector<224x32xf32>
    %slice3A_308 = vector.extract_strided_slice %slice3A_263 {offsets = [0, 64], sizes = [224, 32], strides = [1, 1]} : vector<224x128xf32> to vector<224x32xf32>
    %convert_element_type3A_309 = arith.truncf %slice3A_307 : vector<224x32xf32> to vector<224x32xbf16>
    %convert_element_type3A_310 = arith.truncf %slice3A_308 : vector<224x32xf32> to vector<224x32xbf16>
    %dot_general3A_311 = arith.constant dense<0.000000e+00> : vector<224x224xf32>
    %dot_general3A_312 = tpu.matmul %convert_element_type3A_309, %convert_element_type3A_310, %dot_general3A_311 {dimension_numbers = #tpu.dot_dimension_numbers<[1], [1], [0], [0], [0, 0, 1, 0], [], []>, transpose_lhs_hint = false} : vector<224x32xbf16>, vector<224x32xbf16>, vector<224x224xf32> -> vector<224x224xf32>
    %exp3A_313 = math.exp %dot_general3A_312 : vector<224x224xf32>
    %mul3A_314 = arith.mulf %exp3A_313, %mul3A_7 : vector<224x224xf32>
    %reduce_sum3A_315 = arith.constant dense<0.000000e+00> : vector<224xf32>
    %reduce_sum3A_316 = vector.multi_reduction <add>, %mul3A_314, %reduce_sum3A_315 [1] : vector<224x224xf32> to vector<224xf32>
    %broadcast_in_dim3A_317 = vector.shape_cast %reduce_sum3A_316 : vector<224xf32> to vector<224x1xf32>
    %slice3A_318 = vector.extract_strided_slice %slice3A_264 {offsets = [0, 64], sizes = [224, 32], strides = [1, 1]} : vector<224x128xf32> to vector<224x32xf32>
    %convert_element_type3A_319 = arith.truncf %mul3A_314 : vector<224x224xf32> to vector<224x224xbf16>
    %convert_element_type3A_320 = arith.truncf %slice3A_318 : vector<224x32xf32> to vector<224x32xbf16>
    %dot_general3A_321 = arith.constant dense<0.000000e+00> : vector<224x32xf32>
    %dot_general3A_322 = tpu.matmul %convert_element_type3A_319, %convert_element_type3A_320, %dot_general3A_321 {dimension_numbers = #tpu.dot_dimension_numbers<[1], [0], [0], [1], [0, 0, 1, 1], [], []>, transpose_lhs_hint = false} : vector<224x224xbf16>, vector<224x32xbf16>, vector<224x32xf32> -> vector<224x32xf32>
    %integer_pow3A_323 = arith.constant 1.000000e+00 : f32
    %integer_pow3A_324 = vector.broadcast %integer_pow3A_323 : f32 to vector<224x1xf32>
    %integer_pow3A_325 = arith.divf %integer_pow3A_324, %broadcast_in_dim3A_317 : vector<224x1xf32>
    %mul3A_326 = vector.broadcast %integer_pow3A_325 : vector<224x1xf32> to vector<224x32xf32>
    %mul3A_327 = arith.mulf %dot_general3A_322, %mul3A_326 : vector<224x32xf32>
    %slice3A_328 = vector.extract_strided_slice %mul3A_262 {offsets = [0, 96], sizes = [224, 32], strides = [1, 1]} : vector<224x128xf32> to vector<224x32xf32>
    %slice3A_329 = vector.extract_strided_slice %slice3A_263 {offsets = [0, 96], sizes = [224, 32], strides = [1, 1]} : vector<224x128xf32> to vector<224x32xf32>
    %convert_element_type3A_330 = arith.truncf %slice3A_328 : vector<224x32xf32> to vector<224x32xbf16>
    %convert_element_type3A_331 = arith.truncf %slice3A_329 : vector<224x32xf32> to vector<224x32xbf16>
    %dot_general3A_332 = arith.constant dense<0.000000e+00> : vector<224x224xf32>
    %dot_general3A_333 = tpu.matmul %convert_element_type3A_330, %convert_element_type3A_331, %dot_general3A_332 {dimension_numbers = #tpu.dot_dimension_numbers<[1], [1], [0], [0], [0, 0, 1, 0], [], []>, transpose_lhs_hint = false} : vector<224x32xbf16>, vector<224x32xbf16>, vector<224x224xf32> -> vector<224x224xf32>
    %exp3A_334 = math.exp %dot_general3A_333 : vector<224x224xf32>
    %mul3A_335 = arith.mulf %exp3A_334, %mul3A_7 : vector<224x224xf32>
    %reduce_sum3A_336 = arith.constant dense<0.000000e+00> : vector<224xf32>
    %reduce_sum3A_337 = vector.multi_reduction <add>, %mul3A_335, %reduce_sum3A_336 [1] : vector<224x224xf32> to vector<224xf32>
    %broadcast_in_dim3A_338 = vector.shape_cast %reduce_sum3A_337 : vector<224xf32> to vector<224x1xf32>
    %slice3A_339 = vector.extract_strided_slice %slice3A_264 {offsets = [0, 96], sizes = [224, 32], strides = [1, 1]} : vector<224x128xf32> to vector<224x32xf32>
    %convert_element_type3A_340 = arith.truncf %mul3A_335 : vector<224x224xf32> to vector<224x224xbf16>
    %convert_element_type3A_341 = arith.truncf %slice3A_339 : vector<224x32xf32> to vector<224x32xbf16>
    %dot_general3A_342 = arith.constant dense<0.000000e+00> : vector<224x32xf32>
    %dot_general3A_343 = tpu.matmul %convert_element_type3A_340, %convert_element_type3A_341, %dot_general3A_342 {dimension_numbers = #tpu.dot_dimension_numbers<[1], [0], [0], [1], [0, 0, 1, 1], [], []>, transpose_lhs_hint = false} : vector<224x224xbf16>, vector<224x32xbf16>, vector<224x32xf32> -> vector<224x32xf32>
    %integer_pow3A_344 = arith.constant 1.000000e+00 : f32
    %integer_pow3A_345 = vector.broadcast %integer_pow3A_344 : f32 to vector<224x1xf32>
    %integer_pow3A_346 = arith.divf %integer_pow3A_345, %broadcast_in_dim3A_338 : vector<224x1xf32>
    %mul3A_347 = vector.broadcast %integer_pow3A_346 : vector<224x1xf32> to vector<224x32xf32>
    %mul3A_348 = arith.mulf %dot_general3A_343, %mul3A_347 : vector<224x32xf32>
    %concatenate3A_349 = tpu.concatenate %mul3A_285, %mul3A_306, %mul3A_327, %mul3A_348 in 1 : vector<224x32xf32>, vector<224x32xf32>, vector<224x32xf32>, vector<224x32xf32> -> vector<224x128xf32>
    %convert_element_type3A_350 = arith.truncf %concatenate3A_349 : vector<224x128xf32> to vector<224x128xbf16>
    %dot_general3A_351 = arith.constant dense<0.000000e+00> : vector<224x128xf32>
    %dot_general3A_352 = tpu.matmul %convert_element_type3A_350, %get3A_226, %dot_general3A_351 {dimension_numbers = #tpu.dot_dimension_numbers<[1], [0], [0], [1], [0, 0, 1, 1], [], []>, transpose_lhs_hint = false} : vector<224x128xbf16>, vector<128x128xbf16>, vector<224x128xf32> -> vector<224x128xf32>
    %add3A_353 = arith.addf %add3A_217, %dot_general3A_352 : vector<224x128xf32>
    %add3A_354 = vector.broadcast %get3A_229 : vector<1x128xf32> to vector<224x128xf32>
    %add3A_355 = arith.addf %add3A_353, %add3A_354 : vector<224x128xf32>
    %reduce_sum3A_356 = arith.constant dense<0.000000e+00> : vector<224xf32>
    %reduce_sum3A_357 = vector.multi_reduction <add>, %add3A_355, %reduce_sum3A_356 [1] : vector<224x128xf32> to vector<224xf32>
    %broadcast_in_dim3A_358 = vector.shape_cast %reduce_sum3A_357 : vector<224xf32> to vector<224x1xf32>
    %div3A_359 = arith.constant 1.280000e+02 : f32
    %div3A_360 = vector.broadcast %div3A_359 : f32 to vector<224x1xf32>
    %div3A_361 = arith.divf %broadcast_in_dim3A_358, %div3A_360 : vector<224x1xf32>
    %mul3A_362 = arith.mulf %add3A_355, %add3A_355 : vector<224x128xf32>
    %reduce_sum3A_363 = arith.constant dense<0.000000e+00> : vector<224xf32>
    %reduce_sum3A_364 = vector.multi_reduction <add>, %mul3A_362, %reduce_sum3A_363 [1] : vector<224x128xf32> to vector<224xf32>
    %broadcast_in_dim3A_365 = vector.shape_cast %reduce_sum3A_364 : vector<224xf32> to vector<224x1xf32>
    %div3A_366 = arith.constant 1.280000e+02 : f32
    %div3A_367 = vector.broadcast %div3A_366 : f32 to vector<224x1xf32>
    %div3A_368 = arith.divf %broadcast_in_dim3A_365, %div3A_367 : vector<224x1xf32>
    %mul3A_369 = arith.mulf %div3A_361, %div3A_361 : vector<224x1xf32>
    %sub3A_370 = arith.subf %div3A_368, %mul3A_369 : vector<224x1xf32>
    %add3A_371 = arith.constant 9.99999974E-6 : f32
    %add3A_372 = vector.broadcast %add3A_371 : f32 to vector<224x1xf32>
    %add3A_373 = arith.addf %sub3A_370, %add3A_372 : vector<224x1xf32>
    %rsqrt3A_374 = math.rsqrt %add3A_373 : vector<224x1xf32>
    %sub3A_375 = vector.broadcast %div3A_361 : vector<224x1xf32> to vector<224x128xf32>
    %sub3A_376 = arith.subf %add3A_355, %sub3A_375 : vector<224x128xf32>
    %mul3A_377 = vector.broadcast %rsqrt3A_374 : vector<224x1xf32> to vector<224x128xf32>
    %mul3A_378 = arith.mulf %sub3A_376, %mul3A_377 : vector<224x128xf32>
    %mul3A_379 = vector.broadcast %get3A_244 : vector<1x128xf32> to vector<224x128xf32>
    %mul3A_380 = arith.mulf %mul3A_378, %mul3A_379 : vector<224x128xf32>
    %add3A_381 = vector.broadcast %get3A_247 : vector<1x128xf32> to vector<224x128xf32>
    %add3A_382 = arith.addf %mul3A_380, %add3A_381 : vector<224x128xf32>
    %convert_element_type3A_383 = arith.truncf %add3A_382 : vector<224x128xf32> to vector<224x128xbf16>
    %dot_general3A_384 = arith.constant dense<0.000000e+00> : vector<224x512xf32>
    %dot_general3A_385 = tpu.matmul %convert_element_type3A_383, %get3A_232, %dot_general3A_384 {dimension_numbers = #tpu.dot_dimension_numbers<[1], [0], [0], [1], [0, 0, 1, 1], [], []>, transpose_lhs_hint = false} : vector<224x128xbf16>, vector<128x512xbf16>, vector<224x512xf32> -> vector<224x512xf32>
    %add3A_386 = vector.broadcast %get3A_235 : vector<1x512xf32> to vector<224x512xf32>
    %add3A_387 = arith.addf %dot_general3A_385, %add3A_386 : vector<224x512xf32>
    %integer_pow3A_388 = arith.mulf %add3A_387, %add3A_387 : vector<224x512xf32>
    %integer_pow3A_389 = arith.mulf %add3A_387, %integer_pow3A_388 : vector<224x512xf32>
    %mul3A_390 = arith.constant 4.471500e-02 : f32
    %mul3A_391 = vector.broadcast %mul3A_390 : f32 to vector<224x512xf32>
    %mul3A_392 = arith.mulf %mul3A_391, %integer_pow3A_389 : vector<224x512xf32>
    %add3A_393 = arith.addf %add3A_387, %mul3A_392 : vector<224x512xf32>
    %mul3A_394 = arith.constant 0.797884583 : f32
    %mul3A_395 = vector.broadcast %mul3A_394 : f32 to vector<224x512xf32>
    %mul3A_396 = arith.mulf %mul3A_395, %add3A_393 : vector<224x512xf32>
    %tanh3A_397 = math.tanh %mul3A_396 : vector<224x512xf32>
    %add3A_398 = arith.constant 1.000000e+00 : f32
    %add3A_399 = vector.broadcast %add3A_398 : f32 to vector<224x512xf32>
    %add3A_400 = arith.addf %add3A_399, %tanh3A_397 : vector<224x512xf32>
    %mul3A_401 = arith.constant 5.000000e-01 : f32
    %mul3A_402 = vector.broadcast %mul3A_401 : f32 to vector<224x512xf32>
    %mul3A_403 = arith.mulf %mul3A_402, %add3A_400 : vector<224x512xf32>
    %mul3A_404 = arith.mulf %add3A_387, %mul3A_403 : vector<224x512xf32>
    %convert_element_type3A_405 = arith.truncf %mul3A_404 : vector<224x512xf32> to vector<224x512xbf16>
    %dot_general3A_406 = arith.constant dense<0.000000e+00> : vector<224x128xf32>
    %dot_general3A_407 = tpu.matmul %convert_element_type3A_405, %get3A_238, %dot_general3A_406 {dimension_numbers = #tpu.dot_dimension_numbers<[1], [0], [0], [1], [0, 0, 1, 1], [], []>, transpose_lhs_hint = false} : vector<224x512xbf16>, vector<512x128xbf16>, vector<224x128xf32> -> vector<224x128xf32>
    %add3A_408 = arith.addf %add3A_382, %dot_general3A_407 : vector<224x128xf32>
    %add3A_409 = vector.broadcast %get3A_241 : vector<1x128xf32> to vector<224x128xf32>
    %add3A_410 = arith.addf %add3A_408, %add3A_409 : vector<224x128xf32>
    %reduce_sum3A_411 = arith.constant dense<0.000000e+00> : vector<224xf32>
    %reduce_sum3A_412 = vector.multi_reduction <add>, %add3A_410, %reduce_sum3A_411 [1] : vector<224x128xf32> to vector<224xf32>
    %broadcast_in_dim3A_413 = vector.shape_cast %reduce_sum3A_412 : vector<224xf32> to vector<224x1xf32>
    %div3A_414 = arith.constant 1.280000e+02 : f32
    %div3A_415 = vector.broadcast %div3A_414 : f32 to vector<224x1xf32>
    %div3A_416 = arith.divf %broadcast_in_dim3A_413, %div3A_415 : vector<224x1xf32>
    %mul3A_417 = arith.mulf %add3A_410, %add3A_410 : vector<224x128xf32>
    %reduce_sum3A_418 = arith.constant dense<0.000000e+00> : vector<224xf32>
    %reduce_sum3A_419 = vector.multi_reduction <add>, %mul3A_417, %reduce_sum3A_418 [1] : vector<224x128xf32> to vector<224xf32>
    %broadcast_in_dim3A_420 = vector.shape_cast %reduce_sum3A_419 : vector<224xf32> to vector<224x1xf32>
    %div3A_421 = arith.constant 1.280000e+02 : f32
    %div3A_422 = vector.broadcast %div3A_421 : f32 to vector<224x1xf32>
    %div3A_423 = arith.divf %broadcast_in_dim3A_420, %div3A_422 : vector<224x1xf32>
    %mul3A_424 = arith.mulf %div3A_416, %div3A_416 : vector<224x1xf32>
    %sub3A_425 = arith.subf %div3A_423, %mul3A_424 : vector<224x1xf32>
    %add3A_426 = arith.constant 9.99999974E-6 : f32
    %add3A_427 = vector.broadcast %add3A_426 : f32 to vector<224x1xf32>
    %add3A_428 = arith.addf %sub3A_425, %add3A_427 : vector<224x1xf32>
    %rsqrt3A_429 = math.rsqrt %add3A_428 : vector<224x1xf32>
    %sub3A_430 = vector.broadcast %div3A_416 : vector<224x1xf32> to vector<224x128xf32>
    %sub3A_431 = arith.subf %add3A_410, %sub3A_430 : vector<224x128xf32>
    %mul3A_432 = vector.broadcast %rsqrt3A_429 : vector<224x1xf32> to vector<224x128xf32>
    %mul3A_433 = arith.mulf %sub3A_431, %mul3A_432 : vector<224x128xf32>
    %mul3A_434 = vector.broadcast %get3A_250 : vector<1x128xf32> to vector<224x128xf32>
    %mul3A_435 = arith.mulf %mul3A_433, %mul3A_434 : vector<224x128xf32>
    %add3A_436 = vector.broadcast %get3A_253 : vector<1x128xf32> to vector<224x128xf32>
    %add3A_437 = arith.addf %mul3A_435, %add3A_436 : vector<224x128xf32>
    %get3A_438 = arith.constant 0 : index
    %get3A_439 = arith.constant 0 : index
    %get3A_440 = arith.constant 0 : index
    %get3A_441 = vector.load %arg3[%get3A_438, %get3A_439, %get3A_440] : memref<1x4x224xf32, #tpu.memory_space<vmem>>, vector<1x4x224xf32>
    %get3A_442 = vector.shape_cast %get3A_441 : vector<1x4x224xf32> to vector<4x224xf32>
    %convert_element_type3A_443 = arith.truncf %get3A_442 : vector<4x224xf32> to vector<4x224xbf16>
    %convert_element_type3A_444 = arith.truncf %add3A_437 : vector<224x128xf32> to vector<224x128xbf16>
    %dot_general3A_445 = arith.constant dense<0.000000e+00> : vector<4x128xf32>
    %dot_general3A_446 = tpu.matmul %convert_element_type3A_443, %convert_element_type3A_444, %dot_general3A_445 {dimension_numbers = #tpu.dot_dimension_numbers<[1], [0], [0], [1], [0, 0, 1, 1], [], []>, transpose_lhs_hint = false} : vector<4x224xbf16>, vector<224x128xbf16>, vector<4x128xf32> -> vector<4x128xf32>
    %get3A_447 = arith.constant 0 : index
    %get3A_448 = arith.constant 0 : index
    %get3A_449 = vector.load %arg29[%get3A_447, %get3A_448] : memref<128x128xbf16, #tpu.memory_space<vmem>>, vector<128x128xbf16>
    %convert_element_type3A_450 = arith.truncf %dot_general3A_446 : vector<4x128xf32> to vector<4x128xbf16>
    %dot_general3A_451 = arith.constant dense<0.000000e+00> : vector<4x128xf32>
    %dot_general3A_452 = tpu.matmul %convert_element_type3A_450, %get3A_449, %dot_general3A_451 {dimension_numbers = #tpu.dot_dimension_numbers<[1], [0], [0], [1], [0, 0, 1, 1], [], []>, transpose_lhs_hint = false} : vector<4x128xbf16>, vector<128x128xbf16>, vector<4x128xf32> -> vector<4x128xf32>
    %get3A_453 = arith.constant 0 : index
    %get3A_454 = arith.constant 0 : index
    %get3A_455 = vector.load %arg30[%get3A_453, %get3A_454] : memref<1x128xf32, #tpu.memory_space<vmem>>, vector<1x128xf32>
    %add3A_456 = vector.broadcast %get3A_455 : vector<1x128xf32> to vector<4x128xf32>
    %add3A_457 = arith.addf %dot_general3A_452, %add3A_456 : vector<4x128xf32>
    %broadcast_in_dim3A_458 = vector.shape_cast %add3A_457 : vector<4x128xf32> to vector<1x4x128xf32>
    %swap3A = arith.constant 0 : index
    %swap3A_459 = arith.constant 0 : index
    %swap3A_460 = arith.constant 0 : index
    %swap3A_461 = vector.load %arg31[%swap3A, %swap3A_459, %swap3A_460] : memref<1x4x128xf32, #tpu.memory_space<vmem>>, vector<1x4x128xf32>
    tpu.vector_store %arg31[%swap3A, %swap3A_459, %swap3A_460], %broadcast_in_dim3A_458 {strides = array<i32>} : memref<1x4x128xf32, #tpu.memory_space<vmem>>, vector<1x4x128xf32>,
    return
  }
  func.func @transform_0(%arg0: i32) -> (i32, i32) {
    %c0_i32 = arith.constant 0 : i32
    %c0_i32_0 = arith.constant 0 : i32
    return %arg0, %c0_i32 : i32, i32
  }
  func.func @transform_1(%arg0: i32) -> (i32, i32, i32) {
    %c0_i32 = arith.constant 0 : i32
    %c0_i32_0 = arith.constant 0 : i32
    %c0_i32_1 = arith.constant 0 : i32
    return %arg0, %c0_i32, %c0_i32_0 : i32, i32, i32
  }
  func.func @transform_2(%arg0: i32) -> (i32, i32, i32) {
    %c0_i32 = arith.constant 0 : i32
    %c0_i32_0 = arith.constant 0 : i32
    %c0_i32_1 = arith.constant 0 : i32
    return %arg0, %c0_i32, %c0_i32_0 : i32, i32, i32
  }
  func.func @transform_3(%arg0: i32) -> (i32, i32) {
    %c0_i32 = arith.constant 0 : i32
    %c0_i32_0 = arith.constant 0 : i32
    %c0_i32_1 = arith.constant 0 : i32
    return %c0_i32, %c0_i32_0 : i32, i32
  }
  func.func @transform_4(%arg0: i32) -> (i32, i32) {
    %c0_i32 = arith.constant 0 : i32
    %c0_i32_0 = arith.constant 0 : i32
    %c0_i32_1 = arith.constant 0 : i32
    return %c0_i32, %c0_i32_0 : i32, i32
  }
  func.func @transform_5(%arg0: i32) -> (i32, i32) {
    %c0_i32 = arith.constant 0 : i32
    %c0_i32_0 = arith.constant 0 : i32
    %c0_i32_1 = arith.constant 0 : i32
    return %c0_i32, %c0_i32_0 : i32, i32
  }
  func.func @transform_6(%arg0: i32) -> (i32, i32) {
    %c0_i32 = arith.constant 0 : i32
    %c0_i32_0 = arith.constant 0 : i32
    %c0_i32_1 = arith.constant 0 : i32
    return %c0_i32, %c0_i32_0 : i32, i32
  }
  func.func @transform_7(%arg0: i32) -> (i32, i32) {
    %c0_i32 = arith.constant 0 : i32
    %c0_i32_0 = arith.constant 0 : i32
    %c0_i32_1 = arith.constant 0 : i32
    return %c0_i32, %c0_i32_0 : i32, i32
  }
  func.func @transform_8(%arg0: i32) -> (i32, i32) {
    %c0_i32 = arith.constant 0 : i32
    %c0_i32_0 = arith.constant 0 : i32
    %c0_i32_1 = arith.constant 0 : i32
    return %c0_i32, %c0_i32_0 : i32, i32
  }
  func.func @transform_9(%arg0: i32) -> (i32, i32) {
    %c0_i32 = arith.constant 0 : i32
    %c0_i32_0 = arith.constant 0 : i32
    %c0_i32_1 = arith.constant 0 : i32
    return %c0_i32, %c0_i32_0 : i32, i32
  }
  func.func @transform_10(%arg0: i32) -> (i32, i32) {
    %c0_i32 = arith.constant 0 : i32
    %c0_i32_0 = arith.constant 0 : i32
    %c0_i32_1 = arith.constant 0 : i32
    return %c0_i32, %c0_i32_0 : i32, i32
  }
  func.func @transform_11(%arg0: i32) -> (i32, i32) {
    %c0_i32 = arith.constant 0 : i32
    %c0_i32_0 = arith.constant 0 : i32
    %c0_i32_1 = arith.constant 0 : i32
    return %c0_i32, %c0_i32_0 : i32, i32
  }
  func.func @transform_12(%arg0: i32) -> (i32, i32) {
    %c0_i32 = arith.constant 0 : i32
    %c0_i32_0 = arith.constant 0 : i32
    %c0_i32_1 = arith.constant 0 : i32
    return %c0_i32, %c0_i32_0 : i32, i32
  }
  func.func @transform_13(%arg0: i32) -> (i32, i32) {
    %c0_i32 = arith.constant 0 : i32
    %c0_i32_0 = arith.constant 0 : i32
    %c0_i32_1 = arith.constant 0 : i32
    return %c0_i32, %c0_i32_0 : i32, i32
  }
  func.func @transform_14(%arg0: i32) -> (i32, i32) {
    %c0_i32 = arith.constant 0 : i32
    %c0_i32_0 = arith.constant 0 : i32
    %c0_i32_1 = arith.constant 0 : i32
    return %c0_i32, %c0_i32_0 : i32, i32
  }
  func.func @transform_15(%arg0: i32) -> (i32, i32) {
    %c0_i32 = arith.constant 0 : i32
    %c0_i32_0 = arith.constant 0 : i32
    %c0_i32_1 = arith.constant 0 : i32
    return %c0_i32, %c0_i32_0 : i32, i32
  }
  func.func @transform_16(%arg0: i32) -> (i32, i32) {
    %c0_i32 = arith.constant 0 : i32
    %c0_i32_0 = arith.constant 0 : i32
    %c0_i32_1 = arith.constant 0 : i32
    return %c0_i32, %c0_i32_0 : i32, i32
  }
  func.func @transform_17(%arg0: i32) -> (i32, i32) {
    %c0_i32 = arith.constant 0 : i32
    %c0_i32_0 = arith.constant 0 : i32
    %c0_i32_1 = arith.constant 0 : i32
    return %c0_i32, %c0_i32_0 : i32, i32
  }
  func.func @transform_18(%arg0: i32) -> (i32, i32) {
    %c0_i32 = arith.constant 0 : i32
    %c0_i32_0 = arith.constant 0 : i32
    %c0_i32_1 = arith.constant 0 : i32
    return %c0_i32, %c0_i32_0 : i32, i32
  }
  func.func @transform_19(%arg0: i32) -> (i32, i32) {
    %c0_i32 = arith.constant 0 : i32
    %c0_i32_0 = arith.constant 0 : i32
    %c0_i32_1 = arith.constant 0 : i32
    return %c0_i32, %c0_i32_0 : i32, i32
  }
  func.func @transform_20(%arg0: i32) -> (i32, i32) {
    %c0_i32 = arith.constant 0 : i32
    %c0_i32_0 = arith.constant 0 : i32
    %c0_i32_1 = arith.constant 0 : i32
    return %c0_i32, %c0_i32_0 : i32, i32
  }
  func.func @transform_21(%arg0: i32) -> (i32, i32) {
    %c0_i32 = arith.constant 0 : i32
    %c0_i32_0 = arith.constant 0 : i32
    %c0_i32_1 = arith.constant 0 : i32
    return %c0_i32, %c0_i32_0 : i32, i32
  }
  func.func @transform_22(%arg0: i32) -> (i32, i32) {
    %c0_i32 = arith.constant 0 : i32
    %c0_i32_0 = arith.constant 0 : i32
    %c0_i32_1 = arith.constant 0 : i32
    return %c0_i32, %c0_i32_0 : i32, i32
  }
  func.func @transform_23(%arg0: i32) -> (i32, i32) {
    %c0_i32 = arith.constant 0 : i32
    %c0_i32_0 = arith.constant 0 : i32
    %c0_i32_1 = arith.constant 0 : i32
    return %c0_i32, %c0_i32_0 : i32, i32
  }
  func.func @transform_24(%arg0: i32) -> (i32, i32) {
    %c0_i32 = arith.constant 0 : i32
    %c0_i32_0 = arith.constant 0 : i32
    %c0_i32_1 = arith.constant 0 : i32
    return %c0_i32, %c0_i32_0 : i32, i32
  }
  func.func @transform_25(%arg0: i32) -> (i32, i32) {
    %c0_i32 = arith.constant 0 : i32
    %c0_i32_0 = arith.constant 0 : i32
    %c0_i32_1 = arith.constant 0 : i32
    return %c0_i32, %c0_i32_0 : i32, i32
  }
  func.func @transform_26(%arg0: i32) -> (i32, i32) {
    %c0_i32 = arith.constant 0 : i32
    %c0_i32_0 = arith.constant 0 : i32
    %c0_i32_1 = arith.constant 0 : i32
    return %c0_i32, %c0_i32_0 : i32, i32
  }
  func.func @transform_27(%arg0: i32) -> (i32, i32) {
    %c0_i32 = arith.constant 0 : i32
    %c0_i32_0 = arith.constant 0 : i32
    %c0_i32_1 = arith.constant 0 : i32
    return %c0_i32, %c0_i32_0 : i32, i32
  }
  func.func @transform_28(%arg0: i32) -> (i32, i32) {
    %c0_i32 = arith.constant 0 : i32
    %c0_i32_0 = arith.constant 0 : i32
    %c0_i32_1 = arith.constant 0 : i32
    return %c0_i32, %c0_i32_0 : i32, i32
  }
  func.func @transform_29(%arg0: i32) -> (i32, i32) {
    %c0_i32 = arith.constant 0 : i32
    %c0_i32_0 = arith.constant 0 : i32
    %c0_i32_1 = arith.constant 0 : i32
    return %c0_i32, %c0_i32_0 : i32, i32
  }
  func.func @transform_30(%arg0: i32) -> (i32, i32, i32) {
    %c0_i32 = arith.constant 0 : i32
    %c0_i32_0 = arith.constant 0 : i32
    %c0_i32_1 = arith.constant 0 : i32
    return %arg0, %c0_i32, %c0_i32_0 : i32, i32, i32
  }
}

module attributes {stable_mosaic.version = 14 : i64} {
  func.func @body(%arg0: i32, %arg1: memref<128x768xf32, #tpu.memory_space<vmem>>, %arg2: memref<128x768xf32, #tpu.memory_space<vmem>>, %arg3: memref<128x128xf32, #tpu.memory_space<vmem>>, %arg4: memref<1x768xf32, #tpu.memory_space<vmem>>, %arg5: memref<1x768xf32, #tpu.memory_space<vmem>>, %arg6: memref<8x128xf32, #tpu.memory_space<vmem>>, %arg7: memref<768x2304xbf16, #tpu.memory_space<vmem>>, %arg8: memref<1x2304xf32, #tpu.memory_space<vmem>>, %arg9: memref<768x768xbf16, #tpu.memory_space<vmem>>, %arg10: memref<1x768xf32, #tpu.memory_space<vmem>>, %arg11: memref<768x1024xbf16, #tpu.memory_space<vmem>>, %arg12: memref<1x1024xf32, #tpu.memory_space<vmem>>, %arg13: memref<1024x768xbf16, #tpu.memory_space<vmem>>, %arg14: memref<1x768xf32, #tpu.memory_space<vmem>>, %arg15: memref<1x768xf32, #tpu.memory_space<vmem>>, %arg16: memref<1x768xf32, #tpu.memory_space<vmem>>, %arg17: memref<1x768xf32, #tpu.memory_space<vmem>>, %arg18: memref<1x768xf32, #tpu.memory_space<vmem>>, %arg19: memref<768x2304xbf16, #tpu.memory_space<vmem>>, %arg20: memref<1x2304xf32, #tpu.memory_space<vmem>>, %arg21: memref<768x768xbf16, #tpu.memory_space<vmem>>, %arg22: memref<1x768xf32, #tpu.memory_space<vmem>>, %arg23: memref<768x1024xbf16, #tpu.memory_space<vmem>>, %arg24: memref<1x1024xf32, #tpu.memory_space<vmem>>, %arg25: memref<1024x768xbf16, #tpu.memory_space<vmem>>, %arg26: memref<1x768xf32, #tpu.memory_space<vmem>>, %arg27: memref<1x768xf32, #tpu.memory_space<vmem>>, %arg28: memref<1x768xf32, #tpu.memory_space<vmem>>, %arg29: memref<1x768xf32, #tpu.memory_space<vmem>>, %arg30: memref<1x768xf32, #tpu.memory_space<vmem>>, %arg31: memref<768x128xbf16, #tpu.memory_space<vmem>>, %arg32: memref<1x128xf32, #tpu.memory_space<vmem>>, %arg33: memref<8x128xf32, #tpu.memory_space<vmem>>) attributes {dimension_semantics = [#tpu.dimension_semantics<arbitrary>], iteration_bounds = array<i64: 128>, scalar_prefetch = 0 : i64, scratch_operands = 0 : i64, tpu.core_type = #tpu.core_type<tc>, window_params = [{transform_indices = @transform_0, window_bounds = array<i64: 128, 768>}, {pipeline_mode = #tpu.pipeline_mode<synchronous>, transform_indices = @transform_1, window_bounds = array<i64: 128, 768>}, {pipeline_mode = #tpu.pipeline_mode<synchronous>, transform_indices = @transform_2, window_bounds = array<i64: 128, 128>}, {pipeline_mode = #tpu.pipeline_mode<synchronous>, transform_indices = @transform_3, window_bounds = array<i64: 1, 768>}, {pipeline_mode = #tpu.pipeline_mode<synchronous>, transform_indices = @transform_4, window_bounds = array<i64: 1, 768>}, {pipeline_mode = #tpu.pipeline_mode<synchronous>, transform_indices = @transform_5, window_bounds = array<i64: 8, 128>}, {pipeline_mode = #tpu.pipeline_mode<synchronous>, transform_indices = @transform_6, window_bounds = array<i64: 768, 2304>}, {pipeline_mode = #tpu.pipeline_mode<synchronous>, transform_indices = @transform_7, window_bounds = array<i64: 1, 2304>}, {pipeline_mode = #tpu.pipeline_mode<synchronous>, transform_indices = @transform_8, window_bounds = array<i64: 768, 768>}, {pipeline_mode = #tpu.pipeline_mode<synchronous>, transform_indices = @transform_9, window_bounds = array<i64: 1, 768>}, {pipeline_mode = #tpu.pipeline_mode<synchronous>, transform_indices = @transform_10, window_bounds = array<i64: 768, 1024>}, {pipeline_mode = #tpu.pipeline_mode<synchronous>, transform_indices = @transform_11, window_bounds = array<i64: 1, 1024>}, {pipeline_mode = #tpu.pipeline_mode<synchronous>, transform_indices = @transform_12, window_bounds = array<i64: 1024, 768>}, {pipeline_mode = #tpu.pipeline_mode<synchronous>, transform_indices = @transform_13, window_bounds = array<i64: 1, 768>}, {pipeline_mode = #tpu.pipeline_mode<synchronous>, transform_indices = @transform_14, window_bounds = array<i64: 1, 768>}, {pipeline_mode = #tpu.pipeline_mode<synchronous>, transform_indices = @transform_15, window_bounds = array<i64: 1, 768>}, {pipeline_mode = #tpu.pipeline_mode<synchronous>, transform_indices = @transform_16, window_bounds = array<i64: 1, 768>}, {pipeline_mode = #tpu.pipeline_mode<synchronous>, transform_indices = @transform_17, window_bounds = array<i64: 1, 768>}, {pipeline_mode = #tpu.pipeline_mode<synchronous>, transform_indices = @transform_18, window_bounds = array<i64: 768, 2304>}, {pipeline_mode = #tpu.pipeline_mode<synchronous>, transform_indices = @transform_19, window_bounds = array<i64: 1, 2304>}, {pipeline_mode = #tpu.pipeline_mode<synchronous>, transform_indices = @transform_20, window_bounds = array<i64: 768, 768>}, {pipeline_mode = #tpu.pipeline_mode<synchronous>, transform_indices = @transform_21, window_bounds = array<i64: 1, 768>}, {pipeline_mode = #tpu.pipeline_mode<synchronous>, transform_indices = @transform_22, window_bounds = array<i64: 768, 1024>}, {pipeline_mode = #tpu.pipeline_mode<synchronous>, transform_indices = @transform_23, window_bounds = array<i64: 1, 1024>}, {pipeline_mode = #tpu.pipeline_mode<synchronous>, transform_indices = @transform_24, window_bounds = array<i64: 1024, 768>}, {pipeline_mode = #tpu.pipeline_mode<synchronous>, transform_indices = @transform_25, window_bounds = array<i64: 1, 768>}, {pipeline_mode = #tpu.pipeline_mode<synchronous>, transform_indices = @transform_26, window_bounds = array<i64: 1, 768>}, {pipeline_mode = #tpu.pipeline_mode<synchronous>, transform_indices = @transform_27, window_bounds = array<i64: 1, 768>}, {pipeline_mode = #tpu.pipeline_mode<synchronous>, transform_indices = @transform_28, window_bounds = array<i64: 1, 768>}, {pipeline_mode = #tpu.pipeline_mode<synchronous>, transform_indices = @transform_29, window_bounds = array<i64: 1, 768>}, {pipeline_mode = #tpu.pipeline_mode<synchronous>, transform_indices = @transform_30, window_bounds = array<i64: 768, 128>}, {pipeline_mode = #tpu.pipeline_mode<synchronous>, transform_indices = @transform_31, window_bounds = array<i64: 1, 128>}, {transform_indices = @transform_32, window_bounds = array<i64: 8, 128>}]} {
    %get3A = arith.constant 0 : index
    %get3A_0 = arith.constant 0 : index
    %get3A_1 = vector.load %arg1[%get3A, %get3A_0] : memref<128x768xf32, #tpu.memory_space<vmem>>, vector<128x768xf32>
    %get3A_2 = arith.constant 0 : index
    %get3A_3 = arith.constant 0 : index
    %get3A_4 = vector.load %arg2[%get3A_2, %get3A_3] : memref<128x768xf32, #tpu.memory_space<vmem>>, vector<128x768xf32>
    %add3A = arith.addf %get3A_1, %get3A_4 : vector<128x768xf32>
    %get3A_5 = arith.constant 0 : index
    %get3A_6 = arith.constant 0 : index
    %get3A_7 = vector.load %arg4[%get3A_5, %get3A_6] : memref<1x768xf32, #tpu.memory_space<vmem>>, vector<1x768xf32>
    %get3A_8 = arith.constant 0 : index
    %get3A_9 = arith.constant 0 : index
    %get3A_10 = vector.load %arg5[%get3A_8, %get3A_9] : memref<1x768xf32, #tpu.memory_space<vmem>>, vector<1x768xf32>
    %broadcast_in_dim3A = arith.constant 0.00130208337 : f32
    %broadcast_in_dim3A_11 = vector.broadcast %broadcast_in_dim3A : f32 to vector<768x1xf32>
    %dot_general3A = arith.constant dense<0.000000e+00> : vector<128x1xf32>
    %dot_general3A_12 = tpu.matmul %add3A, %broadcast_in_dim3A_11, %dot_general3A {dimension_numbers = #tpu.dot_dimension_numbers<[1], [0], [0], [1], [0, 0, 1, 1], [], []>, transpose_lhs_hint = false} : vector<128x768xf32>, vector<768x1xf32>, vector<128x1xf32> -> vector<128x1xf32>
    %mul3A = arith.mulf %add3A, %add3A : vector<128x768xf32>
    %dot_general3A_13 = arith.constant dense<0.000000e+00> : vector<128x1xf32>
    %dot_general3A_14 = tpu.matmul %mul3A, %broadcast_in_dim3A_11, %dot_general3A_13 {dimension_numbers = #tpu.dot_dimension_numbers<[1], [0], [0], [1], [0, 0, 1, 1], [], []>, transpose_lhs_hint = false} : vector<128x768xf32>, vector<768x1xf32>, vector<128x1xf32> -> vector<128x1xf32>
    %mul3A_15 = arith.mulf %dot_general3A_12, %dot_general3A_12 : vector<128x1xf32>
    %sub3A = arith.subf %dot_general3A_14, %mul3A_15 : vector<128x1xf32>
    %add3A_16 = arith.constant 9.99999974E-6 : f32
    %add3A_17 = vector.broadcast %add3A_16 : f32 to vector<128x1xf32>
    %add3A_18 = arith.addf %sub3A, %add3A_17 : vector<128x1xf32>
    %rsqrt3A = math.rsqrt %add3A_18 : vector<128x1xf32>
    %sub3A_19 = vector.broadcast %dot_general3A_12 : vector<128x1xf32> to vector<128x768xf32>
    %sub3A_20 = arith.subf %add3A, %sub3A_19 : vector<128x768xf32>
    %mul3A_21 = vector.broadcast %rsqrt3A : vector<128x1xf32> to vector<128x768xf32>
    %mul3A_22 = arith.mulf %sub3A_20, %mul3A_21 : vector<128x768xf32>
    %mul3A_23 = vector.broadcast %get3A_7 : vector<1x768xf32> to vector<128x768xf32>
    %mul3A_24 = arith.mulf %mul3A_22, %mul3A_23 : vector<128x768xf32>
    %add3A_25 = vector.broadcast %get3A_10 : vector<1x768xf32> to vector<128x768xf32>
    %add3A_26 = arith.addf %mul3A_24, %add3A_25 : vector<128x768xf32>
    %get3A_27 = arith.constant 0 : index
    %get3A_28 = arith.constant 0 : index
    %get3A_29 = vector.load %arg3[%get3A_27, %get3A_28] : memref<128x128xf32, #tpu.memory_space<vmem>>, vector<128x128xf32>
    %get3A_30 = arith.constant 0 : index
    %get3A_31 = arith.constant 0 : index
    %get3A_32 = vector.load %arg7[%get3A_30, %get3A_31] : memref<768x2304xbf16, #tpu.memory_space<vmem>>, vector<768x2304xbf16>
    %get3A_33 = arith.constant 0 : index
    %get3A_34 = arith.constant 0 : index
    %get3A_35 = vector.load %arg8[%get3A_33, %get3A_34] : memref<1x2304xf32, #tpu.memory_space<vmem>>, vector<1x2304xf32>
    %get3A_36 = arith.constant 0 : index
    %get3A_37 = arith.constant 0 : index
    %get3A_38 = vector.load %arg9[%get3A_36, %get3A_37] : memref<768x768xbf16, #tpu.memory_space<vmem>>, vector<768x768xbf16>
    %get3A_39 = arith.constant 0 : index
    %get3A_40 = arith.constant 0 : index
    %get3A_41 = vector.load %arg10[%get3A_39, %get3A_40] : memref<1x768xf32, #tpu.memory_space<vmem>>, vector<1x768xf32>
    %get3A_42 = arith.constant 0 : index
    %get3A_43 = arith.constant 0 : index
    %get3A_44 = vector.load %arg11[%get3A_42, %get3A_43] : memref<768x1024xbf16, #tpu.memory_space<vmem>>, vector<768x1024xbf16>
    %get3A_45 = arith.constant 0 : index
    %get3A_46 = arith.constant 0 : index
    %get3A_47 = vector.load %arg12[%get3A_45, %get3A_46] : memref<1x1024xf32, #tpu.memory_space<vmem>>, vector<1x1024xf32>
    %get3A_48 = arith.constant 0 : index
    %get3A_49 = arith.constant 0 : index
    %get3A_50 = vector.load %arg13[%get3A_48, %get3A_49] : memref<1024x768xbf16, #tpu.memory_space<vmem>>, vector<1024x768xbf16>
    %get3A_51 = arith.constant 0 : index
    %get3A_52 = arith.constant 0 : index
    %get3A_53 = vector.load %arg14[%get3A_51, %get3A_52] : memref<1x768xf32, #tpu.memory_space<vmem>>, vector<1x768xf32>
    %get3A_54 = arith.constant 0 : index
    %get3A_55 = arith.constant 0 : index
    %get3A_56 = vector.load %arg15[%get3A_54, %get3A_55] : memref<1x768xf32, #tpu.memory_space<vmem>>, vector<1x768xf32>
    %get3A_57 = arith.constant 0 : index
    %get3A_58 = arith.constant 0 : index
    %get3A_59 = vector.load %arg16[%get3A_57, %get3A_58] : memref<1x768xf32, #tpu.memory_space<vmem>>, vector<1x768xf32>
    %get3A_60 = arith.constant 0 : index
    %get3A_61 = arith.constant 0 : index
    %get3A_62 = vector.load %arg17[%get3A_60, %get3A_61] : memref<1x768xf32, #tpu.memory_space<vmem>>, vector<1x768xf32>
    %get3A_63 = arith.constant 0 : index
    %get3A_64 = arith.constant 0 : index
    %get3A_65 = vector.load %arg18[%get3A_63, %get3A_64] : memref<1x768xf32, #tpu.memory_space<vmem>>, vector<1x768xf32>
    %convert_element_type3A = arith.truncf %add3A_26 : vector<128x768xf32> to vector<128x768xbf16>
    %dot_general3A_66 = arith.constant dense<0.000000e+00> : vector<128x2304xf32>
    %dot_general3A_67 = tpu.matmul %convert_element_type3A, %get3A_32, %dot_general3A_66 {dimension_numbers = #tpu.dot_dimension_numbers<[1], [0], [0], [1], [0, 0, 1, 1], [], []>, transpose_lhs_hint = false} : vector<128x768xbf16>, vector<768x2304xbf16>, vector<128x2304xf32> -> vector<128x2304xf32>
    %add3A_68 = vector.broadcast %get3A_35 : vector<1x2304xf32> to vector<128x2304xf32>
    %add3A_69 = arith.addf %dot_general3A_67, %add3A_68 : vector<128x2304xf32>
    %slice3A = vector.extract_strided_slice %add3A_69 {offsets = [0, 0], sizes = [128, 768], strides = [1, 1]} : vector<128x2304xf32> to vector<128x768xf32>
    %mul3A_70 = arith.constant 1.250000e-01 : f32
    %mul3A_71 = vector.broadcast %mul3A_70 : f32 to vector<128x768xf32>
    %mul3A_72 = arith.mulf %slice3A, %mul3A_71 : vector<128x768xf32>
    %slice3A_73 = vector.extract_strided_slice %add3A_69 {offsets = [0, 768], sizes = [128, 768], strides = [1, 1]} : vector<128x2304xf32> to vector<128x768xf32>
    %slice3A_74 = vector.extract_strided_slice %add3A_69 {offsets = [0, 1536], sizes = [128, 768], strides = [1, 1]} : vector<128x2304xf32> to vector<128x768xf32>
    %slice3A_75 = vector.extract_strided_slice %mul3A_72 {offsets = [0, 0], sizes = [128, 64], strides = [1, 1]} : vector<128x768xf32> to vector<128x64xf32>
    %slice3A_76 = vector.extract_strided_slice %slice3A_73 {offsets = [0, 0], sizes = [128, 64], strides = [1, 1]} : vector<128x768xf32> to vector<128x64xf32>
    %convert_element_type3A_77 = arith.truncf %slice3A_75 : vector<128x64xf32> to vector<128x64xbf16>
    %convert_element_type3A_78 = arith.truncf %slice3A_76 : vector<128x64xf32> to vector<128x64xbf16>
    %dot_general3A_79 = arith.constant dense<0.000000e+00> : vector<128x128xf32>
    %dot_general3A_80 = tpu.matmul %convert_element_type3A_77, %convert_element_type3A_78, %dot_general3A_79 {dimension_numbers = #tpu.dot_dimension_numbers<[1], [1], [0], [0], [0, 0, 1, 0], [], []>, transpose_lhs_hint = false} : vector<128x64xbf16>, vector<128x64xbf16>, vector<128x128xf32> -> vector<128x128xf32>
    %exp3A = math.exp %dot_general3A_80 : vector<128x128xf32>
    %mul3A_81 = arith.mulf %exp3A, %get3A_29 : vector<128x128xf32>
    %reduce_sum3A = arith.constant dense<0.000000e+00> : vector<128xf32>
    %reduce_sum3A_82 = vector.multi_reduction <add>, %mul3A_81, %reduce_sum3A [1] : vector<128x128xf32> to vector<128xf32>
    %broadcast_in_dim3A_83 = vector.shape_cast %reduce_sum3A_82 : vector<128xf32> to vector<128x1xf32>
    %slice3A_84 = vector.extract_strided_slice %slice3A_74 {offsets = [0, 0], sizes = [128, 64], strides = [1, 1]} : vector<128x768xf32> to vector<128x64xf32>
    %convert_element_type3A_85 = arith.truncf %mul3A_81 : vector<128x128xf32> to vector<128x128xbf16>
    %convert_element_type3A_86 = arith.truncf %slice3A_84 : vector<128x64xf32> to vector<128x64xbf16>
    %dot_general3A_87 = arith.constant dense<0.000000e+00> : vector<128x64xf32>
    %dot_general3A_88 = tpu.matmul %convert_element_type3A_85, %convert_element_type3A_86, %dot_general3A_87 {dimension_numbers = #tpu.dot_dimension_numbers<[1], [0], [0], [1], [0, 0, 1, 1], [], []>, transpose_lhs_hint = false} : vector<128x128xbf16>, vector<128x64xbf16>, vector<128x64xf32> -> vector<128x64xf32>
    %integer_pow3A = arith.constant 1.000000e+00 : f32
    %integer_pow3A_89 = vector.broadcast %integer_pow3A : f32 to vector<128x1xf32>
    %integer_pow3A_90 = arith.divf %integer_pow3A_89, %broadcast_in_dim3A_83 : vector<128x1xf32>
    %mul3A_91 = vector.broadcast %integer_pow3A_90 : vector<128x1xf32> to vector<128x64xf32>
    %mul3A_92 = arith.mulf %dot_general3A_88, %mul3A_91 : vector<128x64xf32>
    %slice3A_93 = vector.extract_strided_slice %mul3A_72 {offsets = [0, 64], sizes = [128, 64], strides = [1, 1]} : vector<128x768xf32> to vector<128x64xf32>
    %slice3A_94 = vector.extract_strided_slice %slice3A_73 {offsets = [0, 64], sizes = [128, 64], strides = [1, 1]} : vector<128x768xf32> to vector<128x64xf32>
    %convert_element_type3A_95 = arith.truncf %slice3A_93 : vector<128x64xf32> to vector<128x64xbf16>
    %convert_element_type3A_96 = arith.truncf %slice3A_94 : vector<128x64xf32> to vector<128x64xbf16>
    %dot_general3A_97 = arith.constant dense<0.000000e+00> : vector<128x128xf32>
    %dot_general3A_98 = tpu.matmul %convert_element_type3A_95, %convert_element_type3A_96, %dot_general3A_97 {dimension_numbers = #tpu.dot_dimension_numbers<[1], [1], [0], [0], [0, 0, 1, 0], [], []>, transpose_lhs_hint = false} : vector<128x64xbf16>, vector<128x64xbf16>, vector<128x128xf32> -> vector<128x128xf32>
    %exp3A_99 = math.exp %dot_general3A_98 : vector<128x128xf32>
    %mul3A_100 = arith.mulf %exp3A_99, %get3A_29 : vector<128x128xf32>
    %reduce_sum3A_101 = arith.constant dense<0.000000e+00> : vector<128xf32>
    %reduce_sum3A_102 = vector.multi_reduction <add>, %mul3A_100, %reduce_sum3A_101 [1] : vector<128x128xf32> to vector<128xf32>
    %broadcast_in_dim3A_103 = vector.shape_cast %reduce_sum3A_102 : vector<128xf32> to vector<128x1xf32>
    %slice3A_104 = vector.extract_strided_slice %slice3A_74 {offsets = [0, 64], sizes = [128, 64], strides = [1, 1]} : vector<128x768xf32> to vector<128x64xf32>
    %convert_element_type3A_105 = arith.truncf %mul3A_100 : vector<128x128xf32> to vector<128x128xbf16>
    %convert_element_type3A_106 = arith.truncf %slice3A_104 : vector<128x64xf32> to vector<128x64xbf16>
    %dot_general3A_107 = arith.constant dense<0.000000e+00> : vector<128x64xf32>
    %dot_general3A_108 = tpu.matmul %convert_element_type3A_105, %convert_element_type3A_106, %dot_general3A_107 {dimension_numbers = #tpu.dot_dimension_numbers<[1], [0], [0], [1], [0, 0, 1, 1], [], []>, transpose_lhs_hint = false} : vector<128x128xbf16>, vector<128x64xbf16>, vector<128x64xf32> -> vector<128x64xf32>
    %integer_pow3A_109 = arith.constant 1.000000e+00 : f32
    %integer_pow3A_110 = vector.broadcast %integer_pow3A_109 : f32 to vector<128x1xf32>
    %integer_pow3A_111 = arith.divf %integer_pow3A_110, %broadcast_in_dim3A_103 : vector<128x1xf32>
    %mul3A_112 = vector.broadcast %integer_pow3A_111 : vector<128x1xf32> to vector<128x64xf32>
    %mul3A_113 = arith.mulf %dot_general3A_108, %mul3A_112 : vector<128x64xf32>
    %slice3A_114 = vector.extract_strided_slice %mul3A_72 {offsets = [0, 128], sizes = [128, 64], strides = [1, 1]} : vector<128x768xf32> to vector<128x64xf32>
    %slice3A_115 = vector.extract_strided_slice %slice3A_73 {offsets = [0, 128], sizes = [128, 64], strides = [1, 1]} : vector<128x768xf32> to vector<128x64xf32>
    %convert_element_type3A_116 = arith.truncf %slice3A_114 : vector<128x64xf32> to vector<128x64xbf16>
    %convert_element_type3A_117 = arith.truncf %slice3A_115 : vector<128x64xf32> to vector<128x64xbf16>
    %dot_general3A_118 = arith.constant dense<0.000000e+00> : vector<128x128xf32>
    %dot_general3A_119 = tpu.matmul %convert_element_type3A_116, %convert_element_type3A_117, %dot_general3A_118 {dimension_numbers = #tpu.dot_dimension_numbers<[1], [1], [0], [0], [0, 0, 1, 0], [], []>, transpose_lhs_hint = false} : vector<128x64xbf16>, vector<128x64xbf16>, vector<128x128xf32> -> vector<128x128xf32>
    %exp3A_120 = math.exp %dot_general3A_119 : vector<128x128xf32>
    %mul3A_121 = arith.mulf %exp3A_120, %get3A_29 : vector<128x128xf32>
    %reduce_sum3A_122 = arith.constant dense<0.000000e+00> : vector<128xf32>
    %reduce_sum3A_123 = vector.multi_reduction <add>, %mul3A_121, %reduce_sum3A_122 [1] : vector<128x128xf32> to vector<128xf32>
    %broadcast_in_dim3A_124 = vector.shape_cast %reduce_sum3A_123 : vector<128xf32> to vector<128x1xf32>
    %slice3A_125 = vector.extract_strided_slice %slice3A_74 {offsets = [0, 128], sizes = [128, 64], strides = [1, 1]} : vector<128x768xf32> to vector<128x64xf32>
    %convert_element_type3A_126 = arith.truncf %mul3A_121 : vector<128x128xf32> to vector<128x128xbf16>
    %convert_element_type3A_127 = arith.truncf %slice3A_125 : vector<128x64xf32> to vector<128x64xbf16>
    %dot_general3A_128 = arith.constant dense<0.000000e+00> : vector<128x64xf32>
    %dot_general3A_129 = tpu.matmul %convert_element_type3A_126, %convert_element_type3A_127, %dot_general3A_128 {dimension_numbers = #tpu.dot_dimension_numbers<[1], [0], [0], [1], [0, 0, 1, 1], [], []>, transpose_lhs_hint = false} : vector<128x128xbf16>, vector<128x64xbf16>, vector<128x64xf32> -> vector<128x64xf32>
    %integer_pow3A_130 = arith.constant 1.000000e+00 : f32
    %integer_pow3A_131 = vector.broadcast %integer_pow3A_130 : f32 to vector<128x1xf32>
    %integer_pow3A_132 = arith.divf %integer_pow3A_131, %broadcast_in_dim3A_124 : vector<128x1xf32>
    %mul3A_133 = vector.broadcast %integer_pow3A_132 : vector<128x1xf32> to vector<128x64xf32>
    %mul3A_134 = arith.mulf %dot_general3A_129, %mul3A_133 : vector<128x64xf32>
    %slice3A_135 = vector.extract_strided_slice %mul3A_72 {offsets = [0, 192], sizes = [128, 64], strides = [1, 1]} : vector<128x768xf32> to vector<128x64xf32>
    %slice3A_136 = vector.extract_strided_slice %slice3A_73 {offsets = [0, 192], sizes = [128, 64], strides = [1, 1]} : vector<128x768xf32> to vector<128x64xf32>
    %convert_element_type3A_137 = arith.truncf %slice3A_135 : vector<128x64xf32> to vector<128x64xbf16>
    %convert_element_type3A_138 = arith.truncf %slice3A_136 : vector<128x64xf32> to vector<128x64xbf16>
    %dot_general3A_139 = arith.constant dense<0.000000e+00> : vector<128x128xf32>
    %dot_general3A_140 = tpu.matmul %convert_element_type3A_137, %convert_element_type3A_138, %dot_general3A_139 {dimension_numbers = #tpu.dot_dimension_numbers<[1], [1], [0], [0], [0, 0, 1, 0], [], []>, transpose_lhs_hint = false} : vector<128x64xbf16>, vector<128x64xbf16>, vector<128x128xf32> -> vector<128x128xf32>
    %exp3A_141 = math.exp %dot_general3A_140 : vector<128x128xf32>
    %mul3A_142 = arith.mulf %exp3A_141, %get3A_29 : vector<128x128xf32>
    %reduce_sum3A_143 = arith.constant dense<0.000000e+00> : vector<128xf32>
    %reduce_sum3A_144 = vector.multi_reduction <add>, %mul3A_142, %reduce_sum3A_143 [1] : vector<128x128xf32> to vector<128xf32>
    %broadcast_in_dim3A_145 = vector.shape_cast %reduce_sum3A_144 : vector<128xf32> to vector<128x1xf32>
    %slice3A_146 = vector.extract_strided_slice %slice3A_74 {offsets = [0, 192], sizes = [128, 64], strides = [1, 1]} : vector<128x768xf32> to vector<128x64xf32>
    %convert_element_type3A_147 = arith.truncf %mul3A_142 : vector<128x128xf32> to vector<128x128xbf16>
    %convert_element_type3A_148 = arith.truncf %slice3A_146 : vector<128x64xf32> to vector<128x64xbf16>
    %dot_general3A_149 = arith.constant dense<0.000000e+00> : vector<128x64xf32>
    %dot_general3A_150 = tpu.matmul %convert_element_type3A_147, %convert_element_type3A_148, %dot_general3A_149 {dimension_numbers = #tpu.dot_dimension_numbers<[1], [0], [0], [1], [0, 0, 1, 1], [], []>, transpose_lhs_hint = false} : vector<128x128xbf16>, vector<128x64xbf16>, vector<128x64xf32> -> vector<128x64xf32>
    %integer_pow3A_151 = arith.constant 1.000000e+00 : f32
    %integer_pow3A_152 = vector.broadcast %integer_pow3A_151 : f32 to vector<128x1xf32>
    %integer_pow3A_153 = arith.divf %integer_pow3A_152, %broadcast_in_dim3A_145 : vector<128x1xf32>
    %mul3A_154 = vector.broadcast %integer_pow3A_153 : vector<128x1xf32> to vector<128x64xf32>
    %mul3A_155 = arith.mulf %dot_general3A_150, %mul3A_154 : vector<128x64xf32>
    %slice3A_156 = vector.extract_strided_slice %mul3A_72 {offsets = [0, 256], sizes = [128, 64], strides = [1, 1]} : vector<128x768xf32> to vector<128x64xf32>
    %slice3A_157 = vector.extract_strided_slice %slice3A_73 {offsets = [0, 256], sizes = [128, 64], strides = [1, 1]} : vector<128x768xf32> to vector<128x64xf32>
    %convert_element_type3A_158 = arith.truncf %slice3A_156 : vector<128x64xf32> to vector<128x64xbf16>
    %convert_element_type3A_159 = arith.truncf %slice3A_157 : vector<128x64xf32> to vector<128x64xbf16>
    %dot_general3A_160 = arith.constant dense<0.000000e+00> : vector<128x128xf32>
    %dot_general3A_161 = tpu.matmul %convert_element_type3A_158, %convert_element_type3A_159, %dot_general3A_160 {dimension_numbers = #tpu.dot_dimension_numbers<[1], [1], [0], [0], [0, 0, 1, 0], [], []>, transpose_lhs_hint = false} : vector<128x64xbf16>, vector<128x64xbf16>, vector<128x128xf32> -> vector<128x128xf32>
    %exp3A_162 = math.exp %dot_general3A_161 : vector<128x128xf32>
    %mul3A_163 = arith.mulf %exp3A_162, %get3A_29 : vector<128x128xf32>
    %reduce_sum3A_164 = arith.constant dense<0.000000e+00> : vector<128xf32>
    %reduce_sum3A_165 = vector.multi_reduction <add>, %mul3A_163, %reduce_sum3A_164 [1] : vector<128x128xf32> to vector<128xf32>
    %broadcast_in_dim3A_166 = vector.shape_cast %reduce_sum3A_165 : vector<128xf32> to vector<128x1xf32>
    %slice3A_167 = vector.extract_strided_slice %slice3A_74 {offsets = [0, 256], sizes = [128, 64], strides = [1, 1]} : vector<128x768xf32> to vector<128x64xf32>
    %convert_element_type3A_168 = arith.truncf %mul3A_163 : vector<128x128xf32> to vector<128x128xbf16>
    %convert_element_type3A_169 = arith.truncf %slice3A_167 : vector<128x64xf32> to vector<128x64xbf16>
    %dot_general3A_170 = arith.constant dense<0.000000e+00> : vector<128x64xf32>
    %dot_general3A_171 = tpu.matmul %convert_element_type3A_168, %convert_element_type3A_169, %dot_general3A_170 {dimension_numbers = #tpu.dot_dimension_numbers<[1], [0], [0], [1], [0, 0, 1, 1], [], []>, transpose_lhs_hint = false} : vector<128x128xbf16>, vector<128x64xbf16>, vector<128x64xf32> -> vector<128x64xf32>
    %integer_pow3A_172 = arith.constant 1.000000e+00 : f32
    %integer_pow3A_173 = vector.broadcast %integer_pow3A_172 : f32 to vector<128x1xf32>
    %integer_pow3A_174 = arith.divf %integer_pow3A_173, %broadcast_in_dim3A_166 : vector<128x1xf32>
    %mul3A_175 = vector.broadcast %integer_pow3A_174 : vector<128x1xf32> to vector<128x64xf32>
    %mul3A_176 = arith.mulf %dot_general3A_171, %mul3A_175 : vector<128x64xf32>
    %slice3A_177 = vector.extract_strided_slice %mul3A_72 {offsets = [0, 320], sizes = [128, 64], strides = [1, 1]} : vector<128x768xf32> to vector<128x64xf32>
    %slice3A_178 = vector.extract_strided_slice %slice3A_73 {offsets = [0, 320], sizes = [128, 64], strides = [1, 1]} : vector<128x768xf32> to vector<128x64xf32>
    %convert_element_type3A_179 = arith.truncf %slice3A_177 : vector<128x64xf32> to vector<128x64xbf16>
    %convert_element_type3A_180 = arith.truncf %slice3A_178 : vector<128x64xf32> to vector<128x64xbf16>
    %dot_general3A_181 = arith.constant dense<0.000000e+00> : vector<128x128xf32>
    %dot_general3A_182 = tpu.matmul %convert_element_type3A_179, %convert_element_type3A_180, %dot_general3A_181 {dimension_numbers = #tpu.dot_dimension_numbers<[1], [1], [0], [0], [0, 0, 1, 0], [], []>, transpose_lhs_hint = false} : vector<128x64xbf16>, vector<128x64xbf16>, vector<128x128xf32> -> vector<128x128xf32>
    %exp3A_183 = math.exp %dot_general3A_182 : vector<128x128xf32>
    %mul3A_184 = arith.mulf %exp3A_183, %get3A_29 : vector<128x128xf32>
    %reduce_sum3A_185 = arith.constant dense<0.000000e+00> : vector<128xf32>
    %reduce_sum3A_186 = vector.multi_reduction <add>, %mul3A_184, %reduce_sum3A_185 [1] : vector<128x128xf32> to vector<128xf32>
    %broadcast_in_dim3A_187 = vector.shape_cast %reduce_sum3A_186 : vector<128xf32> to vector<128x1xf32>
    %slice3A_188 = vector.extract_strided_slice %slice3A_74 {offsets = [0, 320], sizes = [128, 64], strides = [1, 1]} : vector<128x768xf32> to vector<128x64xf32>
    %convert_element_type3A_189 = arith.truncf %mul3A_184 : vector<128x128xf32> to vector<128x128xbf16>
    %convert_element_type3A_190 = arith.truncf %slice3A_188 : vector<128x64xf32> to vector<128x64xbf16>
    %dot_general3A_191 = arith.constant dense<0.000000e+00> : vector<128x64xf32>
    %dot_general3A_192 = tpu.matmul %convert_element_type3A_189, %convert_element_type3A_190, %dot_general3A_191 {dimension_numbers = #tpu.dot_dimension_numbers<[1], [0], [0], [1], [0, 0, 1, 1], [], []>, transpose_lhs_hint = false} : vector<128x128xbf16>, vector<128x64xbf16>, vector<128x64xf32> -> vector<128x64xf32>
    %integer_pow3A_193 = arith.constant 1.000000e+00 : f32
    %integer_pow3A_194 = vector.broadcast %integer_pow3A_193 : f32 to vector<128x1xf32>
    %integer_pow3A_195 = arith.divf %integer_pow3A_194, %broadcast_in_dim3A_187 : vector<128x1xf32>
    %mul3A_196 = vector.broadcast %integer_pow3A_195 : vector<128x1xf32> to vector<128x64xf32>
    %mul3A_197 = arith.mulf %dot_general3A_192, %mul3A_196 : vector<128x64xf32>
    %slice3A_198 = vector.extract_strided_slice %mul3A_72 {offsets = [0, 384], sizes = [128, 64], strides = [1, 1]} : vector<128x768xf32> to vector<128x64xf32>
    %slice3A_199 = vector.extract_strided_slice %slice3A_73 {offsets = [0, 384], sizes = [128, 64], strides = [1, 1]} : vector<128x768xf32> to vector<128x64xf32>
    %convert_element_type3A_200 = arith.truncf %slice3A_198 : vector<128x64xf32> to vector<128x64xbf16>
    %convert_element_type3A_201 = arith.truncf %slice3A_199 : vector<128x64xf32> to vector<128x64xbf16>
    %dot_general3A_202 = arith.constant dense<0.000000e+00> : vector<128x128xf32>
    %dot_general3A_203 = tpu.matmul %convert_element_type3A_200, %convert_element_type3A_201, %dot_general3A_202 {dimension_numbers = #tpu.dot_dimension_numbers<[1], [1], [0], [0], [0, 0, 1, 0], [], []>, transpose_lhs_hint = false} : vector<128x64xbf16>, vector<128x64xbf16>, vector<128x128xf32> -> vector<128x128xf32>
    %exp3A_204 = math.exp %dot_general3A_203 : vector<128x128xf32>
    %mul3A_205 = arith.mulf %exp3A_204, %get3A_29 : vector<128x128xf32>
    %reduce_sum3A_206 = arith.constant dense<0.000000e+00> : vector<128xf32>
    %reduce_sum3A_207 = vector.multi_reduction <add>, %mul3A_205, %reduce_sum3A_206 [1] : vector<128x128xf32> to vector<128xf32>
    %broadcast_in_dim3A_208 = vector.shape_cast %reduce_sum3A_207 : vector<128xf32> to vector<128x1xf32>
    %slice3A_209 = vector.extract_strided_slice %slice3A_74 {offsets = [0, 384], sizes = [128, 64], strides = [1, 1]} : vector<128x768xf32> to vector<128x64xf32>
    %convert_element_type3A_210 = arith.truncf %mul3A_205 : vector<128x128xf32> to vector<128x128xbf16>
    %convert_element_type3A_211 = arith.truncf %slice3A_209 : vector<128x64xf32> to vector<128x64xbf16>
    %dot_general3A_212 = arith.constant dense<0.000000e+00> : vector<128x64xf32>
    %dot_general3A_213 = tpu.matmul %convert_element_type3A_210, %convert_element_type3A_211, %dot_general3A_212 {dimension_numbers = #tpu.dot_dimension_numbers<[1], [0], [0], [1], [0, 0, 1, 1], [], []>, transpose_lhs_hint = false} : vector<128x128xbf16>, vector<128x64xbf16>, vector<128x64xf32> -> vector<128x64xf32>
    %integer_pow3A_214 = arith.constant 1.000000e+00 : f32
    %integer_pow3A_215 = vector.broadcast %integer_pow3A_214 : f32 to vector<128x1xf32>
    %integer_pow3A_216 = arith.divf %integer_pow3A_215, %broadcast_in_dim3A_208 : vector<128x1xf32>
    %mul3A_217 = vector.broadcast %integer_pow3A_216 : vector<128x1xf32> to vector<128x64xf32>
    %mul3A_218 = arith.mulf %dot_general3A_213, %mul3A_217 : vector<128x64xf32>
    %slice3A_219 = vector.extract_strided_slice %mul3A_72 {offsets = [0, 448], sizes = [128, 64], strides = [1, 1]} : vector<128x768xf32> to vector<128x64xf32>
    %slice3A_220 = vector.extract_strided_slice %slice3A_73 {offsets = [0, 448], sizes = [128, 64], strides = [1, 1]} : vector<128x768xf32> to vector<128x64xf32>
    %convert_element_type3A_221 = arith.truncf %slice3A_219 : vector<128x64xf32> to vector<128x64xbf16>
    %convert_element_type3A_222 = arith.truncf %slice3A_220 : vector<128x64xf32> to vector<128x64xbf16>
    %dot_general3A_223 = arith.constant dense<0.000000e+00> : vector<128x128xf32>
    %dot_general3A_224 = tpu.matmul %convert_element_type3A_221, %convert_element_type3A_222, %dot_general3A_223 {dimension_numbers = #tpu.dot_dimension_numbers<[1], [1], [0], [0], [0, 0, 1, 0], [], []>, transpose_lhs_hint = false} : vector<128x64xbf16>, vector<128x64xbf16>, vector<128x128xf32> -> vector<128x128xf32>
    %exp3A_225 = math.exp %dot_general3A_224 : vector<128x128xf32>
    %mul3A_226 = arith.mulf %exp3A_225, %get3A_29 : vector<128x128xf32>
    %reduce_sum3A_227 = arith.constant dense<0.000000e+00> : vector<128xf32>
    %reduce_sum3A_228 = vector.multi_reduction <add>, %mul3A_226, %reduce_sum3A_227 [1] : vector<128x128xf32> to vector<128xf32>
    %broadcast_in_dim3A_229 = vector.shape_cast %reduce_sum3A_228 : vector<128xf32> to vector<128x1xf32>
    %slice3A_230 = vector.extract_strided_slice %slice3A_74 {offsets = [0, 448], sizes = [128, 64], strides = [1, 1]} : vector<128x768xf32> to vector<128x64xf32>
    %convert_element_type3A_231 = arith.truncf %mul3A_226 : vector<128x128xf32> to vector<128x128xbf16>
    %convert_element_type3A_232 = arith.truncf %slice3A_230 : vector<128x64xf32> to vector<128x64xbf16>
    %dot_general3A_233 = arith.constant dense<0.000000e+00> : vector<128x64xf32>
    %dot_general3A_234 = tpu.matmul %convert_element_type3A_231, %convert_element_type3A_232, %dot_general3A_233 {dimension_numbers = #tpu.dot_dimension_numbers<[1], [0], [0], [1], [0, 0, 1, 1], [], []>, transpose_lhs_hint = false} : vector<128x128xbf16>, vector<128x64xbf16>, vector<128x64xf32> -> vector<128x64xf32>
    %integer_pow3A_235 = arith.constant 1.000000e+00 : f32
    %integer_pow3A_236 = vector.broadcast %integer_pow3A_235 : f32 to vector<128x1xf32>
    %integer_pow3A_237 = arith.divf %integer_pow3A_236, %broadcast_in_dim3A_229 : vector<128x1xf32>
    %mul3A_238 = vector.broadcast %integer_pow3A_237 : vector<128x1xf32> to vector<128x64xf32>
    %mul3A_239 = arith.mulf %dot_general3A_234, %mul3A_238 : vector<128x64xf32>
    %slice3A_240 = vector.extract_strided_slice %mul3A_72 {offsets = [0, 512], sizes = [128, 64], strides = [1, 1]} : vector<128x768xf32> to vector<128x64xf32>
    %slice3A_241 = vector.extract_strided_slice %slice3A_73 {offsets = [0, 512], sizes = [128, 64], strides = [1, 1]} : vector<128x768xf32> to vector<128x64xf32>
    %convert_element_type3A_242 = arith.truncf %slice3A_240 : vector<128x64xf32> to vector<128x64xbf16>
    %convert_element_type3A_243 = arith.truncf %slice3A_241 : vector<128x64xf32> to vector<128x64xbf16>
    %dot_general3A_244 = arith.constant dense<0.000000e+00> : vector<128x128xf32>
    %dot_general3A_245 = tpu.matmul %convert_element_type3A_242, %convert_element_type3A_243, %dot_general3A_244 {dimension_numbers = #tpu.dot_dimension_numbers<[1], [1], [0], [0], [0, 0, 1, 0], [], []>, transpose_lhs_hint = false} : vector<128x64xbf16>, vector<128x64xbf16>, vector<128x128xf32> -> vector<128x128xf32>
    %exp3A_246 = math.exp %dot_general3A_245 : vector<128x128xf32>
    %mul3A_247 = arith.mulf %exp3A_246, %get3A_29 : vector<128x128xf32>
    %reduce_sum3A_248 = arith.constant dense<0.000000e+00> : vector<128xf32>
    %reduce_sum3A_249 = vector.multi_reduction <add>, %mul3A_247, %reduce_sum3A_248 [1] : vector<128x128xf32> to vector<128xf32>
    %broadcast_in_dim3A_250 = vector.shape_cast %reduce_sum3A_249 : vector<128xf32> to vector<128x1xf32>
    %slice3A_251 = vector.extract_strided_slice %slice3A_74 {offsets = [0, 512], sizes = [128, 64], strides = [1, 1]} : vector<128x768xf32> to vector<128x64xf32>
    %convert_element_type3A_252 = arith.truncf %mul3A_247 : vector<128x128xf32> to vector<128x128xbf16>
    %convert_element_type3A_253 = arith.truncf %slice3A_251 : vector<128x64xf32> to vector<128x64xbf16>
    %dot_general3A_254 = arith.constant dense<0.000000e+00> : vector<128x64xf32>
    %dot_general3A_255 = tpu.matmul %convert_element_type3A_252, %convert_element_type3A_253, %dot_general3A_254 {dimension_numbers = #tpu.dot_dimension_numbers<[1], [0], [0], [1], [0, 0, 1, 1], [], []>, transpose_lhs_hint = false} : vector<128x128xbf16>, vector<128x64xbf16>, vector<128x64xf32> -> vector<128x64xf32>
    %integer_pow3A_256 = arith.constant 1.000000e+00 : f32
    %integer_pow3A_257 = vector.broadcast %integer_pow3A_256 : f32 to vector<128x1xf32>
    %integer_pow3A_258 = arith.divf %integer_pow3A_257, %broadcast_in_dim3A_250 : vector<128x1xf32>
    %mul3A_259 = vector.broadcast %integer_pow3A_258 : vector<128x1xf32> to vector<128x64xf32>
    %mul3A_260 = arith.mulf %dot_general3A_255, %mul3A_259 : vector<128x64xf32>
    %slice3A_261 = vector.extract_strided_slice %mul3A_72 {offsets = [0, 576], sizes = [128, 64], strides = [1, 1]} : vector<128x768xf32> to vector<128x64xf32>
    %slice3A_262 = vector.extract_strided_slice %slice3A_73 {offsets = [0, 576], sizes = [128, 64], strides = [1, 1]} : vector<128x768xf32> to vector<128x64xf32>
    %convert_element_type3A_263 = arith.truncf %slice3A_261 : vector<128x64xf32> to vector<128x64xbf16>
    %convert_element_type3A_264 = arith.truncf %slice3A_262 : vector<128x64xf32> to vector<128x64xbf16>
    %dot_general3A_265 = arith.constant dense<0.000000e+00> : vector<128x128xf32>
    %dot_general3A_266 = tpu.matmul %convert_element_type3A_263, %convert_element_type3A_264, %dot_general3A_265 {dimension_numbers = #tpu.dot_dimension_numbers<[1], [1], [0], [0], [0, 0, 1, 0], [], []>, transpose_lhs_hint = false} : vector<128x64xbf16>, vector<128x64xbf16>, vector<128x128xf32> -> vector<128x128xf32>
    %exp3A_267 = math.exp %dot_general3A_266 : vector<128x128xf32>
    %mul3A_268 = arith.mulf %exp3A_267, %get3A_29 : vector<128x128xf32>
    %reduce_sum3A_269 = arith.constant dense<0.000000e+00> : vector<128xf32>
    %reduce_sum3A_270 = vector.multi_reduction <add>, %mul3A_268, %reduce_sum3A_269 [1] : vector<128x128xf32> to vector<128xf32>
    %broadcast_in_dim3A_271 = vector.shape_cast %reduce_sum3A_270 : vector<128xf32> to vector<128x1xf32>
    %slice3A_272 = vector.extract_strided_slice %slice3A_74 {offsets = [0, 576], sizes = [128, 64], strides = [1, 1]} : vector<128x768xf32> to vector<128x64xf32>
    %convert_element_type3A_273 = arith.truncf %mul3A_268 : vector<128x128xf32> to vector<128x128xbf16>
    %convert_element_type3A_274 = arith.truncf %slice3A_272 : vector<128x64xf32> to vector<128x64xbf16>
    %dot_general3A_275 = arith.constant dense<0.000000e+00> : vector<128x64xf32>
    %dot_general3A_276 = tpu.matmul %convert_element_type3A_273, %convert_element_type3A_274, %dot_general3A_275 {dimension_numbers = #tpu.dot_dimension_numbers<[1], [0], [0], [1], [0, 0, 1, 1], [], []>, transpose_lhs_hint = false} : vector<128x128xbf16>, vector<128x64xbf16>, vector<128x64xf32> -> vector<128x64xf32>
    %integer_pow3A_277 = arith.constant 1.000000e+00 : f32
    %integer_pow3A_278 = vector.broadcast %integer_pow3A_277 : f32 to vector<128x1xf32>
    %integer_pow3A_279 = arith.divf %integer_pow3A_278, %broadcast_in_dim3A_271 : vector<128x1xf32>
    %mul3A_280 = vector.broadcast %integer_pow3A_279 : vector<128x1xf32> to vector<128x64xf32>
    %mul3A_281 = arith.mulf %dot_general3A_276, %mul3A_280 : vector<128x64xf32>
    %slice3A_282 = vector.extract_strided_slice %mul3A_72 {offsets = [0, 640], sizes = [128, 64], strides = [1, 1]} : vector<128x768xf32> to vector<128x64xf32>
    %slice3A_283 = vector.extract_strided_slice %slice3A_73 {offsets = [0, 640], sizes = [128, 64], strides = [1, 1]} : vector<128x768xf32> to vector<128x64xf32>
    %convert_element_type3A_284 = arith.truncf %slice3A_282 : vector<128x64xf32> to vector<128x64xbf16>
    %convert_element_type3A_285 = arith.truncf %slice3A_283 : vector<128x64xf32> to vector<128x64xbf16>
    %dot_general3A_286 = arith.constant dense<0.000000e+00> : vector<128x128xf32>
    %dot_general3A_287 = tpu.matmul %convert_element_type3A_284, %convert_element_type3A_285, %dot_general3A_286 {dimension_numbers = #tpu.dot_dimension_numbers<[1], [1], [0], [0], [0, 0, 1, 0], [], []>, transpose_lhs_hint = false} : vector<128x64xbf16>, vector<128x64xbf16>, vector<128x128xf32> -> vector<128x128xf32>
    %exp3A_288 = math.exp %dot_general3A_287 : vector<128x128xf32>
    %mul3A_289 = arith.mulf %exp3A_288, %get3A_29 : vector<128x128xf32>
    %reduce_sum3A_290 = arith.constant dense<0.000000e+00> : vector<128xf32>
    %reduce_sum3A_291 = vector.multi_reduction <add>, %mul3A_289, %reduce_sum3A_290 [1] : vector<128x128xf32> to vector<128xf32>
    %broadcast_in_dim3A_292 = vector.shape_cast %reduce_sum3A_291 : vector<128xf32> to vector<128x1xf32>
    %slice3A_293 = vector.extract_strided_slice %slice3A_74 {offsets = [0, 640], sizes = [128, 64], strides = [1, 1]} : vector<128x768xf32> to vector<128x64xf32>
    %convert_element_type3A_294 = arith.truncf %mul3A_289 : vector<128x128xf32> to vector<128x128xbf16>
    %convert_element_type3A_295 = arith.truncf %slice3A_293 : vector<128x64xf32> to vector<128x64xbf16>
    %dot_general3A_296 = arith.constant dense<0.000000e+00> : vector<128x64xf32>
    %dot_general3A_297 = tpu.matmul %convert_element_type3A_294, %convert_element_type3A_295, %dot_general3A_296 {dimension_numbers = #tpu.dot_dimension_numbers<[1], [0], [0], [1], [0, 0, 1, 1], [], []>, transpose_lhs_hint = false} : vector<128x128xbf16>, vector<128x64xbf16>, vector<128x64xf32> -> vector<128x64xf32>
    %integer_pow3A_298 = arith.constant 1.000000e+00 : f32
    %integer_pow3A_299 = vector.broadcast %integer_pow3A_298 : f32 to vector<128x1xf32>
    %integer_pow3A_300 = arith.divf %integer_pow3A_299, %broadcast_in_dim3A_292 : vector<128x1xf32>
    %mul3A_301 = vector.broadcast %integer_pow3A_300 : vector<128x1xf32> to vector<128x64xf32>
    %mul3A_302 = arith.mulf %dot_general3A_297, %mul3A_301 : vector<128x64xf32>
    %slice3A_303 = vector.extract_strided_slice %mul3A_72 {offsets = [0, 704], sizes = [128, 64], strides = [1, 1]} : vector<128x768xf32> to vector<128x64xf32>
    %slice3A_304 = vector.extract_strided_slice %slice3A_73 {offsets = [0, 704], sizes = [128, 64], strides = [1, 1]} : vector<128x768xf32> to vector<128x64xf32>
    %convert_element_type3A_305 = arith.truncf %slice3A_303 : vector<128x64xf32> to vector<128x64xbf16>
    %convert_element_type3A_306 = arith.truncf %slice3A_304 : vector<128x64xf32> to vector<128x64xbf16>
    %dot_general3A_307 = arith.constant dense<0.000000e+00> : vector<128x128xf32>
    %dot_general3A_308 = tpu.matmul %convert_element_type3A_305, %convert_element_type3A_306, %dot_general3A_307 {dimension_numbers = #tpu.dot_dimension_numbers<[1], [1], [0], [0], [0, 0, 1, 0], [], []>, transpose_lhs_hint = false} : vector<128x64xbf16>, vector<128x64xbf16>, vector<128x128xf32> -> vector<128x128xf32>
    %exp3A_309 = math.exp %dot_general3A_308 : vector<128x128xf32>
    %mul3A_310 = arith.mulf %exp3A_309, %get3A_29 : vector<128x128xf32>
    %reduce_sum3A_311 = arith.constant dense<0.000000e+00> : vector<128xf32>
    %reduce_sum3A_312 = vector.multi_reduction <add>, %mul3A_310, %reduce_sum3A_311 [1] : vector<128x128xf32> to vector<128xf32>
    %broadcast_in_dim3A_313 = vector.shape_cast %reduce_sum3A_312 : vector<128xf32> to vector<128x1xf32>
    %slice3A_314 = vector.extract_strided_slice %slice3A_74 {offsets = [0, 704], sizes = [128, 64], strides = [1, 1]} : vector<128x768xf32> to vector<128x64xf32>
    %convert_element_type3A_315 = arith.truncf %mul3A_310 : vector<128x128xf32> to vector<128x128xbf16>
    %convert_element_type3A_316 = arith.truncf %slice3A_314 : vector<128x64xf32> to vector<128x64xbf16>
    %dot_general3A_317 = arith.constant dense<0.000000e+00> : vector<128x64xf32>
    %dot_general3A_318 = tpu.matmul %convert_element_type3A_315, %convert_element_type3A_316, %dot_general3A_317 {dimension_numbers = #tpu.dot_dimension_numbers<[1], [0], [0], [1], [0, 0, 1, 1], [], []>, transpose_lhs_hint = false} : vector<128x128xbf16>, vector<128x64xbf16>, vector<128x64xf32> -> vector<128x64xf32>
    %integer_pow3A_319 = arith.constant 1.000000e+00 : f32
    %integer_pow3A_320 = vector.broadcast %integer_pow3A_319 : f32 to vector<128x1xf32>
    %integer_pow3A_321 = arith.divf %integer_pow3A_320, %broadcast_in_dim3A_313 : vector<128x1xf32>
    %mul3A_322 = vector.broadcast %integer_pow3A_321 : vector<128x1xf32> to vector<128x64xf32>
    %mul3A_323 = arith.mulf %dot_general3A_318, %mul3A_322 : vector<128x64xf32>
    %concatenate3A = tpu.concatenate %mul3A_92, %mul3A_113, %mul3A_134, %mul3A_155, %mul3A_176, %mul3A_197, %mul3A_218, %mul3A_239, %mul3A_260, %mul3A_281, %mul3A_302, %mul3A_323 in 1 : vector<128x64xf32>, vector<128x64xf32>, vector<128x64xf32>, vector<128x64xf32>, vector<128x64xf32>, vector<128x64xf32>, vector<128x64xf32>, vector<128x64xf32>, vector<128x64xf32>, vector<128x64xf32>, vector<128x64xf32>, vector<128x64xf32> -> vector<128x768xf32>
    %convert_element_type3A_324 = arith.truncf %concatenate3A : vector<128x768xf32> to vector<128x768xbf16>
    %dot_general3A_325 = arith.constant dense<0.000000e+00> : vector<128x768xf32>
    %dot_general3A_326 = tpu.matmul %convert_element_type3A_324, %get3A_38, %dot_general3A_325 {dimension_numbers = #tpu.dot_dimension_numbers<[1], [0], [0], [1], [0, 0, 1, 1], [], []>, transpose_lhs_hint = false} : vector<128x768xbf16>, vector<768x768xbf16>, vector<128x768xf32> -> vector<128x768xf32>
    %add3A_327 = arith.addf %add3A_26, %dot_general3A_326 : vector<128x768xf32>
    %add3A_328 = vector.broadcast %get3A_41 : vector<1x768xf32> to vector<128x768xf32>
    %add3A_329 = arith.addf %add3A_327, %add3A_328 : vector<128x768xf32>
    %broadcast_in_dim3A_330 = arith.constant 0.00130208337 : f32
    %broadcast_in_dim3A_331 = vector.broadcast %broadcast_in_dim3A_330 : f32 to vector<768x1xf32>
    %dot_general3A_332 = arith.constant dense<0.000000e+00> : vector<128x1xf32>
    %dot_general3A_333 = tpu.matmul %add3A_329, %broadcast_in_dim3A_331, %dot_general3A_332 {dimension_numbers = #tpu.dot_dimension_numbers<[1], [0], [0], [1], [0, 0, 1, 1], [], []>, transpose_lhs_hint = false} : vector<128x768xf32>, vector<768x1xf32>, vector<128x1xf32> -> vector<128x1xf32>
    %mul3A_334 = arith.mulf %add3A_329, %add3A_329 : vector<128x768xf32>
    %dot_general3A_335 = arith.constant dense<0.000000e+00> : vector<128x1xf32>
    %dot_general3A_336 = tpu.matmul %mul3A_334, %broadcast_in_dim3A_331, %dot_general3A_335 {dimension_numbers = #tpu.dot_dimension_numbers<[1], [0], [0], [1], [0, 0, 1, 1], [], []>, transpose_lhs_hint = false} : vector<128x768xf32>, vector<768x1xf32>, vector<128x1xf32> -> vector<128x1xf32>
    %mul3A_337 = arith.mulf %dot_general3A_333, %dot_general3A_333 : vector<128x1xf32>
    %sub3A_338 = arith.subf %dot_general3A_336, %mul3A_337 : vector<128x1xf32>
    %add3A_339 = arith.constant 9.99999974E-6 : f32
    %add3A_340 = vector.broadcast %add3A_339 : f32 to vector<128x1xf32>
    %add3A_341 = arith.addf %sub3A_338, %add3A_340 : vector<128x1xf32>
    %rsqrt3A_342 = math.rsqrt %add3A_341 : vector<128x1xf32>
    %sub3A_343 = vector.broadcast %dot_general3A_333 : vector<128x1xf32> to vector<128x768xf32>
    %sub3A_344 = arith.subf %add3A_329, %sub3A_343 : vector<128x768xf32>
    %mul3A_345 = vector.broadcast %rsqrt3A_342 : vector<128x1xf32> to vector<128x768xf32>
    %mul3A_346 = arith.mulf %sub3A_344, %mul3A_345 : vector<128x768xf32>
    %mul3A_347 = vector.broadcast %get3A_56 : vector<1x768xf32> to vector<128x768xf32>
    %mul3A_348 = arith.mulf %mul3A_346, %mul3A_347 : vector<128x768xf32>
    %add3A_349 = vector.broadcast %get3A_59 : vector<1x768xf32> to vector<128x768xf32>
    %add3A_350 = arith.addf %mul3A_348, %add3A_349 : vector<128x768xf32>
    %convert_element_type3A_351 = arith.truncf %add3A_350 : vector<128x768xf32> to vector<128x768xbf16>
    %dot_general3A_352 = arith.constant dense<0.000000e+00> : vector<128x1024xf32>
    %dot_general3A_353 = tpu.matmul %convert_element_type3A_351, %get3A_44, %dot_general3A_352 {dimension_numbers = #tpu.dot_dimension_numbers<[1], [0], [0], [1], [0, 0, 1, 1], [], []>, transpose_lhs_hint = false} : vector<128x768xbf16>, vector<768x1024xbf16>, vector<128x1024xf32> -> vector<128x1024xf32>
    %add3A_354 = vector.broadcast %get3A_47 : vector<1x1024xf32> to vector<128x1024xf32>
    %add3A_355 = arith.addf %dot_general3A_353, %add3A_354 : vector<128x1024xf32>
    %integer_pow3A_356 = arith.mulf %add3A_355, %add3A_355 : vector<128x1024xf32>
    %integer_pow3A_357 = arith.mulf %add3A_355, %integer_pow3A_356 : vector<128x1024xf32>
    %mul3A_358 = arith.constant 4.471500e-02 : f32
    %mul3A_359 = vector.broadcast %mul3A_358 : f32 to vector<128x1024xf32>
    %mul3A_360 = arith.mulf %mul3A_359, %integer_pow3A_357 : vector<128x1024xf32>
    %add3A_361 = arith.addf %add3A_355, %mul3A_360 : vector<128x1024xf32>
    %mul3A_362 = arith.constant 0.797884583 : f32
    %mul3A_363 = vector.broadcast %mul3A_362 : f32 to vector<128x1024xf32>
    %mul3A_364 = arith.mulf %mul3A_363, %add3A_361 : vector<128x1024xf32>
    %tanh3A = math.tanh %mul3A_364 : vector<128x1024xf32>
    %add3A_365 = arith.constant 1.000000e+00 : f32
    %add3A_366 = vector.broadcast %add3A_365 : f32 to vector<128x1024xf32>
    %add3A_367 = arith.addf %add3A_366, %tanh3A : vector<128x1024xf32>
    %mul3A_368 = arith.constant 5.000000e-01 : f32
    %mul3A_369 = vector.broadcast %mul3A_368 : f32 to vector<128x1024xf32>
    %mul3A_370 = arith.mulf %mul3A_369, %add3A_367 : vector<128x1024xf32>
    %mul3A_371 = arith.mulf %add3A_355, %mul3A_370 : vector<128x1024xf32>
    %convert_element_type3A_372 = arith.truncf %mul3A_371 : vector<128x1024xf32> to vector<128x1024xbf16>
    %dot_general3A_373 = arith.constant dense<0.000000e+00> : vector<128x768xf32>
    %dot_general3A_374 = tpu.matmul %convert_element_type3A_372, %get3A_50, %dot_general3A_373 {dimension_numbers = #tpu.dot_dimension_numbers<[1], [0], [0], [1], [0, 0, 1, 1], [], []>, transpose_lhs_hint = false} : vector<128x1024xbf16>, vector<1024x768xbf16>, vector<128x768xf32> -> vector<128x768xf32>
    %add3A_375 = arith.addf %add3A_350, %dot_general3A_374 : vector<128x768xf32>
    %add3A_376 = vector.broadcast %get3A_53 : vector<1x768xf32> to vector<128x768xf32>
    %add3A_377 = arith.addf %add3A_375, %add3A_376 : vector<128x768xf32>
    %broadcast_in_dim3A_378 = arith.constant 0.00130208337 : f32
    %broadcast_in_dim3A_379 = vector.broadcast %broadcast_in_dim3A_378 : f32 to vector<768x1xf32>
    %dot_general3A_380 = arith.constant dense<0.000000e+00> : vector<128x1xf32>
    %dot_general3A_381 = tpu.matmul %add3A_377, %broadcast_in_dim3A_379, %dot_general3A_380 {dimension_numbers = #tpu.dot_dimension_numbers<[1], [0], [0], [1], [0, 0, 1, 1], [], []>, transpose_lhs_hint = false} : vector<128x768xf32>, vector<768x1xf32>, vector<128x1xf32> -> vector<128x1xf32>
    %mul3A_382 = arith.mulf %add3A_377, %add3A_377 : vector<128x768xf32>
    %dot_general3A_383 = arith.constant dense<0.000000e+00> : vector<128x1xf32>
    %dot_general3A_384 = tpu.matmul %mul3A_382, %broadcast_in_dim3A_379, %dot_general3A_383 {dimension_numbers = #tpu.dot_dimension_numbers<[1], [0], [0], [1], [0, 0, 1, 1], [], []>, transpose_lhs_hint = false} : vector<128x768xf32>, vector<768x1xf32>, vector<128x1xf32> -> vector<128x1xf32>
    %mul3A_385 = arith.mulf %dot_general3A_381, %dot_general3A_381 : vector<128x1xf32>
    %sub3A_386 = arith.subf %dot_general3A_384, %mul3A_385 : vector<128x1xf32>
    %add3A_387 = arith.constant 9.99999974E-6 : f32
    %add3A_388 = vector.broadcast %add3A_387 : f32 to vector<128x1xf32>
    %add3A_389 = arith.addf %sub3A_386, %add3A_388 : vector<128x1xf32>
    %rsqrt3A_390 = math.rsqrt %add3A_389 : vector<128x1xf32>
    %sub3A_391 = vector.broadcast %dot_general3A_381 : vector<128x1xf32> to vector<128x768xf32>
    %sub3A_392 = arith.subf %add3A_377, %sub3A_391 : vector<128x768xf32>
    %mul3A_393 = vector.broadcast %rsqrt3A_390 : vector<128x1xf32> to vector<128x768xf32>
    %mul3A_394 = arith.mulf %sub3A_392, %mul3A_393 : vector<128x768xf32>
    %mul3A_395 = vector.broadcast %get3A_62 : vector<1x768xf32> to vector<128x768xf32>
    %mul3A_396 = arith.mulf %mul3A_394, %mul3A_395 : vector<128x768xf32>
    %add3A_397 = vector.broadcast %get3A_65 : vector<1x768xf32> to vector<128x768xf32>
    %add3A_398 = arith.addf %mul3A_396, %add3A_397 : vector<128x768xf32>
    %get3A_399 = arith.constant 0 : index
    %get3A_400 = arith.constant 0 : index
    %get3A_401 = vector.load %arg3[%get3A_399, %get3A_400] : memref<128x128xf32, #tpu.memory_space<vmem>>, vector<128x128xf32>
    %get3A_402 = arith.constant 0 : index
    %get3A_403 = arith.constant 0 : index
    %get3A_404 = vector.load %arg19[%get3A_402, %get3A_403] : memref<768x2304xbf16, #tpu.memory_space<vmem>>, vector<768x2304xbf16>
    %get3A_405 = arith.constant 0 : index
    %get3A_406 = arith.constant 0 : index
    %get3A_407 = vector.load %arg20[%get3A_405, %get3A_406] : memref<1x2304xf32, #tpu.memory_space<vmem>>, vector<1x2304xf32>
    %get3A_408 = arith.constant 0 : index
    %get3A_409 = arith.constant 0 : index
    %get3A_410 = vector.load %arg21[%get3A_408, %get3A_409] : memref<768x768xbf16, #tpu.memory_space<vmem>>, vector<768x768xbf16>
    %get3A_411 = arith.constant 0 : index
    %get3A_412 = arith.constant 0 : index
    %get3A_413 = vector.load %arg22[%get3A_411, %get3A_412] : memref<1x768xf32, #tpu.memory_space<vmem>>, vector<1x768xf32>
    %get3A_414 = arith.constant 0 : index
    %get3A_415 = arith.constant 0 : index
    %get3A_416 = vector.load %arg23[%get3A_414, %get3A_415] : memref<768x1024xbf16, #tpu.memory_space<vmem>>, vector<768x1024xbf16>
    %get3A_417 = arith.constant 0 : index
    %get3A_418 = arith.constant 0 : index
    %get3A_419 = vector.load %arg24[%get3A_417, %get3A_418] : memref<1x1024xf32, #tpu.memory_space<vmem>>, vector<1x1024xf32>
    %get3A_420 = arith.constant 0 : index
    %get3A_421 = arith.constant 0 : index
    %get3A_422 = vector.load %arg25[%get3A_420, %get3A_421] : memref<1024x768xbf16, #tpu.memory_space<vmem>>, vector<1024x768xbf16>
    %get3A_423 = arith.constant 0 : index
    %get3A_424 = arith.constant 0 : index
    %get3A_425 = vector.load %arg26[%get3A_423, %get3A_424] : memref<1x768xf32, #tpu.memory_space<vmem>>, vector<1x768xf32>
    %get3A_426 = arith.constant 0 : index
    %get3A_427 = arith.constant 0 : index
    %get3A_428 = vector.load %arg27[%get3A_426, %get3A_427] : memref<1x768xf32, #tpu.memory_space<vmem>>, vector<1x768xf32>
    %get3A_429 = arith.constant 0 : index
    %get3A_430 = arith.constant 0 : index
    %get3A_431 = vector.load %arg28[%get3A_429, %get3A_430] : memref<1x768xf32, #tpu.memory_space<vmem>>, vector<1x768xf32>
    %get3A_432 = arith.constant 0 : index
    %get3A_433 = arith.constant 0 : index
    %get3A_434 = vector.load %arg29[%get3A_432, %get3A_433] : memref<1x768xf32, #tpu.memory_space<vmem>>, vector<1x768xf32>
    %get3A_435 = arith.constant 0 : index
    %get3A_436 = arith.constant 0 : index
    %get3A_437 = vector.load %arg30[%get3A_435, %get3A_436] : memref<1x768xf32, #tpu.memory_space<vmem>>, vector<1x768xf32>
    %convert_element_type3A_438 = arith.truncf %add3A_398 : vector<128x768xf32> to vector<128x768xbf16>
    %dot_general3A_439 = arith.constant dense<0.000000e+00> : vector<128x2304xf32>
    %dot_general3A_440 = tpu.matmul %convert_element_type3A_438, %get3A_404, %dot_general3A_439 {dimension_numbers = #tpu.dot_dimension_numbers<[1], [0], [0], [1], [0, 0, 1, 1], [], []>, transpose_lhs_hint = false} : vector<128x768xbf16>, vector<768x2304xbf16>, vector<128x2304xf32> -> vector<128x2304xf32>
    %add3A_441 = vector.broadcast %get3A_407 : vector<1x2304xf32> to vector<128x2304xf32>
    %add3A_442 = arith.addf %dot_general3A_440, %add3A_441 : vector<128x2304xf32>
    %slice3A_443 = vector.extract_strided_slice %add3A_442 {offsets = [0, 0], sizes = [128, 768], strides = [1, 1]} : vector<128x2304xf32> to vector<128x768xf32>
    %mul3A_444 = arith.constant 1.250000e-01 : f32
    %mul3A_445 = vector.broadcast %mul3A_444 : f32 to vector<128x768xf32>
    %mul3A_446 = arith.mulf %slice3A_443, %mul3A_445 : vector<128x768xf32>
    %slice3A_447 = vector.extract_strided_slice %add3A_442 {offsets = [0, 768], sizes = [128, 768], strides = [1, 1]} : vector<128x2304xf32> to vector<128x768xf32>
    %slice3A_448 = vector.extract_strided_slice %add3A_442 {offsets = [0, 1536], sizes = [128, 768], strides = [1, 1]} : vector<128x2304xf32> to vector<128x768xf32>
    %slice3A_449 = vector.extract_strided_slice %mul3A_446 {offsets = [0, 0], sizes = [128, 64], strides = [1, 1]} : vector<128x768xf32> to vector<128x64xf32>
    %slice3A_450 = vector.extract_strided_slice %slice3A_447 {offsets = [0, 0], sizes = [128, 64], strides = [1, 1]} : vector<128x768xf32> to vector<128x64xf32>
    %convert_element_type3A_451 = arith.truncf %slice3A_449 : vector<128x64xf32> to vector<128x64xbf16>
    %convert_element_type3A_452 = arith.truncf %slice3A_450 : vector<128x64xf32> to vector<128x64xbf16>
    %dot_general3A_453 = arith.constant dense<0.000000e+00> : vector<128x128xf32>
    %dot_general3A_454 = tpu.matmul %convert_element_type3A_451, %convert_element_type3A_452, %dot_general3A_453 {dimension_numbers = #tpu.dot_dimension_numbers<[1], [1], [0], [0], [0, 0, 1, 0], [], []>, transpose_lhs_hint = false} : vector<128x64xbf16>, vector<128x64xbf16>, vector<128x128xf32> -> vector<128x128xf32>
    %exp3A_455 = math.exp %dot_general3A_454 : vector<128x128xf32>
    %mul3A_456 = arith.mulf %exp3A_455, %get3A_401 : vector<128x128xf32>
    %reduce_sum3A_457 = arith.constant dense<0.000000e+00> : vector<128xf32>
    %reduce_sum3A_458 = vector.multi_reduction <add>, %mul3A_456, %reduce_sum3A_457 [1] : vector<128x128xf32> to vector<128xf32>
    %broadcast_in_dim3A_459 = vector.shape_cast %reduce_sum3A_458 : vector<128xf32> to vector<128x1xf32>
    %slice3A_460 = vector.extract_strided_slice %slice3A_448 {offsets = [0, 0], sizes = [128, 64], strides = [1, 1]} : vector<128x768xf32> to vector<128x64xf32>
    %convert_element_type3A_461 = arith.truncf %mul3A_456 : vector<128x128xf32> to vector<128x128xbf16>
    %convert_element_type3A_462 = arith.truncf %slice3A_460 : vector<128x64xf32> to vector<128x64xbf16>
    %dot_general3A_463 = arith.constant dense<0.000000e+00> : vector<128x64xf32>
    %dot_general3A_464 = tpu.matmul %convert_element_type3A_461, %convert_element_type3A_462, %dot_general3A_463 {dimension_numbers = #tpu.dot_dimension_numbers<[1], [0], [0], [1], [0, 0, 1, 1], [], []>, transpose_lhs_hint = false} : vector<128x128xbf16>, vector<128x64xbf16>, vector<128x64xf32> -> vector<128x64xf32>
    %integer_pow3A_465 = arith.constant 1.000000e+00 : f32
    %integer_pow3A_466 = vector.broadcast %integer_pow3A_465 : f32 to vector<128x1xf32>
    %integer_pow3A_467 = arith.divf %integer_pow3A_466, %broadcast_in_dim3A_459 : vector<128x1xf32>
    %mul3A_468 = vector.broadcast %integer_pow3A_467 : vector<128x1xf32> to vector<128x64xf32>
    %mul3A_469 = arith.mulf %dot_general3A_464, %mul3A_468 : vector<128x64xf32>
    %slice3A_470 = vector.extract_strided_slice %mul3A_446 {offsets = [0, 64], sizes = [128, 64], strides = [1, 1]} : vector<128x768xf32> to vector<128x64xf32>
    %slice3A_471 = vector.extract_strided_slice %slice3A_447 {offsets = [0, 64], sizes = [128, 64], strides = [1, 1]} : vector<128x768xf32> to vector<128x64xf32>
    %convert_element_type3A_472 = arith.truncf %slice3A_470 : vector<128x64xf32> to vector<128x64xbf16>
    %convert_element_type3A_473 = arith.truncf %slice3A_471 : vector<128x64xf32> to vector<128x64xbf16>
    %dot_general3A_474 = arith.constant dense<0.000000e+00> : vector<128x128xf32>
    %dot_general3A_475 = tpu.matmul %convert_element_type3A_472, %convert_element_type3A_473, %dot_general3A_474 {dimension_numbers = #tpu.dot_dimension_numbers<[1], [1], [0], [0], [0, 0, 1, 0], [], []>, transpose_lhs_hint = false} : vector<128x64xbf16>, vector<128x64xbf16>, vector<128x128xf32> -> vector<128x128xf32>
    %exp3A_476 = math.exp %dot_general3A_475 : vector<128x128xf32>
    %mul3A_477 = arith.mulf %exp3A_476, %get3A_401 : vector<128x128xf32>
    %reduce_sum3A_478 = arith.constant dense<0.000000e+00> : vector<128xf32>
    %reduce_sum3A_479 = vector.multi_reduction <add>, %mul3A_477, %reduce_sum3A_478 [1] : vector<128x128xf32> to vector<128xf32>
    %broadcast_in_dim3A_480 = vector.shape_cast %reduce_sum3A_479 : vector<128xf32> to vector<128x1xf32>
    %slice3A_481 = vector.extract_strided_slice %slice3A_448 {offsets = [0, 64], sizes = [128, 64], strides = [1, 1]} : vector<128x768xf32> to vector<128x64xf32>
    %convert_element_type3A_482 = arith.truncf %mul3A_477 : vector<128x128xf32> to vector<128x128xbf16>
    %convert_element_type3A_483 = arith.truncf %slice3A_481 : vector<128x64xf32> to vector<128x64xbf16>
    %dot_general3A_484 = arith.constant dense<0.000000e+00> : vector<128x64xf32>
    %dot_general3A_485 = tpu.matmul %convert_element_type3A_482, %convert_element_type3A_483, %dot_general3A_484 {dimension_numbers = #tpu.dot_dimension_numbers<[1], [0], [0], [1], [0, 0, 1, 1], [], []>, transpose_lhs_hint = false} : vector<128x128xbf16>, vector<128x64xbf16>, vector<128x64xf32> -> vector<128x64xf32>
    %integer_pow3A_486 = arith.constant 1.000000e+00 : f32
    %integer_pow3A_487 = vector.broadcast %integer_pow3A_486 : f32 to vector<128x1xf32>
    %integer_pow3A_488 = arith.divf %integer_pow3A_487, %broadcast_in_dim3A_480 : vector<128x1xf32>
    %mul3A_489 = vector.broadcast %integer_pow3A_488 : vector<128x1xf32> to vector<128x64xf32>
    %mul3A_490 = arith.mulf %dot_general3A_485, %mul3A_489 : vector<128x64xf32>
    %slice3A_491 = vector.extract_strided_slice %mul3A_446 {offsets = [0, 128], sizes = [128, 64], strides = [1, 1]} : vector<128x768xf32> to vector<128x64xf32>
    %slice3A_492 = vector.extract_strided_slice %slice3A_447 {offsets = [0, 128], sizes = [128, 64], strides = [1, 1]} : vector<128x768xf32> to vector<128x64xf32>
    %convert_element_type3A_493 = arith.truncf %slice3A_491 : vector<128x64xf32> to vector<128x64xbf16>
    %convert_element_type3A_494 = arith.truncf %slice3A_492 : vector<128x64xf32> to vector<128x64xbf16>
    %dot_general3A_495 = arith.constant dense<0.000000e+00> : vector<128x128xf32>
    %dot_general3A_496 = tpu.matmul %convert_element_type3A_493, %convert_element_type3A_494, %dot_general3A_495 {dimension_numbers = #tpu.dot_dimension_numbers<[1], [1], [0], [0], [0, 0, 1, 0], [], []>, transpose_lhs_hint = false} : vector<128x64xbf16>, vector<128x64xbf16>, vector<128x128xf32> -> vector<128x128xf32>
    %exp3A_497 = math.exp %dot_general3A_496 : vector<128x128xf32>
    %mul3A_498 = arith.mulf %exp3A_497, %get3A_401 : vector<128x128xf32>
    %reduce_sum3A_499 = arith.constant dense<0.000000e+00> : vector<128xf32>
    %reduce_sum3A_500 = vector.multi_reduction <add>, %mul3A_498, %reduce_sum3A_499 [1] : vector<128x128xf32> to vector<128xf32>
    %broadcast_in_dim3A_501 = vector.shape_cast %reduce_sum3A_500 : vector<128xf32> to vector<128x1xf32>
    %slice3A_502 = vector.extract_strided_slice %slice3A_448 {offsets = [0, 128], sizes = [128, 64], strides = [1, 1]} : vector<128x768xf32> to vector<128x64xf32>
    %convert_element_type3A_503 = arith.truncf %mul3A_498 : vector<128x128xf32> to vector<128x128xbf16>
    %convert_element_type3A_504 = arith.truncf %slice3A_502 : vector<128x64xf32> to vector<128x64xbf16>
    %dot_general3A_505 = arith.constant dense<0.000000e+00> : vector<128x64xf32>
    %dot_general3A_506 = tpu.matmul %convert_element_type3A_503, %convert_element_type3A_504, %dot_general3A_505 {dimension_numbers = #tpu.dot_dimension_numbers<[1], [0], [0], [1], [0, 0, 1, 1], [], []>, transpose_lhs_hint = false} : vector<128x128xbf16>, vector<128x64xbf16>, vector<128x64xf32> -> vector<128x64xf32>
    %integer_pow3A_507 = arith.constant 1.000000e+00 : f32
    %integer_pow3A_508 = vector.broadcast %integer_pow3A_507 : f32 to vector<128x1xf32>
    %integer_pow3A_509 = arith.divf %integer_pow3A_508, %broadcast_in_dim3A_501 : vector<128x1xf32>
    %mul3A_510 = vector.broadcast %integer_pow3A_509 : vector<128x1xf32> to vector<128x64xf32>
    %mul3A_511 = arith.mulf %dot_general3A_506, %mul3A_510 : vector<128x64xf32>
    %slice3A_512 = vector.extract_strided_slice %mul3A_446 {offsets = [0, 192], sizes = [128, 64], strides = [1, 1]} : vector<128x768xf32> to vector<128x64xf32>
    %slice3A_513 = vector.extract_strided_slice %slice3A_447 {offsets = [0, 192], sizes = [128, 64], strides = [1, 1]} : vector<128x768xf32> to vector<128x64xf32>
    %convert_element_type3A_514 = arith.truncf %slice3A_512 : vector<128x64xf32> to vector<128x64xbf16>
    %convert_element_type3A_515 = arith.truncf %slice3A_513 : vector<128x64xf32> to vector<128x64xbf16>
    %dot_general3A_516 = arith.constant dense<0.000000e+00> : vector<128x128xf32>
    %dot_general3A_517 = tpu.matmul %convert_element_type3A_514, %convert_element_type3A_515, %dot_general3A_516 {dimension_numbers = #tpu.dot_dimension_numbers<[1], [1], [0], [0], [0, 0, 1, 0], [], []>, transpose_lhs_hint = false} : vector<128x64xbf16>, vector<128x64xbf16>, vector<128x128xf32> -> vector<128x128xf32>
    %exp3A_518 = math.exp %dot_general3A_517 : vector<128x128xf32>
    %mul3A_519 = arith.mulf %exp3A_518, %get3A_401 : vector<128x128xf32>
    %reduce_sum3A_520 = arith.constant dense<0.000000e+00> : vector<128xf32>
    %reduce_sum3A_521 = vector.multi_reduction <add>, %mul3A_519, %reduce_sum3A_520 [1] : vector<128x128xf32> to vector<128xf32>
    %broadcast_in_dim3A_522 = vector.shape_cast %reduce_sum3A_521 : vector<128xf32> to vector<128x1xf32>
    %slice3A_523 = vector.extract_strided_slice %slice3A_448 {offsets = [0, 192], sizes = [128, 64], strides = [1, 1]} : vector<128x768xf32> to vector<128x64xf32>
    %convert_element_type3A_524 = arith.truncf %mul3A_519 : vector<128x128xf32> to vector<128x128xbf16>
    %convert_element_type3A_525 = arith.truncf %slice3A_523 : vector<128x64xf32> to vector<128x64xbf16>
    %dot_general3A_526 = arith.constant dense<0.000000e+00> : vector<128x64xf32>
    %dot_general3A_527 = tpu.matmul %convert_element_type3A_524, %convert_element_type3A_525, %dot_general3A_526 {dimension_numbers = #tpu.dot_dimension_numbers<[1], [0], [0], [1], [0, 0, 1, 1], [], []>, transpose_lhs_hint = false} : vector<128x128xbf16>, vector<128x64xbf16>, vector<128x64xf32> -> vector<128x64xf32>
    %integer_pow3A_528 = arith.constant 1.000000e+00 : f32
    %integer_pow3A_529 = vector.broadcast %integer_pow3A_528 : f32 to vector<128x1xf32>
    %integer_pow3A_530 = arith.divf %integer_pow3A_529, %broadcast_in_dim3A_522 : vector<128x1xf32>
    %mul3A_531 = vector.broadcast %integer_pow3A_530 : vector<128x1xf32> to vector<128x64xf32>
    %mul3A_532 = arith.mulf %dot_general3A_527, %mul3A_531 : vector<128x64xf32>
    %slice3A_533 = vector.extract_strided_slice %mul3A_446 {offsets = [0, 256], sizes = [128, 64], strides = [1, 1]} : vector<128x768xf32> to vector<128x64xf32>
    %slice3A_534 = vector.extract_strided_slice %slice3A_447 {offsets = [0, 256], sizes = [128, 64], strides = [1, 1]} : vector<128x768xf32> to vector<128x64xf32>
    %convert_element_type3A_535 = arith.truncf %slice3A_533 : vector<128x64xf32> to vector<128x64xbf16>
    %convert_element_type3A_536 = arith.truncf %slice3A_534 : vector<128x64xf32> to vector<128x64xbf16>
    %dot_general3A_537 = arith.constant dense<0.000000e+00> : vector<128x128xf32>
    %dot_general3A_538 = tpu.matmul %convert_element_type3A_535, %convert_element_type3A_536, %dot_general3A_537 {dimension_numbers = #tpu.dot_dimension_numbers<[1], [1], [0], [0], [0, 0, 1, 0], [], []>, transpose_lhs_hint = false} : vector<128x64xbf16>, vector<128x64xbf16>, vector<128x128xf32> -> vector<128x128xf32>
    %exp3A_539 = math.exp %dot_general3A_538 : vector<128x128xf32>
    %mul3A_540 = arith.mulf %exp3A_539, %get3A_401 : vector<128x128xf32>
    %reduce_sum3A_541 = arith.constant dense<0.000000e+00> : vector<128xf32>
    %reduce_sum3A_542 = vector.multi_reduction <add>, %mul3A_540, %reduce_sum3A_541 [1] : vector<128x128xf32> to vector<128xf32>
    %broadcast_in_dim3A_543 = vector.shape_cast %reduce_sum3A_542 : vector<128xf32> to vector<128x1xf32>
    %slice3A_544 = vector.extract_strided_slice %slice3A_448 {offsets = [0, 256], sizes = [128, 64], strides = [1, 1]} : vector<128x768xf32> to vector<128x64xf32>
    %convert_element_type3A_545 = arith.truncf %mul3A_540 : vector<128x128xf32> to vector<128x128xbf16>
    %convert_element_type3A_546 = arith.truncf %slice3A_544 : vector<128x64xf32> to vector<128x64xbf16>
    %dot_general3A_547 = arith.constant dense<0.000000e+00> : vector<128x64xf32>
    %dot_general3A_548 = tpu.matmul %convert_element_type3A_545, %convert_element_type3A_546, %dot_general3A_547 {dimension_numbers = #tpu.dot_dimension_numbers<[1], [0], [0], [1], [0, 0, 1, 1], [], []>, transpose_lhs_hint = false} : vector<128x128xbf16>, vector<128x64xbf16>, vector<128x64xf32> -> vector<128x64xf32>
    %integer_pow3A_549 = arith.constant 1.000000e+00 : f32
    %integer_pow3A_550 = vector.broadcast %integer_pow3A_549 : f32 to vector<128x1xf32>
    %integer_pow3A_551 = arith.divf %integer_pow3A_550, %broadcast_in_dim3A_543 : vector<128x1xf32>
    %mul3A_552 = vector.broadcast %integer_pow3A_551 : vector<128x1xf32> to vector<128x64xf32>
    %mul3A_553 = arith.mulf %dot_general3A_548, %mul3A_552 : vector<128x64xf32>
    %slice3A_554 = vector.extract_strided_slice %mul3A_446 {offsets = [0, 320], sizes = [128, 64], strides = [1, 1]} : vector<128x768xf32> to vector<128x64xf32>
    %slice3A_555 = vector.extract_strided_slice %slice3A_447 {offsets = [0, 320], sizes = [128, 64], strides = [1, 1]} : vector<128x768xf32> to vector<128x64xf32>
    %convert_element_type3A_556 = arith.truncf %slice3A_554 : vector<128x64xf32> to vector<128x64xbf16>
    %convert_element_type3A_557 = arith.truncf %slice3A_555 : vector<128x64xf32> to vector<128x64xbf16>
    %dot_general3A_558 = arith.constant dense<0.000000e+00> : vector<128x128xf32>
    %dot_general3A_559 = tpu.matmul %convert_element_type3A_556, %convert_element_type3A_557, %dot_general3A_558 {dimension_numbers = #tpu.dot_dimension_numbers<[1], [1], [0], [0], [0, 0, 1, 0], [], []>, transpose_lhs_hint = false} : vector<128x64xbf16>, vector<128x64xbf16>, vector<128x128xf32> -> vector<128x128xf32>
    %exp3A_560 = math.exp %dot_general3A_559 : vector<128x128xf32>
    %mul3A_561 = arith.mulf %exp3A_560, %get3A_401 : vector<128x128xf32>
    %reduce_sum3A_562 = arith.constant dense<0.000000e+00> : vector<128xf32>
    %reduce_sum3A_563 = vector.multi_reduction <add>, %mul3A_561, %reduce_sum3A_562 [1] : vector<128x128xf32> to vector<128xf32>
    %broadcast_in_dim3A_564 = vector.shape_cast %reduce_sum3A_563 : vector<128xf32> to vector<128x1xf32>
    %slice3A_565 = vector.extract_strided_slice %slice3A_448 {offsets = [0, 320], sizes = [128, 64], strides = [1, 1]} : vector<128x768xf32> to vector<128x64xf32>
    %convert_element_type3A_566 = arith.truncf %mul3A_561 : vector<128x128xf32> to vector<128x128xbf16>
    %convert_element_type3A_567 = arith.truncf %slice3A_565 : vector<128x64xf32> to vector<128x64xbf16>
    %dot_general3A_568 = arith.constant dense<0.000000e+00> : vector<128x64xf32>
    %dot_general3A_569 = tpu.matmul %convert_element_type3A_566, %convert_element_type3A_567, %dot_general3A_568 {dimension_numbers = #tpu.dot_dimension_numbers<[1], [0], [0], [1], [0, 0, 1, 1], [], []>, transpose_lhs_hint = false} : vector<128x128xbf16>, vector<128x64xbf16>, vector<128x64xf32> -> vector<128x64xf32>
    %integer_pow3A_570 = arith.constant 1.000000e+00 : f32
    %integer_pow3A_571 = vector.broadcast %integer_pow3A_570 : f32 to vector<128x1xf32>
    %integer_pow3A_572 = arith.divf %integer_pow3A_571, %broadcast_in_dim3A_564 : vector<128x1xf32>
    %mul3A_573 = vector.broadcast %integer_pow3A_572 : vector<128x1xf32> to vector<128x64xf32>
    %mul3A_574 = arith.mulf %dot_general3A_569, %mul3A_573 : vector<128x64xf32>
    %slice3A_575 = vector.extract_strided_slice %mul3A_446 {offsets = [0, 384], sizes = [128, 64], strides = [1, 1]} : vector<128x768xf32> to vector<128x64xf32>
    %slice3A_576 = vector.extract_strided_slice %slice3A_447 {offsets = [0, 384], sizes = [128, 64], strides = [1, 1]} : vector<128x768xf32> to vector<128x64xf32>
    %convert_element_type3A_577 = arith.truncf %slice3A_575 : vector<128x64xf32> to vector<128x64xbf16>
    %convert_element_type3A_578 = arith.truncf %slice3A_576 : vector<128x64xf32> to vector<128x64xbf16>
    %dot_general3A_579 = arith.constant dense<0.000000e+00> : vector<128x128xf32>
    %dot_general3A_580 = tpu.matmul %convert_element_type3A_577, %convert_element_type3A_578, %dot_general3A_579 {dimension_numbers = #tpu.dot_dimension_numbers<[1], [1], [0], [0], [0, 0, 1, 0], [], []>, transpose_lhs_hint = false} : vector<128x64xbf16>, vector<128x64xbf16>, vector<128x128xf32> -> vector<128x128xf32>
    %exp3A_581 = math.exp %dot_general3A_580 : vector<128x128xf32>
    %mul3A_582 = arith.mulf %exp3A_581, %get3A_401 : vector<128x128xf32>
    %reduce_sum3A_583 = arith.constant dense<0.000000e+00> : vector<128xf32>
    %reduce_sum3A_584 = vector.multi_reduction <add>, %mul3A_582, %reduce_sum3A_583 [1] : vector<128x128xf32> to vector<128xf32>
    %broadcast_in_dim3A_585 = vector.shape_cast %reduce_sum3A_584 : vector<128xf32> to vector<128x1xf32>
    %slice3A_586 = vector.extract_strided_slice %slice3A_448 {offsets = [0, 384], sizes = [128, 64], strides = [1, 1]} : vector<128x768xf32> to vector<128x64xf32>
    %convert_element_type3A_587 = arith.truncf %mul3A_582 : vector<128x128xf32> to vector<128x128xbf16>
    %convert_element_type3A_588 = arith.truncf %slice3A_586 : vector<128x64xf32> to vector<128x64xbf16>
    %dot_general3A_589 = arith.constant dense<0.000000e+00> : vector<128x64xf32>
    %dot_general3A_590 = tpu.matmul %convert_element_type3A_587, %convert_element_type3A_588, %dot_general3A_589 {dimension_numbers = #tpu.dot_dimension_numbers<[1], [0], [0], [1], [0, 0, 1, 1], [], []>, transpose_lhs_hint = false} : vector<128x128xbf16>, vector<128x64xbf16>, vector<128x64xf32> -> vector<128x64xf32>
    %integer_pow3A_591 = arith.constant 1.000000e+00 : f32
    %integer_pow3A_592 = vector.broadcast %integer_pow3A_591 : f32 to vector<128x1xf32>
    %integer_pow3A_593 = arith.divf %integer_pow3A_592, %broadcast_in_dim3A_585 : vector<128x1xf32>
    %mul3A_594 = vector.broadcast %integer_pow3A_593 : vector<128x1xf32> to vector<128x64xf32>
    %mul3A_595 = arith.mulf %dot_general3A_590, %mul3A_594 : vector<128x64xf32>
    %slice3A_596 = vector.extract_strided_slice %mul3A_446 {offsets = [0, 448], sizes = [128, 64], strides = [1, 1]} : vector<128x768xf32> to vector<128x64xf32>
    %slice3A_597 = vector.extract_strided_slice %slice3A_447 {offsets = [0, 448], sizes = [128, 64], strides = [1, 1]} : vector<128x768xf32> to vector<128x64xf32>
    %convert_element_type3A_598 = arith.truncf %slice3A_596 : vector<128x64xf32> to vector<128x64xbf16>
    %convert_element_type3A_599 = arith.truncf %slice3A_597 : vector<128x64xf32> to vector<128x64xbf16>
    %dot_general3A_600 = arith.constant dense<0.000000e+00> : vector<128x128xf32>
    %dot_general3A_601 = tpu.matmul %convert_element_type3A_598, %convert_element_type3A_599, %dot_general3A_600 {dimension_numbers = #tpu.dot_dimension_numbers<[1], [1], [0], [0], [0, 0, 1, 0], [], []>, transpose_lhs_hint = false} : vector<128x64xbf16>, vector<128x64xbf16>, vector<128x128xf32> -> vector<128x128xf32>
    %exp3A_602 = math.exp %dot_general3A_601 : vector<128x128xf32>
    %mul3A_603 = arith.mulf %exp3A_602, %get3A_401 : vector<128x128xf32>
    %reduce_sum3A_604 = arith.constant dense<0.000000e+00> : vector<128xf32>
    %reduce_sum3A_605 = vector.multi_reduction <add>, %mul3A_603, %reduce_sum3A_604 [1] : vector<128x128xf32> to vector<128xf32>
    %broadcast_in_dim3A_606 = vector.shape_cast %reduce_sum3A_605 : vector<128xf32> to vector<128x1xf32>
    %slice3A_607 = vector.extract_strided_slice %slice3A_448 {offsets = [0, 448], sizes = [128, 64], strides = [1, 1]} : vector<128x768xf32> to vector<128x64xf32>
    %convert_element_type3A_608 = arith.truncf %mul3A_603 : vector<128x128xf32> to vector<128x128xbf16>
    %convert_element_type3A_609 = arith.truncf %slice3A_607 : vector<128x64xf32> to vector<128x64xbf16>
    %dot_general3A_610 = arith.constant dense<0.000000e+00> : vector<128x64xf32>
    %dot_general3A_611 = tpu.matmul %convert_element_type3A_608, %convert_element_type3A_609, %dot_general3A_610 {dimension_numbers = #tpu.dot_dimension_numbers<[1], [0], [0], [1], [0, 0, 1, 1], [], []>, transpose_lhs_hint = false} : vector<128x128xbf16>, vector<128x64xbf16>, vector<128x64xf32> -> vector<128x64xf32>
    %integer_pow3A_612 = arith.constant 1.000000e+00 : f32
    %integer_pow3A_613 = vector.broadcast %integer_pow3A_612 : f32 to vector<128x1xf32>
    %integer_pow3A_614 = arith.divf %integer_pow3A_613, %broadcast_in_dim3A_606 : vector<128x1xf32>
    %mul3A_615 = vector.broadcast %integer_pow3A_614 : vector<128x1xf32> to vector<128x64xf32>
    %mul3A_616 = arith.mulf %dot_general3A_611, %mul3A_615 : vector<128x64xf32>
    %slice3A_617 = vector.extract_strided_slice %mul3A_446 {offsets = [0, 512], sizes = [128, 64], strides = [1, 1]} : vector<128x768xf32> to vector<128x64xf32>
    %slice3A_618 = vector.extract_strided_slice %slice3A_447 {offsets = [0, 512], sizes = [128, 64], strides = [1, 1]} : vector<128x768xf32> to vector<128x64xf32>
    %convert_element_type3A_619 = arith.truncf %slice3A_617 : vector<128x64xf32> to vector<128x64xbf16>
    %convert_element_type3A_620 = arith.truncf %slice3A_618 : vector<128x64xf32> to vector<128x64xbf16>
    %dot_general3A_621 = arith.constant dense<0.000000e+00> : vector<128x128xf32>
    %dot_general3A_622 = tpu.matmul %convert_element_type3A_619, %convert_element_type3A_620, %dot_general3A_621 {dimension_numbers = #tpu.dot_dimension_numbers<[1], [1], [0], [0], [0, 0, 1, 0], [], []>, transpose_lhs_hint = false} : vector<128x64xbf16>, vector<128x64xbf16>, vector<128x128xf32> -> vector<128x128xf32>
    %exp3A_623 = math.exp %dot_general3A_622 : vector<128x128xf32>
    %mul3A_624 = arith.mulf %exp3A_623, %get3A_401 : vector<128x128xf32>
    %reduce_sum3A_625 = arith.constant dense<0.000000e+00> : vector<128xf32>
    %reduce_sum3A_626 = vector.multi_reduction <add>, %mul3A_624, %reduce_sum3A_625 [1] : vector<128x128xf32> to vector<128xf32>
    %broadcast_in_dim3A_627 = vector.shape_cast %reduce_sum3A_626 : vector<128xf32> to vector<128x1xf32>
    %slice3A_628 = vector.extract_strided_slice %slice3A_448 {offsets = [0, 512], sizes = [128, 64], strides = [1, 1]} : vector<128x768xf32> to vector<128x64xf32>
    %convert_element_type3A_629 = arith.truncf %mul3A_624 : vector<128x128xf32> to vector<128x128xbf16>
    %convert_element_type3A_630 = arith.truncf %slice3A_628 : vector<128x64xf32> to vector<128x64xbf16>
    %dot_general3A_631 = arith.constant dense<0.000000e+00> : vector<128x64xf32>
    %dot_general3A_632 = tpu.matmul %convert_element_type3A_629, %convert_element_type3A_630, %dot_general3A_631 {dimension_numbers = #tpu.dot_dimension_numbers<[1], [0], [0], [1], [0, 0, 1, 1], [], []>, transpose_lhs_hint = false} : vector<128x128xbf16>, vector<128x64xbf16>, vector<128x64xf32> -> vector<128x64xf32>
    %integer_pow3A_633 = arith.constant 1.000000e+00 : f32
    %integer_pow3A_634 = vector.broadcast %integer_pow3A_633 : f32 to vector<128x1xf32>
    %integer_pow3A_635 = arith.divf %integer_pow3A_634, %broadcast_in_dim3A_627 : vector<128x1xf32>
    %mul3A_636 = vector.broadcast %integer_pow3A_635 : vector<128x1xf32> to vector<128x64xf32>
    %mul3A_637 = arith.mulf %dot_general3A_632, %mul3A_636 : vector<128x64xf32>
    %slice3A_638 = vector.extract_strided_slice %mul3A_446 {offsets = [0, 576], sizes = [128, 64], strides = [1, 1]} : vector<128x768xf32> to vector<128x64xf32>
    %slice3A_639 = vector.extract_strided_slice %slice3A_447 {offsets = [0, 576], sizes = [128, 64], strides = [1, 1]} : vector<128x768xf32> to vector<128x64xf32>
    %convert_element_type3A_640 = arith.truncf %slice3A_638 : vector<128x64xf32> to vector<128x64xbf16>
    %convert_element_type3A_641 = arith.truncf %slice3A_639 : vector<128x64xf32> to vector<128x64xbf16>
    %dot_general3A_642 = arith.constant dense<0.000000e+00> : vector<128x128xf32>
    %dot_general3A_643 = tpu.matmul %convert_element_type3A_640, %convert_element_type3A_641, %dot_general3A_642 {dimension_numbers = #tpu.dot_dimension_numbers<[1], [1], [0], [0], [0, 0, 1, 0], [], []>, transpose_lhs_hint = false} : vector<128x64xbf16>, vector<128x64xbf16>, vector<128x128xf32> -> vector<128x128xf32>
    %exp3A_644 = math.exp %dot_general3A_643 : vector<128x128xf32>
    %mul3A_645 = arith.mulf %exp3A_644, %get3A_401 : vector<128x128xf32>
    %reduce_sum3A_646 = arith.constant dense<0.000000e+00> : vector<128xf32>
    %reduce_sum3A_647 = vector.multi_reduction <add>, %mul3A_645, %reduce_sum3A_646 [1] : vector<128x128xf32> to vector<128xf32>
    %broadcast_in_dim3A_648 = vector.shape_cast %reduce_sum3A_647 : vector<128xf32> to vector<128x1xf32>
    %slice3A_649 = vector.extract_strided_slice %slice3A_448 {offsets = [0, 576], sizes = [128, 64], strides = [1, 1]} : vector<128x768xf32> to vector<128x64xf32>
    %convert_element_type3A_650 = arith.truncf %mul3A_645 : vector<128x128xf32> to vector<128x128xbf16>
    %convert_element_type3A_651 = arith.truncf %slice3A_649 : vector<128x64xf32> to vector<128x64xbf16>
    %dot_general3A_652 = arith.constant dense<0.000000e+00> : vector<128x64xf32>
    %dot_general3A_653 = tpu.matmul %convert_element_type3A_650, %convert_element_type3A_651, %dot_general3A_652 {dimension_numbers = #tpu.dot_dimension_numbers<[1], [0], [0], [1], [0, 0, 1, 1], [], []>, transpose_lhs_hint = false} : vector<128x128xbf16>, vector<128x64xbf16>, vector<128x64xf32> -> vector<128x64xf32>
    %integer_pow3A_654 = arith.constant 1.000000e+00 : f32
    %integer_pow3A_655 = vector.broadcast %integer_pow3A_654 : f32 to vector<128x1xf32>
    %integer_pow3A_656 = arith.divf %integer_pow3A_655, %broadcast_in_dim3A_648 : vector<128x1xf32>
    %mul3A_657 = vector.broadcast %integer_pow3A_656 : vector<128x1xf32> to vector<128x64xf32>
    %mul3A_658 = arith.mulf %dot_general3A_653, %mul3A_657 : vector<128x64xf32>
    %slice3A_659 = vector.extract_strided_slice %mul3A_446 {offsets = [0, 640], sizes = [128, 64], strides = [1, 1]} : vector<128x768xf32> to vector<128x64xf32>
    %slice3A_660 = vector.extract_strided_slice %slice3A_447 {offsets = [0, 640], sizes = [128, 64], strides = [1, 1]} : vector<128x768xf32> to vector<128x64xf32>
    %convert_element_type3A_661 = arith.truncf %slice3A_659 : vector<128x64xf32> to vector<128x64xbf16>
    %convert_element_type3A_662 = arith.truncf %slice3A_660 : vector<128x64xf32> to vector<128x64xbf16>
    %dot_general3A_663 = arith.constant dense<0.000000e+00> : vector<128x128xf32>
    %dot_general3A_664 = tpu.matmul %convert_element_type3A_661, %convert_element_type3A_662, %dot_general3A_663 {dimension_numbers = #tpu.dot_dimension_numbers<[1], [1], [0], [0], [0, 0, 1, 0], [], []>, transpose_lhs_hint = false} : vector<128x64xbf16>, vector<128x64xbf16>, vector<128x128xf32> -> vector<128x128xf32>
    %exp3A_665 = math.exp %dot_general3A_664 : vector<128x128xf32>
    %mul3A_666 = arith.mulf %exp3A_665, %get3A_401 : vector<128x128xf32>
    %reduce_sum3A_667 = arith.constant dense<0.000000e+00> : vector<128xf32>
    %reduce_sum3A_668 = vector.multi_reduction <add>, %mul3A_666, %reduce_sum3A_667 [1] : vector<128x128xf32> to vector<128xf32>
    %broadcast_in_dim3A_669 = vector.shape_cast %reduce_sum3A_668 : vector<128xf32> to vector<128x1xf32>
    %slice3A_670 = vector.extract_strided_slice %slice3A_448 {offsets = [0, 640], sizes = [128, 64], strides = [1, 1]} : vector<128x768xf32> to vector<128x64xf32>
    %convert_element_type3A_671 = arith.truncf %mul3A_666 : vector<128x128xf32> to vector<128x128xbf16>
    %convert_element_type3A_672 = arith.truncf %slice3A_670 : vector<128x64xf32> to vector<128x64xbf16>
    %dot_general3A_673 = arith.constant dense<0.000000e+00> : vector<128x64xf32>
    %dot_general3A_674 = tpu.matmul %convert_element_type3A_671, %convert_element_type3A_672, %dot_general3A_673 {dimension_numbers = #tpu.dot_dimension_numbers<[1], [0], [0], [1], [0, 0, 1, 1], [], []>, transpose_lhs_hint = false} : vector<128x128xbf16>, vector<128x64xbf16>, vector<128x64xf32> -> vector<128x64xf32>
    %integer_pow3A_675 = arith.constant 1.000000e+00 : f32
    %integer_pow3A_676 = vector.broadcast %integer_pow3A_675 : f32 to vector<128x1xf32>
    %integer_pow3A_677 = arith.divf %integer_pow3A_676, %broadcast_in_dim3A_669 : vector<128x1xf32>
    %mul3A_678 = vector.broadcast %integer_pow3A_677 : vector<128x1xf32> to vector<128x64xf32>
    %mul3A_679 = arith.mulf %dot_general3A_674, %mul3A_678 : vector<128x64xf32>
    %slice3A_680 = vector.extract_strided_slice %mul3A_446 {offsets = [0, 704], sizes = [128, 64], strides = [1, 1]} : vector<128x768xf32> to vector<128x64xf32>
    %slice3A_681 = vector.extract_strided_slice %slice3A_447 {offsets = [0, 704], sizes = [128, 64], strides = [1, 1]} : vector<128x768xf32> to vector<128x64xf32>
    %convert_element_type3A_682 = arith.truncf %slice3A_680 : vector<128x64xf32> to vector<128x64xbf16>
    %convert_element_type3A_683 = arith.truncf %slice3A_681 : vector<128x64xf32> to vector<128x64xbf16>
    %dot_general3A_684 = arith.constant dense<0.000000e+00> : vector<128x128xf32>
    %dot_general3A_685 = tpu.matmul %convert_element_type3A_682, %convert_element_type3A_683, %dot_general3A_684 {dimension_numbers = #tpu.dot_dimension_numbers<[1], [1], [0], [0], [0, 0, 1, 0], [], []>, transpose_lhs_hint = false} : vector<128x64xbf16>, vector<128x64xbf16>, vector<128x128xf32> -> vector<128x128xf32>
    %exp3A_686 = math.exp %dot_general3A_685 : vector<128x128xf32>
    %mul3A_687 = arith.mulf %exp3A_686, %get3A_401 : vector<128x128xf32>
    %reduce_sum3A_688 = arith.constant dense<0.000000e+00> : vector<128xf32>
    %reduce_sum3A_689 = vector.multi_reduction <add>, %mul3A_687, %reduce_sum3A_688 [1] : vector<128x128xf32> to vector<128xf32>
    %broadcast_in_dim3A_690 = vector.shape_cast %reduce_sum3A_689 : vector<128xf32> to vector<128x1xf32>
    %slice3A_691 = vector.extract_strided_slice %slice3A_448 {offsets = [0, 704], sizes = [128, 64], strides = [1, 1]} : vector<128x768xf32> to vector<128x64xf32>
    %convert_element_type3A_692 = arith.truncf %mul3A_687 : vector<128x128xf32> to vector<128x128xbf16>
    %convert_element_type3A_693 = arith.truncf %slice3A_691 : vector<128x64xf32> to vector<128x64xbf16>
    %dot_general3A_694 = arith.constant dense<0.000000e+00> : vector<128x64xf32>
    %dot_general3A_695 = tpu.matmul %convert_element_type3A_692, %convert_element_type3A_693, %dot_general3A_694 {dimension_numbers = #tpu.dot_dimension_numbers<[1], [0], [0], [1], [0, 0, 1, 1], [], []>, transpose_lhs_hint = false} : vector<128x128xbf16>, vector<128x64xbf16>, vector<128x64xf32> -> vector<128x64xf32>
    %integer_pow3A_696 = arith.constant 1.000000e+00 : f32
    %integer_pow3A_697 = vector.broadcast %integer_pow3A_696 : f32 to vector<128x1xf32>
    %integer_pow3A_698 = arith.divf %integer_pow3A_697, %broadcast_in_dim3A_690 : vector<128x1xf32>
    %mul3A_699 = vector.broadcast %integer_pow3A_698 : vector<128x1xf32> to vector<128x64xf32>
    %mul3A_700 = arith.mulf %dot_general3A_695, %mul3A_699 : vector<128x64xf32>
    %concatenate3A_701 = tpu.concatenate %mul3A_469, %mul3A_490, %mul3A_511, %mul3A_532, %mul3A_553, %mul3A_574, %mul3A_595, %mul3A_616, %mul3A_637, %mul3A_658, %mul3A_679, %mul3A_700 in 1 : vector<128x64xf32>, vector<128x64xf32>, vector<128x64xf32>, vector<128x64xf32>, vector<128x64xf32>, vector<128x64xf32>, vector<128x64xf32>, vector<128x64xf32>, vector<128x64xf32>, vector<128x64xf32>, vector<128x64xf32>, vector<128x64xf32> -> vector<128x768xf32>
    %convert_element_type3A_702 = arith.truncf %concatenate3A_701 : vector<128x768xf32> to vector<128x768xbf16>
    %dot_general3A_703 = arith.constant dense<0.000000e+00> : vector<128x768xf32>
    %dot_general3A_704 = tpu.matmul %convert_element_type3A_702, %get3A_410, %dot_general3A_703 {dimension_numbers = #tpu.dot_dimension_numbers<[1], [0], [0], [1], [0, 0, 1, 1], [], []>, transpose_lhs_hint = false} : vector<128x768xbf16>, vector<768x768xbf16>, vector<128x768xf32> -> vector<128x768xf32>
    %add3A_705 = arith.addf %add3A_398, %dot_general3A_704 : vector<128x768xf32>
    %add3A_706 = vector.broadcast %get3A_413 : vector<1x768xf32> to vector<128x768xf32>
    %add3A_707 = arith.addf %add3A_705, %add3A_706 : vector<128x768xf32>
    %broadcast_in_dim3A_708 = arith.constant 0.00130208337 : f32
    %broadcast_in_dim3A_709 = vector.broadcast %broadcast_in_dim3A_708 : f32 to vector<768x1xf32>
    %dot_general3A_710 = arith.constant dense<0.000000e+00> : vector<128x1xf32>
    %dot_general3A_711 = tpu.matmul %add3A_707, %broadcast_in_dim3A_709, %dot_general3A_710 {dimension_numbers = #tpu.dot_dimension_numbers<[1], [0], [0], [1], [0, 0, 1, 1], [], []>, transpose_lhs_hint = false} : vector<128x768xf32>, vector<768x1xf32>, vector<128x1xf32> -> vector<128x1xf32>
    %mul3A_712 = arith.mulf %add3A_707, %add3A_707 : vector<128x768xf32>
    %dot_general3A_713 = arith.constant dense<0.000000e+00> : vector<128x1xf32>
    %dot_general3A_714 = tpu.matmul %mul3A_712, %broadcast_in_dim3A_709, %dot_general3A_713 {dimension_numbers = #tpu.dot_dimension_numbers<[1], [0], [0], [1], [0, 0, 1, 1], [], []>, transpose_lhs_hint = false} : vector<128x768xf32>, vector<768x1xf32>, vector<128x1xf32> -> vector<128x1xf32>
    %mul3A_715 = arith.mulf %dot_general3A_711, %dot_general3A_711 : vector<128x1xf32>
    %sub3A_716 = arith.subf %dot_general3A_714, %mul3A_715 : vector<128x1xf32>
    %add3A_717 = arith.constant 9.99999974E-6 : f32
    %add3A_718 = vector.broadcast %add3A_717 : f32 to vector<128x1xf32>
    %add3A_719 = arith.addf %sub3A_716, %add3A_718 : vector<128x1xf32>
    %rsqrt3A_720 = math.rsqrt %add3A_719 : vector<128x1xf32>
    %sub3A_721 = vector.broadcast %dot_general3A_711 : vector<128x1xf32> to vector<128x768xf32>
    %sub3A_722 = arith.subf %add3A_707, %sub3A_721 : vector<128x768xf32>
    %mul3A_723 = vector.broadcast %rsqrt3A_720 : vector<128x1xf32> to vector<128x768xf32>
    %mul3A_724 = arith.mulf %sub3A_722, %mul3A_723 : vector<128x768xf32>
    %mul3A_725 = vector.broadcast %get3A_428 : vector<1x768xf32> to vector<128x768xf32>
    %mul3A_726 = arith.mulf %mul3A_724, %mul3A_725 : vector<128x768xf32>
    %add3A_727 = vector.broadcast %get3A_431 : vector<1x768xf32> to vector<128x768xf32>
    %add3A_728 = arith.addf %mul3A_726, %add3A_727 : vector<128x768xf32>
    %convert_element_type3A_729 = arith.truncf %add3A_728 : vector<128x768xf32> to vector<128x768xbf16>
    %dot_general3A_730 = arith.constant dense<0.000000e+00> : vector<128x1024xf32>
    %dot_general3A_731 = tpu.matmul %convert_element_type3A_729, %get3A_416, %dot_general3A_730 {dimension_numbers = #tpu.dot_dimension_numbers<[1], [0], [0], [1], [0, 0, 1, 1], [], []>, transpose_lhs_hint = false} : vector<128x768xbf16>, vector<768x1024xbf16>, vector<128x1024xf32> -> vector<128x1024xf32>
    %add3A_732 = vector.broadcast %get3A_419 : vector<1x1024xf32> to vector<128x1024xf32>
    %add3A_733 = arith.addf %dot_general3A_731, %add3A_732 : vector<128x1024xf32>
    %integer_pow3A_734 = arith.mulf %add3A_733, %add3A_733 : vector<128x1024xf32>
    %integer_pow3A_735 = arith.mulf %add3A_733, %integer_pow3A_734 : vector<128x1024xf32>
    %mul3A_736 = arith.constant 4.471500e-02 : f32
    %mul3A_737 = vector.broadcast %mul3A_736 : f32 to vector<128x1024xf32>
    %mul3A_738 = arith.mulf %mul3A_737, %integer_pow3A_735 : vector<128x1024xf32>
    %add3A_739 = arith.addf %add3A_733, %mul3A_738 : vector<128x1024xf32>
    %mul3A_740 = arith.constant 0.797884583 : f32
    %mul3A_741 = vector.broadcast %mul3A_740 : f32 to vector<128x1024xf32>
    %mul3A_742 = arith.mulf %mul3A_741, %add3A_739 : vector<128x1024xf32>
    %tanh3A_743 = math.tanh %mul3A_742 : vector<128x1024xf32>
    %add3A_744 = arith.constant 1.000000e+00 : f32
    %add3A_745 = vector.broadcast %add3A_744 : f32 to vector<128x1024xf32>
    %add3A_746 = arith.addf %add3A_745, %tanh3A_743 : vector<128x1024xf32>
    %mul3A_747 = arith.constant 5.000000e-01 : f32
    %mul3A_748 = vector.broadcast %mul3A_747 : f32 to vector<128x1024xf32>
    %mul3A_749 = arith.mulf %mul3A_748, %add3A_746 : vector<128x1024xf32>
    %mul3A_750 = arith.mulf %add3A_733, %mul3A_749 : vector<128x1024xf32>
    %convert_element_type3A_751 = arith.truncf %mul3A_750 : vector<128x1024xf32> to vector<128x1024xbf16>
    %dot_general3A_752 = arith.constant dense<0.000000e+00> : vector<128x768xf32>
    %dot_general3A_753 = tpu.matmul %convert_element_type3A_751, %get3A_422, %dot_general3A_752 {dimension_numbers = #tpu.dot_dimension_numbers<[1], [0], [0], [1], [0, 0, 1, 1], [], []>, transpose_lhs_hint = false} : vector<128x1024xbf16>, vector<1024x768xbf16>, vector<128x768xf32> -> vector<128x768xf32>
    %add3A_754 = arith.addf %add3A_728, %dot_general3A_753 : vector<128x768xf32>
    %add3A_755 = vector.broadcast %get3A_425 : vector<1x768xf32> to vector<128x768xf32>
    %add3A_756 = arith.addf %add3A_754, %add3A_755 : vector<128x768xf32>
    %broadcast_in_dim3A_757 = arith.constant 0.00130208337 : f32
    %broadcast_in_dim3A_758 = vector.broadcast %broadcast_in_dim3A_757 : f32 to vector<768x1xf32>
    %dot_general3A_759 = arith.constant dense<0.000000e+00> : vector<128x1xf32>
    %dot_general3A_760 = tpu.matmul %add3A_756, %broadcast_in_dim3A_758, %dot_general3A_759 {dimension_numbers = #tpu.dot_dimension_numbers<[1], [0], [0], [1], [0, 0, 1, 1], [], []>, transpose_lhs_hint = false} : vector<128x768xf32>, vector<768x1xf32>, vector<128x1xf32> -> vector<128x1xf32>
    %mul3A_761 = arith.mulf %add3A_756, %add3A_756 : vector<128x768xf32>
    %dot_general3A_762 = arith.constant dense<0.000000e+00> : vector<128x1xf32>
    %dot_general3A_763 = tpu.matmul %mul3A_761, %broadcast_in_dim3A_758, %dot_general3A_762 {dimension_numbers = #tpu.dot_dimension_numbers<[1], [0], [0], [1], [0, 0, 1, 1], [], []>, transpose_lhs_hint = false} : vector<128x768xf32>, vector<768x1xf32>, vector<128x1xf32> -> vector<128x1xf32>
    %mul3A_764 = arith.mulf %dot_general3A_760, %dot_general3A_760 : vector<128x1xf32>
    %sub3A_765 = arith.subf %dot_general3A_763, %mul3A_764 : vector<128x1xf32>
    %add3A_766 = arith.constant 9.99999974E-6 : f32
    %add3A_767 = vector.broadcast %add3A_766 : f32 to vector<128x1xf32>
    %add3A_768 = arith.addf %sub3A_765, %add3A_767 : vector<128x1xf32>
    %rsqrt3A_769 = math.rsqrt %add3A_768 : vector<128x1xf32>
    %sub3A_770 = vector.broadcast %dot_general3A_760 : vector<128x1xf32> to vector<128x768xf32>
    %sub3A_771 = arith.subf %add3A_756, %sub3A_770 : vector<128x768xf32>
    %mul3A_772 = vector.broadcast %rsqrt3A_769 : vector<128x1xf32> to vector<128x768xf32>
    %mul3A_773 = arith.mulf %sub3A_771, %mul3A_772 : vector<128x768xf32>
    %mul3A_774 = vector.broadcast %get3A_434 : vector<1x768xf32> to vector<128x768xf32>
    %mul3A_775 = arith.mulf %mul3A_773, %mul3A_774 : vector<128x768xf32>
    %add3A_776 = vector.broadcast %get3A_437 : vector<1x768xf32> to vector<128x768xf32>
    %add3A_777 = arith.addf %mul3A_775, %add3A_776 : vector<128x768xf32>
    %get3A_778 = arith.constant 0 : index
    %get3A_779 = arith.constant 0 : index
    %get3A_780 = vector.load %arg6[%get3A_778, %get3A_779] : memref<8x128xf32, #tpu.memory_space<vmem>>, vector<8x128xf32>
    %convert_element_type3A_781 = arith.truncf %get3A_780 : vector<8x128xf32> to vector<8x128xbf16>
    %convert_element_type3A_782 = arith.truncf %add3A_777 : vector<128x768xf32> to vector<128x768xbf16>
    %dot_general3A_783 = arith.constant dense<0.000000e+00> : vector<8x768xf32>
    %dot_general3A_784 = tpu.matmul %convert_element_type3A_781, %convert_element_type3A_782, %dot_general3A_783 {dimension_numbers = #tpu.dot_dimension_numbers<[1], [0], [0], [1], [0, 0, 1, 1], [], []>, transpose_lhs_hint = false} : vector<8x128xbf16>, vector<128x768xbf16>, vector<8x768xf32> -> vector<8x768xf32>
    %get3A_785 = arith.constant 0 : index
    %get3A_786 = arith.constant 0 : index
    %get3A_787 = vector.load %arg31[%get3A_785, %get3A_786] : memref<768x128xbf16, #tpu.memory_space<vmem>>, vector<768x128xbf16>
    %convert_element_type3A_788 = arith.truncf %dot_general3A_784 : vector<8x768xf32> to vector<8x768xbf16>
    %dot_general3A_789 = arith.constant dense<0.000000e+00> : vector<8x128xf32>
    %dot_general3A_790 = tpu.matmul %convert_element_type3A_788, %get3A_787, %dot_general3A_789 {dimension_numbers = #tpu.dot_dimension_numbers<[1], [0], [0], [1], [0, 0, 1, 1], [], []>, transpose_lhs_hint = false} : vector<8x768xbf16>, vector<768x128xbf16>, vector<8x128xf32> -> vector<8x128xf32>
    %get3A_791 = arith.constant 0 : index
    %get3A_792 = arith.constant 0 : index
    %get3A_793 = vector.load %arg32[%get3A_791, %get3A_792] : memref<1x128xf32, #tpu.memory_space<vmem>>, vector<1x128xf32>
    %add3A_794 = vector.broadcast %get3A_793 : vector<1x128xf32> to vector<8x128xf32>
    %add3A_795 = arith.addf %dot_general3A_790, %add3A_794 : vector<8x128xf32>
    %swap3A = arith.constant 0 : index
    %swap3A_796 = arith.constant 0 : index
    %swap3A_797 = vector.load %arg33[%swap3A, %swap3A_796] : memref<8x128xf32, #tpu.memory_space<vmem>>, vector<8x128xf32>
    tpu.vector_store %arg33[%swap3A, %swap3A_796], %add3A_795 {strides = array<i32>} : memref<8x128xf32, #tpu.memory_space<vmem>>, vector<8x128xf32>,
    return
  }
  func.func @transform_0(%arg0: i32) -> (i32, i32) {
    %c0_i32 = arith.constant 0 : i32
    %c0_i32_0 = arith.constant 0 : i32
    return %arg0, %c0_i32 : i32, i32
  }
  func.func @transform_1(%arg0: i32) -> (i32, i32) {
    %c0_i32 = arith.constant 0 : i32
    %c0_i32_0 = arith.constant 0 : i32
    %c0_i32_1 = arith.constant 0 : i32
    return %c0_i32, %c0_i32_0 : i32, i32
  }
  func.func @transform_2(%arg0: i32) -> (i32, i32) {
    %c0_i32 = arith.constant 0 : i32
    %c0_i32_0 = arith.constant 0 : i32
    %c0_i32_1 = arith.constant 0 : i32
    return %c0_i32, %c0_i32_0 : i32, i32
  }
  func.func @transform_3(%arg0: i32) -> (i32, i32) {
    %c0_i32 = arith.constant 0 : i32
    %c0_i32_0 = arith.constant 0 : i32
    %c0_i32_1 = arith.constant 0 : i32
    return %c0_i32, %c0_i32_0 : i32, i32
  }
  func.func @transform_4(%arg0: i32) -> (i32, i32) {
    %c0_i32 = arith.constant 0 : i32
    %c0_i32_0 = arith.constant 0 : i32
    %c0_i32_1 = arith.constant 0 : i32
    return %c0_i32, %c0_i32_0 : i32, i32
  }
  func.func @transform_5(%arg0: i32) -> (i32, i32) {
    %c0_i32 = arith.constant 0 : i32
    %c0_i32_0 = arith.constant 0 : i32
    %c0_i32_1 = arith.constant 0 : i32
    return %c0_i32, %c0_i32_0 : i32, i32
  }
  func.func @transform_6(%arg0: i32) -> (i32, i32) {
    %c0_i32 = arith.constant 0 : i32
    %c0_i32_0 = arith.constant 0 : i32
    %c0_i32_1 = arith.constant 0 : i32
    return %c0_i32, %c0_i32_0 : i32, i32
  }
  func.func @transform_7(%arg0: i32) -> (i32, i32) {
    %c0_i32 = arith.constant 0 : i32
    %c0_i32_0 = arith.constant 0 : i32
    %c0_i32_1 = arith.constant 0 : i32
    return %c0_i32, %c0_i32_0 : i32, i32
  }
  func.func @transform_8(%arg0: i32) -> (i32, i32) {
    %c0_i32 = arith.constant 0 : i32
    %c0_i32_0 = arith.constant 0 : i32
    %c0_i32_1 = arith.constant 0 : i32
    return %c0_i32, %c0_i32_0 : i32, i32
  }
  func.func @transform_9(%arg0: i32) -> (i32, i32) {
    %c0_i32 = arith.constant 0 : i32
    %c0_i32_0 = arith.constant 0 : i32
    %c0_i32_1 = arith.constant 0 : i32
    return %c0_i32, %c0_i32_0 : i32, i32
  }
  func.func @transform_10(%arg0: i32) -> (i32, i32) {
    %c0_i32 = arith.constant 0 : i32
    %c0_i32_0 = arith.constant 0 : i32
    %c0_i32_1 = arith.constant 0 : i32
    return %c0_i32, %c0_i32_0 : i32, i32
  }
  func.func @transform_11(%arg0: i32) -> (i32, i32) {
    %c0_i32 = arith.constant 0 : i32
    %c0_i32_0 = arith.constant 0 : i32
    %c0_i32_1 = arith.constant 0 : i32
    return %c0_i32, %c0_i32_0 : i32, i32
  }
  func.func @transform_12(%arg0: i32) -> (i32, i32) {
    %c0_i32 = arith.constant 0 : i32
    %c0_i32_0 = arith.constant 0 : i32
    %c0_i32_1 = arith.constant 0 : i32
    return %c0_i32, %c0_i32_0 : i32, i32
  }
  func.func @transform_13(%arg0: i32) -> (i32, i32) {
    %c0_i32 = arith.constant 0 : i32
    %c0_i32_0 = arith.constant 0 : i32
    %c0_i32_1 = arith.constant 0 : i32
    return %c0_i32, %c0_i32_0 : i32, i32
  }
  func.func @transform_14(%arg0: i32) -> (i32, i32) {
    %c0_i32 = arith.constant 0 : i32
    %c0_i32_0 = arith.constant 0 : i32
    %c0_i32_1 = arith.constant 0 : i32
    return %c0_i32, %c0_i32_0 : i32, i32
  }
  func.func @transform_15(%arg0: i32) -> (i32, i32) {
    %c0_i32 = arith.constant 0 : i32
    %c0_i32_0 = arith.constant 0 : i32
    %c0_i32_1 = arith.constant 0 : i32
    return %c0_i32, %c0_i32_0 : i32, i32
  }
  func.func @transform_16(%arg0: i32) -> (i32, i32) {
    %c0_i32 = arith.constant 0 : i32
    %c0_i32_0 = arith.constant 0 : i32
    %c0_i32_1 = arith.constant 0 : i32
    return %c0_i32, %c0_i32_0 : i32, i32
  }
  func.func @transform_17(%arg0: i32) -> (i32, i32) {
    %c0_i32 = arith.constant 0 : i32
    %c0_i32_0 = arith.constant 0 : i32
    %c0_i32_1 = arith.constant 0 : i32
    return %c0_i32, %c0_i32_0 : i32, i32
  }
  func.func @transform_18(%arg0: i32) -> (i32, i32) {
    %c0_i32 = arith.constant 0 : i32
    %c0_i32_0 = arith.constant 0 : i32
    %c0_i32_1 = arith.constant 0 : i32
    return %c0_i32, %c0_i32_0 : i32, i32
  }
  func.func @transform_19(%arg0: i32) -> (i32, i32) {
    %c0_i32 = arith.constant 0 : i32
    %c0_i32_0 = arith.constant 0 : i32
    %c0_i32_1 = arith.constant 0 : i32
    return %c0_i32, %c0_i32_0 : i32, i32
  }
  func.func @transform_20(%arg0: i32) -> (i32, i32) {
    %c0_i32 = arith.constant 0 : i32
    %c0_i32_0 = arith.constant 0 : i32
    %c0_i32_1 = arith.constant 0 : i32
    return %c0_i32, %c0_i32_0 : i32, i32
  }
  func.func @transform_21(%arg0: i32) -> (i32, i32) {
    %c0_i32 = arith.constant 0 : i32
    %c0_i32_0 = arith.constant 0 : i32
    %c0_i32_1 = arith.constant 0 : i32
    return %c0_i32, %c0_i32_0 : i32, i32
  }
  func.func @transform_22(%arg0: i32) -> (i32, i32) {
    %c0_i32 = arith.constant 0 : i32
    %c0_i32_0 = arith.constant 0 : i32
    %c0_i32_1 = arith.constant 0 : i32
    return %c0_i32, %c0_i32_0 : i32, i32
  }
  func.func @transform_23(%arg0: i32) -> (i32, i32) {
    %c0_i32 = arith.constant 0 : i32
    %c0_i32_0 = arith.constant 0 : i32
    %c0_i32_1 = arith.constant 0 : i32
    return %c0_i32, %c0_i32_0 : i32, i32
  }
  func.func @transform_24(%arg0: i32) -> (i32, i32) {
    %c0_i32 = arith.constant 0 : i32
    %c0_i32_0 = arith.constant 0 : i32
    %c0_i32_1 = arith.constant 0 : i32
    return %c0_i32, %c0_i32_0 : i32, i32
  }
  func.func @transform_25(%arg0: i32) -> (i32, i32) {
    %c0_i32 = arith.constant 0 : i32
    %c0_i32_0 = arith.constant 0 : i32
    %c0_i32_1 = arith.constant 0 : i32
    return %c0_i32, %c0_i32_0 : i32, i32
  }
  func.func @transform_26(%arg0: i32) -> (i32, i32) {
    %c0_i32 = arith.constant 0 : i32
    %c0_i32_0 = arith.constant 0 : i32
    %c0_i32_1 = arith.constant 0 : i32
    return %c0_i32, %c0_i32_0 : i32, i32
  }
  func.func @transform_27(%arg0: i32) -> (i32, i32) {
    %c0_i32 = arith.constant 0 : i32
    %c0_i32_0 = arith.constant 0 : i32
    %c0_i32_1 = arith.constant 0 : i32
    return %c0_i32, %c0_i32_0 : i32, i32
  }
  func.func @transform_28(%arg0: i32) -> (i32, i32) {
    %c0_i32 = arith.constant 0 : i32
    %c0_i32_0 = arith.constant 0 : i32
    %c0_i32_1 = arith.constant 0 : i32
    return %c0_i32, %c0_i32_0 : i32, i32
  }
  func.func @transform_29(%arg0: i32) -> (i32, i32) {
    %c0_i32 = arith.constant 0 : i32
    %c0_i32_0 = arith.constant 0 : i32
    %c0_i32_1 = arith.constant 0 : i32
    return %c0_i32, %c0_i32_0 : i32, i32
  }
  func.func @transform_30(%arg0: i32) -> (i32, i32) {
    %c0_i32 = arith.constant 0 : i32
    %c0_i32_0 = arith.constant 0 : i32
    %c0_i32_1 = arith.constant 0 : i32
    return %c0_i32, %c0_i32_0 : i32, i32
  }
  func.func @transform_31(%arg0: i32) -> (i32, i32) {
    %c0_i32 = arith.constant 0 : i32
    %c0_i32_0 = arith.constant 0 : i32
    %c0_i32_1 = arith.constant 0 : i32
    return %c0_i32, %c0_i32_0 : i32, i32
  }
  func.func @transform_32(%arg0: i32) -> (i32, i32) {
    %c0_i32 = arith.constant 0 : i32
    %c0_i32_0 = arith.constant 0 : i32
    return %arg0, %c0_i32 : i32, i32
  }
}

module attributes {stable_mosaic.version = 14 : i64} {
  func.func @body(%arg0: memref<1024x128xf32, #tpu.memory_space<vmem>>, %arg1: memref<1024x256xf32, #tpu.memory_space<vmem>>, %arg2: memref<1024x8xf32, #tpu.memory_space<vmem>>, %arg3: memref<1024x128xf32, #tpu.memory_space<vmem>>, %arg4: memref<1024x3xf32, #tpu.memory_space<vmem>>, %arg5: memref<1024x1024xbf16, #tpu.memory_space<vmem>>, %arg6: memref<256x64xf32, #tpu.memory_space<vmem>>, %arg7: memref<1x64xf32, #tpu.memory_space<vmem>>, %arg8: memref<8x64xf32, #tpu.memory_space<vmem>>, %arg9: memref<1x64xf32, #tpu.memory_space<vmem>>, %arg10: memref<3x384xf32, #tpu.memory_space<vmem>>, %arg11: memref<384x8xf32, #tpu.memory_space<vmem>>, %arg12: memref<8x384x384xbf16, #tpu.memory_space<vmem>>, %arg13: memref<8x1x384xf32, #tpu.memory_space<vmem>>, %arg14: memref<8x384x384xbf16, #tpu.memory_space<vmem>>, %arg15: memref<8x1x384xf32, #tpu.memory_space<vmem>>, %arg16: memref<3x384x192xbf16, #tpu.memory_space<vmem>>, %arg17: memref<3x1x192xf32, #tpu.memory_space<vmem>>, %arg18: memref<1024x384xf32, #tpu.memory_space<vmem>>, %arg19: memref<1x128xf32, #tpu.memory_space<vmem>>, %arg20: memref<1024x192xf32, #tpu.memory_space<vmem>>) attributes {dimension_semantics = [], scalar_prefetch = 0 : i64, scratch_operands = 0 : i64, tpu.core_type = #tpu.core_type<tc>} {
    %get3A = arith.constant 0 : index
    %get3A_0 = arith.constant 0 : index
    %get3A_1 = vector.load %arg1[%get3A, %get3A_0] : memref<1024x256xf32, #tpu.memory_space<vmem>>, vector<1024x256xf32>
    %get3A_2 = arith.constant 0 : index
    %get3A_3 = arith.constant 0 : index
    %get3A_4 = vector.load %arg6[%get3A_2, %get3A_3] : memref<256x64xf32, #tpu.memory_space<vmem>>, vector<256x64xf32>
    %convert_element_type3A = arith.truncf %get3A_1 : vector<1024x256xf32> to vector<1024x256xbf16>
    %convert_element_type3A_5 = arith.truncf %get3A_4 : vector<256x64xf32> to vector<256x64xbf16>
    %dot_general3A = arith.constant dense<0.000000e+00> : vector<1024x64xf32>
    %dot_general3A_6 = tpu.matmul %convert_element_type3A, %convert_element_type3A_5, %dot_general3A {dimension_numbers = #tpu.dot_dimension_numbers<[1], [0], [0], [1], [0, 0, 1, 1], [], []>, transpose_lhs_hint = false} : vector<1024x256xbf16>, vector<256x64xbf16>, vector<1024x64xf32> -> vector<1024x64xf32>
    %get3A_7 = arith.constant 0 : index
    %get3A_8 = arith.constant 0 : index
    %get3A_9 = vector.load %arg7[%get3A_7, %get3A_8] : memref<1x64xf32, #tpu.memory_space<vmem>>, vector<1x64xf32>
    %add3A = vector.broadcast %get3A_9 : vector<1x64xf32> to vector<1024x64xf32>
    %add3A_10 = arith.addf %dot_general3A_6, %add3A : vector<1024x64xf32>
    %ge3A = arith.constant 0.000000e+00 : f32
    %ge3A_11 = vector.broadcast %ge3A : f32 to vector<1024x64xf32>
    %ge3A_12 = arith.cmpf oge, %add3A_10, %ge3A_11 : vector<1024x64xf32>
    %mul3A = arith.constant 2.000000e-01 : f32
    %mul3A_13 = vector.broadcast %mul3A : f32 to vector<1024x64xf32>
    %mul3A_14 = arith.mulf %mul3A_13, %add3A_10 : vector<1024x64xf32>
    %select_n3A = arith.select %ge3A_12, %add3A_10, %mul3A_14 : vector<1024x64xi1>, vector<1024x64xf32>
    %get3A_15 = arith.constant 0 : index
    %get3A_16 = arith.constant 0 : index
    %get3A_17 = vector.load %arg2[%get3A_15, %get3A_16] : memref<1024x8xf32, #tpu.memory_space<vmem>>, vector<1024x8xf32>
    %get3A_18 = arith.constant 0 : index
    %get3A_19 = arith.constant 0 : index
    %get3A_20 = vector.load %arg8[%get3A_18, %get3A_19] : memref<8x64xf32, #tpu.memory_space<vmem>>, vector<8x64xf32>
    %convert_element_type3A_21 = arith.truncf %get3A_17 : vector<1024x8xf32> to vector<1024x8xbf16>
    %convert_element_type3A_22 = arith.truncf %get3A_20 : vector<8x64xf32> to vector<8x64xbf16>
    %dot_general3A_23 = arith.constant dense<0.000000e+00> : vector<1024x64xf32>
    %dot_general3A_24 = tpu.matmul %convert_element_type3A_21, %convert_element_type3A_22, %dot_general3A_23 {dimension_numbers = #tpu.dot_dimension_numbers<[1], [0], [0], [1], [0, 0, 1, 1], [], []>, transpose_lhs_hint = false} : vector<1024x8xbf16>, vector<8x64xbf16>, vector<1024x64xf32> -> vector<1024x64xf32>
    %get3A_25 = arith.constant 0 : index
    %get3A_26 = arith.constant 0 : index
    %get3A_27 = vector.load %arg9[%get3A_25, %get3A_26] : memref<1x64xf32, #tpu.memory_space<vmem>>, vector<1x64xf32>
    %add3A_28 = vector.broadcast %get3A_27 : vector<1x64xf32> to vector<1024x64xf32>
    %add3A_29 = arith.addf %dot_general3A_24, %add3A_28 : vector<1024x64xf32>
    %ge3A_30 = arith.constant 0.000000e+00 : f32
    %ge3A_31 = vector.broadcast %ge3A_30 : f32 to vector<1024x64xf32>
    %ge3A_32 = arith.cmpf oge, %add3A_29, %ge3A_31 : vector<1024x64xf32>
    %mul3A_33 = arith.constant 2.000000e-01 : f32
    %mul3A_34 = vector.broadcast %mul3A_33 : f32 to vector<1024x64xf32>
    %mul3A_35 = arith.mulf %mul3A_34, %add3A_29 : vector<1024x64xf32>
    %select_n3A_36 = arith.select %ge3A_32, %add3A_29, %mul3A_35 : vector<1024x64xi1>, vector<1024x64xf32>
    %get3A_37 = arith.constant 0 : index
    %get3A_38 = arith.constant 0 : index
    %get3A_39 = vector.load %arg0[%get3A_37, %get3A_38] : memref<1024x128xf32, #tpu.memory_space<vmem>>, vector<1024x128xf32>
    %get3A_40 = arith.constant 0 : index
    %get3A_41 = arith.constant 0 : index
    %get3A_42 = vector.load %arg3[%get3A_40, %get3A_41] : memref<1024x128xf32, #tpu.memory_space<vmem>>, vector<1024x128xf32>
    %concatenate3A = tpu.concatenate %get3A_39, %select_n3A, %select_n3A_36, %get3A_42 in 1 : vector<1024x128xf32>, vector<1024x64xf32>, vector<1024x64xf32>, vector<1024x128xf32> -> vector<1024x384xf32>
    %get3A_43 = arith.constant 0 : index
    %get3A_44 = arith.constant 0 : index
    %get3A_45 = vector.load %arg4[%get3A_43, %get3A_44] : memref<1024x3xf32, #tpu.memory_space<vmem>>, vector<1024x3xf32>
    %get3A_46 = arith.constant 0 : index
    %get3A_47 = arith.constant 0 : index
    %get3A_48 = vector.load %arg10[%get3A_46, %get3A_47] : memref<3x384xf32, #tpu.memory_space<vmem>>, vector<3x384xf32>
    %convert_element_type3A_49 = arith.truncf %get3A_45 : vector<1024x3xf32> to vector<1024x3xbf16>
    %convert_element_type3A_50 = arith.truncf %get3A_48 : vector<3x384xf32> to vector<3x384xbf16>
    %dot_general3A_51 = arith.constant dense<0.000000e+00> : vector<1024x384xf32>
    %dot_general3A_52 = tpu.matmul %convert_element_type3A_49, %convert_element_type3A_50, %dot_general3A_51 {dimension_numbers = #tpu.dot_dimension_numbers<[1], [0], [0], [1], [0, 0, 1, 1], [], []>, transpose_lhs_hint = false} : vector<1024x3xbf16>, vector<3x384xbf16>, vector<1024x384xf32> -> vector<1024x384xf32>
    %mul3A_53 = arith.mulf %concatenate3A, %dot_general3A_52 : vector<1024x384xf32>
    %get3A_54 = arith.constant 0 : index
    %get3A_55 = arith.constant 0 : index
    %get3A_56 = vector.load %arg11[%get3A_54, %get3A_55] : memref<384x8xf32, #tpu.memory_space<vmem>>, vector<384x8xf32>
    %dot_general3A_57 = arith.constant dense<0.000000e+00> : vector<1024x8xf32>
    %dot_general3A_58 = tpu.matmul %mul3A_53, %get3A_56, %dot_general3A_57 {dimension_numbers = #tpu.dot_dimension_numbers<[1], [0], [0], [1], [0, 0, 1, 1], [], []>, transpose_lhs_hint = false} : vector<1024x384xf32>, vector<384x8xf32>, vector<1024x8xf32> -> vector<1024x8xf32>
    %reduce_max3A = arith.constant dense<0xFF800000> : vector<1024xf32>
    %reduce_max3A_59 = vector.multi_reduction <maximumf>, %dot_general3A_58, %reduce_max3A [1] : vector<1024x8xf32> to vector<1024xf32>
    %max3A = arith.constant 0xFF800000 : f32
    %max3A_60 = vector.broadcast %max3A : f32 to vector<1024xf32>
    %max3A_61 = arith.maximumf %max3A_60, %reduce_max3A_59 : vector<1024xf32>
    %broadcast_in_dim3A = vector.shape_cast %max3A_61 : vector<1024xf32> to vector<1024x1xf32>
    %sub3A = vector.broadcast %broadcast_in_dim3A : vector<1024x1xf32> to vector<1024x8xf32>
    %sub3A_62 = arith.subf %dot_general3A_58, %sub3A : vector<1024x8xf32>
    %exp3A = math.exp %sub3A_62 : vector<1024x8xf32>
    %reduce_sum3A = arith.constant dense<0.000000e+00> : vector<1024xf32>
    %reduce_sum3A_63 = vector.multi_reduction <add>, %exp3A, %reduce_sum3A [1] : vector<1024x8xf32> to vector<1024xf32>
    %broadcast_in_dim3A_64 = vector.shape_cast %reduce_sum3A_63 : vector<1024xf32> to vector<1024x1xf32>
    %div3A = vector.broadcast %broadcast_in_dim3A_64 : vector<1024x1xf32> to vector<1024x8xf32>
    %div3A_65 = arith.divf %exp3A, %div3A : vector<1024x8xf32>
    %reduce_max3A_66 = arith.constant dense<0xFF800000> : vector<1024xf32>
    %reduce_max3A_67 = vector.multi_reduction <maximumf>, %div3A_65, %reduce_max3A_66 [1] : vector<1024x8xf32> to vector<1024xf32>
    %broadcast_in_dim3A_68 = vector.shape_cast %reduce_max3A_67 : vector<1024xf32> to vector<1024x1xf32>
    %iota3A = tpu.iota {dimensions = array<i32: 1>} : vector<1024x8xi32>
    %ge3A_69 = vector.broadcast %broadcast_in_dim3A_68 : vector<1024x1xf32> to vector<1024x8xf32>
    %ge3A_70 = arith.cmpf oge, %div3A_65, %ge3A_69 : vector<1024x8xf32>
    %jit3A = arith.constant 8 : i32
    %broadcast_in_dim3A_71 = vector.broadcast %jit3A : i32 to vector<1024x8xi32>
    %select_n3A_72 = arith.select %ge3A_70, %iota3A, %broadcast_in_dim3A_71 : vector<1024x8xi1>, vector<1024x8xi32>
    %reduce_min3A = arith.constant dense<2147483647> : vector<1024xi32>
    %reduce_min3A_73 = vector.multi_reduction <minsi>, %select_n3A_72, %reduce_min3A [1] : vector<1024x8xi32> to vector<1024xi32>
    %broadcast_in_dim3A_74 = vector.shape_cast %reduce_min3A_73 : vector<1024xi32> to vector<1024x1xi32>
    %eq3A = vector.broadcast %broadcast_in_dim3A_74 : vector<1024x1xi32> to vector<1024x8xi32>
    %eq3A_75 = arith.cmpi eq, %iota3A, %eq3A : vector<1024x8xi32>
    %convert_element_type3A_76 = arith.extui %eq3A_75 : vector<1024x8xi1> to vector<1024x8xi32>
    %convert_element_type3A_77 = arith.sitofp %convert_element_type3A_76 : vector<1024x8xi32> to vector<1024x8xf32>
    %get3A_78 = arith.constant 0 : index
    %get3A_79 = arith.constant 0 : index
    %get3A_80 = vector.load %arg5[%get3A_78, %get3A_79] : memref<1024x1024xbf16, #tpu.memory_space<vmem>>, vector<1024x1024xbf16>
    %convert_element_type3A_81 = arith.truncf %convert_element_type3A_77 : vector<1024x8xf32> to vector<1024x8xbf16>
    %dot_general3A_82 = arith.constant dense<0.000000e+00> : vector<1024x8xf32>
    %dot_general3A_83 = tpu.matmul %get3A_80, %convert_element_type3A_81, %dot_general3A_82 {dimension_numbers = #tpu.dot_dimension_numbers<[1], [0], [0], [1], [0, 0, 1, 1], [], []>, transpose_lhs_hint = false} : vector<1024x1024xbf16>, vector<1024x8xbf16>, vector<1024x8xf32> -> vector<1024x8xf32>
    %mul3A_84 = arith.mulf %dot_general3A_83, %convert_element_type3A_77 : vector<1024x8xf32>
    %le3A = arith.constant 2.560000e+02 : f32
    %le3A_85 = vector.broadcast %le3A : f32 to vector<1024x8xf32>
    %le3A_86 = arith.cmpf ole, %mul3A_84, %le3A_85 : vector<1024x8xf32>
    %convert_element_type3A_87 = arith.extui %le3A_86 : vector<1024x8xi1> to vector<1024x8xi32>
    %convert_element_type3A_88 = arith.sitofp %convert_element_type3A_87 : vector<1024x8xi32> to vector<1024x8xf32>
    %mul3A_89 = arith.mulf %convert_element_type3A_77, %convert_element_type3A_88 : vector<1024x8xf32>
    %broadcast_in_dim3A_90 = arith.constant 0.000000e+00 : f32
    %broadcast_in_dim3A_91 = vector.broadcast %broadcast_in_dim3A_90 : f32 to vector<1024x384xf32>
    %get3A_92 = arith.constant 0 : index
    %get3A_93 = arith.constant 0 : index
    %get3A_94 = arith.constant 0 : index
    %get3A_95 = vector.load %arg12[%get3A_92, %get3A_93, %get3A_94] : memref<8x384x384xbf16, #tpu.memory_space<vmem>>, vector<1x384x384xbf16>
    %get3A_96 = vector.shape_cast %get3A_95 : vector<1x384x384xbf16> to vector<384x384xbf16>
    %convert_element_type3A_97 = arith.truncf %mul3A_53 : vector<1024x384xf32> to vector<1024x384xbf16>
    %dot_general3A_98 = arith.constant dense<0.000000e+00> : vector<1024x384xf32>
    %dot_general3A_99 = tpu.matmul %convert_element_type3A_97, %get3A_96, %dot_general3A_98 {dimension_numbers = #tpu.dot_dimension_numbers<[1], [0], [0], [1], [0, 0, 1, 1], [], []>, transpose_lhs_hint = false} : vector<1024x384xbf16>, vector<384x384xbf16>, vector<1024x384xf32> -> vector<1024x384xf32>
    %get3A_100 = arith.constant 0 : index
    %get3A_101 = arith.constant 0 : index
    %get3A_102 = arith.constant 0 : index
    %get3A_103 = vector.load %arg13[%get3A_100, %get3A_101, %get3A_102] : memref<8x1x384xf32, #tpu.memory_space<vmem>>, vector<1x1x384xf32>
    %get3A_104 = vector.shape_cast %get3A_103 : vector<1x1x384xf32> to vector<1x384xf32>
    %add3A_105 = vector.broadcast %get3A_104 : vector<1x384xf32> to vector<1024x384xf32>
    %add3A_106 = arith.addf %dot_general3A_99, %add3A_105 : vector<1024x384xf32>
    %max3A_107 = arith.constant 0.000000e+00 : f32
    %max3A_108 = vector.broadcast %max3A_107 : f32 to vector<1024x384xf32>
    %max3A_109 = arith.maximumf %add3A_106, %max3A_108 : vector<1024x384xf32>
    %get3A_110 = arith.constant 0 : index
    %get3A_111 = arith.constant 0 : index
    %get3A_112 = arith.constant 0 : index
    %get3A_113 = vector.load %arg14[%get3A_110, %get3A_111, %get3A_112] : memref<8x384x384xbf16, #tpu.memory_space<vmem>>, vector<1x384x384xbf16>
    %get3A_114 = vector.shape_cast %get3A_113 : vector<1x384x384xbf16> to vector<384x384xbf16>
    %convert_element_type3A_115 = arith.truncf %max3A_109 : vector<1024x384xf32> to vector<1024x384xbf16>
    %dot_general3A_116 = arith.constant dense<0.000000e+00> : vector<1024x384xf32>
    %dot_general3A_117 = tpu.matmul %convert_element_type3A_115, %get3A_114, %dot_general3A_116 {dimension_numbers = #tpu.dot_dimension_numbers<[1], [0], [0], [1], [0, 0, 1, 1], [], []>, transpose_lhs_hint = false} : vector<1024x384xbf16>, vector<384x384xbf16>, vector<1024x384xf32> -> vector<1024x384xf32>
    %get3A_118 = arith.constant 0 : index
    %get3A_119 = arith.constant 0 : index
    %get3A_120 = arith.constant 0 : index
    %get3A_121 = vector.load %arg15[%get3A_118, %get3A_119, %get3A_120] : memref<8x1x384xf32, #tpu.memory_space<vmem>>, vector<1x1x384xf32>
    %get3A_122 = vector.shape_cast %get3A_121 : vector<1x1x384xf32> to vector<1x384xf32>
    %add3A_123 = vector.broadcast %get3A_122 : vector<1x384xf32> to vector<1024x384xf32>
    %add3A_124 = arith.addf %dot_general3A_117, %add3A_123 : vector<1024x384xf32>
    %slice3A = vector.extract_strided_slice %mul3A_89 {offsets = [0, 0], sizes = [1024, 1], strides = [1, 1]} : vector<1024x8xf32> to vector<1024x1xf32>
    %mul3A_125 = vector.broadcast %slice3A : vector<1024x1xf32> to vector<1024x384xf32>
    %mul3A_126 = arith.mulf %mul3A_125, %add3A_124 : vector<1024x384xf32>
    %add3A_127 = arith.addf %broadcast_in_dim3A_91, %mul3A_126 : vector<1024x384xf32>
    %get3A_128 = arith.constant 1 : index
    %get3A_129 = arith.constant 0 : index
    %get3A_130 = arith.constant 0 : index
    %get3A_131 = vector.load %arg12[%get3A_128, %get3A_129, %get3A_130] : memref<8x384x384xbf16, #tpu.memory_space<vmem>>, vector<1x384x384xbf16>
    %get3A_132 = vector.shape_cast %get3A_131 : vector<1x384x384xbf16> to vector<384x384xbf16>
    %convert_element_type3A_133 = arith.truncf %mul3A_53 : vector<1024x384xf32> to vector<1024x384xbf16>
    %dot_general3A_134 = arith.constant dense<0.000000e+00> : vector<1024x384xf32>
    %dot_general3A_135 = tpu.matmul %convert_element_type3A_133, %get3A_132, %dot_general3A_134 {dimension_numbers = #tpu.dot_dimension_numbers<[1], [0], [0], [1], [0, 0, 1, 1], [], []>, transpose_lhs_hint = false} : vector<1024x384xbf16>, vector<384x384xbf16>, vector<1024x384xf32> -> vector<1024x384xf32>
    %get3A_136 = arith.constant 1 : index
    %get3A_137 = arith.constant 0 : index
    %get3A_138 = arith.constant 0 : index
    %get3A_139 = vector.load %arg13[%get3A_136, %get3A_137, %get3A_138] : memref<8x1x384xf32, #tpu.memory_space<vmem>>, vector<1x1x384xf32>
    %get3A_140 = vector.shape_cast %get3A_139 : vector<1x1x384xf32> to vector<1x384xf32>
    %add3A_141 = vector.broadcast %get3A_140 : vector<1x384xf32> to vector<1024x384xf32>
    %add3A_142 = arith.addf %dot_general3A_135, %add3A_141 : vector<1024x384xf32>
    %max3A_143 = arith.constant 0.000000e+00 : f32
    %max3A_144 = vector.broadcast %max3A_143 : f32 to vector<1024x384xf32>
    %max3A_145 = arith.maximumf %add3A_142, %max3A_144 : vector<1024x384xf32>
    %get3A_146 = arith.constant 1 : index
    %get3A_147 = arith.constant 0 : index
    %get3A_148 = arith.constant 0 : index
    %get3A_149 = vector.load %arg14[%get3A_146, %get3A_147, %get3A_148] : memref<8x384x384xbf16, #tpu.memory_space<vmem>>, vector<1x384x384xbf16>
    %get3A_150 = vector.shape_cast %get3A_149 : vector<1x384x384xbf16> to vector<384x384xbf16>
    %convert_element_type3A_151 = arith.truncf %max3A_145 : vector<1024x384xf32> to vector<1024x384xbf16>
    %dot_general3A_152 = arith.constant dense<0.000000e+00> : vector<1024x384xf32>
    %dot_general3A_153 = tpu.matmul %convert_element_type3A_151, %get3A_150, %dot_general3A_152 {dimension_numbers = #tpu.dot_dimension_numbers<[1], [0], [0], [1], [0, 0, 1, 1], [], []>, transpose_lhs_hint = false} : vector<1024x384xbf16>, vector<384x384xbf16>, vector<1024x384xf32> -> vector<1024x384xf32>
    %get3A_154 = arith.constant 1 : index
    %get3A_155 = arith.constant 0 : index
    %get3A_156 = arith.constant 0 : index
    %get3A_157 = vector.load %arg15[%get3A_154, %get3A_155, %get3A_156] : memref<8x1x384xf32, #tpu.memory_space<vmem>>, vector<1x1x384xf32>
    %get3A_158 = vector.shape_cast %get3A_157 : vector<1x1x384xf32> to vector<1x384xf32>
    %add3A_159 = vector.broadcast %get3A_158 : vector<1x384xf32> to vector<1024x384xf32>
    %add3A_160 = arith.addf %dot_general3A_153, %add3A_159 : vector<1024x384xf32>
    %slice3A_161 = vector.extract_strided_slice %mul3A_89 {offsets = [0, 1], sizes = [1024, 1], strides = [1, 1]} : vector<1024x8xf32> to vector<1024x1xf32>
    %mul3A_162 = vector.broadcast %slice3A_161 : vector<1024x1xf32> to vector<1024x384xf32>
    %mul3A_163 = arith.mulf %mul3A_162, %add3A_160 : vector<1024x384xf32>
    %add3A_164 = arith.addf %add3A_127, %mul3A_163 : vector<1024x384xf32>
    %get3A_165 = arith.constant 2 : index
    %get3A_166 = arith.constant 0 : index
    %get3A_167 = arith.constant 0 : index
    %get3A_168 = vector.load %arg12[%get3A_165, %get3A_166, %get3A_167] : memref<8x384x384xbf16, #tpu.memory_space<vmem>>, vector<1x384x384xbf16>
    %get3A_169 = vector.shape_cast %get3A_168 : vector<1x384x384xbf16> to vector<384x384xbf16>
    %convert_element_type3A_170 = arith.truncf %mul3A_53 : vector<1024x384xf32> to vector<1024x384xbf16>
    %dot_general3A_171 = arith.constant dense<0.000000e+00> : vector<1024x384xf32>
    %dot_general3A_172 = tpu.matmul %convert_element_type3A_170, %get3A_169, %dot_general3A_171 {dimension_numbers = #tpu.dot_dimension_numbers<[1], [0], [0], [1], [0, 0, 1, 1], [], []>, transpose_lhs_hint = false} : vector<1024x384xbf16>, vector<384x384xbf16>, vector<1024x384xf32> -> vector<1024x384xf32>
    %get3A_173 = arith.constant 2 : index
    %get3A_174 = arith.constant 0 : index
    %get3A_175 = arith.constant 0 : index
    %get3A_176 = vector.load %arg13[%get3A_173, %get3A_174, %get3A_175] : memref<8x1x384xf32, #tpu.memory_space<vmem>>, vector<1x1x384xf32>
    %get3A_177 = vector.shape_cast %get3A_176 : vector<1x1x384xf32> to vector<1x384xf32>
    %add3A_178 = vector.broadcast %get3A_177 : vector<1x384xf32> to vector<1024x384xf32>
    %add3A_179 = arith.addf %dot_general3A_172, %add3A_178 : vector<1024x384xf32>
    %max3A_180 = arith.constant 0.000000e+00 : f32
    %max3A_181 = vector.broadcast %max3A_180 : f32 to vector<1024x384xf32>
    %max3A_182 = arith.maximumf %add3A_179, %max3A_181 : vector<1024x384xf32>
    %get3A_183 = arith.constant 2 : index
    %get3A_184 = arith.constant 0 : index
    %get3A_185 = arith.constant 0 : index
    %get3A_186 = vector.load %arg14[%get3A_183, %get3A_184, %get3A_185] : memref<8x384x384xbf16, #tpu.memory_space<vmem>>, vector<1x384x384xbf16>
    %get3A_187 = vector.shape_cast %get3A_186 : vector<1x384x384xbf16> to vector<384x384xbf16>
    %convert_element_type3A_188 = arith.truncf %max3A_182 : vector<1024x384xf32> to vector<1024x384xbf16>
    %dot_general3A_189 = arith.constant dense<0.000000e+00> : vector<1024x384xf32>
    %dot_general3A_190 = tpu.matmul %convert_element_type3A_188, %get3A_187, %dot_general3A_189 {dimension_numbers = #tpu.dot_dimension_numbers<[1], [0], [0], [1], [0, 0, 1, 1], [], []>, transpose_lhs_hint = false} : vector<1024x384xbf16>, vector<384x384xbf16>, vector<1024x384xf32> -> vector<1024x384xf32>
    %get3A_191 = arith.constant 2 : index
    %get3A_192 = arith.constant 0 : index
    %get3A_193 = arith.constant 0 : index
    %get3A_194 = vector.load %arg15[%get3A_191, %get3A_192, %get3A_193] : memref<8x1x384xf32, #tpu.memory_space<vmem>>, vector<1x1x384xf32>
    %get3A_195 = vector.shape_cast %get3A_194 : vector<1x1x384xf32> to vector<1x384xf32>
    %add3A_196 = vector.broadcast %get3A_195 : vector<1x384xf32> to vector<1024x384xf32>
    %add3A_197 = arith.addf %dot_general3A_190, %add3A_196 : vector<1024x384xf32>
    %slice3A_198 = vector.extract_strided_slice %mul3A_89 {offsets = [0, 2], sizes = [1024, 1], strides = [1, 1]} : vector<1024x8xf32> to vector<1024x1xf32>
    %mul3A_199 = vector.broadcast %slice3A_198 : vector<1024x1xf32> to vector<1024x384xf32>
    %mul3A_200 = arith.mulf %mul3A_199, %add3A_197 : vector<1024x384xf32>
    %add3A_201 = arith.addf %add3A_164, %mul3A_200 : vector<1024x384xf32>
    %get3A_202 = arith.constant 3 : index
    %get3A_203 = arith.constant 0 : index
    %get3A_204 = arith.constant 0 : index
    %get3A_205 = vector.load %arg12[%get3A_202, %get3A_203, %get3A_204] : memref<8x384x384xbf16, #tpu.memory_space<vmem>>, vector<1x384x384xbf16>
    %get3A_206 = vector.shape_cast %get3A_205 : vector<1x384x384xbf16> to vector<384x384xbf16>
    %convert_element_type3A_207 = arith.truncf %mul3A_53 : vector<1024x384xf32> to vector<1024x384xbf16>
    %dot_general3A_208 = arith.constant dense<0.000000e+00> : vector<1024x384xf32>
    %dot_general3A_209 = tpu.matmul %convert_element_type3A_207, %get3A_206, %dot_general3A_208 {dimension_numbers = #tpu.dot_dimension_numbers<[1], [0], [0], [1], [0, 0, 1, 1], [], []>, transpose_lhs_hint = false} : vector<1024x384xbf16>, vector<384x384xbf16>, vector<1024x384xf32> -> vector<1024x384xf32>
    %get3A_210 = arith.constant 3 : index
    %get3A_211 = arith.constant 0 : index
    %get3A_212 = arith.constant 0 : index
    %get3A_213 = vector.load %arg13[%get3A_210, %get3A_211, %get3A_212] : memref<8x1x384xf32, #tpu.memory_space<vmem>>, vector<1x1x384xf32>
    %get3A_214 = vector.shape_cast %get3A_213 : vector<1x1x384xf32> to vector<1x384xf32>
    %add3A_215 = vector.broadcast %get3A_214 : vector<1x384xf32> to vector<1024x384xf32>
    %add3A_216 = arith.addf %dot_general3A_209, %add3A_215 : vector<1024x384xf32>
    %max3A_217 = arith.constant 0.000000e+00 : f32
    %max3A_218 = vector.broadcast %max3A_217 : f32 to vector<1024x384xf32>
    %max3A_219 = arith.maximumf %add3A_216, %max3A_218 : vector<1024x384xf32>
    %get3A_220 = arith.constant 3 : index
    %get3A_221 = arith.constant 0 : index
    %get3A_222 = arith.constant 0 : index
    %get3A_223 = vector.load %arg14[%get3A_220, %get3A_221, %get3A_222] : memref<8x384x384xbf16, #tpu.memory_space<vmem>>, vector<1x384x384xbf16>
    %get3A_224 = vector.shape_cast %get3A_223 : vector<1x384x384xbf16> to vector<384x384xbf16>
    %convert_element_type3A_225 = arith.truncf %max3A_219 : vector<1024x384xf32> to vector<1024x384xbf16>
    %dot_general3A_226 = arith.constant dense<0.000000e+00> : vector<1024x384xf32>
    %dot_general3A_227 = tpu.matmul %convert_element_type3A_225, %get3A_224, %dot_general3A_226 {dimension_numbers = #tpu.dot_dimension_numbers<[1], [0], [0], [1], [0, 0, 1, 1], [], []>, transpose_lhs_hint = false} : vector<1024x384xbf16>, vector<384x384xbf16>, vector<1024x384xf32> -> vector<1024x384xf32>
    %get3A_228 = arith.constant 3 : index
    %get3A_229 = arith.constant 0 : index
    %get3A_230 = arith.constant 0 : index
    %get3A_231 = vector.load %arg15[%get3A_228, %get3A_229, %get3A_230] : memref<8x1x384xf32, #tpu.memory_space<vmem>>, vector<1x1x384xf32>
    %get3A_232 = vector.shape_cast %get3A_231 : vector<1x1x384xf32> to vector<1x384xf32>
    %add3A_233 = vector.broadcast %get3A_232 : vector<1x384xf32> to vector<1024x384xf32>
    %add3A_234 = arith.addf %dot_general3A_227, %add3A_233 : vector<1024x384xf32>
    %slice3A_235 = vector.extract_strided_slice %mul3A_89 {offsets = [0, 3], sizes = [1024, 1], strides = [1, 1]} : vector<1024x8xf32> to vector<1024x1xf32>
    %mul3A_236 = vector.broadcast %slice3A_235 : vector<1024x1xf32> to vector<1024x384xf32>
    %mul3A_237 = arith.mulf %mul3A_236, %add3A_234 : vector<1024x384xf32>
    %add3A_238 = arith.addf %add3A_201, %mul3A_237 : vector<1024x384xf32>
    %get3A_239 = arith.constant 4 : index
    %get3A_240 = arith.constant 0 : index
    %get3A_241 = arith.constant 0 : index
    %get3A_242 = vector.load %arg12[%get3A_239, %get3A_240, %get3A_241] : memref<8x384x384xbf16, #tpu.memory_space<vmem>>, vector<1x384x384xbf16>
    %get3A_243 = vector.shape_cast %get3A_242 : vector<1x384x384xbf16> to vector<384x384xbf16>
    %convert_element_type3A_244 = arith.truncf %mul3A_53 : vector<1024x384xf32> to vector<1024x384xbf16>
    %dot_general3A_245 = arith.constant dense<0.000000e+00> : vector<1024x384xf32>
    %dot_general3A_246 = tpu.matmul %convert_element_type3A_244, %get3A_243, %dot_general3A_245 {dimension_numbers = #tpu.dot_dimension_numbers<[1], [0], [0], [1], [0, 0, 1, 1], [], []>, transpose_lhs_hint = false} : vector<1024x384xbf16>, vector<384x384xbf16>, vector<1024x384xf32> -> vector<1024x384xf32>
    %get3A_247 = arith.constant 4 : index
    %get3A_248 = arith.constant 0 : index
    %get3A_249 = arith.constant 0 : index
    %get3A_250 = vector.load %arg13[%get3A_247, %get3A_248, %get3A_249] : memref<8x1x384xf32, #tpu.memory_space<vmem>>, vector<1x1x384xf32>
    %get3A_251 = vector.shape_cast %get3A_250 : vector<1x1x384xf32> to vector<1x384xf32>
    %add3A_252 = vector.broadcast %get3A_251 : vector<1x384xf32> to vector<1024x384xf32>
    %add3A_253 = arith.addf %dot_general3A_246, %add3A_252 : vector<1024x384xf32>
    %max3A_254 = arith.constant 0.000000e+00 : f32
    %max3A_255 = vector.broadcast %max3A_254 : f32 to vector<1024x384xf32>
    %max3A_256 = arith.maximumf %add3A_253, %max3A_255 : vector<1024x384xf32>
    %get3A_257 = arith.constant 4 : index
    %get3A_258 = arith.constant 0 : index
    %get3A_259 = arith.constant 0 : index
    %get3A_260 = vector.load %arg14[%get3A_257, %get3A_258, %get3A_259] : memref<8x384x384xbf16, #tpu.memory_space<vmem>>, vector<1x384x384xbf16>
    %get3A_261 = vector.shape_cast %get3A_260 : vector<1x384x384xbf16> to vector<384x384xbf16>
    %convert_element_type3A_262 = arith.truncf %max3A_256 : vector<1024x384xf32> to vector<1024x384xbf16>
    %dot_general3A_263 = arith.constant dense<0.000000e+00> : vector<1024x384xf32>
    %dot_general3A_264 = tpu.matmul %convert_element_type3A_262, %get3A_261, %dot_general3A_263 {dimension_numbers = #tpu.dot_dimension_numbers<[1], [0], [0], [1], [0, 0, 1, 1], [], []>, transpose_lhs_hint = false} : vector<1024x384xbf16>, vector<384x384xbf16>, vector<1024x384xf32> -> vector<1024x384xf32>
    %get3A_265 = arith.constant 4 : index
    %get3A_266 = arith.constant 0 : index
    %get3A_267 = arith.constant 0 : index
    %get3A_268 = vector.load %arg15[%get3A_265, %get3A_266, %get3A_267] : memref<8x1x384xf32, #tpu.memory_space<vmem>>, vector<1x1x384xf32>
    %get3A_269 = vector.shape_cast %get3A_268 : vector<1x1x384xf32> to vector<1x384xf32>
    %add3A_270 = vector.broadcast %get3A_269 : vector<1x384xf32> to vector<1024x384xf32>
    %add3A_271 = arith.addf %dot_general3A_264, %add3A_270 : vector<1024x384xf32>
    %slice3A_272 = vector.extract_strided_slice %mul3A_89 {offsets = [0, 4], sizes = [1024, 1], strides = [1, 1]} : vector<1024x8xf32> to vector<1024x1xf32>
    %mul3A_273 = vector.broadcast %slice3A_272 : vector<1024x1xf32> to vector<1024x384xf32>
    %mul3A_274 = arith.mulf %mul3A_273, %add3A_271 : vector<1024x384xf32>
    %add3A_275 = arith.addf %add3A_238, %mul3A_274 : vector<1024x384xf32>
    %get3A_276 = arith.constant 5 : index
    %get3A_277 = arith.constant 0 : index
    %get3A_278 = arith.constant 0 : index
    %get3A_279 = vector.load %arg12[%get3A_276, %get3A_277, %get3A_278] : memref<8x384x384xbf16, #tpu.memory_space<vmem>>, vector<1x384x384xbf16>
    %get3A_280 = vector.shape_cast %get3A_279 : vector<1x384x384xbf16> to vector<384x384xbf16>
    %convert_element_type3A_281 = arith.truncf %mul3A_53 : vector<1024x384xf32> to vector<1024x384xbf16>
    %dot_general3A_282 = arith.constant dense<0.000000e+00> : vector<1024x384xf32>
    %dot_general3A_283 = tpu.matmul %convert_element_type3A_281, %get3A_280, %dot_general3A_282 {dimension_numbers = #tpu.dot_dimension_numbers<[1], [0], [0], [1], [0, 0, 1, 1], [], []>, transpose_lhs_hint = false} : vector<1024x384xbf16>, vector<384x384xbf16>, vector<1024x384xf32> -> vector<1024x384xf32>
    %get3A_284 = arith.constant 5 : index
    %get3A_285 = arith.constant 0 : index
    %get3A_286 = arith.constant 0 : index
    %get3A_287 = vector.load %arg13[%get3A_284, %get3A_285, %get3A_286] : memref<8x1x384xf32, #tpu.memory_space<vmem>>, vector<1x1x384xf32>
    %get3A_288 = vector.shape_cast %get3A_287 : vector<1x1x384xf32> to vector<1x384xf32>
    %add3A_289 = vector.broadcast %get3A_288 : vector<1x384xf32> to vector<1024x384xf32>
    %add3A_290 = arith.addf %dot_general3A_283, %add3A_289 : vector<1024x384xf32>
    %max3A_291 = arith.constant 0.000000e+00 : f32
    %max3A_292 = vector.broadcast %max3A_291 : f32 to vector<1024x384xf32>
    %max3A_293 = arith.maximumf %add3A_290, %max3A_292 : vector<1024x384xf32>
    %get3A_294 = arith.constant 5 : index
    %get3A_295 = arith.constant 0 : index
    %get3A_296 = arith.constant 0 : index
    %get3A_297 = vector.load %arg14[%get3A_294, %get3A_295, %get3A_296] : memref<8x384x384xbf16, #tpu.memory_space<vmem>>, vector<1x384x384xbf16>
    %get3A_298 = vector.shape_cast %get3A_297 : vector<1x384x384xbf16> to vector<384x384xbf16>
    %convert_element_type3A_299 = arith.truncf %max3A_293 : vector<1024x384xf32> to vector<1024x384xbf16>
    %dot_general3A_300 = arith.constant dense<0.000000e+00> : vector<1024x384xf32>
    %dot_general3A_301 = tpu.matmul %convert_element_type3A_299, %get3A_298, %dot_general3A_300 {dimension_numbers = #tpu.dot_dimension_numbers<[1], [0], [0], [1], [0, 0, 1, 1], [], []>, transpose_lhs_hint = false} : vector<1024x384xbf16>, vector<384x384xbf16>, vector<1024x384xf32> -> vector<1024x384xf32>
    %get3A_302 = arith.constant 5 : index
    %get3A_303 = arith.constant 0 : index
    %get3A_304 = arith.constant 0 : index
    %get3A_305 = vector.load %arg15[%get3A_302, %get3A_303, %get3A_304] : memref<8x1x384xf32, #tpu.memory_space<vmem>>, vector<1x1x384xf32>
    %get3A_306 = vector.shape_cast %get3A_305 : vector<1x1x384xf32> to vector<1x384xf32>
    %add3A_307 = vector.broadcast %get3A_306 : vector<1x384xf32> to vector<1024x384xf32>
    %add3A_308 = arith.addf %dot_general3A_301, %add3A_307 : vector<1024x384xf32>
    %slice3A_309 = vector.extract_strided_slice %mul3A_89 {offsets = [0, 5], sizes = [1024, 1], strides = [1, 1]} : vector<1024x8xf32> to vector<1024x1xf32>
    %mul3A_310 = vector.broadcast %slice3A_309 : vector<1024x1xf32> to vector<1024x384xf32>
    %mul3A_311 = arith.mulf %mul3A_310, %add3A_308 : vector<1024x384xf32>
    %add3A_312 = arith.addf %add3A_275, %mul3A_311 : vector<1024x384xf32>
    %get3A_313 = arith.constant 6 : index
    %get3A_314 = arith.constant 0 : index
    %get3A_315 = arith.constant 0 : index
    %get3A_316 = vector.load %arg12[%get3A_313, %get3A_314, %get3A_315] : memref<8x384x384xbf16, #tpu.memory_space<vmem>>, vector<1x384x384xbf16>
    %get3A_317 = vector.shape_cast %get3A_316 : vector<1x384x384xbf16> to vector<384x384xbf16>
    %convert_element_type3A_318 = arith.truncf %mul3A_53 : vector<1024x384xf32> to vector<1024x384xbf16>
    %dot_general3A_319 = arith.constant dense<0.000000e+00> : vector<1024x384xf32>
    %dot_general3A_320 = tpu.matmul %convert_element_type3A_318, %get3A_317, %dot_general3A_319 {dimension_numbers = #tpu.dot_dimension_numbers<[1], [0], [0], [1], [0, 0, 1, 1], [], []>, transpose_lhs_hint = false} : vector<1024x384xbf16>, vector<384x384xbf16>, vector<1024x384xf32> -> vector<1024x384xf32>
    %get3A_321 = arith.constant 6 : index
    %get3A_322 = arith.constant 0 : index
    %get3A_323 = arith.constant 0 : index
    %get3A_324 = vector.load %arg13[%get3A_321, %get3A_322, %get3A_323] : memref<8x1x384xf32, #tpu.memory_space<vmem>>, vector<1x1x384xf32>
    %get3A_325 = vector.shape_cast %get3A_324 : vector<1x1x384xf32> to vector<1x384xf32>
    %add3A_326 = vector.broadcast %get3A_325 : vector<1x384xf32> to vector<1024x384xf32>
    %add3A_327 = arith.addf %dot_general3A_320, %add3A_326 : vector<1024x384xf32>
    %max3A_328 = arith.constant 0.000000e+00 : f32
    %max3A_329 = vector.broadcast %max3A_328 : f32 to vector<1024x384xf32>
    %max3A_330 = arith.maximumf %add3A_327, %max3A_329 : vector<1024x384xf32>
    %get3A_331 = arith.constant 6 : index
    %get3A_332 = arith.constant 0 : index
    %get3A_333 = arith.constant 0 : index
    %get3A_334 = vector.load %arg14[%get3A_331, %get3A_332, %get3A_333] : memref<8x384x384xbf16, #tpu.memory_space<vmem>>, vector<1x384x384xbf16>
    %get3A_335 = vector.shape_cast %get3A_334 : vector<1x384x384xbf16> to vector<384x384xbf16>
    %convert_element_type3A_336 = arith.truncf %max3A_330 : vector<1024x384xf32> to vector<1024x384xbf16>
    %dot_general3A_337 = arith.constant dense<0.000000e+00> : vector<1024x384xf32>
    %dot_general3A_338 = tpu.matmul %convert_element_type3A_336, %get3A_335, %dot_general3A_337 {dimension_numbers = #tpu.dot_dimension_numbers<[1], [0], [0], [1], [0, 0, 1, 1], [], []>, transpose_lhs_hint = false} : vector<1024x384xbf16>, vector<384x384xbf16>, vector<1024x384xf32> -> vector<1024x384xf32>
    %get3A_339 = arith.constant 6 : index
    %get3A_340 = arith.constant 0 : index
    %get3A_341 = arith.constant 0 : index
    %get3A_342 = vector.load %arg15[%get3A_339, %get3A_340, %get3A_341] : memref<8x1x384xf32, #tpu.memory_space<vmem>>, vector<1x1x384xf32>
    %get3A_343 = vector.shape_cast %get3A_342 : vector<1x1x384xf32> to vector<1x384xf32>
    %add3A_344 = vector.broadcast %get3A_343 : vector<1x384xf32> to vector<1024x384xf32>
    %add3A_345 = arith.addf %dot_general3A_338, %add3A_344 : vector<1024x384xf32>
    %slice3A_346 = vector.extract_strided_slice %mul3A_89 {offsets = [0, 6], sizes = [1024, 1], strides = [1, 1]} : vector<1024x8xf32> to vector<1024x1xf32>
    %mul3A_347 = vector.broadcast %slice3A_346 : vector<1024x1xf32> to vector<1024x384xf32>
    %mul3A_348 = arith.mulf %mul3A_347, %add3A_345 : vector<1024x384xf32>
    %add3A_349 = arith.addf %add3A_312, %mul3A_348 : vector<1024x384xf32>
    %get3A_350 = arith.constant 7 : index
    %get3A_351 = arith.constant 0 : index
    %get3A_352 = arith.constant 0 : index
    %get3A_353 = vector.load %arg12[%get3A_350, %get3A_351, %get3A_352] : memref<8x384x384xbf16, #tpu.memory_space<vmem>>, vector<1x384x384xbf16>
    %get3A_354 = vector.shape_cast %get3A_353 : vector<1x384x384xbf16> to vector<384x384xbf16>
    %convert_element_type3A_355 = arith.truncf %mul3A_53 : vector<1024x384xf32> to vector<1024x384xbf16>
    %dot_general3A_356 = arith.constant dense<0.000000e+00> : vector<1024x384xf32>
    %dot_general3A_357 = tpu.matmul %convert_element_type3A_355, %get3A_354, %dot_general3A_356 {dimension_numbers = #tpu.dot_dimension_numbers<[1], [0], [0], [1], [0, 0, 1, 1], [], []>, transpose_lhs_hint = false} : vector<1024x384xbf16>, vector<384x384xbf16>, vector<1024x384xf32> -> vector<1024x384xf32>
    %get3A_358 = arith.constant 7 : index
    %get3A_359 = arith.constant 0 : index
    %get3A_360 = arith.constant 0 : index
    %get3A_361 = vector.load %arg13[%get3A_358, %get3A_359, %get3A_360] : memref<8x1x384xf32, #tpu.memory_space<vmem>>, vector<1x1x384xf32>
    %get3A_362 = vector.shape_cast %get3A_361 : vector<1x1x384xf32> to vector<1x384xf32>
    %add3A_363 = vector.broadcast %get3A_362 : vector<1x384xf32> to vector<1024x384xf32>
    %add3A_364 = arith.addf %dot_general3A_357, %add3A_363 : vector<1024x384xf32>
    %max3A_365 = arith.constant 0.000000e+00 : f32
    %max3A_366 = vector.broadcast %max3A_365 : f32 to vector<1024x384xf32>
    %max3A_367 = arith.maximumf %add3A_364, %max3A_366 : vector<1024x384xf32>
    %get3A_368 = arith.constant 7 : index
    %get3A_369 = arith.constant 0 : index
    %get3A_370 = arith.constant 0 : index
    %get3A_371 = vector.load %arg14[%get3A_368, %get3A_369, %get3A_370] : memref<8x384x384xbf16, #tpu.memory_space<vmem>>, vector<1x384x384xbf16>
    %get3A_372 = vector.shape_cast %get3A_371 : vector<1x384x384xbf16> to vector<384x384xbf16>
    %convert_element_type3A_373 = arith.truncf %max3A_367 : vector<1024x384xf32> to vector<1024x384xbf16>
    %dot_general3A_374 = arith.constant dense<0.000000e+00> : vector<1024x384xf32>
    %dot_general3A_375 = tpu.matmul %convert_element_type3A_373, %get3A_372, %dot_general3A_374 {dimension_numbers = #tpu.dot_dimension_numbers<[1], [0], [0], [1], [0, 0, 1, 1], [], []>, transpose_lhs_hint = false} : vector<1024x384xbf16>, vector<384x384xbf16>, vector<1024x384xf32> -> vector<1024x384xf32>
    %get3A_376 = arith.constant 7 : index
    %get3A_377 = arith.constant 0 : index
    %get3A_378 = arith.constant 0 : index
    %get3A_379 = vector.load %arg15[%get3A_376, %get3A_377, %get3A_378] : memref<8x1x384xf32, #tpu.memory_space<vmem>>, vector<1x1x384xf32>
    %get3A_380 = vector.shape_cast %get3A_379 : vector<1x1x384xf32> to vector<1x384xf32>
    %add3A_381 = vector.broadcast %get3A_380 : vector<1x384xf32> to vector<1024x384xf32>
    %add3A_382 = arith.addf %dot_general3A_375, %add3A_381 : vector<1024x384xf32>
    %slice3A_383 = vector.extract_strided_slice %mul3A_89 {offsets = [0, 7], sizes = [1024, 1], strides = [1, 1]} : vector<1024x8xf32> to vector<1024x1xf32>
    %mul3A_384 = vector.broadcast %slice3A_383 : vector<1024x1xf32> to vector<1024x384xf32>
    %mul3A_385 = arith.mulf %mul3A_384, %add3A_382 : vector<1024x384xf32>
    %add3A_386 = arith.addf %add3A_349, %mul3A_385 : vector<1024x384xf32>
    %mul3A_387 = vector.broadcast %broadcast_in_dim3A_68 : vector<1024x1xf32> to vector<1024x384xf32>
    %mul3A_388 = arith.mulf %mul3A_387, %add3A_386 : vector<1024x384xf32>
    %add3A_389 = arith.addf %mul3A_53, %mul3A_388 : vector<1024x384xf32>
    %swap3A = arith.constant 0 : index
    %swap3A_390 = arith.constant 0 : index
    %swap3A_391 = vector.load %arg18[%swap3A, %swap3A_390] : memref<1024x384xf32, #tpu.memory_space<vmem>>, vector<1024x384xf32>
    tpu.vector_store %arg18[%swap3A, %swap3A_390], %add3A_389 {strides = array<i32>} : memref<1024x384xf32, #tpu.memory_space<vmem>>, vector<1024x384xf32>,
    %broadcast_in_dim3A_392 = arith.constant 0.000000e+00 : f32
    %broadcast_in_dim3A_393 = vector.broadcast %broadcast_in_dim3A_392 : f32 to vector<1024x192xf32>
    %get3A_394 = arith.constant 0 : index
    %get3A_395 = arith.constant 0 : index
    %get3A_396 = arith.constant 0 : index
    %get3A_397 = vector.load %arg16[%get3A_394, %get3A_395, %get3A_396] : memref<3x384x192xbf16, #tpu.memory_space<vmem>>, vector<1x384x192xbf16>
    %get3A_398 = vector.shape_cast %get3A_397 : vector<1x384x192xbf16> to vector<384x192xbf16>
    %convert_element_type3A_399 = arith.truncf %add3A_389 : vector<1024x384xf32> to vector<1024x384xbf16>
    %dot_general3A_400 = arith.constant dense<0.000000e+00> : vector<1024x192xf32>
    %dot_general3A_401 = tpu.matmul %convert_element_type3A_399, %get3A_398, %dot_general3A_400 {dimension_numbers = #tpu.dot_dimension_numbers<[1], [0], [0], [1], [0, 0, 1, 1], [], []>, transpose_lhs_hint = false} : vector<1024x384xbf16>, vector<384x192xbf16>, vector<1024x192xf32> -> vector<1024x192xf32>
    %get3A_402 = arith.constant 0 : index
    %get3A_403 = arith.constant 0 : index
    %get3A_404 = arith.constant 0 : index
    %get3A_405 = vector.load %arg17[%get3A_402, %get3A_403, %get3A_404] : memref<3x1x192xf32, #tpu.memory_space<vmem>>, vector<1x1x192xf32>
    %get3A_406 = vector.shape_cast %get3A_405 : vector<1x1x192xf32> to vector<1x192xf32>
    %add3A_407 = vector.broadcast %get3A_406 : vector<1x192xf32> to vector<1024x192xf32>
    %add3A_408 = arith.addf %dot_general3A_401, %add3A_407 : vector<1024x192xf32>
    %ge3A_409 = arith.constant 0.000000e+00 : f32
    %ge3A_410 = vector.broadcast %ge3A_409 : f32 to vector<1024x192xf32>
    %ge3A_411 = arith.cmpf oge, %add3A_408, %ge3A_410 : vector<1024x192xf32>
    %mul3A_412 = arith.constant 2.000000e-01 : f32
    %mul3A_413 = vector.broadcast %mul3A_412 : f32 to vector<1024x192xf32>
    %mul3A_414 = arith.mulf %mul3A_413, %add3A_408 : vector<1024x192xf32>
    %select_n3A_415 = arith.select %ge3A_411, %add3A_408, %mul3A_414 : vector<1024x192xi1>, vector<1024x192xf32>
    %get3A_416 = arith.constant 0 : index
    %get3A_417 = arith.constant 0 : index
    %get3A_418 = vector.load %arg4[%get3A_416, %get3A_417] : memref<1024x3xf32, #tpu.memory_space<vmem>>, vector<1024x1xf32>
    %mul3A_419 = vector.broadcast %get3A_418 : vector<1024x1xf32> to vector<1024x192xf32>
    %mul3A_420 = arith.mulf %mul3A_419, %select_n3A_415 : vector<1024x192xf32>
    %add3A_421 = arith.addf %broadcast_in_dim3A_393, %mul3A_420 : vector<1024x192xf32>
    %get3A_422 = arith.constant 1 : index
    %get3A_423 = arith.constant 0 : index
    %get3A_424 = arith.constant 0 : index
    %get3A_425 = vector.load %arg16[%get3A_422, %get3A_423, %get3A_424] : memref<3x384x192xbf16, #tpu.memory_space<vmem>>, vector<1x384x192xbf16>
    %get3A_426 = vector.shape_cast %get3A_425 : vector<1x384x192xbf16> to vector<384x192xbf16>
    %convert_element_type3A_427 = arith.truncf %add3A_389 : vector<1024x384xf32> to vector<1024x384xbf16>
    %dot_general3A_428 = arith.constant dense<0.000000e+00> : vector<1024x192xf32>
    %dot_general3A_429 = tpu.matmul %convert_element_type3A_427, %get3A_426, %dot_general3A_428 {dimension_numbers = #tpu.dot_dimension_numbers<[1], [0], [0], [1], [0, 0, 1, 1], [], []>, transpose_lhs_hint = false} : vector<1024x384xbf16>, vector<384x192xbf16>, vector<1024x192xf32> -> vector<1024x192xf32>
    %get3A_430 = arith.constant 1 : index
    %get3A_431 = arith.constant 0 : index
    %get3A_432 = arith.constant 0 : index
    %get3A_433 = vector.load %arg17[%get3A_430, %get3A_431, %get3A_432] : memref<3x1x192xf32, #tpu.memory_space<vmem>>, vector<1x1x192xf32>
    %get3A_434 = vector.shape_cast %get3A_433 : vector<1x1x192xf32> to vector<1x192xf32>
    %add3A_435 = vector.broadcast %get3A_434 : vector<1x192xf32> to vector<1024x192xf32>
    %add3A_436 = arith.addf %dot_general3A_429, %add3A_435 : vector<1024x192xf32>
    %ge3A_437 = arith.constant 0.000000e+00 : f32
    %ge3A_438 = vector.broadcast %ge3A_437 : f32 to vector<1024x192xf32>
    %ge3A_439 = arith.cmpf oge, %add3A_436, %ge3A_438 : vector<1024x192xf32>
    %mul3A_440 = arith.constant 2.000000e-01 : f32
    %mul3A_441 = vector.broadcast %mul3A_440 : f32 to vector<1024x192xf32>
    %mul3A_442 = arith.mulf %mul3A_441, %add3A_436 : vector<1024x192xf32>
    %select_n3A_443 = arith.select %ge3A_439, %add3A_436, %mul3A_442 : vector<1024x192xi1>, vector<1024x192xf32>
    %get3A_444 = arith.constant 0 : index
    %get3A_445 = arith.constant 1 : index
    %get3A_446 = vector.load %arg4[%get3A_444, %get3A_445] : memref<1024x3xf32, #tpu.memory_space<vmem>>, vector<1024x1xf32>
    %mul3A_447 = vector.broadcast %get3A_446 : vector<1024x1xf32> to vector<1024x192xf32>
    %mul3A_448 = arith.mulf %mul3A_447, %select_n3A_443 : vector<1024x192xf32>
    %add3A_449 = arith.addf %add3A_421, %mul3A_448 : vector<1024x192xf32>
    %get3A_450 = arith.constant 2 : index
    %get3A_451 = arith.constant 0 : index
    %get3A_452 = arith.constant 0 : index
    %get3A_453 = vector.load %arg16[%get3A_450, %get3A_451, %get3A_452] : memref<3x384x192xbf16, #tpu.memory_space<vmem>>, vector<1x384x192xbf16>
    %get3A_454 = vector.shape_cast %get3A_453 : vector<1x384x192xbf16> to vector<384x192xbf16>
    %convert_element_type3A_455 = arith.truncf %add3A_389 : vector<1024x384xf32> to vector<1024x384xbf16>
    %dot_general3A_456 = arith.constant dense<0.000000e+00> : vector<1024x192xf32>
    %dot_general3A_457 = tpu.matmul %convert_element_type3A_455, %get3A_454, %dot_general3A_456 {dimension_numbers = #tpu.dot_dimension_numbers<[1], [0], [0], [1], [0, 0, 1, 1], [], []>, transpose_lhs_hint = false} : vector<1024x384xbf16>, vector<384x192xbf16>, vector<1024x192xf32> -> vector<1024x192xf32>
    %get3A_458 = arith.constant 2 : index
    %get3A_459 = arith.constant 0 : index
    %get3A_460 = arith.constant 0 : index
    %get3A_461 = vector.load %arg17[%get3A_458, %get3A_459, %get3A_460] : memref<3x1x192xf32, #tpu.memory_space<vmem>>, vector<1x1x192xf32>
    %get3A_462 = vector.shape_cast %get3A_461 : vector<1x1x192xf32> to vector<1x192xf32>
    %add3A_463 = vector.broadcast %get3A_462 : vector<1x192xf32> to vector<1024x192xf32>
    %add3A_464 = arith.addf %dot_general3A_457, %add3A_463 : vector<1024x192xf32>
    %ge3A_465 = arith.constant 0.000000e+00 : f32
    %ge3A_466 = vector.broadcast %ge3A_465 : f32 to vector<1024x192xf32>
    %ge3A_467 = arith.cmpf oge, %add3A_464, %ge3A_466 : vector<1024x192xf32>
    %mul3A_468 = arith.constant 2.000000e-01 : f32
    %mul3A_469 = vector.broadcast %mul3A_468 : f32 to vector<1024x192xf32>
    %mul3A_470 = arith.mulf %mul3A_469, %add3A_464 : vector<1024x192xf32>
    %select_n3A_471 = arith.select %ge3A_467, %add3A_464, %mul3A_470 : vector<1024x192xi1>, vector<1024x192xf32>
    %get3A_472 = arith.constant 0 : index
    %get3A_473 = arith.constant 2 : index
    %get3A_474 = vector.load %arg4[%get3A_472, %get3A_473] : memref<1024x3xf32, #tpu.memory_space<vmem>>, vector<1024x1xf32>
    %mul3A_475 = vector.broadcast %get3A_474 : vector<1024x1xf32> to vector<1024x192xf32>
    %mul3A_476 = arith.mulf %mul3A_475, %select_n3A_471 : vector<1024x192xf32>
    %add3A_477 = arith.addf %add3A_449, %mul3A_476 : vector<1024x192xf32>
    %swap3A_478 = arith.constant 0 : index
    %swap3A_479 = arith.constant 0 : index
    %swap3A_480 = vector.load %arg20[%swap3A_478, %swap3A_479] : memref<1024x192xf32, #tpu.memory_space<vmem>>, vector<1024x192xf32>
    tpu.vector_store %arg20[%swap3A_478, %swap3A_479], %add3A_477 {strides = array<i32>} : memref<1024x192xf32, #tpu.memory_space<vmem>>, vector<1024x192xf32>,
    %reduce_sum3A_481 = arith.constant dense<0.000000e+00> : vector<8xf32>
    %reduce_sum3A_482 = vector.multi_reduction <add>, %convert_element_type3A_77, %reduce_sum3A_481 [0] : vector<1024x8xf32> to vector<8xf32>
    %broadcast_in_dim3A_483 = vector.shape_cast %reduce_sum3A_482 : vector<8xf32> to vector<1x8xf32>
    %div3A_484 = arith.constant 1.024000e+03 : f32
    %div3A_485 = vector.broadcast %div3A_484 : f32 to vector<1x8xf32>
    %div3A_486 = arith.divf %broadcast_in_dim3A_483, %div3A_485 : vector<1x8xf32>
    %reduce_sum3A_487 = arith.constant dense<0.000000e+00> : vector<8xf32>
    %reduce_sum3A_488 = vector.multi_reduction <add>, %div3A_65, %reduce_sum3A_487 [0] : vector<1024x8xf32> to vector<8xf32>
    %broadcast_in_dim3A_489 = vector.shape_cast %reduce_sum3A_488 : vector<8xf32> to vector<1x8xf32>
    %div3A_490 = arith.constant 1.024000e+03 : f32
    %div3A_491 = vector.broadcast %div3A_490 : f32 to vector<1x8xf32>
    %div3A_492 = arith.divf %broadcast_in_dim3A_489, %div3A_491 : vector<1x8xf32>
    %mul3A_493 = arith.mulf %div3A_486, %div3A_492 : vector<1x8xf32>
    %reduce_sum3A_494 = arith.constant dense<0.000000e+00> : vector<1xf32>
    %reduce_sum3A_495 = vector.multi_reduction <add>, %mul3A_493, %reduce_sum3A_494 [1] : vector<1x8xf32> to vector<1xf32>
    %broadcast_in_dim3A_496 = vector.shape_cast %reduce_sum3A_495 : vector<1xf32> to vector<1x1xf32>
    %mul3A_497 = arith.constant 8.000000e+00 : f32
    %mul3A_498 = vector.broadcast %mul3A_497 : f32 to vector<1x1xf32>
    %mul3A_499 = arith.mulf %mul3A_498, %broadcast_in_dim3A_496 : vector<1x1xf32>
    %broadcast_in_dim3A_500 = vector.shape_cast %mul3A_499 : vector<1x1xf32> to vector<1x1xf32>
    %broadcast_in_dim3A_501 = vector.broadcast %broadcast_in_dim3A_500 : vector<1x1xf32> to vector<1x128xf32>
    %swap3A_502 = arith.constant 0 : index
    %swap3A_503 = arith.constant 0 : index
    %swap3A_504 = vector.load %arg19[%swap3A_502, %swap3A_503] : memref<1x128xf32, #tpu.memory_space<vmem>>, vector<1x128xf32>
    tpu.vector_store %arg19[%swap3A_502, %swap3A_503], %broadcast_in_dim3A_501 {strides = array<i32>} : memref<1x128xf32, #tpu.memory_space<vmem>>, vector<1x128xf32>,
    return
  }
}

module attributes {stable_mosaic.version = 14 : i64} {
  func.func @body(%arg0: i32, %arg1: i32, %arg2: memref<256x384xf32, #tpu.memory_space<vmem>>, %arg3: memref<256x3xf32, #tpu.memory_space<vmem>>, %arg4: memref<3x384x192xbf16, #tpu.memory_space<vmem>>, %arg5: memref<3x1x192xf32, #tpu.memory_space<vmem>>, %arg6: memref<3x192x2048xbf16, #tpu.memory_space<vmem>>, %arg7: memref<3x1x2048xf32, #tpu.memory_space<vmem>>, %arg8: memref<256x2048xf32, #tpu.memory_space<vmem>>) attributes {dimension_semantics = [#tpu.dimension_semantics<arbitrary>, #tpu.dimension_semantics<arbitrary>], iteration_bounds = array<i64: 10, 4>, scalar_prefetch = 0 : i64, scratch_operands = 0 : i64, tpu.core_type = #tpu.core_type<tc>, window_params = [{transform_indices = @transform_0, window_bounds = array<i64: 256, 384>}, {transform_indices = @transform_1, window_bounds = array<i64: 256, 3>}, {pipeline_mode = #tpu.pipeline_mode<synchronous>, transform_indices = @transform_2, window_bounds = array<i64: 3, 384, 192>}, {pipeline_mode = #tpu.pipeline_mode<synchronous>, transform_indices = @transform_3, window_bounds = array<i64: 3, 1, 192>}, {transform_indices = @transform_4, window_bounds = array<i64: 3, 192, 2048>}, {transform_indices = @transform_5, window_bounds = array<i64: 3, 1, 2048>}, {transform_indices = @transform_6, window_bounds = array<i64: 256, 2048>}]} {
    %get3A = arith.constant 0 : index
    %get3A_0 = arith.constant 0 : index
    %get3A_1 = vector.load %arg2[%get3A, %get3A_0] : memref<256x384xf32, #tpu.memory_space<vmem>>, vector<256x384xf32>
    %broadcast_in_dim3A = arith.constant 0.000000e+00 : f32
    %broadcast_in_dim3A_2 = vector.broadcast %broadcast_in_dim3A : f32 to vector<256x2048xf32>
    %get3A_3 = arith.constant 0 : index
    %get3A_4 = arith.constant 0 : index
    %get3A_5 = vector.load %arg3[%get3A_3, %get3A_4] : memref<256x3xf32, #tpu.memory_space<vmem>>, vector<256x1xf32>
    %get3A_6 = arith.constant 0 : index
    %get3A_7 = arith.constant 0 : index
    %get3A_8 = arith.constant 0 : index
    %get3A_9 = vector.load %arg4[%get3A_6, %get3A_7, %get3A_8] : memref<3x384x192xbf16, #tpu.memory_space<vmem>>, vector<1x384x192xbf16>
    %get3A_10 = vector.shape_cast %get3A_9 : vector<1x384x192xbf16> to vector<384x192xbf16>
    %convert_element_type3A = arith.truncf %get3A_1 : vector<256x384xf32> to vector<256x384xbf16>
    %dot_general3A = arith.constant dense<0.000000e+00> : vector<256x192xf32>
    %dot_general3A_11 = tpu.matmul %convert_element_type3A, %get3A_10, %dot_general3A {dimension_numbers = #tpu.dot_dimension_numbers<[1], [0], [0], [1], [0, 0, 1, 1], [], []>, transpose_lhs_hint = false} : vector<256x384xbf16>, vector<384x192xbf16>, vector<256x192xf32> -> vector<256x192xf32>
    %get3A_12 = arith.constant 0 : index
    %get3A_13 = arith.constant 0 : index
    %get3A_14 = arith.constant 0 : index
    %get3A_15 = vector.load %arg5[%get3A_12, %get3A_13, %get3A_14] : memref<3x1x192xf32, #tpu.memory_space<vmem>>, vector<1x1x192xf32>
    %get3A_16 = vector.shape_cast %get3A_15 : vector<1x1x192xf32> to vector<1x192xf32>
    %add3A = vector.broadcast %get3A_16 : vector<1x192xf32> to vector<256x192xf32>
    %add3A_17 = arith.addf %dot_general3A_11, %add3A : vector<256x192xf32>
    %ge3A = arith.constant 0.000000e+00 : f32
    %ge3A_18 = vector.broadcast %ge3A : f32 to vector<256x192xf32>
    %ge3A_19 = arith.cmpf oge, %add3A_17, %ge3A_18 : vector<256x192xf32>
    %mul3A = arith.constant 2.000000e-01 : f32
    %mul3A_20 = vector.broadcast %mul3A : f32 to vector<256x192xf32>
    %mul3A_21 = arith.mulf %mul3A_20, %add3A_17 : vector<256x192xf32>
    %select_n3A = arith.select %ge3A_19, %add3A_17, %mul3A_21 : vector<256x192xi1>, vector<256x192xf32>
    %get3A_22 = arith.constant 0 : index
    %get3A_23 = arith.constant 0 : index
    %get3A_24 = arith.constant 0 : index
    %get3A_25 = vector.load %arg6[%get3A_22, %get3A_23, %get3A_24] : memref<3x192x2048xbf16, #tpu.memory_space<vmem>>, vector<1x192x2048xbf16>
    %get3A_26 = vector.shape_cast %get3A_25 : vector<1x192x2048xbf16> to vector<192x2048xbf16>
    %convert_element_type3A_27 = arith.truncf %select_n3A : vector<256x192xf32> to vector<256x192xbf16>
    %dot_general3A_28 = arith.constant dense<0.000000e+00> : vector<256x2048xf32>
    %dot_general3A_29 = tpu.matmul %convert_element_type3A_27, %get3A_26, %dot_general3A_28 {dimension_numbers = #tpu.dot_dimension_numbers<[1], [0], [0], [1], [0, 0, 1, 1], [], []>, transpose_lhs_hint = false} : vector<256x192xbf16>, vector<192x2048xbf16>, vector<256x2048xf32> -> vector<256x2048xf32>
    %get3A_30 = arith.constant 0 : index
    %get3A_31 = arith.constant 0 : index
    %get3A_32 = arith.constant 0 : index
    %get3A_33 = vector.load %arg7[%get3A_30, %get3A_31, %get3A_32] : memref<3x1x2048xf32, #tpu.memory_space<vmem>>, vector<1x1x2048xf32>
    %get3A_34 = vector.shape_cast %get3A_33 : vector<1x1x2048xf32> to vector<1x2048xf32>
    %add3A_35 = vector.broadcast %get3A_34 : vector<1x2048xf32> to vector<256x2048xf32>
    %add3A_36 = arith.addf %dot_general3A_29, %add3A_35 : vector<256x2048xf32>
    %mul3A_37 = vector.broadcast %get3A_5 : vector<256x1xf32> to vector<256x2048xf32>
    %mul3A_38 = arith.mulf %mul3A_37, %add3A_36 : vector<256x2048xf32>
    %add3A_39 = arith.addf %broadcast_in_dim3A_2, %mul3A_38 : vector<256x2048xf32>
    %get3A_40 = arith.constant 0 : index
    %get3A_41 = arith.constant 1 : index
    %get3A_42 = vector.load %arg3[%get3A_40, %get3A_41] : memref<256x3xf32, #tpu.memory_space<vmem>>, vector<256x1xf32>
    %get3A_43 = arith.constant 1 : index
    %get3A_44 = arith.constant 0 : index
    %get3A_45 = arith.constant 0 : index
    %get3A_46 = vector.load %arg4[%get3A_43, %get3A_44, %get3A_45] : memref<3x384x192xbf16, #tpu.memory_space<vmem>>, vector<1x384x192xbf16>
    %get3A_47 = vector.shape_cast %get3A_46 : vector<1x384x192xbf16> to vector<384x192xbf16>
    %convert_element_type3A_48 = arith.truncf %get3A_1 : vector<256x384xf32> to vector<256x384xbf16>
    %dot_general3A_49 = arith.constant dense<0.000000e+00> : vector<256x192xf32>
    %dot_general3A_50 = tpu.matmul %convert_element_type3A_48, %get3A_47, %dot_general3A_49 {dimension_numbers = #tpu.dot_dimension_numbers<[1], [0], [0], [1], [0, 0, 1, 1], [], []>, transpose_lhs_hint = false} : vector<256x384xbf16>, vector<384x192xbf16>, vector<256x192xf32> -> vector<256x192xf32>
    %get3A_51 = arith.constant 1 : index
    %get3A_52 = arith.constant 0 : index
    %get3A_53 = arith.constant 0 : index
    %get3A_54 = vector.load %arg5[%get3A_51, %get3A_52, %get3A_53] : memref<3x1x192xf32, #tpu.memory_space<vmem>>, vector<1x1x192xf32>
    %get3A_55 = vector.shape_cast %get3A_54 : vector<1x1x192xf32> to vector<1x192xf32>
    %add3A_56 = vector.broadcast %get3A_55 : vector<1x192xf32> to vector<256x192xf32>
    %add3A_57 = arith.addf %dot_general3A_50, %add3A_56 : vector<256x192xf32>
    %ge3A_58 = arith.constant 0.000000e+00 : f32
    %ge3A_59 = vector.broadcast %ge3A_58 : f32 to vector<256x192xf32>
    %ge3A_60 = arith.cmpf oge, %add3A_57, %ge3A_59 : vector<256x192xf32>
    %mul3A_61 = arith.constant 2.000000e-01 : f32
    %mul3A_62 = vector.broadcast %mul3A_61 : f32 to vector<256x192xf32>
    %mul3A_63 = arith.mulf %mul3A_62, %add3A_57 : vector<256x192xf32>
    %select_n3A_64 = arith.select %ge3A_60, %add3A_57, %mul3A_63 : vector<256x192xi1>, vector<256x192xf32>
    %get3A_65 = arith.constant 1 : index
    %get3A_66 = arith.constant 0 : index
    %get3A_67 = arith.constant 0 : index
    %get3A_68 = vector.load %arg6[%get3A_65, %get3A_66, %get3A_67] : memref<3x192x2048xbf16, #tpu.memory_space<vmem>>, vector<1x192x2048xbf16>
    %get3A_69 = vector.shape_cast %get3A_68 : vector<1x192x2048xbf16> to vector<192x2048xbf16>
    %convert_element_type3A_70 = arith.truncf %select_n3A_64 : vector<256x192xf32> to vector<256x192xbf16>
    %dot_general3A_71 = arith.constant dense<0.000000e+00> : vector<256x2048xf32>
    %dot_general3A_72 = tpu.matmul %convert_element_type3A_70, %get3A_69, %dot_general3A_71 {dimension_numbers = #tpu.dot_dimension_numbers<[1], [0], [0], [1], [0, 0, 1, 1], [], []>, transpose_lhs_hint = false} : vector<256x192xbf16>, vector<192x2048xbf16>, vector<256x2048xf32> -> vector<256x2048xf32>
    %get3A_73 = arith.constant 1 : index
    %get3A_74 = arith.constant 0 : index
    %get3A_75 = arith.constant 0 : index
    %get3A_76 = vector.load %arg7[%get3A_73, %get3A_74, %get3A_75] : memref<3x1x2048xf32, #tpu.memory_space<vmem>>, vector<1x1x2048xf32>
    %get3A_77 = vector.shape_cast %get3A_76 : vector<1x1x2048xf32> to vector<1x2048xf32>
    %add3A_78 = vector.broadcast %get3A_77 : vector<1x2048xf32> to vector<256x2048xf32>
    %add3A_79 = arith.addf %dot_general3A_72, %add3A_78 : vector<256x2048xf32>
    %mul3A_80 = vector.broadcast %get3A_42 : vector<256x1xf32> to vector<256x2048xf32>
    %mul3A_81 = arith.mulf %mul3A_80, %add3A_79 : vector<256x2048xf32>
    %add3A_82 = arith.addf %add3A_39, %mul3A_81 : vector<256x2048xf32>
    %get3A_83 = arith.constant 0 : index
    %get3A_84 = arith.constant 2 : index
    %get3A_85 = vector.load %arg3[%get3A_83, %get3A_84] : memref<256x3xf32, #tpu.memory_space<vmem>>, vector<256x1xf32>
    %get3A_86 = arith.constant 2 : index
    %get3A_87 = arith.constant 0 : index
    %get3A_88 = arith.constant 0 : index
    %get3A_89 = vector.load %arg4[%get3A_86, %get3A_87, %get3A_88] : memref<3x384x192xbf16, #tpu.memory_space<vmem>>, vector<1x384x192xbf16>
    %get3A_90 = vector.shape_cast %get3A_89 : vector<1x384x192xbf16> to vector<384x192xbf16>
    %convert_element_type3A_91 = arith.truncf %get3A_1 : vector<256x384xf32> to vector<256x384xbf16>
    %dot_general3A_92 = arith.constant dense<0.000000e+00> : vector<256x192xf32>
    %dot_general3A_93 = tpu.matmul %convert_element_type3A_91, %get3A_90, %dot_general3A_92 {dimension_numbers = #tpu.dot_dimension_numbers<[1], [0], [0], [1], [0, 0, 1, 1], [], []>, transpose_lhs_hint = false} : vector<256x384xbf16>, vector<384x192xbf16>, vector<256x192xf32> -> vector<256x192xf32>
    %get3A_94 = arith.constant 2 : index
    %get3A_95 = arith.constant 0 : index
    %get3A_96 = arith.constant 0 : index
    %get3A_97 = vector.load %arg5[%get3A_94, %get3A_95, %get3A_96] : memref<3x1x192xf32, #tpu.memory_space<vmem>>, vector<1x1x192xf32>
    %get3A_98 = vector.shape_cast %get3A_97 : vector<1x1x192xf32> to vector<1x192xf32>
    %add3A_99 = vector.broadcast %get3A_98 : vector<1x192xf32> to vector<256x192xf32>
    %add3A_100 = arith.addf %dot_general3A_93, %add3A_99 : vector<256x192xf32>
    %ge3A_101 = arith.constant 0.000000e+00 : f32
    %ge3A_102 = vector.broadcast %ge3A_101 : f32 to vector<256x192xf32>
    %ge3A_103 = arith.cmpf oge, %add3A_100, %ge3A_102 : vector<256x192xf32>
    %mul3A_104 = arith.constant 2.000000e-01 : f32
    %mul3A_105 = vector.broadcast %mul3A_104 : f32 to vector<256x192xf32>
    %mul3A_106 = arith.mulf %mul3A_105, %add3A_100 : vector<256x192xf32>
    %select_n3A_107 = arith.select %ge3A_103, %add3A_100, %mul3A_106 : vector<256x192xi1>, vector<256x192xf32>
    %get3A_108 = arith.constant 2 : index
    %get3A_109 = arith.constant 0 : index
    %get3A_110 = arith.constant 0 : index
    %get3A_111 = vector.load %arg6[%get3A_108, %get3A_109, %get3A_110] : memref<3x192x2048xbf16, #tpu.memory_space<vmem>>, vector<1x192x2048xbf16>
    %get3A_112 = vector.shape_cast %get3A_111 : vector<1x192x2048xbf16> to vector<192x2048xbf16>
    %convert_element_type3A_113 = arith.truncf %select_n3A_107 : vector<256x192xf32> to vector<256x192xbf16>
    %dot_general3A_114 = arith.constant dense<0.000000e+00> : vector<256x2048xf32>
    %dot_general3A_115 = tpu.matmul %convert_element_type3A_113, %get3A_112, %dot_general3A_114 {dimension_numbers = #tpu.dot_dimension_numbers<[1], [0], [0], [1], [0, 0, 1, 1], [], []>, transpose_lhs_hint = false} : vector<256x192xbf16>, vector<192x2048xbf16>, vector<256x2048xf32> -> vector<256x2048xf32>
    %get3A_116 = arith.constant 2 : index
    %get3A_117 = arith.constant 0 : index
    %get3A_118 = arith.constant 0 : index
    %get3A_119 = vector.load %arg7[%get3A_116, %get3A_117, %get3A_118] : memref<3x1x2048xf32, #tpu.memory_space<vmem>>, vector<1x1x2048xf32>
    %get3A_120 = vector.shape_cast %get3A_119 : vector<1x1x2048xf32> to vector<1x2048xf32>
    %add3A_121 = vector.broadcast %get3A_120 : vector<1x2048xf32> to vector<256x2048xf32>
    %add3A_122 = arith.addf %dot_general3A_115, %add3A_121 : vector<256x2048xf32>
    %mul3A_123 = vector.broadcast %get3A_85 : vector<256x1xf32> to vector<256x2048xf32>
    %mul3A_124 = arith.mulf %mul3A_123, %add3A_122 : vector<256x2048xf32>
    %add3A_125 = arith.addf %add3A_82, %mul3A_124 : vector<256x2048xf32>
    %swap3A = arith.constant 0 : index
    %swap3A_126 = arith.constant 0 : index
    %swap3A_127 = vector.load %arg8[%swap3A, %swap3A_126] : memref<256x2048xf32, #tpu.memory_space<vmem>>, vector<256x2048xf32>
    tpu.vector_store %arg8[%swap3A, %swap3A_126], %add3A_125 {strides = array<i32>} : memref<256x2048xf32, #tpu.memory_space<vmem>>, vector<256x2048xf32>,
    return
  }
  func.func @transform_0(%arg0: i32, %arg1: i32) -> (i32, i32) {
    %c0_i32 = arith.constant 0 : i32
    %c0_i32_0 = arith.constant 0 : i32
    return %arg1, %c0_i32 : i32, i32
  }
  func.func @transform_1(%arg0: i32, %arg1: i32) -> (i32, i32) {
    %c0_i32 = arith.constant 0 : i32
    %c0_i32_0 = arith.constant 0 : i32
    return %arg1, %c0_i32 : i32, i32
  }
  func.func @transform_2(%arg0: i32, %arg1: i32) -> (i32, i32, i32) {
    %c0_i32 = arith.constant 0 : i32
    %c0_i32_0 = arith.constant 0 : i32
    %c0_i32_1 = arith.constant 0 : i32
    %c0_i32_2 = arith.constant 0 : i32
    return %c0_i32, %c0_i32_0, %c0_i32_1 : i32, i32, i32
  }
  func.func @transform_3(%arg0: i32, %arg1: i32) -> (i32, i32, i32) {
    %c0_i32 = arith.constant 0 : i32
    %c0_i32_0 = arith.constant 0 : i32
    %c0_i32_1 = arith.constant 0 : i32
    %c0_i32_2 = arith.constant 0 : i32
    return %c0_i32, %c0_i32_0, %c0_i32_1 : i32, i32, i32
  }
  func.func @transform_4(%arg0: i32, %arg1: i32) -> (i32, i32, i32) {
    %c0_i32 = arith.constant 0 : i32
    %c0_i32_0 = arith.constant 0 : i32
    %c0_i32_1 = arith.constant 0 : i32
    return %c0_i32, %c0_i32_0, %arg0 : i32, i32, i32
  }
  func.func @transform_5(%arg0: i32, %arg1: i32) -> (i32, i32, i32) {
    %c0_i32 = arith.constant 0 : i32
    %c0_i32_0 = arith.constant 0 : i32
    %c0_i32_1 = arith.constant 0 : i32
    return %c0_i32, %c0_i32_0, %arg0 : i32, i32, i32
  }
  func.func @transform_6(%arg0: i32, %arg1: i32) -> (i32, i32) {
    %c0_i32 = arith.constant 0 : i32
    return %arg1, %arg0 : i32, i32
  }
}

</mosaic_0001>

<sc_bundles>
// kernel: kernel.10.cloned.1.call-start
scs
__scs_entry_jumppad:
0x0: {  	(pc) =	sbr.rel $0x88, $3  }
0x1: {  	(tag) =	ssettag $0x0;
	lr =	simm.s32 $0x1  }
0x2: {  	[smem:$0x3F36] =	sst lr;
	_ =	strace $0xD0000000  }
0x3: {  	_ = 	snop  }
0x4: {  	_ = 	snop  }
0x5: {  	_ = 	snop  }
0x6: {  	_ = 	snop  }
0x7: {  	_ = 	snop  }
__scs_overlays_trampoline_lowered:
0x8: {  	[smem:$0x3F45] =	sst s0  }
0x9: {  	[smem:$0x3F46] =	sst s1  }
0xa: {  	[smem:$0x3F47] =	sst s2  }
0xb: {  	[smem:$0x3F48] =	sst s3  }
0xc: {  	[smem:$0x3F49] =	sst s4  }
0xd: {  	[smem:$0x3F4A] =	sst s5  }
0xe: {  	[smem:$0x3F4B] =	sst s6  }
0xf: {  	[smem:$0x3F4C] =	sst s7  }
0x10: {  	[smem:$0x3F4D] =	sst s8  }
0x11: {  	[smem:$0x3F4E] =	sst s9;
	s0 =	simm.s32 @!p0 $0x0  }
0x12: {  	s1 =	sld [smem:$0x3F34];
	s0 =	simm.s32 @p0 $0x1  }
0x13: {  	[smem:$0x3F4F] =	sst s0;
	s0 =	simm.s32 @!p1 $0x0  }
0x14: {  	s2 =	sld [smem:$0x3F33];
	s0 =	simm.s32 @p1 $0x1  }
0x15: {  	[smem:$0x3F50] =	sst s0;
	s0 =	simm.s32 @!p2 $0x0  }
0x16: {  	s3 =	sld [smem:$0x3FDB];
	s0 =	simm.s32 @p2 $0x1  }
0x17: {  	s4 =	simm.s32 $0x1BF5;
	[smem:$0x3F52] =	sst s0  }
0x18: {  	s0 =	sld [smem:$0x3F35];
	_ =	swait.ge [sflag:s4], $0x0  }
0x19: {  	s7 =	sld [smem:$0x3F36]  }
0x1a: {  	s8 =	sadd.s32 $0xFFFFE003, lr  }
0x1b: {  	s9 =	sadd.s32 $0xFFFFFEF7, lr;
	s5 =	simm.s32 $0xFFFFFFFF;
	p2 =	slt.u32 s8, $0xFFFFF086  }
0x1c: {  	p1 =	slt.u32 s9, $0xF7A;
	s5 =	simm.s32 @!p2 $0x0  }
0x1d: {  	s5 =	simm.s32 @p1 $0x1;
	p0 =	seq.s32 s7, s2  }
0x1e: {  	s7 =	smul.u32 @!p0 $0xF7A, s2;
	p2 =	seq.s32 @!p0 s5, $0x0  }
0x1f: {  	s9 =	smul.u32 $0xF7A, s1;
	s8 =	simm.s32 @!p0 $0x1BF5;
	p2 =	por !p2, p0  }
0x20: {  	[sflag:s8] =	ssyncset.s32 @!p0 $0xFFFFF086;
	s6 =	sadd.s32 @!p0 s3, s7;
	s7 =	simm.s32 @!p0 $0x108  }
0x21: {  	s3 =	sadd.s32 s3, s9;
	s6 =	sadd.s32 @!p0 $0x88, s6;
	s7 =	simm.s32 @p2 $0x1082  }
0x22: {  	[simem:s7], [sflag:s8] =	dma.local @!p0 [hbm:s6], $0xF7A  }
0x23: {  	s9 =	sor.u32 $0xD0000000, s2;
	s6 =	simm.s32 $0x108;
	_ =	swait.ge @!p0 [sflag:s8], $0x0  }
0x24: {  	s3 =	sadd.s32 $0x88, s3;
	s6 =	simm.s32 @!p1 $0x1082;
	[sflag:s4] =	ssyncset.s32 $0xFFFFF086  }
0x25: {  	[simem:s6], [sflag:s4] =	dma.local [hbm:s3], $0xF7A  }
0x26: {  	[smem:$0x3F36] =	sst s1;
	(tag) =	ssettag s2;
	_ =	strace s9  }
0x27: {  	s1 =	sld [smem:$0x3F46]  }
0x28: {  	s2 =	sld [smem:$0x3F47]  }
0x29: {  	s4 =	sld [smem:$0x3F49]  }
0x2a: {  	p0 =	seq.s32 s5, $0x0;
	s5 =	sld [smem:$0x3F4A]  }
0x2b: {  	s6 =	sld [smem:$0x3F4B]  }
0x2c: {  	s7 =	sld [smem:$0x3F4C]  }
0x2d: {  	s3 =	simm.s32 $0x108;
	s8 =	sld [smem:$0x3F4D]  }
0x2e: {  	s3 =	simm.s32 @!p0 $0x1082;
	s9 =	sld [smem:$0x3F4E]  }
0x2f: {  	lr =	sadd.s32 s0, s3;
	s0 =	sld [smem:$0x3F45]  }
0x30: {  	s3 =	sld [smem:$0x3F48]  }
0x31: {  	[smem:$0x3F51] =	sst s10  }
0x32: {  	s10 =	sld [smem:$0x3F4F];
	_ =	sdelay $0x3  }
0x33: {  	p0 =	seq.s32 s10, $0x1;
	s10 =	sld [smem:$0x3F51];
	_ =	sdelay $0x3  }
0x34: {  	[smem:$0x3F51] =	sst s10  }
0x35: {  	s10 =	sld [smem:$0x3F50];
	_ =	sdelay $0x3  }
0x36: {  	p1 =	seq.s32 s10, $0x1;
	s10 =	sld [smem:$0x3F51];
	_ =	sdelay $0x3  }
0x37: {  	[smem:$0x3F51] =	sst s10  }
0x38: {  	s10 =	sld [smem:$0x3F52]  }
0x39: {  	_ = 	snop;
	(pc) =	sbr.ind lr, $3  }
0x3a: {  	_ = 	snop  }
0x3b: {  	_ = 	snop  }
0x3c: {  	p2 =	seq.s32 s10, $0x1;
	s10 =	sld [smem:$0x3F51]  }
0x3d: {  	_ =	shalt  }
0x3e: {  	_ =	shalt  }
0x3f: {  	_ =	shalt  }
0x40: {  	_ =	shalt  }
0x41: {  	_ =	shalt  }
0x42: {  	_ =	shalt  }
0x43: {  	_ =	shalt  }
0x44: {  	_ =	shalt  }
0x45: {  	_ =	shalt  }
0x46: {  	_ =	shalt  }
0x47: {  	_ =	shalt  }
0x48: {  	_ =	shalt  }
0x49: {  	_ =	shalt  }
0x4a: {  	_ =	shalt  }
0x4b: {  	_ =	shalt  }
0x4c: {  	_ =	shalt  }
0x4d: {  	_ =	shalt  }
0x4e: {  	_ =	shalt  }
0x4f: {  	_ =	shalt  }
0x50: {  	_ =	shalt  }
0x51: {  	_ =	shalt  }
0x52: {  	_ =	shalt  }
0x53: {  	_ =	shalt  }
0x54: {  	_ =	shalt  }
0x55: {  	_ =	shalt  }
0x56: {  	_ =	shalt  }
0x57: {  	_ =	shalt  }
0x58: {  	_ =	shalt  }
0x59: {  	_ =	shalt  }
0x5a: {  	_ =	shalt  }
0x5b: {  	_ =	shalt  }
0x5c: {  	_ =	shalt  }
0x5d: {  	_ =	shalt  }
0x5e: {  	_ =	shalt  }
0x5f: {  	_ =	shalt  }
0x60: {  	_ =	shalt  }
0x61: {  	_ =	shalt  }
0x62: {  	_ =	shalt  }
0x63: {  	_ =	shalt  }
0x64: {  	_ =	shalt  }
0x65: {  	_ =	shalt  }
0x66: {  	_ =	shalt  }
0x67: {  	_ =	shalt  }
0x68: {  	_ =	shalt  }
0x69: {  	_ =	shalt  }
0x6a: {  	_ =	shalt  }
0x6b: {  	_ =	shalt  }
0x6c: {  	_ =	shalt  }
0x6d: {  	_ =	shalt  }
0x6e: {  	_ =	shalt  }
0x6f: {  	_ =	shalt  }
0x70: {  	_ =	shalt  }
0x71: {  	_ =	shalt  }
0x72: {  	_ =	shalt  }
0x73: {  	_ =	shalt  }
0x74: {  	_ =	shalt  }
0x75: {  	_ =	shalt  }
0x76: {  	_ =	shalt  }
0x77: {  	_ =	shalt  }
0x78: {  	_ =	shalt  }
0x79: {  	_ =	shalt  }
0x7a: {  	_ =	shalt  }
0x7b: {  	_ =	shalt  }
0x7c: {  	_ =	shalt  }
0x7d: {  	_ =	shalt  }
0x7e: {  	_ =	shalt  }
0x7f: {  	_ =	shalt  }
0x80: {  	_ =	shalt  }
0x81: {  	_ =	shalt  }
0x82: {  	_ =	shalt  }
0x83: {  	_ =	shalt  }
0x84: {  	_ =	shalt  }
0x85: {  	_ =	shalt  }
0x86: {  	_ =	shalt  }
0x87: {  	_ =	shalt  }
.Lfunc_end0:
.L_simem_size_0:
called_computation_lowered:
.L_overlay_start_0:
0x88: {  	s2 =	sld [smem:$0x3FD9]  }
0x89: {  	s3 =	sld [smem:$0x3FFE];
	_ =	sdelay $0x1  }
0x8a: {  	s1 =	srdreg.scid  }
0x8b: {  	s0 =	sand.u32 $0x1, s1  }
0x8c: {  	s15 =	sshll.u32 s0, $0xA;
	s2 =	sadd.s32 s3, s2  }
0x8d: {  	s2 =	sadd.s32 s2, s15  }
0x8e: {  	[smem:$0x3F5D] =	sst s2  }
0x8f: {  	_ = 	snop  }
0x90: {  	s16 =	sld [smem:$0x3FD0];
	_ =	sdelay $0x2  }
0x91: {  	s4 =	simm.s32 $0xD;
	s5 =	simm.s32 $0x10;
	s2 =	sld [smem:$0x3F90]  }
0x92: {  	[smem:s5], [sflag:s4] =	dma.local [hbm:s16], $0x1  }
0x93: {  	_ =	swait.eq [sflag:s4], $0x1  }
0x94: {  	[sflag:s4] =	ssyncset.done $0x0  }
0x95: {  	[sflag:s4] =	ssyncadd.s32 $0xFFFFFFFF  }
0x96: {  	s17 =	sld [smem:$0x10];
	(tm) =	ssettm $0x1  }
0x97: {  	s18 =	sld [smem:$0x3FFB];
	_ =	sdelay $0x3  }
0x98: {  	_ =	strace s18  }
0x99: {  	s3 =	sld [smem:$0x3FFC];
	_ =	sdelay $0x3  }
0x9a: {  	_ =	strace s3  }
0x9b: {  	s3 =	sld [smem:$0x3FFD];
	_ =	sdelay $0x3  }
0x9c: {  	_ =	strace s3  }
0x9d: {  	_ =	strace $0x8FFFFFFF  }
0x9e: {  	s19 =	sld [smem:$0x3FDB];
	_ =	sdelay $0x1  }
0x9f: {  	s20 =	simm.s32 $_scs_section_size  }
0xa0: {  	s6 =	simm.s32 $_size__tile_overlayer_lowered;
	s7 =	simm.s32 $_tile_overlayer_lowered  }
0xa1: {  	s8 =	simm.s32 $0x1BFF;
	s21 =	sshll.u32 s7, $0x1;
	s5 =	sadd.s32 s20, s19  }
0xa2: {  	s22 =	simm.s32 $0x0;
	s6 =	sshll.u32 s6, $0x1;
	s7 =	sadd.s32 s21, s5  }
0xa3: {  	[timem:s22], [sflag:s8] =	dma.local [hbm:s7], s6  }
0xa4: {  	_ =	swait.ge [sflag:s8], s6  }
0xa5: {  	s6 =	ssub.s32 $0x0, s6;
	[sflag:s8] =	ssyncset.done $0x0  }
0xa6: {  	[sflag:s8] =	ssyncadd.s32 s6;
	_ =	sdelay $0x1  }
0xa7: {  	s23 =	simm.s32 $0x1B8B  }
0xa8: {  	_ =	swait.ge [sflag:s23], $0x1  }
0xa9: {  	[sflag:s23] =	ssyncset.done $0x0  }
0xaa: {  	[sflag:s23] =	ssyncadd.s32 $0xFFFFFFFF  }
0xab: {  	s6 =	sld [smem:$0x0]  }
0xac: {  	s7 =	sand.u32 $0xFFFFFFFE, s1  }
0xad: {  	p0 =	sne.s32 s1, s7  }
0xae: {  	s7 =	sshll.u32 @p0 s7, $0xE  }
0xaf: {  	s7 =	sadd.s32 @p0 $0x11B8D, s7;
	s8 =	sshll.u32 @p0 s6, $0x11  }
0xb0: {  	s7 =	sor.u32 @p0 s8, s7  }
0xb1: {  	[sflag:s7] =	ssyncadd.remote.s32 @p0 $0x1;
	_ =	sdelay $0x1  }
0xb2: {  	s7 =	simm.s32 @p0 $0x1B8D  }
0xb3: {  	_ =	swait.eq @p0 [sflag:s7], $0x1  }
0xb4: {  	[sflag:s7] =	ssyncadd.s32 @p0 $0xFFFFFFFF  }
0xb5: {  	s8 =	sshll.u32 @!p0 s1, $0xE  }
0xb6: {  	s8 =	sor.u32 @!p0 $0x4000, s8;
	s7 =	simm.s32 @!p0 $0x1B8D  }
0xb7: {  	s6 =	sshll.u32 @!p0 s6, $0x11;
	s8 =	sadd.s32 @!p0 $0x11B8D, s8;
	_ =	swait.eq @!p0 [sflag:s7], $0x1  }
0xb8: {  	s6 =	sor.u32 @!p0 s6, s8;
	[sflag:s7] =	ssyncadd.s32 @!p0 $0xFFFFFFFF  }
0xb9: {  	s25 =	simm.s32 $0x1B8E;
	s24 =	sld [smem:$0x3FFE];
	[sflag:s6] =	ssyncadd.remote.s32 @!p0 $0x1  }
0xba: {  	s26 =	simm.s32 $execute0_lowered;
	[smem:$0x3FD2] =	sst s25  }
0xbb: {  	s7 =	sshll.u32 s26, $0x1;
	_ =	strace $0x8000004F;
	[dreg:$0x1] =	wrdreg $0xFFFFFFFF  }
0xbc: {  	s28 =	simm.s32 $_size_execute0_lowered;
	s5 =	sadd.s32 s5, s7;
	[dreg:$0x0] =	wrdreg $0x0  }
0xbd: {  	s7 =	sshll.u32 s28, $0x1;
	[dreg:$0x2] =	wrdreg s5  }
0xbe: {  	[dreg:$0x3] =	wrdreg s7  }
0xbf: {  	[dreg:$0x4] =	wrdreg $0xC0  }
0xc0: {  	_ =	task [dreg:s22], $0x5FFFF  }
0xc1: {  	[dreg:$0x1] =	wrdreg $0xFFFFFFFF  }
0xc2: {  	[dreg:$0x0] =	wrdreg $0x60  }
0xc3: {  	[dreg:$0x2] =	wrdreg s2  }
0xc4: {  	[dreg:$0x3] =	wrdreg s24  }
0xc5: {  	[dreg:$0x4] =	wrdreg s17  }
0xc6: {  	[dreg:$0x5] =	wrdreg $0x9  }
0xc7: {  	_ =	task.clear_ibuf [dreg:s22], $0x6FFFF;
	_ =	strace $0x9000004F  }
0xc8: {  	s29 =	simm.s32 $0x9;
	_ =	strace $0x80000051  }
0xc9: {  	_ =	swait.ge [sflag:s29], $0x1  }
0xca: {  	[sflag:s29] =	ssyncadd.s32 $0xFFFFFFFF  }
0xcb: {  	_ =	strace $0x90000051  }
0xcc: {  	_ =	sfence  }
0xcd: {  	s30 =	sld [smem:$0x0];
	_ =	sdelay $0x2  }
0xce: {  	s31 =	sshll.u32 s1, $0xD;
	s1 =	sshrl.u32 s1, $0x2  }
0xcf: {  	s4 =	sand.u32 $0x4000, s31;
	s1 =	sadd.s32 s1, s30  }
0xd0: {  	s0 =	sor.u32 s4, s0;
	s1 =	sshll.u32 s1, $0x11  }
0xd1: {  	s0 =	sor.u32 s1, s0  }
0xd2: {  	s0 =	sadd.s32 $0x8F2B, s0  }
0xd3: {  	[sflag:s0] =	ssyncadd.remote.s32 $0x1  }
0xd4: {  	_ =	sfence.sel $0xFFFF  }
0xd5: {  	[dreg:$0x0] =	wrdreg $0xFFFFFFFF;
	(pc) =	sbr.abs _section_cstart, $3  }
0xd6: {  	[dreg:$0x1] =	wrdreg $0xFFFFFFFF  }
0xd7: {  	_ =	task.clear_ibuf [dreg:s22], $0x2FFFF;
	_ =	strace $0x9FFFFFFF  }
0xd8: {  	(tm) =	ssettm $0x7FFFFFFF  }
0xd9: {  	_ =	shalt  }
tec
execute0_lowered:
.L_overlay_start_1:
0x0: {  	(tag) =	ssettag $0x1  }
0x1: {  	s1 =	rddreg [dreg:$0x0]  }
0x2: {  	s0 =	srdreg.scid;
	s2 =	rddreg [dreg:$0x1]  }
0x3: {  	s3 =	stileid.u32;
	s5 =	rddreg [dreg:$0x2]  }
0x4: {  	s18 =	simm.s32 $0x200;
	s8 =	simm.s32 $0x3;
	s0 =	sand.u32 $0x1, s0  }
0x5: {  	s10 =	simm.s32 $0x2;
	s3 =	sshll.u32 s3, $0x7;
	s4 =	sshll.u32 s0, $0x6  }
0x6: {  	s11 =	simm.s32 $0x4;
	s0 =	ssub.s32 $0x2, s0;
	s4 =	sor.u32 s4, s3  }
0x7: {  	s3 =	simm.s32 $0x0;
	s6 =	smul.u32 $0x300, s4;
	s2 =	sadd.s32 s4, s2  }
0x8: {  	[smem:$0x7FF] =	sst s3;
	s4 =	smul.u32 $0x1800, s4;
	s2 =	sadd.s32 $0x1BE200, s2  }
0x9: {  	_ =	strace $0x80000050;
	s6 =	sadd.s32 s5, s6;
	[dreg:$0x4] =	wrdreg s2  }
0xa: {  	s4 =	sshrl.u32 s4, $0x3;
	s23 =	sadd.s32 $0x1800, s6;
	[dreg:$0xc] =	wrdreg s6  }
0xb: {  	s24 =	sadd.s32 $0x3000, s6;
	s4 =	sadd.s32 s5, s4;
	[dreg:$0x5] =	wrdreg s23  }
0xc: {  	s29 =	sshrl.u32 s0, $0x1;
	[dreg:$0x6] =	wrdreg s24;
	s25 =	sadd.s32 $0x4800, s4  }
0xd: {  	s0 =	ssub.s32 s0, s29;
	s26 =	sadd.s32 $0x6000, s4;
	[dreg:$0x7] =	wrdreg s25  }
0xe: {  	s7 =	smax.u32 s0, $0x1;
	s28 =	sadd.s32 $0x7800, s4;
	[dreg:$0x8] =	wrdreg s26  }
0xf: {  	v2 =	vlaneseq.u32;
	s0 =	simm.s32 $0x1;
	s30 =	sadd.s32 $0x9000, s4;
	[dreg:$0x9] =	wrdreg s28  }
0x10: {  	vm0 =	vmmov $0xffff;
	v1 =	vshrl.u32 v2, $0x3;
	s5 =	sadd.s32 $0x100, s1;
	s31 =	sadd.s32 $0xA800, s4;
	[dreg:$0xa] =	wrdreg s30  }
0x11: {  	v0 =	vand.u32 $0x7, v2;
	v2 =	vor.u32 $0x8, v2;
	v1 =	vmul.u32 $0x8, v1;
	s6 =	sadd.s32 $0x200, s1;
	s4 =	simm.s32 $0xC200;
	[dreg:$0xb] =	wrdreg s31  }
.LBB2_1:
0x12: {  	s12 =	rddreg [dreg:$0x4];
	s2 =	simm.s32 $0x5  }
0x13: {  	[tilespmem:s3], [sflag:$0x5] =	stream.linear.gather [hbm4b:s12+s3], $0x200, $0x38;
	[tilespmem:$0x18200] =	vst v63  }
0x14: {  	_ =	swait.ge [sflag:s2], $0x200  }
0x15: {  	[sflag:s2] =	ssyncset.done $0x0  }
0x16: {  	[sflag:s2] =	ssyncadd.s32 $0xFFFFFE00  }
0x17: {  	v3 =	vld [tilespmem:$0x0];
	_ =	sdelay $0x4  }
0x18: {  	v4 =	vshrl.u32 v3, $0x3  }
0x19: {  	v4 =	vmul.u32 $0x30, v4  }
0x1a: {  	v3 =	vand.u32 $0x7, v3  }
0x1b: {  	v3 =	vor.u32 v3, v4  }
0x1c: {  	v4 =	vperm.xlane v3, v0;
	_ =	sdelay $0x1  }
0x1d: {  	v4 =	vadd.s32 v1, v4;
	_ =	sdelay $0x3  }
0x1e: {  	v3 =	vperm.xlane v3, v2  }
0x1f: {  	[tilespmem:s18], [sflag:$0x1] =	stream.indirect_vreg.gather [hbm4b:s1+s3], $0x80, v4, vm0, $0xb8;
	[tilespmem:$0x18200] =	vst v63  }
0x20: {  	s2 =	simm.s32 $0xA00;
	v3 =	vadd.s32 v1, v3  }
0x21: {  	[tilespmem:s2], [sflag:$0x1] =	stream.indirect_vreg.gather [hbm4b:s5+s3], $0x80, v4, vm0, $0xb8;
	[tilespmem:$0x18200] =	vst v63  }
0x22: {  	s9 =	simm.s32 $0x1200  }
0x23: {  	[tilespmem:s9], [sflag:$0x1] =	stream.indirect_vreg.gather [hbm4b:s6+s3], $0x80, v4, vm0, $0xb8;
	[tilespmem:$0x18200] =	vst v63  }
0x24: {  	s12 =	simm.s32 $0x1A00  }
0x25: {  	[tilespmem:s12], [sflag:$0x1] =	stream.indirect_vreg.gather [hbm4b:s1+s3], $0x80, v3, vm0, $0xb8;
	[tilespmem:$0x18200] =	vst v63  }
0x26: {  	s13 =	simm.s32 $0x2200  }
0x27: {  	[tilespmem:s13], [sflag:$0x1] =	stream.indirect_vreg.gather [hbm4b:s5+s3], $0x80, v3, vm0, $0xb8;
	[tilespmem:$0x18200] =	vst v63  }
0x28: {  	s14 =	simm.s32 $0x2A00  }
0x29: {  	[tilespmem:s14], [sflag:$0x1] =	stream.indirect_vreg.gather [hbm4b:s6+s3], $0x80, v3, vm0, $0xb8;
	[tilespmem:$0x18200] =	vst v63  }
0x2a: {  	v3 =	vld [tilespmem:$0x10];
	_ =	sdelay $0x4  }
0x2b: {  	v33 =	vshrl.u32 v3, $0x3  }
0x2c: {  	v4 =	vmul.u32 $0x30, v33  }
0x2d: {  	v3 =	vand.u32 $0x7, v3  }
0x2e: {  	v3 =	vor.u32 v3, v4  }
0x2f: {  	v4 =	vperm.xlane v3, v0;
	_ =	sdelay $0x1  }
0x30: {  	v4 =	vadd.s32 v1, v4;
	_ =	sdelay $0x3  }
0x31: {  	s15 =	simm.s32 $0x3200;
	v3 =	vperm.xlane v3, v2  }
0x32: {  	[tilespmem:s15], [sflag:$0x1] =	stream.indirect_vreg.gather [hbm4b:s1+s3], $0x80, v4, vm0, $0xb8;
	[tilespmem:$0x18200] =	vst v63  }
0x33: {  	s16 =	simm.s32 $0x3A00;
	v3 =	vadd.s32 v1, v3  }
0x34: {  	[tilespmem:s16], [sflag:$0x1] =	stream.indirect_vreg.gather [hbm4b:s5+s3], $0x80, v4, vm0, $0xb8;
	[tilespmem:$0x18200] =	vst v63  }
0x35: {  	s17 =	simm.s32 $0x4200  }
0x36: {  	[tilespmem:s17], [sflag:$0x1] =	stream.indirect_vreg.gather [hbm4b:s6+s3], $0x80, v4, vm0, $0xb8;
	[tilespmem:$0x18200] =	vst v63  }
0x37: {  	s19 =	simm.s32 $0x4A00  }
0x38: {  	[tilespmem:s19], [sflag:$0x1] =	stream.indirect_vreg.gather [hbm4b:s1+s3], $0x80, v3, vm0, $0xb8;
	[tilespmem:$0x18200] =	vst v63  }
0x39: {  	s20 =	simm.s32 $0x5200  }
0x3a: {  	[tilespmem:s20], [sflag:$0x1] =	stream.indirect_vreg.gather [hbm4b:s5+s3], $0x80, v3, vm0, $0xb8;
	[tilespmem:$0x18200] =	vst v63  }
0x3b: {  	s21 =	simm.s32 $0x5A00  }
0x3c: {  	[tilespmem:s21], [sflag:$0x1] =	stream.indirect_vreg.gather [hbm4b:s6+s3], $0x80, v3, vm0, $0xb8;
	[tilespmem:$0x18200] =	vst v63  }
0x3d: {  	v3 =	vld [tilespmem:$0x20];
	_ =	sdelay $0x4  }
0x3e: {  	v34 =	vshrl.u32 v3, $0x3  }
0x3f: {  	v4 =	vmul.u32 $0x30, v34  }
0x40: {  	v3 =	vand.u32 $0x7, v3  }
0x41: {  	v3 =	vor.u32 v3, v4  }
0x42: {  	v4 =	vperm.xlane v3, v0;
	_ =	sdelay $0x1  }
0x43: {  	v4 =	vadd.s32 v1, v4;
	_ =	sdelay $0x3  }
0x44: {  	s22 =	simm.s32 $0x6200;
	v3 =	vperm.xlane v3, v2  }
0x45: {  	[tilespmem:s22], [sflag:$0x1] =	stream.indirect_vreg.gather [hbm4b:s1+s3], $0x80, v4, vm0, $0xb8;
	[tilespmem:$0x18200] =	vst v63  }
0x46: {  	s23 =	simm.s32 $0x6A00;
	v3 =	vadd.s32 v1, v3  }
0x47: {  	[tilespmem:s23], [sflag:$0x1] =	stream.indirect_vreg.gather [hbm4b:s5+s3], $0x80, v4, vm0, $0xb8;
	[tilespmem:$0x18200] =	vst v63  }
0x48: {  	s24 =	simm.s32 $0x7200  }
0x49: {  	[tilespmem:s24], [sflag:$0x1] =	stream.indirect_vreg.gather [hbm4b:s6+s3], $0x80, v4, vm0, $0xb8;
	[tilespmem:$0x18200] =	vst v63  }
0x4a: {  	s25 =	simm.s32 $0x7A00  }
0x4b: {  	[tilespmem:s25], [sflag:$0x1] =	stream.indirect_vreg.gather [hbm4b:s1+s3], $0x80, v3, vm0, $0xb8;
	[tilespmem:$0x18200] =	vst v63  }
0x4c: {  	s28 =	simm.s32 $0x8200  }
0x4d: {  	[tilespmem:s28], [sflag:$0x1] =	stream.indirect_vreg.gather [hbm4b:s5+s3], $0x80, v3, vm0, $0xb8;
	[tilespmem:$0x18200] =	vst v63  }
0x4e: {  	s29 =	simm.s32 $0x8A00  }
0x4f: {  	[tilespmem:s29], [sflag:$0x1] =	stream.indirect_vreg.gather [hbm4b:s6+s3], $0x80, v3, vm0, $0xb8;
	[tilespmem:$0x18200] =	vst v63  }
0x50: {  	v3 =	vld [tilespmem:$0x30];
	_ =	sdelay $0x4  }
0x51: {  	v35 =	vshrl.u32 v3, $0x3  }
0x52: {  	v4 =	vmul.u32 $0x30, v35  }
0x53: {  	v3 =	vand.u32 $0x7, v3  }
0x54: {  	v3 =	vor.u32 v3, v4  }
0x55: {  	v4 =	vperm.xlane v3, v0;
	_ =	sdelay $0x1  }
0x56: {  	v4 =	vadd.s32 v1, v4;
	_ =	sdelay $0x3  }
0x57: {  	s30 =	simm.s32 $0x9200;
	v3 =	vperm.xlane v3, v2  }
0x58: {  	[tilespmem:s30], [sflag:$0x1] =	stream.indirect_vreg.gather [hbm4b:s1+s3], $0x80, v4, vm0, $0xb8;
	[tilespmem:$0x18200] =	vst v63  }
0x59: {  	s9 =	simm.s32 $0x9A00;
	v3 =	vadd.s32 v1, v3  }
0x5a: {  	[tilespmem:s9], [sflag:$0x1] =	stream.indirect_vreg.gather [hbm4b:s5+s3], $0x80, v4, vm0, $0xb8;
	[tilespmem:$0x18200] =	vst v63  }
0x5b: {  	s12 =	simm.s32 $0xA200  }
0x5c: {  	[tilespmem:s12], [sflag:$0x1] =	stream.indirect_vreg.gather [hbm4b:s6+s3], $0x80, v4, vm0, $0xb8;
	[tilespmem:$0x18200] =	vst v63  }
0x5d: {  	s16 =	simm.s32 $0xAA00  }
0x5e: {  	[tilespmem:s16], [sflag:$0x1] =	stream.indirect_vreg.gather [hbm4b:s1+s3], $0x80, v3, vm0, $0xb8;
	[tilespmem:$0x18200] =	vst v63  }
0x5f: {  	s17 =	simm.s32 $0xB200  }
0x60: {  	[tilespmem:s17], [sflag:$0x1] =	stream.indirect_vreg.gather [hbm4b:s5+s3], $0x80, v3, vm0, $0xb8;
	[tilespmem:$0x18200] =	vst v63  }
0x61: {  	s19 =	simm.s32 $0xBA00  }
0x62: {  	[tilespmem:s19], [sflag:$0x1] =	stream.indirect_vreg.gather [hbm4b:s6+s3], $0x80, v3, vm0, $0xb8;
	[tilespmem:$0x18200] =	vst v63  }
0x63: {  	v3 =	vld [tilespmem:$0x40];
	_ =	sdelay $0x4  }
0x64: {  	v36 =	vshrl.u32 v3, $0x3  }
0x65: {  	v4 =	vmul.u32 $0x30, v36  }
0x66: {  	v3 =	vand.u32 $0x7, v3  }
0x67: {  	v3 =	vor.u32 v3, v4  }
0x68: {  	v4 =	vperm.xlane v3, v0;
	_ =	sdelay $0x1  }
0x69: {  	v4 =	vadd.s32 v1, v4;
	_ =	sdelay $0x3  }
0x6a: {  	v3 =	vperm.xlane v3, v2  }
0x6b: {  	[tilespmem:s4], [sflag:$0x2] =	stream.indirect_vreg.gather [hbm4b:s1+s3], $0x80, v4, vm0, $0xb8;
	[tilespmem:$0x18200] =	vst v63  }
0x6c: {  	s20 =	simm.s32 $0xCA00;
	v3 =	vadd.s32 v1, v3  }
0x6d: {  	[tilespmem:s20], [sflag:$0x2] =	stream.indirect_vreg.gather [hbm4b:s5+s3], $0x80, v4, vm0, $0xb8;
	[tilespmem:$0x18200] =	vst v63  }
0x6e: {  	s21 =	simm.s32 $0xD200  }
0x6f: {  	[tilespmem:s21], [sflag:$0x2] =	stream.indirect_vreg.gather [hbm4b:s6+s3], $0x80, v4, vm0, $0xb8;
	[tilespmem:$0x18200] =	vst v63  }
0x70: {  	s22 =	simm.s32 $0xDA00  }
0x71: {  	[tilespmem:s22], [sflag:$0x2] =	stream.indirect_vreg.gather [hbm4b:s1+s3], $0x80, v3, vm0, $0xb8;
	[tilespmem:$0x18200] =	vst v63  }
0x72: {  	s23 =	simm.s32 $0xE200  }
0x73: {  	[tilespmem:s23], [sflag:$0x2] =	stream.indirect_vreg.gather [hbm4b:s5+s3], $0x80, v3, vm0, $0xb8;
	[tilespmem:$0x18200] =	vst v63  }
0x74: {  	s24 =	simm.s32 $0xEA00  }
0x75: {  	[tilespmem:s24], [sflag:$0x2] =	stream.indirect_vreg.gather [hbm4b:s6+s3], $0x80, v3, vm0, $0xb8;
	[tilespmem:$0x18200] =	vst v63  }
0x76: {  	v3 =	vld [tilespmem:$0x50];
	_ =	sdelay $0x4  }
0x77: {  	v37 =	vshrl.u32 v3, $0x3  }
0x78: {  	v4 =	vmul.u32 $0x30, v37  }
0x79: {  	v3 =	vand.u32 $0x7, v3  }
0x7a: {  	v3 =	vor.u32 v3, v4  }
0x7b: {  	v4 =	vperm.xlane v3, v0;
	_ =	sdelay $0x1  }
0x7c: {  	v4 =	vadd.s32 v1, v4;
	_ =	sdelay $0x3  }
0x7d: {  	s25 =	simm.s32 $0xF200;
	v3 =	vperm.xlane v3, v2  }
0x7e: {  	[tilespmem:s25], [sflag:$0x2] =	stream.indirect_vreg.gather [hbm4b:s1+s3], $0x80, v4, vm0, $0xb8;
	[tilespmem:$0x18200] =	vst v63  }
0x7f: {  	s28 =	simm.s32 $0xFA00;
	v3 =	vadd.s32 v1, v3  }
0x80: {  	[tilespmem:s28], [sflag:$0x2] =	stream.indirect_vreg.gather [hbm4b:s5+s3], $0x80, v4, vm0, $0xb8;
	[tilespmem:$0x18200] =	vst v63  }
0x81: {  	s29 =	simm.s32 $0x10200  }
0x82: {  	[tilespmem:s29], [sflag:$0x2] =	stream.indirect_vreg.gather [hbm4b:s6+s3], $0x80, v4, vm0, $0xb8;
	[tilespmem:$0x18200] =	vst v63  }
0x83: {  	s30 =	simm.s32 $0x10A00  }
0x84: {  	[tilespmem:s30], [sflag:$0x2] =	stream.indirect_vreg.gather [hbm4b:s1+s3], $0x80, v3, vm0, $0xb8;
	[tilespmem:$0x18200] =	vst v63  }
0x85: {  	s2 =	simm.s32 $0x11200  }
0x86: {  	[tilespmem:s2], [sflag:$0x2] =	stream.indirect_vreg.gather [hbm4b:s5+s3], $0x80, v3, vm0, $0xb8;
	[tilespmem:$0x18200] =	vst v63  }
0x87: {  	s9 =	simm.s32 $0x11A00  }
0x88: {  	[tilespmem:s9], [sflag:$0x2] =	stream.indirect_vreg.gather [hbm4b:s6+s3], $0x80, v3, vm0, $0xb8;
	[tilespmem:$0x18200] =	vst v63  }
0x89: {  	v3 =	vld [tilespmem:$0x60];
	_ =	sdelay $0x4  }
0x8a: {  	v38 =	vshrl.u32 v3, $0x3  }
0x8b: {  	v4 =	vmul.u32 $0x30, v38  }
0x8c: {  	v3 =	vand.u32 $0x7, v3  }
0x8d: {  	v3 =	vor.u32 v3, v4  }
0x8e: {  	v4 =	vperm.xlane v3, v0;
	_ =	sdelay $0x1  }
0x8f: {  	v4 =	vadd.s32 v1, v4;
	_ =	sdelay $0x3  }
0x90: {  	s16 =	simm.s32 $0x12200;
	v3 =	vperm.xlane v3, v2  }
0x91: {  	[tilespmem:s16], [sflag:$0x2] =	stream.indirect_vreg.gather [hbm4b:s1+s3], $0x80, v4, vm0, $0xb8;
	[tilespmem:$0x18200] =	vst v63  }
0x92: {  	s20 =	simm.s32 $0x12A00;
	v3 =	vadd.s32 v1, v3  }
0x93: {  	[tilespmem:s20], [sflag:$0x2] =	stream.indirect_vreg.gather [hbm4b:s5+s3], $0x80, v4, vm0, $0xb8;
	[tilespmem:$0x18200] =	vst v63  }
0x94: {  	s21 =	simm.s32 $0x13200  }
0x95: {  	[tilespmem:s21], [sflag:$0x2] =	stream.indirect_vreg.gather [hbm4b:s6+s3], $0x80, v4, vm0, $0xb8;
	[tilespmem:$0x18200] =	vst v63  }
0x96: {  	s22 =	simm.s32 $0x13A00  }
0x97: {  	[tilespmem:s22], [sflag:$0x2] =	stream.indirect_vreg.gather [hbm4b:s1+s3], $0x80, v3, vm0, $0xb8;
	[tilespmem:$0x18200] =	vst v63  }
0x98: {  	s23 =	simm.s32 $0x14200  }
0x99: {  	[tilespmem:s23], [sflag:$0x2] =	stream.indirect_vreg.gather [hbm4b:s5+s3], $0x80, v3, vm0, $0xb8;
	[tilespmem:$0x18200] =	vst v63  }
0x9a: {  	s24 =	simm.s32 $0x14A00  }
0x9b: {  	[tilespmem:s24], [sflag:$0x2] =	stream.indirect_vreg.gather [hbm4b:s6+s3], $0x80, v3, vm0, $0xb8;
	[tilespmem:$0x18200] =	vst v63  }
0x9c: {  	v3 =	vld [tilespmem:$0x70];
	_ =	sdelay $0x4  }
0x9d: {  	v39 =	vshrl.u32 v3, $0x3  }
0x9e: {  	v4 =	vmul.u32 $0x30, v39  }
0x9f: {  	v3 =	vand.u32 $0x7, v3  }
0xa0: {  	v3 =	vor.u32 v3, v4  }
0xa1: {  	v4 =	vperm.xlane v3, v0;
	_ =	sdelay $0x1  }
0xa2: {  	v4 =	vadd.s32 v1, v4;
	_ =	sdelay $0x3  }
0xa3: {  	s25 =	simm.s32 $0x15200;
	v3 =	vperm.xlane v3, v2  }
0xa4: {  	[tilespmem:s25], [sflag:$0x2] =	stream.indirect_vreg.gather [hbm4b:s1+s3], $0x80, v4, vm0, $0xb8;
	[tilespmem:$0x18200] =	vst v63  }
0xa5: {  	s28 =	simm.s32 $0x15A00;
	v3 =	vadd.s32 v1, v3  }
0xa6: {  	[tilespmem:s28], [sflag:$0x2] =	stream.indirect_vreg.gather [hbm4b:s5+s3], $0x80, v4, vm0, $0xb8;
	[tilespmem:$0x18200] =	vst v63  }
0xa7: {  	s29 =	simm.s32 $0x16200  }
0xa8: {  	[tilespmem:s29], [sflag:$0x2] =	stream.indirect_vreg.gather [hbm4b:s6+s3], $0x80, v4, vm0, $0xb8;
	[tilespmem:$0x18200] =	vst v63  }
0xa9: {  	s30 =	simm.s32 $0x16A00  }
0xaa: {  	[tilespmem:s30], [sflag:$0x2] =	stream.indirect_vreg.gather [hbm4b:s1+s3], $0x80, v3, vm0, $0xb8;
	[tilespmem:$0x18200] =	vst v63  }
0xab: {  	s2 =	simm.s32 $0x17200  }
0xac: {  	[tilespmem:s2], [sflag:$0x2] =	stream.indirect_vreg.gather [hbm4b:s5+s3], $0x80, v3, vm0, $0xb8;
	[tilespmem:$0x18200] =	vst v63  }
0xad: {  	s9 =	simm.s32 $0x17A00  }
0xae: {  	[tilespmem:s9], [sflag:$0x2] =	stream.indirect_vreg.gather [hbm4b:s6+s3], $0x80, v3, vm0, $0xb8;
	[tilespmem:$0x18200] =	vst v63  }
0xaf: {  	_ =	swait.ge [sflag:s0], $0xC000  }
0xb0: {  	[sflag:s0] =	ssyncset.done $0x0  }
0xb1: {  	s16 =	rddreg [dreg:$0xc];
	[sflag:s0] =	ssyncadd.s32 $0xFFFF4000  }
0xb2: {  	[hbm4b:s16+s3] =	stream.linear.scatter [tilespmem:s18], [sflag:$0x3], $0xC000, $0x38;
	[tilespmem:$0x18200] =	vst v63  }
0xb3: {  	_ =	swait.ge [sflag:s8], $0xC000  }
0xb4: {  	[sflag:s8] =	ssyncset.done $0x0  }
0xb5: {  	[sflag:s8] =	ssyncadd.s32 $0xFFFF4000  }
0xb6: {  	v3 =	vld [tilespmem:$0x80];
	_ =	sdelay $0x4  }
0xb7: {  	v40 =	vshrl.u32 v3, $0x3  }
0xb8: {  	v4 =	vmul.u32 $0x30, v40  }
0xb9: {  	v3 =	vand.u32 $0x7, v3  }
0xba: {  	v3 =	vor.u32 v3, v4  }
0xbb: {  	v4 =	vperm.xlane v3, v0;
	_ =	sdelay $0x1  }
0xbc: {  	v4 =	vadd.s32 v1, v4;
	_ =	sdelay $0x3  }
0xbd: {  	v3 =	vperm.xlane v3, v2  }
0xbe: {  	[tilespmem:s18], [sflag:$0x1] =	stream.indirect_vreg.gather [hbm4b:s1+s3], $0x80, v4, vm0, $0xb8;
	[tilespmem:$0x18200] =	vst v63  }
0xbf: {  	s2 =	simm.s32 $0xA00;
	v3 =	vadd.s32 v1, v3  }
0xc0: {  	[tilespmem:s2], [sflag:$0x1] =	stream.indirect_vreg.gather [hbm4b:s5+s3], $0x80, v4, vm0, $0xb8;
	[tilespmem:$0x18200] =	vst v63  }
0xc1: {  	s9 =	simm.s32 $0x1200  }
0xc2: {  	[tilespmem:s9], [sflag:$0x1] =	stream.indirect_vreg.gather [hbm4b:s6+s3], $0x80, v4, vm0, $0xb8;
	[tilespmem:$0x18200] =	vst v63  }
0xc3: {  	s20 =	simm.s32 $0x1A00  }
0xc4: {  	[tilespmem:s20], [sflag:$0x1] =	stream.indirect_vreg.gather [hbm4b:s1+s3], $0x80, v3, vm0, $0xb8;
	[tilespmem:$0x18200] =	vst v63  }
0xc5: {  	s21 =	simm.s32 $0x2200  }
0xc6: {  	[tilespmem:s21], [sflag:$0x1] =	stream.indirect_vreg.gather [hbm4b:s5+s3], $0x80, v3, vm0, $0xb8;
	[tilespmem:$0x18200] =	vst v63  }
0xc7: {  	s13 =	simm.s32 $0x2A00  }
0xc8: {  	[tilespmem:s13], [sflag:$0x1] =	stream.indirect_vreg.gather [hbm4b:s6+s3], $0x80, v3, vm0, $0xb8;
	[tilespmem:$0x18200] =	vst v63  }
0xc9: {  	v3 =	vld [tilespmem:$0x90];
	_ =	sdelay $0x4  }
0xca: {  	v41 =	vshrl.u32 v3, $0x3  }
0xcb: {  	v4 =	vmul.u32 $0x30, v41  }
0xcc: {  	v3 =	vand.u32 $0x7, v3  }
0xcd: {  	v3 =	vor.u32 v3, v4  }
0xce: {  	v4 =	vperm.xlane v3, v0;
	_ =	sdelay $0x1  }
0xcf: {  	v4 =	vadd.s32 v1, v4;
	_ =	sdelay $0x3  }
0xd0: {  	s14 =	simm.s32 $0x3200;
	v3 =	vperm.xlane v3, v2  }
0xd1: {  	[tilespmem:s14], [sflag:$0x1] =	stream.indirect_vreg.gather [hbm4b:s1+s3], $0x80, v4, vm0, $0xb8;
	[tilespmem:$0x18200] =	vst v63  }
0xd2: {  	s22 =	simm.s32 $0x3A00;
	v3 =	vadd.s32 v1, v3  }
0xd3: {  	[tilespmem:s22], [sflag:$0x1] =	stream.indirect_vreg.gather [hbm4b:s5+s3], $0x80, v4, vm0, $0xb8;
	[tilespmem:$0x18200] =	vst v63  }
0xd4: {  	s23 =	simm.s32 $0x4200  }
0xd5: {  	[tilespmem:s23], [sflag:$0x1] =	stream.indirect_vreg.gather [hbm4b:s6+s3], $0x80, v4, vm0, $0xb8;
	[tilespmem:$0x18200] =	vst v63  }
0xd6: {  	s24 =	simm.s32 $0x4A00  }
0xd7: {  	[tilespmem:s24], [sflag:$0x1] =	stream.indirect_vreg.gather [hbm4b:s1+s3], $0x80, v3, vm0, $0xb8;
	[tilespmem:$0x18200] =	vst v63  }
0xd8: {  	s25 =	simm.s32 $0x5200  }
0xd9: {  	[tilespmem:s25], [sflag:$0x1] =	stream.indirect_vreg.gather [hbm4b:s5+s3], $0x80, v3, vm0, $0xb8;
	[tilespmem:$0x18200] =	vst v63  }
0xda: {  	s15 =	simm.s32 $0x5A00  }
0xdb: {  	[tilespmem:s15], [sflag:$0x1] =	stream.indirect_vreg.gather [hbm4b:s6+s3], $0x80, v3, vm0, $0xb8;
	[tilespmem:$0x18200] =	vst v63  }
0xdc: {  	v3 =	vld [tilespmem:$0xA0];
	_ =	sdelay $0x4  }
0xdd: {  	v42 =	vshrl.u32 v3, $0x3  }
0xde: {  	v4 =	vmul.u32 $0x30, v42  }
0xdf: {  	v3 =	vand.u32 $0x7, v3  }
0xe0: {  	v3 =	vor.u32 v3, v4  }
0xe1: {  	v4 =	vperm.xlane v3, v0;
	_ =	sdelay $0x1  }
0xe2: {  	v4 =	vadd.s32 v1, v4;
	_ =	sdelay $0x3  }
0xe3: {  	s26 =	simm.s32 $0x6200;
	v3 =	vperm.xlane v3, v2  }
0xe4: {  	[tilespmem:s26], [sflag:$0x1] =	stream.indirect_vreg.gather [hbm4b:s1+s3], $0x80, v4, vm0, $0xb8;
	[tilespmem:$0x18200] =	vst v63  }
0xe5: {  	v3 =	vadd.s32 v1, v3;
	s26 =	simm.s32 $0x6A00  }
0xe6: {  	[tilespmem:s26], [sflag:$0x1] =	stream.indirect_vreg.gather [hbm4b:s5+s3], $0x80, v4, vm0, $0xb8;
	[tilespmem:$0x18200] =	vst v63  }
0xe7: {  	s28 =	simm.s32 $0x7200  }
0xe8: {  	[tilespmem:s28], [sflag:$0x1] =	stream.indirect_vreg.gather [hbm4b:s6+s3], $0x80, v4, vm0, $0xb8;
	[tilespmem:$0x18200] =	vst v63  }
0xe9: {  	s29 =	simm.s32 $0x7A00  }
0xea: {  	[tilespmem:s29], [sflag:$0x1] =	stream.indirect_vreg.gather [hbm4b:s1+s3], $0x80, v3, vm0, $0xb8;
	[tilespmem:$0x18200] =	vst v63  }
0xeb: {  	s30 =	simm.s32 $0x8200  }
0xec: {  	[tilespmem:s30], [sflag:$0x1] =	stream.indirect_vreg.gather [hbm4b:s5+s3], $0x80, v3, vm0, $0xb8;
	[tilespmem:$0x18200] =	vst v63  }
0xed: {  	s31 =	simm.s32 $0x8A00  }
0xee: {  	[tilespmem:s31], [sflag:$0x1] =	stream.indirect_vreg.gather [hbm4b:s6+s3], $0x80, v3, vm0, $0xb8;
	[tilespmem:$0x18200] =	vst v63  }
0xef: {  	v3 =	vld [tilespmem:$0xB0];
	_ =	sdelay $0x4  }
0xf0: {  	v43 =	vshrl.u32 v3, $0x3  }
0xf1: {  	v4 =	vmul.u32 $0x30, v43  }
0xf2: {  	v3 =	vand.u32 $0x7, v3  }
0xf3: {  	v3 =	vor.u32 v3, v4  }
0xf4: {  	v4 =	vperm.xlane v3, v0;
	_ =	sdelay $0x1  }
0xf5: {  	v4 =	vadd.s32 v1, v4;
	_ =	sdelay $0x3  }
0xf6: {  	s16 =	simm.s32 $0x9200;
	v3 =	vperm.xlane v3, v2  }
0xf7: {  	[tilespmem:s16], [sflag:$0x1] =	stream.indirect_vreg.gather [hbm4b:s1+s3], $0x80, v4, vm0, $0xb8;
	[tilespmem:$0x18200] =	vst v63  }
0xf8: {  	s31 =	simm.s32 $0x9A00;
	v3 =	vadd.s32 v1, v3  }
0xf9: {  	[tilespmem:s31], [sflag:$0x1] =	stream.indirect_vreg.gather [hbm4b:s5+s3], $0x80, v4, vm0, $0xb8;
	[tilespmem:$0x18200] =	vst v63  }
0xfa: {  	s13 =	simm.s32 $0xA200  }
0xfb: {  	[tilespmem:s13], [sflag:$0x1] =	stream.indirect_vreg.gather [hbm4b:s6+s3], $0x80, v4, vm0, $0xb8;
	[tilespmem:$0x18200] =	vst v63  }
0xfc: {  	s14 =	simm.s32 $0xAA00  }
0xfd: {  	[tilespmem:s14], [sflag:$0x1] =	stream.indirect_vreg.gather [hbm4b:s1+s3], $0x80, v3, vm0, $0xb8;
	[tilespmem:$0x18200] =	vst v63  }
0xfe: {  	s15 =	simm.s32 $0xB200  }
0xff: {  	[tilespmem:s15], [sflag:$0x1] =	stream.indirect_vreg.gather [hbm4b:s5+s3], $0x80, v3, vm0, $0xb8;
	[tilespmem:$0x18200] =	vst v63  }
0x100: {  	s17 =	simm.s32 $0xBA00  }
0x101: {  	[tilespmem:s17], [sflag:$0x1] =	stream.indirect_vreg.gather [hbm4b:s6+s3], $0x80, v3, vm0, $0xb8;
	[tilespmem:$0x18200] =	vst v63  }
0x102: {  	_ =	swait.ge [sflag:s10], $0xC000  }
0x103: {  	[sflag:s10] =	ssyncset.done $0x0  }
0x104: {  	s17 =	rddreg [dreg:$0x5];
	[sflag:s10] =	ssyncadd.s32 $0xFFFF4000  }
0x105: {  	[hbm4b:s17+s3] =	stream.linear.scatter [tilespmem:s4], [sflag:$0x4], $0xC000, $0x38;
	[tilespmem:$0x18200] =	vst v63  }
0x106: {  	_ =	swait.ge [sflag:s11], $0xC000  }
0x107: {  	[sflag:s11] =	ssyncset.done $0x0  }
0x108: {  	[sflag:s11] =	ssyncadd.s32 $0xFFFF4000  }
0x109: {  	v3 =	vld [tilespmem:$0xC0];
	_ =	sdelay $0x4  }
0x10a: {  	v44 =	vshrl.u32 v3, $0x3  }
0x10b: {  	v4 =	vmul.u32 $0x30, v44  }
0x10c: {  	v3 =	vand.u32 $0x7, v3  }
0x10d: {  	v3 =	vor.u32 v3, v4  }
0x10e: {  	v4 =	vperm.xlane v3, v0;
	_ =	sdelay $0x1  }
0x10f: {  	v4 =	vadd.s32 v1, v4;
	_ =	sdelay $0x3  }
0x110: {  	v3 =	vperm.xlane v3, v2  }
0x111: {  	[tilespmem:s4], [sflag:$0x2] =	stream.indirect_vreg.gather [hbm4b:s1+s3], $0x80, v4, vm0, $0xb8;
	[tilespmem:$0x18200] =	vst v63  }
0x112: {  	s17 =	simm.s32 $0xCA00;
	v3 =	vadd.s32 v1, v3  }
0x113: {  	[tilespmem:s17], [sflag:$0x2] =	stream.indirect_vreg.gather [hbm4b:s5+s3], $0x80, v4, vm0, $0xb8;
	[tilespmem:$0x18200] =	vst v63  }
0x114: {  	s17 =	simm.s32 $0xD200  }
0x115: {  	[tilespmem:s17], [sflag:$0x2] =	stream.indirect_vreg.gather [hbm4b:s6+s3], $0x80, v4, vm0, $0xb8;
	[tilespmem:$0x18200] =	vst v63  }
0x116: {  	s17 =	simm.s32 $0xDA00  }
0x117: {  	[tilespmem:s17], [sflag:$0x2] =	stream.indirect_vreg.gather [hbm4b:s1+s3], $0x80, v3, vm0, $0xb8;
	[tilespmem:$0x18200] =	vst v63  }
0x118: {  	s17 =	simm.s32 $0xE200  }
0x119: {  	[tilespmem:s17], [sflag:$0x2] =	stream.indirect_vreg.gather [hbm4b:s5+s3], $0x80, v3, vm0, $0xb8;
	[tilespmem:$0x18200] =	vst v63  }
0x11a: {  	s19 =	simm.s32 $0xEA00  }
0x11b: {  	[tilespmem:s19], [sflag:$0x2] =	stream.indirect_vreg.gather [hbm4b:s6+s3], $0x80, v3, vm0, $0xb8;
	[tilespmem:$0x18200] =	vst v63  }
0x11c: {  	v3 =	vld [tilespmem:$0xD0];
	_ =	sdelay $0x4  }
0x11d: {  	v45 =	vshrl.u32 v3, $0x3  }
0x11e: {  	v4 =	vmul.u32 $0x30, v45  }
0x11f: {  	v3 =	vand.u32 $0x7, v3  }
0x120: {  	v3 =	vor.u32 v3, v4  }
0x121: {  	v4 =	vperm.xlane v3, v0;
	_ =	sdelay $0x1  }
0x122: {  	v4 =	vadd.s32 v1, v4;
	_ =	sdelay $0x3  }
0x123: {  	s17 =	simm.s32 $0xF200;
	v3 =	vperm.xlane v3, v2  }
0x124: {  	[tilespmem:s17], [sflag:$0x2] =	stream.indirect_vreg.gather [hbm4b:s1+s3], $0x80, v4, vm0, $0xb8;
	[tilespmem:$0x18200] =	vst v63  }
0x125: {  	s19 =	simm.s32 $0xFA00;
	v3 =	vadd.s32 v1, v3  }
0x126: {  	[tilespmem:s19], [sflag:$0x2] =	stream.indirect_vreg.gather [hbm4b:s5+s3], $0x80, v4, vm0, $0xb8;
	[tilespmem:$0x18200] =	vst v63  }
0x127: {  	s17 =	simm.s32 $0x10200  }
0x128: {  	[tilespmem:s17], [sflag:$0x2] =	stream.indirect_vreg.gather [hbm4b:s6+s3], $0x80, v4, vm0, $0xb8;
	[tilespmem:$0x18200] =	vst v63  }
0x129: {  	s19 =	simm.s32 $0x10A00  }
0x12a: {  	[tilespmem:s19], [sflag:$0x2] =	stream.indirect_vreg.gather [hbm4b:s1+s3], $0x80, v3, vm0, $0xb8;
	[tilespmem:$0x18200] =	vst v63  }
0x12b: {  	s17 =	simm.s32 $0x11200  }
0x12c: {  	[tilespmem:s17], [sflag:$0x2] =	stream.indirect_vreg.gather [hbm4b:s5+s3], $0x80, v3, vm0, $0xb8;
	[tilespmem:$0x18200] =	vst v63  }
0x12d: {  	s19 =	simm.s32 $0x11A00  }
0x12e: {  	[tilespmem:s19], [sflag:$0x2] =	stream.indirect_vreg.gather [hbm4b:s6+s3], $0x80, v3, vm0, $0xb8;
	[tilespmem:$0x18200] =	vst v63  }
0x12f: {  	v3 =	vld [tilespmem:$0xE0];
	_ =	sdelay $0x4  }
0x130: {  	v46 =	vshrl.u32 v3, $0x3  }
0x131: {  	v4 =	vmul.u32 $0x30, v46  }
0x132: {  	v3 =	vand.u32 $0x7, v3  }
0x133: {  	v3 =	vor.u32 v3, v4  }
0x134: {  	v4 =	vperm.xlane v3, v0;
	_ =	sdelay $0x1  }
0x135: {  	v4 =	vadd.s32 v1, v4;
	_ =	sdelay $0x3  }
0x136: {  	s17 =	simm.s32 $0x12200;
	v3 =	vperm.xlane v3, v2  }
0x137: {  	[tilespmem:s17], [sflag:$0x2] =	stream.indirect_vreg.gather [hbm4b:s1+s3], $0x80, v4, vm0, $0xb8;
	[tilespmem:$0x18200] =	vst v63  }
0x138: {  	s19 =	simm.s32 $0x12A00;
	v3 =	vadd.s32 v1, v3  }
0x139: {  	[tilespmem:s19], [sflag:$0x2] =	stream.indirect_vreg.gather [hbm4b:s5+s3], $0x80, v4, vm0, $0xb8;
	[tilespmem:$0x18200] =	vst v63  }
0x13a: {  	s17 =	simm.s32 $0x13200  }
0x13b: {  	[tilespmem:s17], [sflag:$0x2] =	stream.indirect_vreg.gather [hbm4b:s6+s3], $0x80, v4, vm0, $0xb8;
	[tilespmem:$0x18200] =	vst v63  }
0x13c: {  	s19 =	simm.s32 $0x13A00  }
0x13d: {  	[tilespmem:s19], [sflag:$0x2] =	stream.indirect_vreg.gather [hbm4b:s1+s3], $0x80, v3, vm0, $0xb8;
	[tilespmem:$0x18200] =	vst v63  }
0x13e: {  	s17 =	simm.s32 $0x14200  }
0x13f: {  	[tilespmem:s17], [sflag:$0x2] =	stream.indirect_vreg.gather [hbm4b:s5+s3], $0x80, v3, vm0, $0xb8;
	[tilespmem:$0x18200] =	vst v63  }
0x140: {  	s19 =	simm.s32 $0x14A00  }
0x141: {  	[tilespmem:s19], [sflag:$0x2] =	stream.indirect_vreg.gather [hbm4b:s6+s3], $0x80, v3, vm0, $0xb8;
	[tilespmem:$0x18200] =	vst v63  }
0x142: {  	v3 =	vld [tilespmem:$0xF0];
	_ =	sdelay $0x4  }
0x143: {  	v47 =	vshrl.u32 v3, $0x3  }
0x144: {  	v4 =	vmul.u32 $0x30, v47  }
0x145: {  	v3 =	vand.u32 $0x7, v3  }
0x146: {  	v3 =	vor.u32 v3, v4  }
0x147: {  	v4 =	vperm.xlane v3, v0;
	_ =	sdelay $0x1  }
0x148: {  	v4 =	vadd.s32 v1, v4;
	_ =	sdelay $0x3  }
0x149: {  	s17 =	simm.s32 $0x15200;
	v3 =	vperm.xlane v3, v2  }
0x14a: {  	[tilespmem:s17], [sflag:$0x2] =	stream.indirect_vreg.gather [hbm4b:s1+s3], $0x80, v4, vm0, $0xb8;
	[tilespmem:$0x18200] =	vst v63  }
0x14b: {  	s19 =	simm.s32 $0x15A00;
	v3 =	vadd.s32 v1, v3  }
0x14c: {  	[tilespmem:s19], [sflag:$0x2] =	stream.indirect_vreg.gather [hbm4b:s5+s3], $0x80, v4, vm0, $0xb8;
	[tilespmem:$0x18200] =	vst v63  }
0x14d: {  	s17 =	simm.s32 $0x16200  }
0x14e: {  	[tilespmem:s17], [sflag:$0x2] =	stream.indirect_vreg.gather [hbm4b:s6+s3], $0x80, v4, vm0, $0xb8;
	[tilespmem:$0x18200] =	vst v63  }
0x14f: {  	s19 =	simm.s32 $0x16A00  }
0x150: {  	[tilespmem:s19], [sflag:$0x2] =	stream.indirect_vreg.gather [hbm4b:s1+s3], $0x80, v3, vm0, $0xb8;
	[tilespmem:$0x18200] =	vst v63  }
0x151: {  	s17 =	simm.s32 $0x17200  }
0x152: {  	[tilespmem:s17], [sflag:$0x2] =	stream.indirect_vreg.gather [hbm4b:s5+s3], $0x80, v3, vm0, $0xb8;
	[tilespmem:$0x18200] =	vst v63  }
0x153: {  	s19 =	simm.s32 $0x17A00  }
0x154: {  	[tilespmem:s19], [sflag:$0x2] =	stream.indirect_vreg.gather [hbm4b:s6+s3], $0x80, v3, vm0, $0xb8;
	[tilespmem:$0x18200] =	vst v63  }
0x155: {  	_ =	swait.ge [sflag:s0], $0xC000  }
0x156: {  	[sflag:s0] =	ssyncset.done $0x0  }
0x157: {  	s17 =	rddreg [dreg:$0x6];
	[sflag:s0] =	ssyncadd.s32 $0xFFFF4000  }
0x158: {  	[hbm4b:s17+s3] =	stream.linear.scatter [tilespmem:s18], [sflag:$0x3], $0xC000, $0x38;
	[tilespmem:$0x18200] =	vst v63  }
0x159: {  	_ =	swait.ge [sflag:s8], $0xC000  }
0x15a: {  	[sflag:s8] =	ssyncset.done $0x0  }
0x15b: {  	[sflag:s8] =	ssyncadd.s32 $0xFFFF4000  }
0x15c: {  	v3 =	vld [tilespmem:$0x100];
	_ =	sdelay $0x4  }
0x15d: {  	v48 =	vshrl.u32 v3, $0x3  }
0x15e: {  	v4 =	vmul.u32 $0x30, v48  }
0x15f: {  	v3 =	vand.u32 $0x7, v3  }
0x160: {  	v3 =	vor.u32 v3, v4  }
0x161: {  	v4 =	vperm.xlane v3, v0;
	_ =	sdelay $0x1  }
0x162: {  	v4 =	vadd.s32 v1, v4;
	_ =	sdelay $0x3  }
0x163: {  	v3 =	vperm.xlane v3, v2  }
0x164: {  	[tilespmem:s18], [sflag:$0x1] =	stream.indirect_vreg.gather [hbm4b:s1+s3], $0x80, v4, vm0, $0xb8;
	[tilespmem:$0x18200] =	vst v63  }
0x165: {  	v3 =	vadd.s32 v1, v3  }
0x166: {  	[tilespmem:s2], [sflag:$0x1] =	stream.indirect_vreg.gather [hbm4b:s5+s3], $0x80, v4, vm0, $0xb8;
	[tilespmem:$0x18200] =	vst v63  }
0x167: {  	_ = 	snop  }
0x168: {  	[tilespmem:s9], [sflag:$0x1] =	stream.indirect_vreg.gather [hbm4b:s6+s3], $0x80, v4, vm0, $0xb8;
	[tilespmem:$0x18200] =	vst v63  }
0x169: {  	_ = 	snop  }
0x16a: {  	[tilespmem:s20], [sflag:$0x1] =	stream.indirect_vreg.gather [hbm4b:s1+s3], $0x80, v3, vm0, $0xb8;
	[tilespmem:$0x18200] =	vst v63  }
0x16b: {  	_ = 	snop  }
0x16c: {  	[tilespmem:s21], [sflag:$0x1] =	stream.indirect_vreg.gather [hbm4b:s5+s3], $0x80, v3, vm0, $0xb8;
	[tilespmem:$0x18200] =	vst v63  }
0x16d: {  	s19 =	simm.s32 $0x2A00  }
0x16e: {  	[tilespmem:s19], [sflag:$0x1] =	stream.indirect_vreg.gather [hbm4b:s6+s3], $0x80, v3, vm0, $0xb8;
	[tilespmem:$0x18200] =	vst v63  }
0x16f: {  	v3 =	vld [tilespmem:$0x110];
	_ =	sdelay $0x4  }
0x170: {  	v49 =	vshrl.u32 v3, $0x3  }
0x171: {  	v4 =	vmul.u32 $0x30, v49  }
0x172: {  	v3 =	vand.u32 $0x7, v3  }
0x173: {  	v3 =	vor.u32 v3, v4  }
0x174: {  	v4 =	vperm.xlane v3, v0;
	_ =	sdelay $0x1  }
0x175: {  	v4 =	vadd.s32 v1, v4;
	_ =	sdelay $0x3  }
0x176: {  	s21 =	simm.s32 $0x3200;
	v3 =	vperm.xlane v3, v2  }
0x177: {  	[tilespmem:s21], [sflag:$0x1] =	stream.indirect_vreg.gather [hbm4b:s1+s3], $0x80, v4, vm0, $0xb8;
	[tilespmem:$0x18200] =	vst v63  }
0x178: {  	v3 =	vadd.s32 v1, v3  }
0x179: {  	[tilespmem:s22], [sflag:$0x1] =	stream.indirect_vreg.gather [hbm4b:s5+s3], $0x80, v4, vm0, $0xb8;
	[tilespmem:$0x18200] =	vst v63  }
0x17a: {  	_ = 	snop  }
0x17b: {  	[tilespmem:s23], [sflag:$0x1] =	stream.indirect_vreg.gather [hbm4b:s6+s3], $0x80, v4, vm0, $0xb8;
	[tilespmem:$0x18200] =	vst v63  }
0x17c: {  	_ = 	snop  }
0x17d: {  	[tilespmem:s24], [sflag:$0x1] =	stream.indirect_vreg.gather [hbm4b:s1+s3], $0x80, v3, vm0, $0xb8;
	[tilespmem:$0x18200] =	vst v63  }
0x17e: {  	_ = 	snop  }
0x17f: {  	[tilespmem:s25], [sflag:$0x1] =	stream.indirect_vreg.gather [hbm4b:s5+s3], $0x80, v3, vm0, $0xb8;
	[tilespmem:$0x18200] =	vst v63  }
0x180: {  	s19 =	simm.s32 $0x5A00  }
0x181: {  	[tilespmem:s19], [sflag:$0x1] =	stream.indirect_vreg.gather [hbm4b:s6+s3], $0x80, v3, vm0, $0xb8;
	[tilespmem:$0x18200] =	vst v63  }
0x182: {  	v3 =	vld [tilespmem:$0x120];
	_ =	sdelay $0x4  }
0x183: {  	v50 =	vshrl.u32 v3, $0x3  }
0x184: {  	v4 =	vmul.u32 $0x30, v50  }
0x185: {  	v3 =	vand.u32 $0x7, v3  }
0x186: {  	v3 =	vor.u32 v3, v4  }
0x187: {  	v4 =	vperm.xlane v3, v0;
	_ =	sdelay $0x1  }
0x188: {  	v4 =	vadd.s32 v1, v4;
	_ =	sdelay $0x3  }
0x189: {  	s25 =	simm.s32 $0x6200;
	v3 =	vperm.xlane v3, v2  }
0x18a: {  	[tilespmem:s25], [sflag:$0x1] =	stream.indirect_vreg.gather [hbm4b:s1+s3], $0x80, v4, vm0, $0xb8;
	[tilespmem:$0x18200] =	vst v63  }
0x18b: {  	v3 =	vadd.s32 v1, v3  }
0x18c: {  	[tilespmem:s26], [sflag:$0x1] =	stream.indirect_vreg.gather [hbm4b:s5+s3], $0x80, v4, vm0, $0xb8;
	[tilespmem:$0x18200] =	vst v63  }
0x18d: {  	_ = 	snop  }
0x18e: {  	[tilespmem:s28], [sflag:$0x1] =	stream.indirect_vreg.gather [hbm4b:s6+s3], $0x80, v4, vm0, $0xb8;
	[tilespmem:$0x18200] =	vst v63  }
0x18f: {  	_ = 	snop  }
0x190: {  	[tilespmem:s29], [sflag:$0x1] =	stream.indirect_vreg.gather [hbm4b:s1+s3], $0x80, v3, vm0, $0xb8;
	[tilespmem:$0x18200] =	vst v63  }
0x191: {  	_ = 	snop  }
0x192: {  	[tilespmem:s30], [sflag:$0x1] =	stream.indirect_vreg.gather [hbm4b:s5+s3], $0x80, v3, vm0, $0xb8;
	[tilespmem:$0x18200] =	vst v63  }
0x193: {  	s30 =	simm.s32 $0x8A00  }
0x194: {  	[tilespmem:s30], [sflag:$0x1] =	stream.indirect_vreg.gather [hbm4b:s6+s3], $0x80, v3, vm0, $0xb8;
	[tilespmem:$0x18200] =	vst v63  }
0x195: {  	v3 =	vld [tilespmem:$0x130];
	_ =	sdelay $0x4  }
0x196: {  	v51 =	vshrl.u32 v3, $0x3  }
0x197: {  	v4 =	vmul.u32 $0x30, v51  }
0x198: {  	v3 =	vand.u32 $0x7, v3  }
0x199: {  	v3 =	vor.u32 v3, v4  }
0x19a: {  	v4 =	vperm.xlane v3, v0;
	_ =	sdelay $0x1  }
0x19b: {  	v4 =	vadd.s32 v1, v4;
	_ =	sdelay $0x3  }
0x19c: {  	v3 =	vperm.xlane v3, v2  }
0x19d: {  	[tilespmem:s16], [sflag:$0x1] =	stream.indirect_vreg.gather [hbm4b:s1+s3], $0x80, v4, vm0, $0xb8;
	[tilespmem:$0x18200] =	vst v63  }
0x19e: {  	v3 =	vadd.s32 v1, v3  }
0x19f: {  	[tilespmem:s31], [sflag:$0x1] =	stream.indirect_vreg.gather [hbm4b:s5+s3], $0x80, v4, vm0, $0xb8;
	[tilespmem:$0x18200] =	vst v63  }
0x1a0: {  	_ = 	snop  }
0x1a1: {  	[tilespmem:s13], [sflag:$0x1] =	stream.indirect_vreg.gather [hbm4b:s6+s3], $0x80, v4, vm0, $0xb8;
	[tilespmem:$0x18200] =	vst v63  }
0x1a2: {  	_ = 	snop  }
0x1a3: {  	[tilespmem:s14], [sflag:$0x1] =	stream.indirect_vreg.gather [hbm4b:s1+s3], $0x80, v3, vm0, $0xb8;
	[tilespmem:$0x18200] =	vst v63  }
0x1a4: {  	_ = 	snop  }
0x1a5: {  	[tilespmem:s15], [sflag:$0x1] =	stream.indirect_vreg.gather [hbm4b:s5+s3], $0x80, v3, vm0, $0xb8;
	[tilespmem:$0x18200] =	vst v63  }
0x1a6: {  	s31 =	simm.s32 $0xBA00  }
0x1a7: {  	[tilespmem:s31], [sflag:$0x1] =	stream.indirect_vreg.gather [hbm4b:s6+s3], $0x80, v3, vm0, $0xb8;
	[tilespmem:$0x18200] =	vst v63  }
0x1a8: {  	_ =	swait.ge [sflag:s10], $0xC000  }
0x1a9: {  	[sflag:s10] =	ssyncset.done $0x0  }
0x1aa: {  	s19 =	rddreg [dreg:$0x7];
	[sflag:s10] =	ssyncadd.s32 $0xFFFF4000  }
0x1ab: {  	[hbm4b:s19+s3] =	stream.linear.scatter [tilespmem:s4], [sflag:$0x4], $0xC000, $0x38;
	[tilespmem:$0x18200] =	vst v63  }
0x1ac: {  	_ =	swait.ge [sflag:s11], $0xC000  }
0x1ad: {  	[sflag:s11] =	ssyncset.done $0x0  }
0x1ae: {  	[sflag:s11] =	ssyncadd.s32 $0xFFFF4000  }
0x1af: {  	v3 =	vld [tilespmem:$0x140];
	_ =	sdelay $0x4  }
0x1b0: {  	v52 =	vshrl.u32 v3, $0x3  }
0x1b1: {  	v4 =	vmul.u32 $0x30, v52  }
0x1b2: {  	v3 =	vand.u32 $0x7, v3  }
0x1b3: {  	v3 =	vor.u32 v3, v4  }
0x1b4: {  	v4 =	vperm.xlane v3, v0;
	_ =	sdelay $0x1  }
0x1b5: {  	v4 =	vadd.s32 v1, v4;
	_ =	sdelay $0x3  }
0x1b6: {  	v3 =	vperm.xlane v3, v2  }
0x1b7: {  	[tilespmem:s4], [sflag:$0x2] =	stream.indirect_vreg.gather [hbm4b:s1+s3], $0x80, v4, vm0, $0xb8;
	[tilespmem:$0x18200] =	vst v63  }
0x1b8: {  	s31 =	simm.s32 $0xCA00;
	v3 =	vadd.s32 v1, v3  }
0x1b9: {  	[tilespmem:s31], [sflag:$0x2] =	stream.indirect_vreg.gather [hbm4b:s5+s3], $0x80, v4, vm0, $0xb8;
	[tilespmem:$0x18200] =	vst v63  }
0x1ba: {  	s19 =	simm.s32 $0xD200  }
0x1bb: {  	[tilespmem:s19], [sflag:$0x2] =	stream.indirect_vreg.gather [hbm4b:s6+s3], $0x80, v4, vm0, $0xb8;
	[tilespmem:$0x18200] =	vst v63  }
0x1bc: {  	s12 =	simm.s32 $0xDA00  }
0x1bd: {  	[tilespmem:s12], [sflag:$0x2] =	stream.indirect_vreg.gather [hbm4b:s1+s3], $0x80, v3, vm0, $0xb8;
	[tilespmem:$0x18200] =	vst v63  }
0x1be: {  	s12 =	simm.s32 $0xE200  }
0x1bf: {  	[tilespmem:s12], [sflag:$0x2] =	stream.indirect_vreg.gather [hbm4b:s5+s3], $0x80, v3, vm0, $0xb8;
	[tilespmem:$0x18200] =	vst v63  }
0x1c0: {  	s12 =	simm.s32 $0xEA00  }
0x1c1: {  	[tilespmem:s12], [sflag:$0x2] =	stream.indirect_vreg.gather [hbm4b:s6+s3], $0x80, v3, vm0, $0xb8;
	[tilespmem:$0x18200] =	vst v63  }
0x1c2: {  	v3 =	vld [tilespmem:$0x150];
	_ =	sdelay $0x4  }
0x1c3: {  	v53 =	vshrl.u32 v3, $0x3  }
0x1c4: {  	v4 =	vmul.u32 $0x30, v53  }
0x1c5: {  	v3 =	vand.u32 $0x7, v3  }
0x1c6: {  	v3 =	vor.u32 v3, v4  }
0x1c7: {  	v4 =	vperm.xlane v3, v0;
	_ =	sdelay $0x1  }
0x1c8: {  	v4 =	vadd.s32 v1, v4;
	_ =	sdelay $0x3  }
0x1c9: {  	s12 =	simm.s32 $0xF200;
	v3 =	vperm.xlane v3, v2  }
0x1ca: {  	[tilespmem:s12], [sflag:$0x2] =	stream.indirect_vreg.gather [hbm4b:s1+s3], $0x80, v4, vm0, $0xb8;
	[tilespmem:$0x18200] =	vst v63  }
0x1cb: {  	v3 =	vadd.s32 v1, v3;
	s12 =	simm.s32 $0xFA00  }
0x1cc: {  	[tilespmem:s12], [sflag:$0x2] =	stream.indirect_vreg.gather [hbm4b:s5+s3], $0x80, v4, vm0, $0xb8;
	[tilespmem:$0x18200] =	vst v63  }
0x1cd: {  	s12 =	simm.s32 $0x10200  }
0x1ce: {  	[tilespmem:s12], [sflag:$0x2] =	stream.indirect_vreg.gather [hbm4b:s6+s3], $0x80, v4, vm0, $0xb8;
	[tilespmem:$0x18200] =	vst v63  }
0x1cf: {  	s12 =	simm.s32 $0x10A00  }
0x1d0: {  	[tilespmem:s12], [sflag:$0x2] =	stream.indirect_vreg.gather [hbm4b:s1+s3], $0x80, v3, vm0, $0xb8;
	[tilespmem:$0x18200] =	vst v63  }
0x1d1: {  	s12 =	simm.s32 $0x11200  }
0x1d2: {  	[tilespmem:s12], [sflag:$0x2] =	stream.indirect_vreg.gather [hbm4b:s5+s3], $0x80, v3, vm0, $0xb8;
	[tilespmem:$0x18200] =	vst v63  }
0x1d3: {  	s12 =	simm.s32 $0x11A00  }
0x1d4: {  	[tilespmem:s12], [sflag:$0x2] =	stream.indirect_vreg.gather [hbm4b:s6+s3], $0x80, v3, vm0, $0xb8;
	[tilespmem:$0x18200] =	vst v63  }
0x1d5: {  	v3 =	vld [tilespmem:$0x160];
	_ =	sdelay $0x4  }
0x1d6: {  	v54 =	vshrl.u32 v3, $0x3  }
0x1d7: {  	v4 =	vmul.u32 $0x30, v54  }
0x1d8: {  	v3 =	vand.u32 $0x7, v3  }
0x1d9: {  	v3 =	vor.u32 v3, v4  }
0x1da: {  	v4 =	vperm.xlane v3, v0;
	_ =	sdelay $0x1  }
0x1db: {  	v4 =	vadd.s32 v1, v4;
	_ =	sdelay $0x3  }
0x1dc: {  	s12 =	simm.s32 $0x12200;
	v3 =	vperm.xlane v3, v2  }
0x1dd: {  	[tilespmem:s12], [sflag:$0x2] =	stream.indirect_vreg.gather [hbm4b:s1+s3], $0x80, v4, vm0, $0xb8;
	[tilespmem:$0x18200] =	vst v63  }
0x1de: {  	v3 =	vadd.s32 v1, v3;
	s12 =	simm.s32 $0x12A00  }
0x1df: {  	[tilespmem:s12], [sflag:$0x2] =	stream.indirect_vreg.gather [hbm4b:s5+s3], $0x80, v4, vm0, $0xb8;
	[tilespmem:$0x18200] =	vst v63  }
0x1e0: {  	s12 =	simm.s32 $0x13200  }
0x1e1: {  	[tilespmem:s12], [sflag:$0x2] =	stream.indirect_vreg.gather [hbm4b:s6+s3], $0x80, v4, vm0, $0xb8;
	[tilespmem:$0x18200] =	vst v63  }
0x1e2: {  	s12 =	simm.s32 $0x13A00  }
0x1e3: {  	[tilespmem:s12], [sflag:$0x2] =	stream.indirect_vreg.gather [hbm4b:s1+s3], $0x80, v3, vm0, $0xb8;
	[tilespmem:$0x18200] =	vst v63  }
0x1e4: {  	s12 =	simm.s32 $0x14200  }
0x1e5: {  	[tilespmem:s12], [sflag:$0x2] =	stream.indirect_vreg.gather [hbm4b:s5+s3], $0x80, v3, vm0, $0xb8;
	[tilespmem:$0x18200] =	vst v63  }
0x1e6: {  	s12 =	simm.s32 $0x14A00  }
0x1e7: {  	[tilespmem:s12], [sflag:$0x2] =	stream.indirect_vreg.gather [hbm4b:s6+s3], $0x80, v3, vm0, $0xb8;
	[tilespmem:$0x18200] =	vst v63  }
0x1e8: {  	v3 =	vld [tilespmem:$0x170];
	_ =	sdelay $0x4  }
0x1e9: {  	v55 =	vshrl.u32 v3, $0x3  }
0x1ea: {  	v4 =	vmul.u32 $0x30, v55  }
0x1eb: {  	v3 =	vand.u32 $0x7, v3  }
0x1ec: {  	v3 =	vor.u32 v3, v4  }
0x1ed: {  	v4 =	vperm.xlane v3, v0;
	_ =	sdelay $0x1  }
0x1ee: {  	v4 =	vadd.s32 v1, v4;
	_ =	sdelay $0x3  }
0x1ef: {  	s12 =	simm.s32 $0x15200;
	v3 =	vperm.xlane v3, v2  }
0x1f0: {  	[tilespmem:s12], [sflag:$0x2] =	stream.indirect_vreg.gather [hbm4b:s1+s3], $0x80, v4, vm0, $0xb8;
	[tilespmem:$0x18200] =	vst v63  }
0x1f1: {  	v3 =	vadd.s32 v1, v3;
	s12 =	simm.s32 $0x15A00  }
0x1f2: {  	[tilespmem:s12], [sflag:$0x2] =	stream.indirect_vreg.gather [hbm4b:s5+s3], $0x80, v4, vm0, $0xb8;
	[tilespmem:$0x18200] =	vst v63  }
0x1f3: {  	s12 =	simm.s32 $0x16200  }
0x1f4: {  	[tilespmem:s12], [sflag:$0x2] =	stream.indirect_vreg.gather [hbm4b:s6+s3], $0x80, v4, vm0, $0xb8;
	[tilespmem:$0x18200] =	vst v63  }
0x1f5: {  	s12 =	simm.s32 $0x16A00  }
0x1f6: {  	[tilespmem:s12], [sflag:$0x2] =	stream.indirect_vreg.gather [hbm4b:s1+s3], $0x80, v3, vm0, $0xb8;
	[tilespmem:$0x18200] =	vst v63  }
0x1f7: {  	s12 =	simm.s32 $0x17200  }
0x1f8: {  	[tilespmem:s12], [sflag:$0x2] =	stream.indirect_vreg.gather [hbm4b:s5+s3], $0x80, v3, vm0, $0xb8;
	[tilespmem:$0x18200] =	vst v63  }
0x1f9: {  	s12 =	simm.s32 $0x17A00  }
0x1fa: {  	[tilespmem:s12], [sflag:$0x2] =	stream.indirect_vreg.gather [hbm4b:s6+s3], $0x80, v3, vm0, $0xb8;
	[tilespmem:$0x18200] =	vst v63  }
0x1fb: {  	_ =	swait.ge [sflag:s0], $0xC000  }
0x1fc: {  	[sflag:s0] =	ssyncset.done $0x0  }
0x1fd: {  	s12 =	rddreg [dreg:$0x8];
	[sflag:s0] =	ssyncadd.s32 $0xFFFF4000  }
0x1fe: {  	[hbm4b:s12+s3] =	stream.linear.scatter [tilespmem:s18], [sflag:$0x3], $0xC000, $0x38;
	[tilespmem:$0x18200] =	vst v63  }
0x1ff: {  	_ =	swait.ge [sflag:s8], $0xC000  }
0x200: {  	[sflag:s8] =	ssyncset.done $0x0  }
0x201: {  	[sflag:s8] =	ssyncadd.s32 $0xFFFF4000  }
0x202: {  	v3 =	vld [tilespmem:$0x180];
	_ =	sdelay $0x4  }
0x203: {  	v56 =	vshrl.u32 v3, $0x3  }
0x204: {  	v4 =	vmul.u32 $0x30, v56  }
0x205: {  	v3 =	vand.u32 $0x7, v3  }
0x206: {  	v3 =	vor.u32 v3, v4  }
0x207: {  	v4 =	vperm.xlane v3, v0;
	_ =	sdelay $0x1  }
0x208: {  	v4 =	vadd.s32 v1, v4;
	_ =	sdelay $0x3  }
0x209: {  	v3 =	vperm.xlane v3, v2  }
0x20a: {  	[tilespmem:s18], [sflag:$0x1] =	stream.indirect_vreg.gather [hbm4b:s1+s3], $0x80, v4, vm0, $0xb8;
	[tilespmem:$0x18200] =	vst v63  }
0x20b: {  	s2 =	simm.s32 $0xA00;
	v3 =	vadd.s32 v1, v3  }
0x20c: {  	[tilespmem:s2], [sflag:$0x1] =	stream.indirect_vreg.gather [hbm4b:s5+s3], $0x80, v4, vm0, $0xb8;
	[tilespmem:$0x18200] =	vst v63  }
0x20d: {  	s9 =	simm.s32 $0x1200  }
0x20e: {  	[tilespmem:s9], [sflag:$0x1] =	stream.indirect_vreg.gather [hbm4b:s6+s3], $0x80, v4, vm0, $0xb8;
	[tilespmem:$0x18200] =	vst v63  }
0x20f: {  	s17 =	simm.s32 $0x1A00  }
0x210: {  	[tilespmem:s17], [sflag:$0x1] =	stream.indirect_vreg.gather [hbm4b:s1+s3], $0x80, v3, vm0, $0xb8;
	[tilespmem:$0x18200] =	vst v63  }
0x211: {  	s20 =	simm.s32 $0x2200  }
0x212: {  	[tilespmem:s20], [sflag:$0x1] =	stream.indirect_vreg.gather [hbm4b:s5+s3], $0x80, v3, vm0, $0xb8;
	[tilespmem:$0x18200] =	vst v63  }
0x213: {  	s17 =	simm.s32 $0x2A00  }
0x214: {  	[tilespmem:s17], [sflag:$0x1] =	stream.indirect_vreg.gather [hbm4b:s6+s3], $0x80, v3, vm0, $0xb8;
	[tilespmem:$0x18200] =	vst v63  }
0x215: {  	v3 =	vld [tilespmem:$0x190];
	_ =	sdelay $0x4  }
0x216: {  	v57 =	vshrl.u32 v3, $0x3  }
0x217: {  	v4 =	vmul.u32 $0x30, v57  }
0x218: {  	v3 =	vand.u32 $0x7, v3  }
0x219: {  	v3 =	vor.u32 v3, v4  }
0x21a: {  	v4 =	vperm.xlane v3, v0;
	_ =	sdelay $0x1  }
0x21b: {  	v4 =	vadd.s32 v1, v4;
	_ =	sdelay $0x3  }
0x21c: {  	s20 =	simm.s32 $0x3200;
	v3 =	vperm.xlane v3, v2  }
0x21d: {  	[tilespmem:s20], [sflag:$0x1] =	stream.indirect_vreg.gather [hbm4b:s1+s3], $0x80, v4, vm0, $0xb8;
	[tilespmem:$0x18200] =	vst v63  }
0x21e: {  	s21 =	simm.s32 $0x3A00;
	v3 =	vadd.s32 v1, v3  }
0x21f: {  	[tilespmem:s21], [sflag:$0x1] =	stream.indirect_vreg.gather [hbm4b:s5+s3], $0x80, v4, vm0, $0xb8;
	[tilespmem:$0x18200] =	vst v63  }
0x220: {  	s22 =	simm.s32 $0x4200  }
0x221: {  	[tilespmem:s22], [sflag:$0x1] =	stream.indirect_vreg.gather [hbm4b:s6+s3], $0x80, v4, vm0, $0xb8;
	[tilespmem:$0x18200] =	vst v63  }
0x222: {  	s23 =	simm.s32 $0x4A00  }
0x223: {  	[tilespmem:s23], [sflag:$0x1] =	stream.indirect_vreg.gather [hbm4b:s1+s3], $0x80, v3, vm0, $0xb8;
	[tilespmem:$0x18200] =	vst v63  }
0x224: {  	s24 =	simm.s32 $0x5200  }
0x225: {  	[tilespmem:s24], [sflag:$0x1] =	stream.indirect_vreg.gather [hbm4b:s5+s3], $0x80, v3, vm0, $0xb8;
	[tilespmem:$0x18200] =	vst v63  }
0x226: {  	s22 =	simm.s32 $0x5A00  }
0x227: {  	[tilespmem:s22], [sflag:$0x1] =	stream.indirect_vreg.gather [hbm4b:s6+s3], $0x80, v3, vm0, $0xb8;
	[tilespmem:$0x18200] =	vst v63  }
0x228: {  	v3 =	vld [tilespmem:$0x1A0];
	_ =	sdelay $0x4  }
0x229: {  	v58 =	vshrl.u32 v3, $0x3  }
0x22a: {  	v4 =	vmul.u32 $0x30, v58  }
0x22b: {  	v3 =	vand.u32 $0x7, v3  }
0x22c: {  	v3 =	vor.u32 v3, v4  }
0x22d: {  	v4 =	vperm.xlane v3, v0;
	_ =	sdelay $0x1  }
0x22e: {  	v4 =	vadd.s32 v1, v4;
	_ =	sdelay $0x3  }
0x22f: {  	s23 =	simm.s32 $0x6200;
	v3 =	vperm.xlane v3, v2  }
0x230: {  	[tilespmem:s23], [sflag:$0x1] =	stream.indirect_vreg.gather [hbm4b:s1+s3], $0x80, v4, vm0, $0xb8;
	[tilespmem:$0x18200] =	vst v63  }
0x231: {  	s25 =	simm.s32 $0x6A00;
	v3 =	vadd.s32 v1, v3  }
0x232: {  	[tilespmem:s25], [sflag:$0x1] =	stream.indirect_vreg.gather [hbm4b:s5+s3], $0x80, v4, vm0, $0xb8;
	[tilespmem:$0x18200] =	vst v63  }
0x233: {  	s26 =	simm.s32 $0x7200  }
0x234: {  	[tilespmem:s26], [sflag:$0x1] =	stream.indirect_vreg.gather [hbm4b:s6+s3], $0x80, v4, vm0, $0xb8;
	[tilespmem:$0x18200] =	vst v63  }
0x235: {  	s28 =	simm.s32 $0x7A00  }
0x236: {  	[tilespmem:s28], [sflag:$0x1] =	stream.indirect_vreg.gather [hbm4b:s1+s3], $0x80, v3, vm0, $0xb8;
	[tilespmem:$0x18200] =	vst v63  }
0x237: {  	s29 =	simm.s32 $0x8200  }
0x238: {  	[tilespmem:s29], [sflag:$0x1] =	stream.indirect_vreg.gather [hbm4b:s5+s3], $0x80, v3, vm0, $0xb8;
	[tilespmem:$0x18200] =	vst v63  }
0x239: {  	s24 =	simm.s32 $0x8A00  }
0x23a: {  	[tilespmem:s24], [sflag:$0x1] =	stream.indirect_vreg.gather [hbm4b:s6+s3], $0x80, v3, vm0, $0xb8;
	[tilespmem:$0x18200] =	vst v63  }
0x23b: {  	v3 =	vld [tilespmem:$0x1B0];
	_ =	sdelay $0x4  }
0x23c: {  	v59 =	vshrl.u32 v3, $0x3  }
0x23d: {  	v4 =	vmul.u32 $0x30, v59  }
0x23e: {  	v3 =	vand.u32 $0x7, v3  }
0x23f: {  	v3 =	vor.u32 v3, v4  }
0x240: {  	v4 =	vperm.xlane v3, v0;
	_ =	sdelay $0x1  }
0x241: {  	v4 =	vadd.s32 v1, v4;
	_ =	sdelay $0x3  }
0x242: {  	s16 =	simm.s32 $0x9200;
	v3 =	vperm.xlane v3, v2  }
0x243: {  	[tilespmem:s16], [sflag:$0x1] =	stream.indirect_vreg.gather [hbm4b:s1+s3], $0x80, v4, vm0, $0xb8;
	[tilespmem:$0x18200] =	vst v63  }
0x244: {  	s30 =	simm.s32 $0x9A00;
	v3 =	vadd.s32 v1, v3  }
0x245: {  	[tilespmem:s30], [sflag:$0x1] =	stream.indirect_vreg.gather [hbm4b:s5+s3], $0x80, v4, vm0, $0xb8;
	[tilespmem:$0x18200] =	vst v63  }
0x246: {  	s13 =	simm.s32 $0xA200  }
0x247: {  	[tilespmem:s13], [sflag:$0x1] =	stream.indirect_vreg.gather [hbm4b:s6+s3], $0x80, v4, vm0, $0xb8;
	[tilespmem:$0x18200] =	vst v63  }
0x248: {  	s14 =	simm.s32 $0xAA00  }
0x249: {  	[tilespmem:s14], [sflag:$0x1] =	stream.indirect_vreg.gather [hbm4b:s1+s3], $0x80, v3, vm0, $0xb8;
	[tilespmem:$0x18200] =	vst v63  }
0x24a: {  	s15 =	simm.s32 $0xB200  }
0x24b: {  	[tilespmem:s15], [sflag:$0x1] =	stream.indirect_vreg.gather [hbm4b:s5+s3], $0x80, v3, vm0, $0xb8;
	[tilespmem:$0x18200] =	vst v63  }
0x24c: {  	s25 =	simm.s32 $0xBA00  }
0x24d: {  	[tilespmem:s25], [sflag:$0x1] =	stream.indirect_vreg.gather [hbm4b:s6+s3], $0x80, v3, vm0, $0xb8;
	[tilespmem:$0x18200] =	vst v63  }
0x24e: {  	_ =	swait.ge [sflag:s10], $0xC000  }
0x24f: {  	[sflag:s10] =	ssyncset.done $0x0  }
0x250: {  	s26 =	rddreg [dreg:$0x9];
	[sflag:s10] =	ssyncadd.s32 $0xFFFF4000  }
0x251: {  	[hbm4b:s26+s3] =	stream.linear.scatter [tilespmem:s4], [sflag:$0x4], $0xC000, $0x38;
	[tilespmem:$0x18200] =	vst v63  }
0x252: {  	_ =	swait.ge [sflag:s11], $0xC000  }
0x253: {  	[sflag:s11] =	ssyncset.done $0x0  }
0x254: {  	[sflag:s11] =	ssyncadd.s32 $0xFFFF4000  }
0x255: {  	v3 =	vld [tilespmem:$0x1C0];
	_ =	sdelay $0x4  }
0x256: {  	v60 =	vshrl.u32 v3, $0x3  }
0x257: {  	v4 =	vmul.u32 $0x30, v60  }
0x258: {  	v3 =	vand.u32 $0x7, v3  }
0x259: {  	v3 =	vor.u32 v3, v4  }
0x25a: {  	v4 =	vperm.xlane v3, v0;
	_ =	sdelay $0x1  }
0x25b: {  	v4 =	vadd.s32 v1, v4;
	_ =	sdelay $0x3  }
0x25c: {  	v3 =	vperm.xlane v3, v2  }
0x25d: {  	[tilespmem:s4], [sflag:$0x2] =	stream.indirect_vreg.gather [hbm4b:s1+s3], $0x80, v4, vm0, $0xb8;
	[tilespmem:$0x18200] =	vst v63  }
0x25e: {  	s31 =	simm.s32 $0xCA00;
	v3 =	vadd.s32 v1, v3  }
0x25f: {  	[tilespmem:s31], [sflag:$0x2] =	stream.indirect_vreg.gather [hbm4b:s5+s3], $0x80, v4, vm0, $0xb8;
	[tilespmem:$0x18200] =	vst v63  }
0x260: {  	s19 =	simm.s32 $0xD200  }
0x261: {  	[tilespmem:s19], [sflag:$0x2] =	stream.indirect_vreg.gather [hbm4b:s6+s3], $0x80, v4, vm0, $0xb8;
	[tilespmem:$0x18200] =	vst v63  }
0x262: {  	s28 =	simm.s32 $0xDA00  }
0x263: {  	[tilespmem:s28], [sflag:$0x2] =	stream.indirect_vreg.gather [hbm4b:s1+s3], $0x80, v3, vm0, $0xb8;
	[tilespmem:$0x18200] =	vst v63  }
0x264: {  	s29 =	simm.s32 $0xE200  }
0x265: {  	[tilespmem:s29], [sflag:$0x2] =	stream.indirect_vreg.gather [hbm4b:s5+s3], $0x80, v3, vm0, $0xb8;
	[tilespmem:$0x18200] =	vst v63  }
0x266: {  	s30 =	simm.s32 $0xEA00  }
0x267: {  	[tilespmem:s30], [sflag:$0x2] =	stream.indirect_vreg.gather [hbm4b:s6+s3], $0x80, v3, vm0, $0xb8;
	[tilespmem:$0x18200] =	vst v63  }
0x268: {  	v3 =	vld [tilespmem:$0x1D0];
	_ =	sdelay $0x4  }
0x269: {  	v61 =	vshrl.u32 v3, $0x3  }
0x26a: {  	v4 =	vmul.u32 $0x30, v61  }
0x26b: {  	v3 =	vand.u32 $0x7, v3  }
0x26c: {  	v3 =	vor.u32 v3, v4  }
0x26d: {  	v4 =	vperm.xlane v3, v0;
	_ =	sdelay $0x1  }
0x26e: {  	v4 =	vadd.s32 v1, v4;
	_ =	sdelay $0x3  }
0x26f: {  	s31 =	simm.s32 $0xF200;
	v3 =	vperm.xlane v3, v2  }
0x270: {  	[tilespmem:s31], [sflag:$0x2] =	stream.indirect_vreg.gather [hbm4b:s1+s3], $0x80, v4, vm0, $0xb8;
	[tilespmem:$0x18200] =	vst v63  }
0x271: {  	s9 =	simm.s32 $0xFA00;
	v3 =	vadd.s32 v1, v3  }
0x272: {  	[tilespmem:s9], [sflag:$0x2] =	stream.indirect_vreg.gather [hbm4b:s5+s3], $0x80, v4, vm0, $0xb8;
	[tilespmem:$0x18200] =	vst v63  }
0x273: {  	s12 =	simm.s32 $0x10200  }
0x274: {  	[tilespmem:s12], [sflag:$0x2] =	stream.indirect_vreg.gather [hbm4b:s6+s3], $0x80, v4, vm0, $0xb8;
	[tilespmem:$0x18200] =	vst v63  }
0x275: {  	s13 =	simm.s32 $0x10A00  }
0x276: {  	[tilespmem:s13], [sflag:$0x2] =	stream.indirect_vreg.gather [hbm4b:s1+s3], $0x80, v3, vm0, $0xb8;
	[tilespmem:$0x18200] =	vst v63  }
0x277: {  	s14 =	simm.s32 $0x11200  }
0x278: {  	[tilespmem:s14], [sflag:$0x2] =	stream.indirect_vreg.gather [hbm4b:s5+s3], $0x80, v3, vm0, $0xb8;
	[tilespmem:$0x18200] =	vst v63  }
0x279: {  	s15 =	simm.s32 $0x11A00  }
0x27a: {  	[tilespmem:s15], [sflag:$0x2] =	stream.indirect_vreg.gather [hbm4b:s6+s3], $0x80, v3, vm0, $0xb8;
	[tilespmem:$0x18200] =	vst v63  }
0x27b: {  	v3 =	vld [tilespmem:$0x1E0];
	_ =	sdelay $0x4  }
0x27c: {  	v62 =	vshrl.u32 v3, $0x3  }
0x27d: {  	v4 =	vmul.u32 $0x30, v62  }
0x27e: {  	v3 =	vand.u32 $0x7, v3  }
0x27f: {  	v3 =	vor.u32 v3, v4  }
0x280: {  	v4 =	vperm.xlane v3, v0;
	_ =	sdelay $0x1  }
0x281: {  	v4 =	vadd.s32 v1, v4;
	_ =	sdelay $0x3  }
0x282: {  	s16 =	simm.s32 $0x12200;
	v3 =	vperm.xlane v3, v2  }
0x283: {  	[tilespmem:s16], [sflag:$0x2] =	stream.indirect_vreg.gather [hbm4b:s1+s3], $0x80, v4, vm0, $0xb8;
	[tilespmem:$0x18200] =	vst v63  }
0x284: {  	s17 =	simm.s32 $0x12A00;
	v3 =	vadd.s32 v1, v3  }
0x285: {  	[tilespmem:s17], [sflag:$0x2] =	stream.indirect_vreg.gather [hbm4b:s5+s3], $0x80, v4, vm0, $0xb8;
	[tilespmem:$0x18200] =	vst v63  }
0x286: {  	s19 =	simm.s32 $0x13200  }
0x287: {  	[tilespmem:s19], [sflag:$0x2] =	stream.indirect_vreg.gather [hbm4b:s6+s3], $0x80, v4, vm0, $0xb8;
	[tilespmem:$0x18200] =	vst v63  }
0x288: {  	s20 =	simm.s32 $0x13A00  }
0x289: {  	[tilespmem:s20], [sflag:$0x2] =	stream.indirect_vreg.gather [hbm4b:s1+s3], $0x80, v3, vm0, $0xb8;
	[tilespmem:$0x18200] =	vst v63  }
0x28a: {  	s21 =	simm.s32 $0x14200  }
0x28b: {  	[tilespmem:s21], [sflag:$0x2] =	stream.indirect_vreg.gather [hbm4b:s5+s3], $0x80, v3, vm0, $0xb8;
	[tilespmem:$0x18200] =	vst v63  }
0x28c: {  	s22 =	simm.s32 $0x14A00  }
0x28d: {  	[tilespmem:s22], [sflag:$0x2] =	stream.indirect_vreg.gather [hbm4b:s6+s3], $0x80, v3, vm0, $0xb8;
	[tilespmem:$0x18200] =	vst v63  }
0x28e: {  	v3 =	vld [tilespmem:$0x1F0];
	_ =	sdelay $0x4  }
0x28f: {  	v63 =	vshrl.u32 v3, $0x3  }
0x290: {  	v4 =	vmul.u32 $0x30, v63  }
0x291: {  	v3 =	vand.u32 $0x7, v3  }
0x292: {  	v3 =	vor.u32 v3, v4  }
0x293: {  	v4 =	vperm.xlane v3, v0;
	_ =	sdelay $0x1  }
0x294: {  	v4 =	vadd.s32 v1, v4;
	_ =	sdelay $0x3  }
0x295: {  	s23 =	simm.s32 $0x15200;
	v3 =	vperm.xlane v3, v2  }
0x296: {  	[tilespmem:s23], [sflag:$0x2] =	stream.indirect_vreg.gather [hbm4b:s1+s3], $0x80, v4, vm0, $0xb8;
	[tilespmem:$0x18200] =	vst v63  }
0x297: {  	s24 =	simm.s32 $0x15A00;
	v3 =	vadd.s32 v1, v3  }
0x298: {  	[tilespmem:s24], [sflag:$0x2] =	stream.indirect_vreg.gather [hbm4b:s5+s3], $0x80, v4, vm0, $0xb8;
	[tilespmem:$0x18200] =	vst v63  }
0x299: {  	s25 =	simm.s32 $0x16200  }
0x29a: {  	[tilespmem:s25], [sflag:$0x2] =	stream.indirect_vreg.gather [hbm4b:s6+s3], $0x80, v4, vm0, $0xb8;
	[tilespmem:$0x18200] =	vst v63  }
0x29b: {  	s26 =	simm.s32 $0x16A00  }
0x29c: {  	[tilespmem:s26], [sflag:$0x2] =	stream.indirect_vreg.gather [hbm4b:s1+s3], $0x80, v3, vm0, $0xb8;
	[tilespmem:$0x18200] =	vst v63  }
0x29d: {  	s28 =	simm.s32 $0x17200  }
0x29e: {  	[tilespmem:s28], [sflag:$0x2] =	stream.indirect_vreg.gather [hbm4b:s5+s3], $0x80, v3, vm0, $0xb8;
	[tilespmem:$0x18200] =	vst v63  }
0x29f: {  	s29 =	simm.s32 $0x17A00  }
0x2a0: {  	[tilespmem:s29], [sflag:$0x2] =	stream.indirect_vreg.gather [hbm4b:s6+s3], $0x80, v3, vm0, $0xb8;
	[tilespmem:$0x18200] =	vst v63  }
0x2a1: {  	_ =	swait.ge [sflag:s0], $0xC000  }
0x2a2: {  	[sflag:s0] =	ssyncset.done $0x0  }
0x2a3: {  	s30 =	rddreg [dreg:$0xa];
	[sflag:s0] =	ssyncadd.s32 $0xFFFF4000  }
0x2a4: {  	[hbm4b:s30+s3] =	stream.linear.scatter [tilespmem:s18], [sflag:$0x3], $0xC000, $0x38;
	[tilespmem:$0x18200] =	vst v63  }
0x2a5: {  	_ =	swait.ge [sflag:s10], $0xC000  }
0x2a6: {  	[sflag:s10] =	ssyncset.done $0x0  }
0x2a7: {  	s31 =	rddreg [dreg:$0xb];
	[sflag:s10] =	ssyncadd.s32 $0xFFFF4000  }
0x2a8: {  	[hbm4b:s31+s3] =	stream.linear.scatter [tilespmem:s4], [sflag:$0x4], $0xC000, $0x38;
	[tilespmem:$0x18200] =	vst v63  }
0x2a9: {  	p0 =	sne.s32 s7, $0x1;
	_ =	swait.ge [sflag:s8], $0xC000  }
.Ltmp0:
0x2aa: {  	[sflag:s8] =	ssyncset.done $0x0;
	(pc) =	sbr.rel @p0 .LBB2_1-.Ltmp0, $4  }
0x2ab: {  	[sflag:s8] =	ssyncadd.s32 $0xFFFF4000  }
0x2ac: {  	_ =	swait.ge [sflag:s11], $0xC000  }
0x2ad: {  	[sflag:s11] =	ssyncset.done $0x0  }
0x2ae: {  	s7 =	sadd.s32 $0xFFFFFFFF, s7;
	[sflag:s11] =	ssyncadd.s32 $0xFFFF4000  }
0x2af: {  	_ =	sfence.sel $0x180000  }
0x2b0: {  	[bflag:$0x0] =	sbarrier.arrive $0xFFFF  }
0x2b1: {  	_ =	strace $0x90000050  }
0x2b2: {  	s0 =	stileid.u32;
	[bflag:$0x2] =	sbarrier.arrive $0xFFFF  }
0x2b3: {  	p0 =	sne.s32 s0, $0x0;
	s0 =	rddreg [dreg:$0x3]  }
0x2b4: {  	s0 =	sadd.s32 @!p0 $0x100000, s0  }
0x2b5: {  	[sflag:s0] =	ssyncadd.tile.s32 @!p0 $0x1;
	_ =	shalt  }
.Lfunc_end2:
_tile_overlayer_lowered:
.L_overlay_start_2:
0x2b6: {  	(tag) =	ssettag $0x2  }
0x2b7: {  	s0 =	rddreg [dreg:$0x0];
	s2 =	stileid.u32  }
0x2b8: {  	s1 =	rddreg [dreg:$0x1];
	p0 =	sne.s32 s2, $0x0  }
0x2b9: {  	s3 =	rddreg [dreg:$0x2];
	[bflag:$0x3] =	sbarrier.arrive $0xFFFF;
	s2 =	simm.s32 @!p0 $0x1C05  }
0x2ba: {  	[timem:s3], [sflag:s2] =	dma.local @!p0 [hbm:s0], s1  }
0x2bb: {  	s0 =	simm.s32 @!p0 $0x5  }
0x2bc: {  	_ =	swait.ge @!p0 [sflag:s0], s1  }
0x2bd: {  	s1 =	ssub.s32 @!p0 $0x0, s1;
	[sflag:s0] =	ssyncset.done @!p0 $0x0  }
0x2be: {  	[sflag:s0] =	ssyncadd.s32 @!p0 s1  }
0x2bf: {  	[bflag:$0x3] =	sbarrier.arrive $0xFFFF  }
0x2c0: {  	_ =	shalt  }

// kernel: kernel.13.cloned.1.call-start
scs
__scs_entry_jumppad:
0x0: {  	(pc) =	sbr.rel $0x88, $3  }
0x1: {  	(tag) =	ssettag $0x0;
	lr =	simm.s32 $0x1  }
0x2: {  	[smem:$0x3F36] =	sst lr;
	_ =	strace $0xD0000000  }
0x3: {  	_ = 	snop  }
0x4: {  	_ = 	snop  }
0x5: {  	_ = 	snop  }
0x6: {  	_ = 	snop  }
0x7: {  	_ = 	snop  }
__scs_overlays_trampoline_lowered:
0x8: {  	[smem:$0x3F45] =	sst s0  }
0x9: {  	[smem:$0x3F46] =	sst s1  }
0xa: {  	[smem:$0x3F47] =	sst s2  }
0xb: {  	[smem:$0x3F48] =	sst s3  }
0xc: {  	[smem:$0x3F49] =	sst s4  }
0xd: {  	[smem:$0x3F4A] =	sst s5  }
0xe: {  	[smem:$0x3F4B] =	sst s6  }
0xf: {  	[smem:$0x3F4C] =	sst s7  }
0x10: {  	[smem:$0x3F4D] =	sst s8  }
0x11: {  	[smem:$0x3F4E] =	sst s9;
	s0 =	simm.s32 @!p0 $0x0  }
0x12: {  	s1 =	sld [smem:$0x3F34];
	s0 =	simm.s32 @p0 $0x1  }
0x13: {  	[smem:$0x3F4F] =	sst s0;
	s0 =	simm.s32 @!p1 $0x0  }
0x14: {  	s2 =	sld [smem:$0x3F33];
	s0 =	simm.s32 @p1 $0x1  }
0x15: {  	[smem:$0x3F50] =	sst s0;
	s0 =	simm.s32 @!p2 $0x0  }
0x16: {  	s3 =	sld [smem:$0x3FDB];
	s0 =	simm.s32 @p2 $0x1  }
0x17: {  	s4 =	simm.s32 $0x1BF5;
	[smem:$0x3F52] =	sst s0  }
0x18: {  	s0 =	sld [smem:$0x3F35];
	_ =	swait.ge [sflag:s4], $0x0  }
0x19: {  	s7 =	sld [smem:$0x3F36]  }
0x1a: {  	s8 =	sadd.s32 $0xFFFFE003, lr  }
0x1b: {  	s9 =	sadd.s32 $0xFFFFFEF7, lr;
	s5 =	simm.s32 $0xFFFFFFFF;
	p2 =	slt.u32 s8, $0xFFFFF086  }
0x1c: {  	p1 =	slt.u32 s9, $0xF7A;
	s5 =	simm.s32 @!p2 $0x0  }
0x1d: {  	s5 =	simm.s32 @p1 $0x1;
	p0 =	seq.s32 s7, s2  }
0x1e: {  	s7 =	smul.u32 @!p0 $0xF7A, s2;
	p2 =	seq.s32 @!p0 s5, $0x0  }
0x1f: {  	s9 =	smul.u32 $0xF7A, s1;
	s8 =	simm.s32 @!p0 $0x1BF5;
	p2 =	por !p2, p0  }
0x20: {  	[sflag:s8] =	ssyncset.s32 @!p0 $0xFFFFF086;
	s6 =	sadd.s32 @!p0 s3, s7;
	s7 =	simm.s32 @!p0 $0x108  }
0x21: {  	s3 =	sadd.s32 s3, s9;
	s6 =	sadd.s32 @!p0 $0x88, s6;
	s7 =	simm.s32 @p2 $0x1082  }
0x22: {  	[simem:s7], [sflag:s8] =	dma.local @!p0 [hbm:s6], $0xF7A  }
0x23: {  	s9 =	sor.u32 $0xD0000000, s2;
	s6 =	simm.s32 $0x108;
	_ =	swait.ge @!p0 [sflag:s8], $0x0  }
0x24: {  	s3 =	sadd.s32 $0x88, s3;
	s6 =	simm.s32 @!p1 $0x1082;
	[sflag:s4] =	ssyncset.s32 $0xFFFFF086  }
0x25: {  	[simem:s6], [sflag:s4] =	dma.local [hbm:s3], $0xF7A  }
0x26: {  	[smem:$0x3F36] =	sst s1;
	(tag) =	ssettag s2;
	_ =	strace s9  }
0x27: {  	s1 =	sld [smem:$0x3F46]  }
0x28: {  	s2 =	sld [smem:$0x3F47]  }
0x29: {  	s4 =	sld [smem:$0x3F49]  }
0x2a: {  	p0 =	seq.s32 s5, $0x0;
	s5 =	sld [smem:$0x3F4A]  }
0x2b: {  	s6 =	sld [smem:$0x3F4B]  }
0x2c: {  	s7 =	sld [smem:$0x3F4C]  }
0x2d: {  	s3 =	simm.s32 $0x108;
	s8 =	sld [smem:$0x3F4D]  }
0x2e: {  	s3 =	simm.s32 @!p0 $0x1082;
	s9 =	sld [smem:$0x3F4E]  }
0x2f: {  	lr =	sadd.s32 s0, s3;
	s0 =	sld [smem:$0x3F45]  }
0x30: {  	s3 =	sld [smem:$0x3F48]  }
0x31: {  	[smem:$0x3F51] =	sst s10  }
0x32: {  	s10 =	sld [smem:$0x3F4F];
	_ =	sdelay $0x3  }
0x33: {  	p0 =	seq.s32 s10, $0x1;
	s10 =	sld [smem:$0x3F51];
	_ =	sdelay $0x3  }
0x34: {  	[smem:$0x3F51] =	sst s10  }
0x35: {  	s10 =	sld [smem:$0x3F50];
	_ =	sdelay $0x3  }
0x36: {  	p1 =	seq.s32 s10, $0x1;
	s10 =	sld [smem:$0x3F51];
	_ =	sdelay $0x3  }
0x37: {  	[smem:$0x3F51] =	sst s10  }
0x38: {  	s10 =	sld [smem:$0x3F52]  }
0x39: {  	_ = 	snop;
	(pc) =	sbr.ind lr, $3  }
0x3a: {  	_ = 	snop  }
0x3b: {  	_ = 	snop  }
0x3c: {  	p2 =	seq.s32 s10, $0x1;
	s10 =	sld [smem:$0x3F51]  }
0x3d: {  	_ =	shalt  }
0x3e: {  	_ =	shalt  }
0x3f: {  	_ =	shalt  }
0x40: {  	_ =	shalt  }
0x41: {  	_ =	shalt  }
0x42: {  	_ =	shalt  }
0x43: {  	_ =	shalt  }
0x44: {  	_ =	shalt  }
0x45: {  	_ =	shalt  }
0x46: {  	_ =	shalt  }
0x47: {  	_ =	shalt  }
0x48: {  	_ =	shalt  }
0x49: {  	_ =	shalt  }
0x4a: {  	_ =	shalt  }
0x4b: {  	_ =	shalt  }
0x4c: {  	_ =	shalt  }
0x4d: {  	_ =	shalt  }
0x4e: {  	_ =	shalt  }
0x4f: {  	_ =	shalt  }
0x50: {  	_ =	shalt  }
0x51: {  	_ =	shalt  }
0x52: {  	_ =	shalt  }
0x53: {  	_ =	shalt  }
0x54: {  	_ =	shalt  }
0x55: {  	_ =	shalt  }
0x56: {  	_ =	shalt  }
0x57: {  	_ =	shalt  }
0x58: {  	_ =	shalt  }
0x59: {  	_ =	shalt  }
0x5a: {  	_ =	shalt  }
0x5b: {  	_ =	shalt  }
0x5c: {  	_ =	shalt  }
0x5d: {  	_ =	shalt  }
0x5e: {  	_ =	shalt  }
0x5f: {  	_ =	shalt  }
0x60: {  	_ =	shalt  }
0x61: {  	_ =	shalt  }
0x62: {  	_ =	shalt  }
0x63: {  	_ =	shalt  }
0x64: {  	_ =	shalt  }
0x65: {  	_ =	shalt  }
0x66: {  	_ =	shalt  }
0x67: {  	_ =	shalt  }
0x68: {  	_ =	shalt  }
0x69: {  	_ =	shalt  }
0x6a: {  	_ =	shalt  }
0x6b: {  	_ =	shalt  }
0x6c: {  	_ =	shalt  }
0x6d: {  	_ =	shalt  }
0x6e: {  	_ =	shalt  }
0x6f: {  	_ =	shalt  }
0x70: {  	_ =	shalt  }
0x71: {  	_ =	shalt  }
0x72: {  	_ =	shalt  }
0x73: {  	_ =	shalt  }
0x74: {  	_ =	shalt  }
0x75: {  	_ =	shalt  }
0x76: {  	_ =	shalt  }
0x77: {  	_ =	shalt  }
0x78: {  	_ =	shalt  }
0x79: {  	_ =	shalt  }
0x7a: {  	_ =	shalt  }
0x7b: {  	_ =	shalt  }
0x7c: {  	_ =	shalt  }
0x7d: {  	_ =	shalt  }
0x7e: {  	_ =	shalt  }
0x7f: {  	_ =	shalt  }
0x80: {  	_ =	shalt  }
0x81: {  	_ =	shalt  }
0x82: {  	_ =	shalt  }
0x83: {  	_ =	shalt  }
0x84: {  	_ =	shalt  }
0x85: {  	_ =	shalt  }
0x86: {  	_ =	shalt  }
0x87: {  	_ =	shalt  }
.Lfunc_end0:
.L_simem_size_0:
called_computation.1_lowered:
.L_overlay_start_0:
0x88: {  	s2 =	sld [smem:$0x3FD9]  }
0x89: {  	s3 =	sld [smem:$0x3FFE];
	_ =	sdelay $0x1  }
0x8a: {  	s1 =	srdreg.scid  }
0x8b: {  	s0 =	sand.u32 $0x1, s1  }
0x8c: {  	s15 =	sshll.u32 s0, $0xA;
	s2 =	sadd.s32 s3, s2  }
0x8d: {  	s2 =	sadd.s32 s2, s15  }
0x8e: {  	[smem:$0x3F5D] =	sst s2  }
0x8f: {  	_ = 	snop  }
0x90: {  	s16 =	sld [smem:$0x3FD0];
	_ =	sdelay $0x2  }
0x91: {  	s4 =	simm.s32 $0xD;
	s5 =	simm.s32 $0x10;
	s2 =	sld [smem:$0x3F8F]  }
0x92: {  	[smem:s5], [sflag:s4] =	dma.local [hbm:s16], $0x1  }
0x93: {  	_ =	swait.eq [sflag:s4], $0x1  }
0x94: {  	[sflag:s4] =	ssyncset.done $0x0  }
0x95: {  	[sflag:s4] =	ssyncadd.s32 $0xFFFFFFFF  }
0x96: {  	s17 =	sld [smem:$0x11];
	(tm) =	ssettm $0x1  }
0x97: {  	s18 =	sld [smem:$0x3FFB];
	_ =	sdelay $0x3  }
0x98: {  	_ =	strace s18  }
0x99: {  	s3 =	sld [smem:$0x3FFC];
	_ =	sdelay $0x3  }
0x9a: {  	_ =	strace s3  }
0x9b: {  	s3 =	sld [smem:$0x3FFD];
	_ =	sdelay $0x3  }
0x9c: {  	_ =	strace s3  }
0x9d: {  	_ =	strace $0x8FFFFFFF  }
0x9e: {  	s19 =	sld [smem:$0x3FDB];
	_ =	sdelay $0x1  }
0x9f: {  	s20 =	simm.s32 $_scs_section_size  }
0xa0: {  	s6 =	simm.s32 $_size__tile_overlayer_lowered;
	s7 =	simm.s32 $_tile_overlayer_lowered  }
0xa1: {  	s8 =	simm.s32 $0x1BFF;
	s21 =	sshll.u32 s7, $0x1;
	s5 =	sadd.s32 s20, s19  }
0xa2: {  	s22 =	simm.s32 $0x0;
	s6 =	sshll.u32 s6, $0x1;
	s7 =	sadd.s32 s21, s5  }
0xa3: {  	[timem:s22], [sflag:s8] =	dma.local [hbm:s7], s6  }
0xa4: {  	_ =	swait.ge [sflag:s8], s6  }
0xa5: {  	s6 =	ssub.s32 $0x0, s6;
	[sflag:s8] =	ssyncset.done $0x0  }
0xa6: {  	[sflag:s8] =	ssyncadd.s32 s6;
	_ =	sdelay $0x1  }
0xa7: {  	s23 =	simm.s32 $0x1B8B  }
0xa8: {  	_ =	swait.ge [sflag:s23], $0x1  }
0xa9: {  	[sflag:s23] =	ssyncset.done $0x0  }
0xaa: {  	[sflag:s23] =	ssyncadd.s32 $0xFFFFFFFF  }
0xab: {  	s6 =	sld [smem:$0x0]  }
0xac: {  	s7 =	sand.u32 $0xFFFFFFFE, s1  }
0xad: {  	p0 =	sne.s32 s1, s7  }
0xae: {  	s7 =	sshll.u32 @p0 s7, $0xE  }
0xaf: {  	s7 =	sadd.s32 @p0 $0x11B8D, s7;
	s8 =	sshll.u32 @p0 s6, $0x11  }
0xb0: {  	s7 =	sor.u32 @p0 s8, s7  }
0xb1: {  	[sflag:s7] =	ssyncadd.remote.s32 @p0 $0x1;
	_ =	sdelay $0x1  }
0xb2: {  	s7 =	simm.s32 @p0 $0x1B8D  }
0xb3: {  	_ =	swait.eq @p0 [sflag:s7], $0x1  }
0xb4: {  	[sflag:s7] =	ssyncadd.s32 @p0 $0xFFFFFFFF  }
0xb5: {  	s8 =	sshll.u32 @!p0 s1, $0xE  }
0xb6: {  	s8 =	sor.u32 @!p0 $0x4000, s8;
	s7 =	simm.s32 @!p0 $0x1B8D  }
0xb7: {  	s6 =	sshll.u32 @!p0 s6, $0x11;
	s8 =	sadd.s32 @!p0 $0x11B8D, s8;
	_ =	swait.eq @!p0 [sflag:s7], $0x1  }
0xb8: {  	s6 =	sor.u32 @!p0 s6, s8;
	[sflag:s7] =	ssyncadd.s32 @!p0 $0xFFFFFFFF  }
0xb9: {  	s25 =	simm.s32 $0x1B8E;
	s24 =	sld [smem:$0x3FFE];
	[sflag:s6] =	ssyncadd.remote.s32 @!p0 $0x1  }
0xba: {  	s26 =	simm.s32 $execute0_lowered;
	[smem:$0x3FD2] =	sst s25  }
0xbb: {  	s7 =	sshll.u32 s26, $0x1;
	_ =	strace $0x8000004C;
	[dreg:$0x1] =	wrdreg $0xFFFFFFFF  }
0xbc: {  	s28 =	simm.s32 $_size_execute0_lowered;
	s5 =	sadd.s32 s5, s7;
	[dreg:$0x0] =	wrdreg $0x0  }
0xbd: {  	s7 =	sshll.u32 s28, $0x1;
	[dreg:$0x2] =	wrdreg s5  }
0xbe: {  	[dreg:$0x3] =	wrdreg s7  }
0xbf: {  	[dreg:$0x4] =	wrdreg $0xC0  }
0xc0: {  	_ =	task [dreg:s22], $0x5FFFF  }
0xc1: {  	[dreg:$0x1] =	wrdreg $0xFFFFFFFF  }
0xc2: {  	[dreg:$0x0] =	wrdreg $0x60  }
0xc3: {  	[dreg:$0x2] =	wrdreg s2  }
0xc4: {  	[dreg:$0x3] =	wrdreg s17  }
0xc5: {  	[dreg:$0x4] =	wrdreg s24  }
0xc6: {  	[dreg:$0x5] =	wrdreg $0xA  }
0xc7: {  	_ =	task.clear_ibuf [dreg:s22], $0x6FFFF;
	_ =	strace $0x9000004C  }
0xc8: {  	s29 =	simm.s32 $0xA;
	_ =	strace $0x8000004E  }
0xc9: {  	_ =	swait.ge [sflag:s29], $0x1  }
0xca: {  	[sflag:s29] =	ssyncadd.s32 $0xFFFFFFFF  }
0xcb: {  	_ =	strace $0x9000004E  }
0xcc: {  	_ =	sfence  }
0xcd: {  	s30 =	sld [smem:$0x0];
	_ =	sdelay $0x2  }
0xce: {  	s31 =	sshll.u32 s1, $0xD;
	s1 =	sshrl.u32 s1, $0x2  }
0xcf: {  	s4 =	sand.u32 $0x4000, s31;
	s1 =	sadd.s32 s1, s30  }
0xd0: {  	s0 =	sor.u32 s4, s0;
	s1 =	sshll.u32 s1, $0x11  }
0xd1: {  	s0 =	sor.u32 s1, s0  }
0xd2: {  	s0 =	sadd.s32 $0x8F2B, s0  }
0xd3: {  	[sflag:s0] =	ssyncadd.remote.s32 $0x1  }
0xd4: {  	_ =	sfence.sel $0xFFFF  }
0xd5: {  	[dreg:$0x0] =	wrdreg $0xFFFFFFFF;
	(pc) =	sbr.abs _section_cstart, $3  }
0xd6: {  	[dreg:$0x1] =	wrdreg $0xFFFFFFFF  }
0xd7: {  	_ =	task.clear_ibuf [dreg:s22], $0x2FFFF;
	_ =	strace $0x9FFFFFFF  }
0xd8: {  	(tm) =	ssettm $0x7FFFFFFF  }
0xd9: {  	_ =	shalt  }
tec
execute0_lowered:
.L_overlay_start_1:
0x0: {  	(tag) =	ssettag $0x1  }
0x1: {  	s2 =	srdreg.scid;
	s0 =	stileid.u32  }
0x2: {  	s30 =	sand.u32 $0x1, s2;
	s25 =	sshll.u32 s0, $0x1  }
0x3: {  	s1 =	rddreg [dreg:$0x0];
	s11 =	sor.u32 s30, s25  }
0x4: {  	s4 =	rddreg [dreg:$0x1];
	s5 =	smul.u32 $0xC8, s11  }
0x5: {  	s9 =	rddreg [dreg:$0x2];
	s3 =	simm.s32 $0x0  }
0x6: {  	[smem:$0x7FF] =	sst s3;
	s4 =	sadd.s32 s4, s5  }
0x7: {  	_ =	strace $0x8000004D;
	[dreg:$0x4] =	wrdreg s4  }
0x8: {  	s4 =	simm.s32 $0x5;
	s26 =	rddreg [dreg:$0x4]  }
0x9: {  	[tilespmem:s3], [sflag:$0x5] =	stream.linear.gather [hbm4b:s26+s3], $0x640, $0x38;
	[tilespmem:$0xA680] =	vst v63  }
0xa: {  	_ =	swait.ge [sflag:s4], $0x640  }
0xb: {  	[sflag:s4] =	ssyncset.done $0x0  }
0xc: {  	s6 =	simm.s32 $0x680;
	s5 =	simm.s32 $0xA0;
	[sflag:s4] =	ssyncadd.s32 $0xFFFFF9C0  }
0xd: {  	[tilespmem:s6], [sflag:$0x1] =	stream.indirect.gather [hbm4b:s1+s5], $0x80, s3, s5, $0xb8;
	[tilespmem:$0xA680] =	vst v63  }
0xe: {  	s7 =	simm.s32 $0x5680;
	s8 =	simm.s32 $0x1  }
0xf: {  	[tilespmem:s7], [sflag:$0x2] =	stream.indirect.gather [hbm4b:s1+s5], $0x80, s5, s5, $0xb8;
	[tilespmem:$0xA680] =	vst v63  }
0x10: {  	s10 =	smul.u32 $0x6400, s11;
	_ =	swait.ge [sflag:s8], $0x5000  }
0x11: {  	s13 =	sadd.s32 $0xF6200, s9;
	[sflag:s8] =	ssyncset.done $0x0  }
0x12: {  	s9 =	sadd.s32 s13, s10;
	s10 =	simm.s32 $0x3;
	[sflag:s8] =	ssyncadd.s32 $0xFFFFB000  }
0x13: {  	[hbm4b:s9+s3] =	stream.linear.scatter [tilespmem:s6], [sflag:$0x3], $0x5000, $0x38;
	[tilespmem:$0xA680] =	vst v63  }
0x14: {  	_ =	swait.ge [sflag:s10], $0x5000  }
0x15: {  	s12 =	simm.s32 $0x2;
	[sflag:s10] =	ssyncset.done $0x0  }
0x16: {  	s14 =	smul.u32 $0x32000, s11;
	s11 =	simm.s32 $0x140;
	[sflag:s10] =	ssyncadd.s32 $0xFFFFB000  }
0x17: {  	[tilespmem:s6], [sflag:$0x1] =	stream.indirect.gather [hbm4b:s1+s5], $0x80, s11, s5, $0xb8;
	[tilespmem:$0xA680] =	vst v63  }
0x18: {  	s14 =	sshrl.u32 s14, $0x3;
	_ =	swait.ge [sflag:s12], $0x5000  }
0x19: {  	s31 =	sadd.s32 s13, s14;
	[sflag:s12] =	ssyncset.done $0x0  }
0x1a: {  	s13 =	simm.s32 $0x4;
	s14 =	sadd.s32 $0xA00, s31;
	[sflag:s12] =	ssyncadd.s32 $0xFFFFB000  }
0x1b: {  	[hbm4b:s14+s3] =	stream.linear.scatter [tilespmem:s7], [sflag:$0x4], $0x5000, $0x38;
	[tilespmem:$0xA680] =	vst v63  }
0x1c: {  	_ =	swait.ge [sflag:s13], $0x5000  }
0x1d: {  	[sflag:s13] =	ssyncset.done $0x0  }
0x1e: {  	s15 =	simm.s32 $0x1E0;
	[sflag:s13] =	ssyncadd.s32 $0xFFFFB000  }
0x1f: {  	[tilespmem:s7], [sflag:$0x2] =	stream.indirect.gather [hbm4b:s1+s5], $0x80, s15, s5, $0xb8;
	[tilespmem:$0xA680] =	vst v63  }
0x20: {  	_ =	swait.ge [sflag:s8], $0x5000  }
0x21: {  	[sflag:s8] =	ssyncset.done $0x0  }
0x22: {  	s16 =	sadd.s32 $0x1400, s31;
	[sflag:s8] =	ssyncadd.s32 $0xFFFFB000  }
0x23: {  	[hbm4b:s16+s3] =	stream.linear.scatter [tilespmem:s6], [sflag:$0x3], $0x5000, $0x38;
	[tilespmem:$0xA680] =	vst v63  }
0x24: {  	_ =	swait.ge [sflag:s10], $0x5000  }
0x25: {  	[sflag:s10] =	ssyncset.done $0x0  }
0x26: {  	s17 =	simm.s32 $0x280;
	[sflag:s10] =	ssyncadd.s32 $0xFFFFB000  }
0x27: {  	[tilespmem:s6], [sflag:$0x1] =	stream.indirect.gather [hbm4b:s1+s5], $0x80, s17, s5, $0xb8;
	[tilespmem:$0xA680] =	vst v63  }
0x28: {  	_ =	swait.ge [sflag:s12], $0x5000  }
0x29: {  	[sflag:s12] =	ssyncset.done $0x0  }
0x2a: {  	s18 =	sadd.s32 $0x1E00, s31;
	[sflag:s12] =	ssyncadd.s32 $0xFFFFB000  }
0x2b: {  	[hbm4b:s18+s3] =	stream.linear.scatter [tilespmem:s7], [sflag:$0x4], $0x5000, $0x38;
	[tilespmem:$0xA680] =	vst v63  }
0x2c: {  	_ =	swait.ge [sflag:s13], $0x5000  }
0x2d: {  	[sflag:s13] =	ssyncset.done $0x0  }
0x2e: {  	s19 =	simm.s32 $0x320;
	[sflag:s13] =	ssyncadd.s32 $0xFFFFB000  }
0x2f: {  	[tilespmem:s7], [sflag:$0x2] =	stream.indirect.gather [hbm4b:s1+s5], $0x80, s19, s5, $0xb8;
	[tilespmem:$0xA680] =	vst v63  }
0x30: {  	_ =	swait.ge [sflag:s8], $0x5000  }
0x31: {  	[sflag:s8] =	ssyncset.done $0x0  }
0x32: {  	s20 =	sadd.s32 $0x2800, s31;
	[sflag:s8] =	ssyncadd.s32 $0xFFFFB000  }
0x33: {  	[hbm4b:s20+s3] =	stream.linear.scatter [tilespmem:s6], [sflag:$0x3], $0x5000, $0x38;
	[tilespmem:$0xA680] =	vst v63  }
0x34: {  	_ =	swait.ge [sflag:s10], $0x5000  }
0x35: {  	[sflag:s10] =	ssyncset.done $0x0  }
0x36: {  	s21 =	simm.s32 $0x3C0;
	[sflag:s10] =	ssyncadd.s32 $0xFFFFB000  }
0x37: {  	[tilespmem:s6], [sflag:$0x1] =	stream.indirect.gather [hbm4b:s1+s5], $0x80, s21, s5, $0xb8;
	[tilespmem:$0xA680] =	vst v63  }
0x38: {  	_ =	swait.ge [sflag:s12], $0x5000  }
0x39: {  	[sflag:s12] =	ssyncset.done $0x0  }
0x3a: {  	s22 =	sadd.s32 $0x3200, s31;
	[sflag:s12] =	ssyncadd.s32 $0xFFFFB000  }
0x3b: {  	[hbm4b:s22+s3] =	stream.linear.scatter [tilespmem:s7], [sflag:$0x4], $0x5000, $0x38;
	[tilespmem:$0xA680] =	vst v63  }
0x3c: {  	_ =	swait.ge [sflag:s13], $0x5000  }
0x3d: {  	[sflag:s13] =	ssyncset.done $0x0  }
0x3e: {  	s23 =	simm.s32 $0x460;
	[sflag:s13] =	ssyncadd.s32 $0xFFFFB000  }
0x3f: {  	[tilespmem:s7], [sflag:$0x2] =	stream.indirect.gather [hbm4b:s1+s5], $0x80, s23, s5, $0xb8;
	[tilespmem:$0xA680] =	vst v63  }
0x40: {  	_ =	swait.ge [sflag:s8], $0x5000  }
0x41: {  	[sflag:s8] =	ssyncset.done $0x0  }
0x42: {  	s24 =	sadd.s32 $0x3C00, s31;
	[sflag:s8] =	ssyncadd.s32 $0xFFFFB000  }
0x43: {  	[hbm4b:s24+s3] =	stream.linear.scatter [tilespmem:s6], [sflag:$0x3], $0x5000, $0x38;
	[tilespmem:$0xA680] =	vst v63  }
0x44: {  	_ =	swait.ge [sflag:s10], $0x5000  }
0x45: {  	[sflag:s10] =	ssyncset.done $0x0  }
0x46: {  	s25 =	simm.s32 $0x500;
	[sflag:s10] =	ssyncadd.s32 $0xFFFFB000  }
0x47: {  	[tilespmem:s6], [sflag:$0x1] =	stream.indirect.gather [hbm4b:s1+s5], $0x80, s25, s5, $0xb8;
	[tilespmem:$0xA680] =	vst v63  }
0x48: {  	_ =	swait.ge [sflag:s12], $0x5000  }
0x49: {  	[sflag:s12] =	ssyncset.done $0x0  }
0x4a: {  	s26 =	sadd.s32 $0x4600, s31;
	[sflag:s12] =	ssyncadd.s32 $0xFFFFB000  }
0x4b: {  	[hbm4b:s26+s3] =	stream.linear.scatter [tilespmem:s7], [sflag:$0x4], $0x5000, $0x38;
	[tilespmem:$0xA680] =	vst v63  }
0x4c: {  	_ =	swait.ge [sflag:s13], $0x5000  }
0x4d: {  	[sflag:s13] =	ssyncset.done $0x0  }
0x4e: {  	s28 =	simm.s32 $0x5A0;
	[sflag:s13] =	ssyncadd.s32 $0xFFFFB000  }
0x4f: {  	[tilespmem:s7], [sflag:$0x2] =	stream.indirect.gather [hbm4b:s1+s5], $0x80, s28, s5, $0xb8;
	[tilespmem:$0xA680] =	vst v63  }
0x50: {  	_ =	swait.ge [sflag:s8], $0x5000  }
0x51: {  	s2 =	ssub.s32 $0x2, s30;
	s29 =	sadd.s32 $0x5000, s31;
	[sflag:s8] =	ssyncset.done $0x0  }
0x52: {  	s30 =	sadd.s32 $0x5A00, s31;
	s31 =	sshrl.u32 s2, $0x1;
	[sflag:s8] =	ssyncadd.s32 $0xFFFFB000  }
0x53: {  	[hbm4b:s29+s3] =	stream.linear.scatter [tilespmem:s6], [sflag:$0x3], $0x5000, $0x38;
	[tilespmem:$0xA680] =	vst v63  }
0x54: {  	s2 =	ssub.s32 s2, s31;
	_ =	swait.ge [sflag:s12], $0x5000  }
0x55: {  	s2 =	smax.u32 s2, $0x1;
	[sflag:s12] =	ssyncset.done $0x0  }
0x56: {  	p0 =	sne.s32 s2, $0x1;
	[sflag:s12] =	ssyncadd.s32 $0xFFFFB000  }
0x57: {  	[hbm4b:s30+s3] =	stream.linear.scatter [tilespmem:s7], [sflag:$0x4], $0x5000, $0x38;
	[tilespmem:$0xA680] =	vst v63  }
.Ltmp0:
0x58: {  	_ =	swait.ge [sflag:s10], $0x5000;
	(pc) =	sbr.rel @!p0 .LBB2_2-.Ltmp0, $4  }
0x59: {  	[sflag:s10] =	ssyncset.done $0x0  }
0x5a: {  	[sflag:s10] =	ssyncadd.s32 $0xFFFFB000  }
0x5b: {  	_ =	swait.ge [sflag:s13], $0x5000  }
0x5c: {  	s31 =	sadd.s32 $0xFFFFFFFF, s2;
	[sflag:s13] =	ssyncset.done $0x0  }
.LBB2_1:
0x5d: {  	s2 =	rddreg [dreg:$0x4];
	[sflag:s13] =	ssyncadd.s32 $0xFFFFB000  }
0x5e: {  	[tilespmem:s3], [sflag:$0x5] =	stream.linear.gather [hbm4b:s2+s3], $0x640, $0x38;
	[tilespmem:$0xA680] =	vst v63  }
0x5f: {  	_ =	swait.ge [sflag:s4], $0x640  }
0x60: {  	[sflag:s4] =	ssyncset.done $0x0  }
0x61: {  	[sflag:s4] =	ssyncadd.s32 $0xFFFFF9C0  }
0x62: {  	[tilespmem:s6], [sflag:$0x1] =	stream.indirect.gather [hbm4b:s1+s5], $0x80, s3, s5, $0xb8;
	[tilespmem:$0xA680] =	vst v63  }
0x63: {  	_ = 	snop  }
0x64: {  	[tilespmem:s7], [sflag:$0x2] =	stream.indirect.gather [hbm4b:s1+s5], $0x80, s5, s5, $0xb8;
	[tilespmem:$0xA680] =	vst v63  }
0x65: {  	_ =	swait.ge [sflag:s8], $0x5000  }
0x66: {  	[sflag:s8] =	ssyncset.done $0x0  }
0x67: {  	[sflag:s8] =	ssyncadd.s32 $0xFFFFB000  }
0x68: {  	[hbm4b:s9+s3] =	stream.linear.scatter [tilespmem:s6], [sflag:$0x3], $0x5000, $0x38;
	[tilespmem:$0xA680] =	vst v63  }
0x69: {  	_ =	swait.ge [sflag:s10], $0x5000  }
0x6a: {  	[sflag:s10] =	ssyncset.done $0x0  }
0x6b: {  	[sflag:s10] =	ssyncadd.s32 $0xFFFFB000  }
0x6c: {  	[tilespmem:s6], [sflag:$0x1] =	stream.indirect.gather [hbm4b:s1+s5], $0x80, s11, s5, $0xb8;
	[tilespmem:$0xA680] =	vst v63  }
0x6d: {  	_ =	swait.ge [sflag:s12], $0x5000  }
0x6e: {  	[sflag:s12] =	ssyncset.done $0x0  }
0x6f: {  	[sflag:s12] =	ssyncadd.s32 $0xFFFFB000  }
0x70: {  	[hbm4b:s14+s3] =	stream.linear.scatter [tilespmem:s7], [sflag:$0x4], $0x5000, $0x38;
	[tilespmem:$0xA680] =	vst v63  }
0x71: {  	_ =	swait.ge [sflag:s13], $0x5000  }
0x72: {  	[sflag:s13] =	ssyncset.done $0x0  }
0x73: {  	[sflag:s13] =	ssyncadd.s32 $0xFFFFB000  }
0x74: {  	[tilespmem:s7], [sflag:$0x2] =	stream.indirect.gather [hbm4b:s1+s5], $0x80, s15, s5, $0xb8;
	[tilespmem:$0xA680] =	vst v63  }
0x75: {  	_ =	swait.ge [sflag:s8], $0x5000  }
0x76: {  	[sflag:s8] =	ssyncset.done $0x0  }
0x77: {  	[sflag:s8] =	ssyncadd.s32 $0xFFFFB000  }
0x78: {  	[hbm4b:s16+s3] =	stream.linear.scatter [tilespmem:s6], [sflag:$0x3], $0x5000, $0x38;
	[tilespmem:$0xA680] =	vst v63  }
0x79: {  	_ =	swait.ge [sflag:s10], $0x5000  }
0x7a: {  	[sflag:s10] =	ssyncset.done $0x0  }
0x7b: {  	[sflag:s10] =	ssyncadd.s32 $0xFFFFB000  }
0x7c: {  	[tilespmem:s6], [sflag:$0x1] =	stream.indirect.gather [hbm4b:s1+s5], $0x80, s17, s5, $0xb8;
	[tilespmem:$0xA680] =	vst v63  }
0x7d: {  	_ =	swait.ge [sflag:s12], $0x5000  }
0x7e: {  	[sflag:s12] =	ssyncset.done $0x0  }
0x7f: {  	[sflag:s12] =	ssyncadd.s32 $0xFFFFB000  }
0x80: {  	[hbm4b:s18+s3] =	stream.linear.scatter [tilespmem:s7], [sflag:$0x4], $0x5000, $0x38;
	[tilespmem:$0xA680] =	vst v63  }
0x81: {  	_ =	swait.ge [sflag:s13], $0x5000  }
0x82: {  	[sflag:s13] =	ssyncset.done $0x0  }
0x83: {  	[sflag:s13] =	ssyncadd.s32 $0xFFFFB000  }
0x84: {  	[tilespmem:s7], [sflag:$0x2] =	stream.indirect.gather [hbm4b:s1+s5], $0x80, s19, s5, $0xb8;
	[tilespmem:$0xA680] =	vst v63  }
0x85: {  	_ =	swait.ge [sflag:s8], $0x5000  }
0x86: {  	[sflag:s8] =	ssyncset.done $0x0  }
0x87: {  	[sflag:s8] =	ssyncadd.s32 $0xFFFFB000  }
0x88: {  	[hbm4b:s20+s3] =	stream.linear.scatter [tilespmem:s6], [sflag:$0x3], $0x5000, $0x38;
	[tilespmem:$0xA680] =	vst v63  }
0x89: {  	_ =	swait.ge [sflag:s10], $0x5000  }
0x8a: {  	[sflag:s10] =	ssyncset.done $0x0  }
0x8b: {  	[sflag:s10] =	ssyncadd.s32 $0xFFFFB000  }
0x8c: {  	[tilespmem:s6], [sflag:$0x1] =	stream.indirect.gather [hbm4b:s1+s5], $0x80, s21, s5, $0xb8;
	[tilespmem:$0xA680] =	vst v63  }
0x8d: {  	_ =	swait.ge [sflag:s12], $0x5000  }
0x8e: {  	[sflag:s12] =	ssyncset.done $0x0  }
0x8f: {  	[sflag:s12] =	ssyncadd.s32 $0xFFFFB000  }
0x90: {  	[hbm4b:s22+s3] =	stream.linear.scatter [tilespmem:s7], [sflag:$0x4], $0x5000, $0x38;
	[tilespmem:$0xA680] =	vst v63  }
0x91: {  	_ =	swait.ge [sflag:s13], $0x5000  }
0x92: {  	[sflag:s13] =	ssyncset.done $0x0  }
0x93: {  	[sflag:s13] =	ssyncadd.s32 $0xFFFFB000  }
0x94: {  	[tilespmem:s7], [sflag:$0x2] =	stream.indirect.gather [hbm4b:s1+s5], $0x80, s23, s5, $0xb8;
	[tilespmem:$0xA680] =	vst v63  }
0x95: {  	_ =	swait.ge [sflag:s8], $0x5000  }
0x96: {  	[sflag:s8] =	ssyncset.done $0x0  }
0x97: {  	[sflag:s8] =	ssyncadd.s32 $0xFFFFB000  }
0x98: {  	[hbm4b:s24+s3] =	stream.linear.scatter [tilespmem:s6], [sflag:$0x3], $0x5000, $0x38;
	[tilespmem:$0xA680] =	vst v63  }
0x99: {  	_ =	swait.ge [sflag:s10], $0x5000  }
0x9a: {  	[sflag:s10] =	ssyncset.done $0x0  }
0x9b: {  	[sflag:s10] =	ssyncadd.s32 $0xFFFFB000  }
0x9c: {  	[tilespmem:s6], [sflag:$0x1] =	stream.indirect.gather [hbm4b:s1+s5], $0x80, s25, s5, $0xb8;
	[tilespmem:$0xA680] =	vst v63  }
0x9d: {  	_ =	swait.ge [sflag:s12], $0x5000  }
0x9e: {  	[sflag:s12] =	ssyncset.done $0x0  }
0x9f: {  	[sflag:s12] =	ssyncadd.s32 $0xFFFFB000  }
0xa0: {  	[hbm4b:s26+s3] =	stream.linear.scatter [tilespmem:s7], [sflag:$0x4], $0x5000, $0x38;
	[tilespmem:$0xA680] =	vst v63  }
0xa1: {  	_ =	swait.ge [sflag:s13], $0x5000  }
0xa2: {  	[sflag:s13] =	ssyncset.done $0x0  }
0xa3: {  	[sflag:s13] =	ssyncadd.s32 $0xFFFFB000  }
0xa4: {  	[tilespmem:s7], [sflag:$0x2] =	stream.indirect.gather [hbm4b:s1+s5], $0x80, s28, s5, $0xb8;
	[tilespmem:$0xA680] =	vst v63  }
0xa5: {  	_ =	swait.ge [sflag:s8], $0x5000  }
0xa6: {  	[sflag:s8] =	ssyncset.done $0x0  }
0xa7: {  	[sflag:s8] =	ssyncadd.s32 $0xFFFFB000  }
0xa8: {  	[hbm4b:s29+s3] =	stream.linear.scatter [tilespmem:s6], [sflag:$0x3], $0x5000, $0x38;
	[tilespmem:$0xA680] =	vst v63  }
0xa9: {  	_ =	swait.ge [sflag:s12], $0x5000  }
0xaa: {  	[sflag:s12] =	ssyncset.done $0x0  }
0xab: {  	p0 =	sne.s32 s31, $0x1;
	[sflag:s12] =	ssyncadd.s32 $0xFFFFB000  }
0xac: {  	[hbm4b:s30+s3] =	stream.linear.scatter [tilespmem:s7], [sflag:$0x4], $0x5000, $0x38;
	[tilespmem:$0xA680] =	vst v63  }
.Ltmp1:
0xad: {  	_ =	swait.ge [sflag:s10], $0x5000;
	(pc) =	sbr.rel @p0 .LBB2_1-.Ltmp1, $4  }
0xae: {  	[sflag:s10] =	ssyncset.done $0x0  }
0xaf: {  	[sflag:s10] =	ssyncadd.s32 $0xFFFFB000  }
0xb0: {  	_ =	swait.ge [sflag:s13], $0x5000  }
0xb1: {  	s31 =	sadd.s32 $0xFFFFFFFF, s31;
	[sflag:s13] =	ssyncset.done $0x0  }
.LBB2_2:
0xb2: {  	[sflag:s13] =	ssyncadd.s32 $0xFFFFB000  }
0xb3: {  	_ =	sfence.sel $0x180000  }
0xb4: {  	[bflag:$0x0] =	sbarrier.arrive $0xFFFF  }
0xb5: {  	_ =	strace $0x9000004D  }
0xb6: {  	[bflag:$0x2] =	sbarrier.arrive $0xFFFF  }
0xb7: {  	p0 =	sne.s32 s0, $0x0;
	s0 =	rddreg [dreg:$0x3]  }
0xb8: {  	s0 =	sadd.s32 @!p0 $0x100000, s0  }
0xb9: {  	[sflag:s0] =	ssyncadd.tile.s32 @!p0 $0x1;
	_ =	shalt  }
.Lfunc_end2:
_tile_overlayer_lowered:
.L_overlay_start_2:
0xba: {  	(tag) =	ssettag $0x2  }
0xbb: {  	s0 =	rddreg [dreg:$0x0];
	s2 =	stileid.u32  }
0xbc: {  	s1 =	rddreg [dreg:$0x1];
	p0 =	sne.s32 s2, $0x0  }
0xbd: {  	s3 =	rddreg [dreg:$0x2];
	[bflag:$0x3] =	sbarrier.arrive $0xFFFF;
	s2 =	simm.s32 @!p0 $0x1C05  }
0xbe: {  	[timem:s3], [sflag:s2] =	dma.local @!p0 [hbm:s0], s1  }
0xbf: {  	s0 =	simm.s32 @!p0 $0x5  }
0xc0: {  	_ =	swait.ge @!p0 [sflag:s0], s1  }
0xc1: {  	s1 =	ssub.s32 @!p0 $0x0, s1;
	[sflag:s0] =	ssyncset.done @!p0 $0x0  }
0xc2: {  	[sflag:s0] =	ssyncadd.s32 @!p0 s1  }
0xc3: {  	[bflag:$0x3] =	sbarrier.arrive $0xFFFF  }
0xc4: {  	_ =	shalt  }

// kernel: kernel.16.cloned.1.call-start
scs
__scs_entry_jumppad:
0x0: {  	(pc) =	sbr.rel $0x88, $3  }
0x1: {  	(tag) =	ssettag $0x0;
	lr =	simm.s32 $0x1  }
0x2: {  	[smem:$0x3F36] =	sst lr;
	_ =	strace $0xD0000000  }
0x3: {  	_ = 	snop  }
0x4: {  	_ = 	snop  }
0x5: {  	_ = 	snop  }
0x6: {  	_ = 	snop  }
0x7: {  	_ = 	snop  }
__scs_overlays_trampoline_lowered:
0x8: {  	[smem:$0x3F45] =	sst s0  }
0x9: {  	[smem:$0x3F46] =	sst s1  }
0xa: {  	[smem:$0x3F47] =	sst s2  }
0xb: {  	[smem:$0x3F48] =	sst s3  }
0xc: {  	[smem:$0x3F49] =	sst s4  }
0xd: {  	[smem:$0x3F4A] =	sst s5  }
0xe: {  	[smem:$0x3F4B] =	sst s6  }
0xf: {  	[smem:$0x3F4C] =	sst s7  }
0x10: {  	[smem:$0x3F4D] =	sst s8  }
0x11: {  	[smem:$0x3F4E] =	sst s9;
	s0 =	simm.s32 @!p0 $0x0  }
0x12: {  	s1 =	sld [smem:$0x3F34];
	s0 =	simm.s32 @p0 $0x1  }
0x13: {  	[smem:$0x3F4F] =	sst s0;
	s0 =	simm.s32 @!p1 $0x0  }
0x14: {  	s2 =	sld [smem:$0x3F33];
	s0 =	simm.s32 @p1 $0x1  }
0x15: {  	[smem:$0x3F50] =	sst s0;
	s0 =	simm.s32 @!p2 $0x0  }
0x16: {  	s3 =	sld [smem:$0x3FDB];
	s0 =	simm.s32 @p2 $0x1  }
0x17: {  	s4 =	simm.s32 $0x1BF5;
	[smem:$0x3F52] =	sst s0  }
0x18: {  	s0 =	sld [smem:$0x3F35];
	_ =	swait.ge [sflag:s4], $0x0  }
0x19: {  	s7 =	sld [smem:$0x3F36]  }
0x1a: {  	s8 =	sadd.s32 $0xFFFFE003, lr  }
0x1b: {  	s9 =	sadd.s32 $0xFFFFFEF7, lr;
	s5 =	simm.s32 $0xFFFFFFFF;
	p2 =	slt.u32 s8, $0xFFFFF086  }
0x1c: {  	p1 =	slt.u32 s9, $0xF7A;
	s5 =	simm.s32 @!p2 $0x0  }
0x1d: {  	s5 =	simm.s32 @p1 $0x1;
	p0 =	seq.s32 s7, s2  }
0x1e: {  	s7 =	smul.u32 @!p0 $0xF7A, s2;
	p2 =	seq.s32 @!p0 s5, $0x0  }
0x1f: {  	s9 =	smul.u32 $0xF7A, s1;
	s8 =	simm.s32 @!p0 $0x1BF5;
	p2 =	por !p2, p0  }
0x20: {  	[sflag:s8] =	ssyncset.s32 @!p0 $0xFFFFF086;
	s6 =	sadd.s32 @!p0 s3, s7;
	s7 =	simm.s32 @!p0 $0x108  }
0x21: {  	s3 =	sadd.s32 s3, s9;
	s6 =	sadd.s32 @!p0 $0x88, s6;
	s7 =	simm.s32 @p2 $0x1082  }
0x22: {  	[simem:s7], [sflag:s8] =	dma.local @!p0 [hbm:s6], $0xF7A  }
0x23: {  	s9 =	sor.u32 $0xD0000000, s2;
	s6 =	simm.s32 $0x108;
	_ =	swait.ge @!p0 [sflag:s8], $0x0  }
0x24: {  	s3 =	sadd.s32 $0x88, s3;
	s6 =	simm.s32 @!p1 $0x1082;
	[sflag:s4] =	ssyncset.s32 $0xFFFFF086  }
0x25: {  	[simem:s6], [sflag:s4] =	dma.local [hbm:s3], $0xF7A  }
0x26: {  	[smem:$0x3F36] =	sst s1;
	(tag) =	ssettag s2;
	_ =	strace s9  }
0x27: {  	s1 =	sld [smem:$0x3F46]  }
0x28: {  	s2 =	sld [smem:$0x3F47]  }
0x29: {  	s4 =	sld [smem:$0x3F49]  }
0x2a: {  	p0 =	seq.s32 s5, $0x0;
	s5 =	sld [smem:$0x3F4A]  }
0x2b: {  	s6 =	sld [smem:$0x3F4B]  }
0x2c: {  	s7 =	sld [smem:$0x3F4C]  }
0x2d: {  	s3 =	simm.s32 $0x108;
	s8 =	sld [smem:$0x3F4D]  }
0x2e: {  	s3 =	simm.s32 @!p0 $0x1082;
	s9 =	sld [smem:$0x3F4E]  }
0x2f: {  	lr =	sadd.s32 s0, s3;
	s0 =	sld [smem:$0x3F45]  }
0x30: {  	s3 =	sld [smem:$0x3F48]  }
0x31: {  	[smem:$0x3F51] =	sst s10  }
0x32: {  	s10 =	sld [smem:$0x3F4F];
	_ =	sdelay $0x3  }
0x33: {  	p0 =	seq.s32 s10, $0x1;
	s10 =	sld [smem:$0x3F51];
	_ =	sdelay $0x3  }
0x34: {  	[smem:$0x3F51] =	sst s10  }
0x35: {  	s10 =	sld [smem:$0x3F50];
	_ =	sdelay $0x3  }
0x36: {  	p1 =	seq.s32 s10, $0x1;
	s10 =	sld [smem:$0x3F51];
	_ =	sdelay $0x3  }
0x37: {  	[smem:$0x3F51] =	sst s10  }
0x38: {  	s10 =	sld [smem:$0x3F52]  }
0x39: {  	_ = 	snop;
	(pc) =	sbr.ind lr, $3  }
0x3a: {  	_ = 	snop  }
0x3b: {  	_ = 	snop  }
0x3c: {  	p2 =	seq.s32 s10, $0x1;
	s10 =	sld [smem:$0x3F51]  }
0x3d: {  	_ =	shalt  }
0x3e: {  	_ =	shalt  }
0x3f: {  	_ =	shalt  }
0x40: {  	_ =	shalt  }
0x41: {  	_ =	shalt  }
0x42: {  	_ =	shalt  }
0x43: {  	_ =	shalt  }
0x44: {  	_ =	shalt  }
0x45: {  	_ =	shalt  }
0x46: {  	_ =	shalt  }
0x47: {  	_ =	shalt  }
0x48: {  	_ =	shalt  }
0x49: {  	_ =	shalt  }
0x4a: {  	_ =	shalt  }
0x4b: {  	_ =	shalt  }
0x4c: {  	_ =	shalt  }
0x4d: {  	_ =	shalt  }
0x4e: {  	_ =	shalt  }
0x4f: {  	_ =	shalt  }
0x50: {  	_ =	shalt  }
0x51: {  	_ =	shalt  }
0x52: {  	_ =	shalt  }
0x53: {  	_ =	shalt  }
0x54: {  	_ =	shalt  }
0x55: {  	_ =	shalt  }
0x56: {  	_ =	shalt  }
0x57: {  	_ =	shalt  }
0x58: {  	_ =	shalt  }
0x59: {  	_ =	shalt  }
0x5a: {  	_ =	shalt  }
0x5b: {  	_ =	shalt  }
0x5c: {  	_ =	shalt  }
0x5d: {  	_ =	shalt  }
0x5e: {  	_ =	shalt  }
0x5f: {  	_ =	shalt  }
0x60: {  	_ =	shalt  }
0x61: {  	_ =	shalt  }
0x62: {  	_ =	shalt  }
0x63: {  	_ =	shalt  }
0x64: {  	_ =	shalt  }
0x65: {  	_ =	shalt  }
0x66: {  	_ =	shalt  }
0x67: {  	_ =	shalt  }
0x68: {  	_ =	shalt  }
0x69: {  	_ =	shalt  }
0x6a: {  	_ =	shalt  }
0x6b: {  	_ =	shalt  }
0x6c: {  	_ =	shalt  }
0x6d: {  	_ =	shalt  }
0x6e: {  	_ =	shalt  }
0x6f: {  	_ =	shalt  }
0x70: {  	_ =	shalt  }
0x71: {  	_ =	shalt  }
0x72: {  	_ =	shalt  }
0x73: {  	_ =	shalt  }
0x74: {  	_ =	shalt  }
0x75: {  	_ =	shalt  }
0x76: {  	_ =	shalt  }
0x77: {  	_ =	shalt  }
0x78: {  	_ =	shalt  }
0x79: {  	_ =	shalt  }
0x7a: {  	_ =	shalt  }
0x7b: {  	_ =	shalt  }
0x7c: {  	_ =	shalt  }
0x7d: {  	_ =	shalt  }
0x7e: {  	_ =	shalt  }
0x7f: {  	_ =	shalt  }
0x80: {  	_ =	shalt  }
0x81: {  	_ =	shalt  }
0x82: {  	_ =	shalt  }
0x83: {  	_ =	shalt  }
0x84: {  	_ =	shalt  }
0x85: {  	_ =	shalt  }
0x86: {  	_ =	shalt  }
0x87: {  	_ =	shalt  }
.Lfunc_end0:
.L_simem_size_0:
called_computation.2_lowered:
.L_overlay_start_0:
0x88: {  	s2 =	sld [smem:$0x3FD9]  }
0x89: {  	s3 =	sld [smem:$0x3FFE];
	_ =	sdelay $0x1  }
0x8a: {  	s1 =	srdreg.scid  }
0x8b: {  	s0 =	sand.u32 $0x1, s1  }
0x8c: {  	s17 =	sshll.u32 s0, $0xA;
	s2 =	sadd.s32 s3, s2  }
0x8d: {  	s2 =	sadd.s32 s2, s17  }
0x8e: {  	[smem:$0x3F5D] =	sst s2  }
0x8f: {  	_ = 	snop  }
0x90: {  	s18 =	sld [smem:$0x3FBA];
	(tm) =	ssettm $0x1  }
0x91: {  	s19 =	sld [smem:$0x3FFB];
	_ =	sdelay $0x3  }
0x92: {  	_ =	strace s19  }
0x93: {  	s2 =	sld [smem:$0x3FFC];
	_ =	sdelay $0x3  }
0x94: {  	_ =	strace s2  }
0x95: {  	s2 =	sld [smem:$0x3FFD];
	_ =	sdelay $0x3  }
0x96: {  	_ =	strace s2  }
0x97: {  	_ =	strace $0x8FFFFFFF  }
0x98: {  	s20 =	sld [smem:$0x3FDB];
	_ =	sdelay $0x1  }
0x99: {  	s4 =	simm.s32 $_scs_section_size  }
0x9a: {  	s5 =	simm.s32 $_size__tile_overlayer_lowered;
	s6 =	simm.s32 $_tile_overlayer_lowered  }
0x9b: {  	s7 =	simm.s32 $0x1BFF;
	s21 =	sshll.u32 s6, $0x1;
	s4 =	sadd.s32 s4, s20  }
0x9c: {  	s22 =	simm.s32 $0x0;
	s5 =	sshll.u32 s5, $0x1;
	s6 =	sadd.s32 s21, s4  }
0x9d: {  	[timem:s22], [sflag:s7] =	dma.local [hbm:s6], s5  }
0x9e: {  	_ =	swait.ge [sflag:s7], s5  }
0x9f: {  	s5 =	ssub.s32 $0x0, s5;
	[sflag:s7] =	ssyncset.done $0x0  }
0xa0: {  	[sflag:s7] =	ssyncadd.s32 s5;
	_ =	sdelay $0x1  }
0xa1: {  	s23 =	simm.s32 $0x1B8B  }
0xa2: {  	_ =	swait.ge [sflag:s23], $0x1  }
0xa3: {  	[sflag:s23] =	ssyncset.done $0x0  }
0xa4: {  	[sflag:s23] =	ssyncadd.s32 $0xFFFFFFFF  }
0xa5: {  	s5 =	sld [smem:$0x0]  }
0xa6: {  	s6 =	sand.u32 $0xFFFFFFFE, s1  }
0xa7: {  	p0 =	sne.s32 s1, s6  }
0xa8: {  	s6 =	sshll.u32 @p0 s6, $0xE  }
0xa9: {  	s6 =	sadd.s32 @p0 $0x11B8D, s6;
	s7 =	sshll.u32 @p0 s5, $0x11  }
0xaa: {  	s6 =	sor.u32 @p0 s7, s6  }
0xab: {  	[sflag:s6] =	ssyncadd.remote.s32 @p0 $0x1;
	_ =	sdelay $0x1  }
0xac: {  	s6 =	simm.s32 @p0 $0x1B8D  }
0xad: {  	_ =	swait.eq @p0 [sflag:s6], $0x1  }
0xae: {  	[sflag:s6] =	ssyncadd.s32 @p0 $0xFFFFFFFF  }
0xaf: {  	s7 =	sshll.u32 @!p0 s1, $0xE  }
0xb0: {  	s7 =	sor.u32 @!p0 $0x4000, s7;
	s6 =	simm.s32 @!p0 $0x1B8D  }
0xb1: {  	s5 =	sshll.u32 @!p0 s5, $0x11;
	s7 =	sadd.s32 @!p0 $0x11B8D, s7;
	_ =	swait.eq @!p0 [sflag:s6], $0x1  }
0xb2: {  	s5 =	sor.u32 @!p0 s5, s7;
	[sflag:s6] =	ssyncadd.s32 @!p0 $0xFFFFFFFF  }
0xb3: {  	s25 =	simm.s32 $0x1B8E;
	s24 =	sld [smem:$0x3FFE];
	[sflag:s5] =	ssyncadd.remote.s32 @!p0 $0x1  }
0xb4: {  	s26 =	simm.s32 $execute0_lowered;
	[smem:$0x3FD2] =	sst s25  }
0xb5: {  	s6 =	sshll.u32 s26, $0x1;
	_ =	strace $0x80000049;
	[dreg:$0x1] =	wrdreg $0xFFFFFFFF  }
0xb6: {  	s28 =	simm.s32 $_size_execute0_lowered;
	s4 =	sadd.s32 s4, s6;
	[dreg:$0x0] =	wrdreg $0x0  }
0xb7: {  	s6 =	sshll.u32 s28, $0x1;
	[dreg:$0x2] =	wrdreg s4  }
0xb8: {  	[dreg:$0x3] =	wrdreg s6  }
0xb9: {  	[dreg:$0x4] =	wrdreg $0xC0  }
0xba: {  	_ =	task [dreg:s22], $0x5FFFF  }
0xbb: {  	[dreg:$0x1] =	wrdreg $0xFFFFFFFF  }
0xbc: {  	[dreg:$0x0] =	wrdreg $0x60  }
0xbd: {  	[dreg:$0x2] =	wrdreg s18  }
0xbe: {  	[dreg:$0x3] =	wrdreg s24  }
0xbf: {  	[dreg:$0x4] =	wrdreg $0xB  }
0xc0: {  	_ =	task.clear_ibuf [dreg:s22], $0x5FFFF;
	_ =	strace $0x90000049  }
0xc1: {  	s29 =	simm.s32 $0xB;
	_ =	strace $0x8000004B  }
0xc2: {  	_ =	swait.ge [sflag:s29], $0x1  }
0xc3: {  	[sflag:s29] =	ssyncadd.s32 $0xFFFFFFFF  }
0xc4: {  	_ =	strace $0x9000004B  }
0xc5: {  	_ =	sfence  }
0xc6: {  	s30 =	sld [smem:$0x0];
	_ =	sdelay $0x2  }
0xc7: {  	s31 =	sshll.u32 s1, $0xD;
	s1 =	sshrl.u32 s1, $0x2  }
0xc8: {  	s4 =	sand.u32 $0x4000, s31;
	s1 =	sadd.s32 s1, s30  }
0xc9: {  	s0 =	sor.u32 s4, s0;
	s1 =	sshll.u32 s1, $0x11  }
0xca: {  	s0 =	sor.u32 s1, s0  }
0xcb: {  	s0 =	sadd.s32 $0x8F2B, s0  }
0xcc: {  	[sflag:s0] =	ssyncadd.remote.s32 $0x1  }
0xcd: {  	_ =	sfence.sel $0xFFFF  }
0xce: {  	[dreg:$0x0] =	wrdreg $0xFFFFFFFF;
	(pc) =	sbr.abs _section_cstart, $3  }
0xcf: {  	[dreg:$0x1] =	wrdreg $0xFFFFFFFF  }
0xd0: {  	_ =	task.clear_ibuf [dreg:s22], $0x2FFFF;
	_ =	strace $0x9FFFFFFF  }
0xd1: {  	(tm) =	ssettm $0x7FFFFFFF  }
tec
execute0_lowered:
.L_overlay_start_1:
0x0: {  	(tag) =	ssettag $0x1  }
0x1: {  	s1 =	srdreg.scid;
	s0 =	stileid.u32  }
0x2: {  	s30 =	sand.u32 $0x1, s1;
	s26 =	sshll.u32 s0, $0x1  }
0x3: {  	s11 =	sor.u32 s30, s26  }
0x4: {  	s4 =	smul.u32 $0xC8, s11  }
0x5: {  	s9 =	rddreg [dreg:$0x1]  }
0x6: {  	s2 =	rddreg [dreg:$0x0];
	s3 =	simm.s32 $0x0;
	s4 =	sadd.s32 s4, s9  }
0x7: {  	[smem:$0x7FF] =	sst s3;
	s4 =	sadd.s32 $0x2C800, s4  }
0x8: {  	_ =	strace $0x8000004A;
	[dreg:$0x3] =	wrdreg s4  }
0x9: {  	s4 =	simm.s32 $0x5;
	s5 =	rddreg [dreg:$0x3]  }
0xa: {  	[tilespmem:s3], [sflag:$0x5] =	stream.linear.gather [hbm4b:s5+s3], $0x640, $0x38;
	[tilespmem:$0xA680] =	vst v63  }
0xb: {  	_ =	swait.ge [sflag:s4], $0x640  }
0xc: {  	[sflag:s4] =	ssyncset.done $0x0  }
0xd: {  	s6 =	simm.s32 $0x680;
	s5 =	simm.s32 $0xA0;
	[sflag:s4] =	ssyncadd.s32 $0xFFFFF9C0  }
0xe: {  	[tilespmem:s6], [sflag:$0x1] =	stream.indirect.gather [hbm4b:s2+s5], $0x80, s3, s5, $0xb8;
	[tilespmem:$0xA680] =	vst v63  }
0xf: {  	s7 =	simm.s32 $0x5680;
	s8 =	simm.s32 $0x1  }
0x10: {  	[tilespmem:s7], [sflag:$0x2] =	stream.indirect.gather [hbm4b:s2+s5], $0x80, s5, s5, $0xb8;
	[tilespmem:$0xA680] =	vst v63  }
0x11: {  	s10 =	smul.u32 $0x6400, s11;
	_ =	swait.ge [sflag:s8], $0x5000  }
0x12: {  	s13 =	sadd.s32 $0x2E200, s9;
	[sflag:s8] =	ssyncset.done $0x0  }
0x13: {  	s9 =	sadd.s32 s13, s10;
	s10 =	simm.s32 $0x3;
	[sflag:s8] =	ssyncadd.s32 $0xFFFFB000  }
0x14: {  	[hbm4b:s9+s3] =	stream.linear.scatter [tilespmem:s6], [sflag:$0x3], $0x5000, $0x38;
	[tilespmem:$0xA680] =	vst v63  }
0x15: {  	_ =	swait.ge [sflag:s10], $0x5000  }
0x16: {  	s12 =	simm.s32 $0x2;
	[sflag:s10] =	ssyncset.done $0x0  }
0x17: {  	s14 =	smul.u32 $0x32000, s11;
	s11 =	simm.s32 $0x140;
	[sflag:s10] =	ssyncadd.s32 $0xFFFFB000  }
0x18: {  	[tilespmem:s6], [sflag:$0x1] =	stream.indirect.gather [hbm4b:s2+s5], $0x80, s11, s5, $0xb8;
	[tilespmem:$0xA680] =	vst v63  }
0x19: {  	s14 =	sshrl.u32 s14, $0x3;
	_ =	swait.ge [sflag:s12], $0x5000  }
0x1a: {  	s31 =	sadd.s32 s13, s14;
	[sflag:s12] =	ssyncset.done $0x0  }
0x1b: {  	s13 =	simm.s32 $0x4;
	s14 =	sadd.s32 $0xA00, s31;
	[sflag:s12] =	ssyncadd.s32 $0xFFFFB000  }
0x1c: {  	[hbm4b:s14+s3] =	stream.linear.scatter [tilespmem:s7], [sflag:$0x4], $0x5000, $0x38;
	[tilespmem:$0xA680] =	vst v63  }
0x1d: {  	_ =	swait.ge [sflag:s13], $0x5000  }
0x1e: {  	[sflag:s13] =	ssyncset.done $0x0  }
0x1f: {  	s15 =	simm.s32 $0x1E0;
	[sflag:s13] =	ssyncadd.s32 $0xFFFFB000  }
0x20: {  	[tilespmem:s7], [sflag:$0x2] =	stream.indirect.gather [hbm4b:s2+s5], $0x80, s15, s5, $0xb8;
	[tilespmem:$0xA680] =	vst v63  }
0x21: {  	_ =	swait.ge [sflag:s8], $0x5000  }
0x22: {  	[sflag:s8] =	ssyncset.done $0x0  }
0x23: {  	s16 =	sadd.s32 $0x1400, s31;
	[sflag:s8] =	ssyncadd.s32 $0xFFFFB000  }
0x24: {  	[hbm4b:s16+s3] =	stream.linear.scatter [tilespmem:s6], [sflag:$0x3], $0x5000, $0x38;
	[tilespmem:$0xA680] =	vst v63  }
0x25: {  	_ =	swait.ge [sflag:s10], $0x5000  }
0x26: {  	[sflag:s10] =	ssyncset.done $0x0  }
0x27: {  	s17 =	simm.s32 $0x280;
	[sflag:s10] =	ssyncadd.s32 $0xFFFFB000  }
0x28: {  	[tilespmem:s6], [sflag:$0x1] =	stream.indirect.gather [hbm4b:s2+s5], $0x80, s17, s5, $0xb8;
	[tilespmem:$0xA680] =	vst v63  }
0x29: {  	_ =	swait.ge [sflag:s12], $0x5000  }
0x2a: {  	[sflag:s12] =	ssyncset.done $0x0  }
0x2b: {  	s18 =	sadd.s32 $0x1E00, s31;
	[sflag:s12] =	ssyncadd.s32 $0xFFFFB000  }
0x2c: {  	[hbm4b:s18+s3] =	stream.linear.scatter [tilespmem:s7], [sflag:$0x4], $0x5000, $0x38;
	[tilespmem:$0xA680] =	vst v63  }
0x2d: {  	_ =	swait.ge [sflag:s13], $0x5000  }
0x2e: {  	[sflag:s13] =	ssyncset.done $0x0  }
0x2f: {  	s19 =	simm.s32 $0x320;
	[sflag:s13] =	ssyncadd.s32 $0xFFFFB000  }
0x30: {  	[tilespmem:s7], [sflag:$0x2] =	stream.indirect.gather [hbm4b:s2+s5], $0x80, s19, s5, $0xb8;
	[tilespmem:$0xA680] =	vst v63  }
0x31: {  	_ =	swait.ge [sflag:s8], $0x5000  }
0x32: {  	[sflag:s8] =	ssyncset.done $0x0  }
0x33: {  	s20 =	sadd.s32 $0x2800, s31;
	[sflag:s8] =	ssyncadd.s32 $0xFFFFB000  }
0x34: {  	[hbm4b:s20+s3] =	stream.linear.scatter [tilespmem:s6], [sflag:$0x3], $0x5000, $0x38;
	[tilespmem:$0xA680] =	vst v63  }
0x35: {  	_ =	swait.ge [sflag:s10], $0x5000  }
0x36: {  	[sflag:s10] =	ssyncset.done $0x0  }
0x37: {  	s21 =	simm.s32 $0x3C0;
	[sflag:s10] =	ssyncadd.s32 $0xFFFFB000  }
0x38: {  	[tilespmem:s6], [sflag:$0x1] =	stream.indirect.gather [hbm4b:s2+s5], $0x80, s21, s5, $0xb8;
	[tilespmem:$0xA680] =	vst v63  }
0x39: {  	_ =	swait.ge [sflag:s12], $0x5000  }
0x3a: {  	[sflag:s12] =	ssyncset.done $0x0  }
0x3b: {  	s22 =	sadd.s32 $0x3200, s31;
	[sflag:s12] =	ssyncadd.s32 $0xFFFFB000  }
0x3c: {  	[hbm4b:s22+s3] =	stream.linear.scatter [tilespmem:s7], [sflag:$0x4], $0x5000, $0x38;
	[tilespmem:$0xA680] =	vst v63  }
0x3d: {  	_ =	swait.ge [sflag:s13], $0x5000  }
0x3e: {  	[sflag:s13] =	ssyncset.done $0x0  }
0x3f: {  	s23 =	simm.s32 $0x460;
	[sflag:s13] =	ssyncadd.s32 $0xFFFFB000  }
0x40: {  	[tilespmem:s7], [sflag:$0x2] =	stream.indirect.gather [hbm4b:s2+s5], $0x80, s23, s5, $0xb8;
	[tilespmem:$0xA680] =	vst v63  }
0x41: {  	_ =	swait.ge [sflag:s8], $0x5000  }
0x42: {  	[sflag:s8] =	ssyncset.done $0x0  }
0x43: {  	s24 =	sadd.s32 $0x3C00, s31;
	[sflag:s8] =	ssyncadd.s32 $0xFFFFB000  }
0x44: {  	[hbm4b:s24+s3] =	stream.linear.scatter [tilespmem:s6], [sflag:$0x3], $0x5000, $0x38;
	[tilespmem:$0xA680] =	vst v63  }
0x45: {  	_ =	swait.ge [sflag:s10], $0x5000  }
0x46: {  	[sflag:s10] =	ssyncset.done $0x0  }
0x47: {  	s25 =	simm.s32 $0x500;
	[sflag:s10] =	ssyncadd.s32 $0xFFFFB000  }
0x48: {  	[tilespmem:s6], [sflag:$0x1] =	stream.indirect.gather [hbm4b:s2+s5], $0x80, s25, s5, $0xb8;
	[tilespmem:$0xA680] =	vst v63  }
0x49: {  	_ =	swait.ge [sflag:s12], $0x5000  }
0x4a: {  	[sflag:s12] =	ssyncset.done $0x0  }
0x4b: {  	s26 =	sadd.s32 $0x4600, s31;
	[sflag:s12] =	ssyncadd.s32 $0xFFFFB000  }
0x4c: {  	[hbm4b:s26+s3] =	stream.linear.scatter [tilespmem:s7], [sflag:$0x4], $0x5000, $0x38;
	[tilespmem:$0xA680] =	vst v63  }
0x4d: {  	_ =	swait.ge [sflag:s13], $0x5000  }
0x4e: {  	[sflag:s13] =	ssyncset.done $0x0  }
0x4f: {  	s28 =	simm.s32 $0x5A0;
	[sflag:s13] =	ssyncadd.s32 $0xFFFFB000  }
0x50: {  	[tilespmem:s7], [sflag:$0x2] =	stream.indirect.gather [hbm4b:s2+s5], $0x80, s28, s5, $0xb8;
	[tilespmem:$0xA680] =	vst v63  }
0x51: {  	_ =	swait.ge [sflag:s8], $0x5000  }
0x52: {  	s1 =	ssub.s32 $0x2, s30;
	s29 =	sadd.s32 $0x5000, s31;
	[sflag:s8] =	ssyncset.done $0x0  }
0x53: {  	s30 =	sadd.s32 $0x5A00, s31;
	s31 =	sshrl.u32 s1, $0x1;
	[sflag:s8] =	ssyncadd.s32 $0xFFFFB000  }
0x54: {  	[hbm4b:s29+s3] =	stream.linear.scatter [tilespmem:s6], [sflag:$0x3], $0x5000, $0x38;
	[tilespmem:$0xA680] =	vst v63  }
0x55: {  	s1 =	ssub.s32 s1, s31;
	_ =	swait.ge [sflag:s12], $0x5000  }
0x56: {  	s1 =	smax.u32 s1, $0x1;
	[sflag:s12] =	ssyncset.done $0x0  }
0x57: {  	p0 =	sne.s32 s1, $0x1;
	[sflag:s12] =	ssyncadd.s32 $0xFFFFB000  }
0x58: {  	[hbm4b:s30+s3] =	stream.linear.scatter [tilespmem:s7], [sflag:$0x4], $0x5000, $0x38;
	[tilespmem:$0xA680] =	vst v63  }
.Ltmp0:
0x59: {  	_ =	swait.ge [sflag:s10], $0x5000;
	(pc) =	sbr.rel @!p0 .LBB2_2-.Ltmp0, $4  }
0x5a: {  	[sflag:s10] =	ssyncset.done $0x0  }
0x5b: {  	[sflag:s10] =	ssyncadd.s32 $0xFFFFB000  }
0x5c: {  	_ =	swait.ge [sflag:s13], $0x5000  }
0x5d: {  	s31 =	sadd.s32 $0xFFFFFFFF, s1;
	[sflag:s13] =	ssyncset.done $0x0  }
.LBB2_1:
0x5e: {  	s1 =	rddreg [dreg:$0x3];
	[sflag:s13] =	ssyncadd.s32 $0xFFFFB000  }
0x5f: {  	[tilespmem:s3], [sflag:$0x5] =	stream.linear.gather [hbm4b:s1+s3], $0x640, $0x38;
	[tilespmem:$0xA680] =	vst v63  }
0x60: {  	_ =	swait.ge [sflag:s4], $0x640  }
0x61: {  	[sflag:s4] =	ssyncset.done $0x0  }
0x62: {  	[sflag:s4] =	ssyncadd.s32 $0xFFFFF9C0  }
0x63: {  	[tilespmem:s6], [sflag:$0x1] =	stream.indirect.gather [hbm4b:s2+s5], $0x80, s3, s5, $0xb8;
	[tilespmem:$0xA680] =	vst v63  }
0x64: {  	_ = 	snop  }
0x65: {  	[tilespmem:s7], [sflag:$0x2] =	stream.indirect.gather [hbm4b:s2+s5], $0x80, s5, s5, $0xb8;
	[tilespmem:$0xA680] =	vst v63  }
0x66: {  	_ =	swait.ge [sflag:s8], $0x5000  }
0x67: {  	[sflag:s8] =	ssyncset.done $0x0  }
0x68: {  	[sflag:s8] =	ssyncadd.s32 $0xFFFFB000  }
0x69: {  	[hbm4b:s9+s3] =	stream.linear.scatter [tilespmem:s6], [sflag:$0x3], $0x5000, $0x38;
	[tilespmem:$0xA680] =	vst v63  }
0x6a: {  	_ =	swait.ge [sflag:s10], $0x5000  }
0x6b: {  	[sflag:s10] =	ssyncset.done $0x0  }
0x6c: {  	[sflag:s10] =	ssyncadd.s32 $0xFFFFB000  }
0x6d: {  	[tilespmem:s6], [sflag:$0x1] =	stream.indirect.gather [hbm4b:s2+s5], $0x80, s11, s5, $0xb8;
	[tilespmem:$0xA680] =	vst v63  }
0x6e: {  	_ =	swait.ge [sflag:s12], $0x5000  }
0x6f: {  	[sflag:s12] =	ssyncset.done $0x0  }
0x70: {  	[sflag:s12] =	ssyncadd.s32 $0xFFFFB000  }
0x71: {  	[hbm4b:s14+s3] =	stream.linear.scatter [tilespmem:s7], [sflag:$0x4], $0x5000, $0x38;
	[tilespmem:$0xA680] =	vst v63  }
0x72: {  	_ =	swait.ge [sflag:s13], $0x5000  }
0x73: {  	[sflag:s13] =	ssyncset.done $0x0  }
0x74: {  	[sflag:s13] =	ssyncadd.s32 $0xFFFFB000  }
0x75: {  	[tilespmem:s7], [sflag:$0x2] =	stream.indirect.gather [hbm4b:s2+s5], $0x80, s15, s5, $0xb8;
	[tilespmem:$0xA680] =	vst v63  }
0x76: {  	_ =	swait.ge [sflag:s8], $0x5000  }
0x77: {  	[sflag:s8] =	ssyncset.done $0x0  }
0x78: {  	[sflag:s8] =	ssyncadd.s32 $0xFFFFB000  }
0x79: {  	[hbm4b:s16+s3] =	stream.linear.scatter [tilespmem:s6], [sflag:$0x3], $0x5000, $0x38;
	[tilespmem:$0xA680] =	vst v63  }
0x7a: {  	_ =	swait.ge [sflag:s10], $0x5000  }
0x7b: {  	[sflag:s10] =	ssyncset.done $0x0  }
0x7c: {  	[sflag:s10] =	ssyncadd.s32 $0xFFFFB000  }
0x7d: {  	[tilespmem:s6], [sflag:$0x1] =	stream.indirect.gather [hbm4b:s2+s5], $0x80, s17, s5, $0xb8;
	[tilespmem:$0xA680] =	vst v63  }
0x7e: {  	_ =	swait.ge [sflag:s12], $0x5000  }
0x7f: {  	[sflag:s12] =	ssyncset.done $0x0  }
0x80: {  	[sflag:s12] =	ssyncadd.s32 $0xFFFFB000  }
0x81: {  	[hbm4b:s18+s3] =	stream.linear.scatter [tilespmem:s7], [sflag:$0x4], $0x5000, $0x38;
	[tilespmem:$0xA680] =	vst v63  }
0x82: {  	_ =	swait.ge [sflag:s13], $0x5000  }
0x83: {  	[sflag:s13] =	ssyncset.done $0x0  }
0x84: {  	[sflag:s13] =	ssyncadd.s32 $0xFFFFB000  }
0x85: {  	[tilespmem:s7], [sflag:$0x2] =	stream.indirect.gather [hbm4b:s2+s5], $0x80, s19, s5, $0xb8;
	[tilespmem:$0xA680] =	vst v63  }
0x86: {  	_ =	swait.ge [sflag:s8], $0x5000  }
0x87: {  	[sflag:s8] =	ssyncset.done $0x0  }
0x88: {  	[sflag:s8] =	ssyncadd.s32 $0xFFFFB000  }
0x89: {  	[hbm4b:s20+s3] =	stream.linear.scatter [tilespmem:s6], [sflag:$0x3], $0x5000, $0x38;
	[tilespmem:$0xA680] =	vst v63  }
0x8a: {  	_ =	swait.ge [sflag:s10], $0x5000  }
0x8b: {  	[sflag:s10] =	ssyncset.done $0x0  }
0x8c: {  	[sflag:s10] =	ssyncadd.s32 $0xFFFFB000  }
0x8d: {  	[tilespmem:s6], [sflag:$0x1] =	stream.indirect.gather [hbm4b:s2+s5], $0x80, s21, s5, $0xb8;
	[tilespmem:$0xA680] =	vst v63  }
0x8e: {  	_ =	swait.ge [sflag:s12], $0x5000  }
0x8f: {  	[sflag:s12] =	ssyncset.done $0x0  }
0x90: {  	[sflag:s12] =	ssyncadd.s32 $0xFFFFB000  }
0x91: {  	[hbm4b:s22+s3] =	stream.linear.scatter [tilespmem:s7], [sflag:$0x4], $0x5000, $0x38;
	[tilespmem:$0xA680] =	vst v63  }
0x92: {  	_ =	swait.ge [sflag:s13], $0x5000  }
0x93: {  	[sflag:s13] =	ssyncset.done $0x0  }
0x94: {  	[sflag:s13] =	ssyncadd.s32 $0xFFFFB000  }
0x95: {  	[tilespmem:s7], [sflag:$0x2] =	stream.indirect.gather [hbm4b:s2+s5], $0x80, s23, s5, $0xb8;
	[tilespmem:$0xA680] =	vst v63  }
0x96: {  	_ =	swait.ge [sflag:s8], $0x5000  }
0x97: {  	[sflag:s8] =	ssyncset.done $0x0  }
0x98: {  	[sflag:s8] =	ssyncadd.s32 $0xFFFFB000  }
0x99: {  	[hbm4b:s24+s3] =	stream.linear.scatter [tilespmem:s6], [sflag:$0x3], $0x5000, $0x38;
	[tilespmem:$0xA680] =	vst v63  }
0x9a: {  	_ =	swait.ge [sflag:s10], $0x5000  }
0x9b: {  	[sflag:s10] =	ssyncset.done $0x0  }
0x9c: {  	[sflag:s10] =	ssyncadd.s32 $0xFFFFB000  }
0x9d: {  	[tilespmem:s6], [sflag:$0x1] =	stream.indirect.gather [hbm4b:s2+s5], $0x80, s25, s5, $0xb8;
	[tilespmem:$0xA680] =	vst v63  }
0x9e: {  	_ =	swait.ge [sflag:s12], $0x5000  }
0x9f: {  	[sflag:s12] =	ssyncset.done $0x0  }
0xa0: {  	[sflag:s12] =	ssyncadd.s32 $0xFFFFB000  }
0xa1: {  	[hbm4b:s26+s3] =	stream.linear.scatter [tilespmem:s7], [sflag:$0x4], $0x5000, $0x38;
	[tilespmem:$0xA680] =	vst v63  }
0xa2: {  	_ =	swait.ge [sflag:s13], $0x5000  }
0xa3: {  	[sflag:s13] =	ssyncset.done $0x0  }
0xa4: {  	[sflag:s13] =	ssyncadd.s32 $0xFFFFB000  }
0xa5: {  	[tilespmem:s7], [sflag:$0x2] =	stream.indirect.gather [hbm4b:s2+s5], $0x80, s28, s5, $0xb8;
	[tilespmem:$0xA680] =	vst v63  }
0xa6: {  	_ =	swait.ge [sflag:s8], $0x5000  }
0xa7: {  	[sflag:s8] =	ssyncset.done $0x0  }
0xa8: {  	[sflag:s8] =	ssyncadd.s32 $0xFFFFB000  }
0xa9: {  	[hbm4b:s29+s3] =	stream.linear.scatter [tilespmem:s6], [sflag:$0x3], $0x5000, $0x38;
	[tilespmem:$0xA680] =	vst v63  }
0xaa: {  	_ =	swait.ge [sflag:s12], $0x5000  }
0xab: {  	[sflag:s12] =	ssyncset.done $0x0  }
0xac: {  	p0 =	sne.s32 s31, $0x1;
	[sflag:s12] =	ssyncadd.s32 $0xFFFFB000  }
0xad: {  	[hbm4b:s30+s3] =	stream.linear.scatter [tilespmem:s7], [sflag:$0x4], $0x5000, $0x38;
	[tilespmem:$0xA680] =	vst v63  }
.Ltmp1:
0xae: {  	_ =	swait.ge [sflag:s10], $0x5000;
	(pc) =	sbr.rel @p0 .LBB2_1-.Ltmp1, $4  }
0xaf: {  	[sflag:s10] =	ssyncset.done $0x0  }
0xb0: {  	[sflag:s10] =	ssyncadd.s32 $0xFFFFB000  }
0xb1: {  	_ =	swait.ge [sflag:s13], $0x5000  }
0xb2: {  	s31 =	sadd.s32 $0xFFFFFFFF, s31;
	[sflag:s13] =	ssyncset.done $0x0  }
.LBB2_2:
0xb3: {  	[sflag:s13] =	ssyncadd.s32 $0xFFFFB000  }
0xb4: {  	_ =	sfence.sel $0x180000  }
0xb5: {  	[bflag:$0x0] =	sbarrier.arrive $0xFFFF  }
0xb6: {  	_ =	strace $0x9000004A  }
0xb7: {  	[bflag:$0x2] =	sbarrier.arrive $0xFFFF  }
0xb8: {  	p0 =	sne.s32 s0, $0x0;
	s0 =	rddreg [dreg:$0x2]  }
0xb9: {  	s0 =	sadd.s32 @!p0 $0x100000, s0  }
0xba: {  	[sflag:s0] =	ssyncadd.tile.s32 @!p0 $0x1;
	_ =	shalt  }
.Lfunc_end2:
_tile_overlayer_lowered:
.L_overlay_start_2:
0xbb: {  	(tag) =	ssettag $0x2  }
0xbc: {  	s0 =	rddreg [dreg:$0x0];
	s2 =	stileid.u32  }
0xbd: {  	s1 =	rddreg [dreg:$0x1];
	p0 =	sne.s32 s2, $0x0  }
0xbe: {  	s3 =	rddreg [dreg:$0x2];
	[bflag:$0x3] =	sbarrier.arrive $0xFFFF;
	s2 =	simm.s32 @!p0 $0x1C05  }
0xbf: {  	[timem:s3], [sflag:s2] =	dma.local @!p0 [hbm:s0], s1  }
0xc0: {  	s0 =	simm.s32 @!p0 $0x5  }
0xc1: {  	_ =	swait.ge @!p0 [sflag:s0], s1  }
0xc2: {  	s1 =	ssub.s32 @!p0 $0x0, s1;
	[sflag:s0] =	ssyncset.done @!p0 $0x0  }
0xc3: {  	[sflag:s0] =	ssyncadd.s32 @!p0 s1  }
0xc4: {  	[bflag:$0x3] =	sbarrier.arrive $0xFFFF  }
0xc5: {  	_ =	shalt  }

// kernel: kernel.19.cloned.1.call-start
scs
__scs_entry_jumppad:
0x0: {  	(pc) =	sbr.rel $0x88, $3  }
0x1: {  	(tag) =	ssettag $0x0;
	lr =	simm.s32 $0x1  }
0x2: {  	[smem:$0x3F36] =	sst lr;
	_ =	strace $0xD0000000  }
0x3: {  	_ = 	snop  }
0x4: {  	_ = 	snop  }
0x5: {  	_ = 	snop  }
0x6: {  	_ = 	snop  }
0x7: {  	_ = 	snop  }
__scs_overlays_trampoline_lowered:
0x8: {  	[smem:$0x3F45] =	sst s0  }
0x9: {  	[smem:$0x3F46] =	sst s1  }
0xa: {  	[smem:$0x3F47] =	sst s2  }
0xb: {  	[smem:$0x3F48] =	sst s3  }
0xc: {  	[smem:$0x3F49] =	sst s4  }
0xd: {  	[smem:$0x3F4A] =	sst s5  }
0xe: {  	[smem:$0x3F4B] =	sst s6  }
0xf: {  	[smem:$0x3F4C] =	sst s7  }
0x10: {  	[smem:$0x3F4D] =	sst s8  }
0x11: {  	[smem:$0x3F4E] =	sst s9;
	s0 =	simm.s32 @!p0 $0x0  }
0x12: {  	s1 =	sld [smem:$0x3F34];
	s0 =	simm.s32 @p0 $0x1  }
0x13: {  	[smem:$0x3F4F] =	sst s0;
	s0 =	simm.s32 @!p1 $0x0  }
0x14: {  	s2 =	sld [smem:$0x3F33];
	s0 =	simm.s32 @p1 $0x1  }
0x15: {  	[smem:$0x3F50] =	sst s0;
	s0 =	simm.s32 @!p2 $0x0  }
0x16: {  	s3 =	sld [smem:$0x3FDB];
	s0 =	simm.s32 @p2 $0x1  }
0x17: {  	s4 =	simm.s32 $0x1BF5;
	[smem:$0x3F52] =	sst s0  }
0x18: {  	s0 =	sld [smem:$0x3F35];
	_ =	swait.ge [sflag:s4], $0x0  }
0x19: {  	s7 =	sld [smem:$0x3F36]  }
0x1a: {  	s8 =	sadd.s32 $0xFFFFE003, lr  }
0x1b: {  	s9 =	sadd.s32 $0xFFFFFEF7, lr;
	s5 =	simm.s32 $0xFFFFFFFF;
	p2 =	slt.u32 s8, $0xFFFFF086  }
0x1c: {  	p1 =	slt.u32 s9, $0xF7A;
	s5 =	simm.s32 @!p2 $0x0  }
0x1d: {  	s5 =	simm.s32 @p1 $0x1;
	p0 =	seq.s32 s7, s2  }
0x1e: {  	s7 =	smul.u32 @!p0 $0xF7A, s2;
	p2 =	seq.s32 @!p0 s5, $0x0  }
0x1f: {  	s9 =	smul.u32 $0xF7A, s1;
	s8 =	simm.s32 @!p0 $0x1BF5;
	p2 =	por !p2, p0  }
0x20: {  	[sflag:s8] =	ssyncset.s32 @!p0 $0xFFFFF086;
	s6 =	sadd.s32 @!p0 s3, s7;
	s7 =	simm.s32 @!p0 $0x108  }
0x21: {  	s3 =	sadd.s32 s3, s9;
	s6 =	sadd.s32 @!p0 $0x88, s6;
	s7 =	simm.s32 @p2 $0x1082  }
0x22: {  	[simem:s7], [sflag:s8] =	dma.local @!p0 [hbm:s6], $0xF7A  }
0x23: {  	s9 =	sor.u32 $0xD0000000, s2;
	s6 =	simm.s32 $0x108;
	_ =	swait.ge @!p0 [sflag:s8], $0x0  }
0x24: {  	s3 =	sadd.s32 $0x88, s3;
	s6 =	simm.s32 @!p1 $0x1082;
	[sflag:s4] =	ssyncset.s32 $0xFFFFF086  }
0x25: {  	[simem:s6], [sflag:s4] =	dma.local [hbm:s3], $0xF7A  }
0x26: {  	[smem:$0x3F36] =	sst s1;
	(tag) =	ssettag s2;
	_ =	strace s9  }
0x27: {  	s1 =	sld [smem:$0x3F46]  }
0x28: {  	s2 =	sld [smem:$0x3F47]  }
0x29: {  	s4 =	sld [smem:$0x3F49]  }
0x2a: {  	p0 =	seq.s32 s5, $0x0;
	s5 =	sld [smem:$0x3F4A]  }
0x2b: {  	s6 =	sld [smem:$0x3F4B]  }
0x2c: {  	s7 =	sld [smem:$0x3F4C]  }
0x2d: {  	s3 =	simm.s32 $0x108;
	s8 =	sld [smem:$0x3F4D]  }
0x2e: {  	s3 =	simm.s32 @!p0 $0x1082;
	s9 =	sld [smem:$0x3F4E]  }
0x2f: {  	lr =	sadd.s32 s0, s3;
	s0 =	sld [smem:$0x3F45]  }
0x30: {  	s3 =	sld [smem:$0x3F48]  }
0x31: {  	[smem:$0x3F51] =	sst s10  }
0x32: {  	s10 =	sld [smem:$0x3F4F];
	_ =	sdelay $0x3  }
0x33: {  	p0 =	seq.s32 s10, $0x1;
	s10 =	sld [smem:$0x3F51];
	_ =	sdelay $0x3  }
0x34: {  	[smem:$0x3F51] =	sst s10  }
0x35: {  	s10 =	sld [smem:$0x3F50];
	_ =	sdelay $0x3  }
0x36: {  	p1 =	seq.s32 s10, $0x1;
	s10 =	sld [smem:$0x3F51];
	_ =	sdelay $0x3  }
0x37: {  	[smem:$0x3F51] =	sst s10  }
0x38: {  	s10 =	sld [smem:$0x3F52]  }
0x39: {  	_ = 	snop;
	(pc) =	sbr.ind lr, $3  }
0x3a: {  	_ = 	snop  }
0x3b: {  	_ = 	snop  }
0x3c: {  	p2 =	seq.s32 s10, $0x1;
	s10 =	sld [smem:$0x3F51]  }
0x3d: {  	_ =	shalt  }
0x3e: {  	_ =	shalt  }
0x3f: {  	_ =	shalt  }
0x40: {  	_ =	shalt  }
0x41: {  	_ =	shalt  }
0x42: {  	_ =	shalt  }
0x43: {  	_ =	shalt  }
0x44: {  	_ =	shalt  }
0x45: {  	_ =	shalt  }
0x46: {  	_ =	shalt  }
0x47: {  	_ =	shalt  }
0x48: {  	_ =	shalt  }
0x49: {  	_ =	shalt  }
0x4a: {  	_ =	shalt  }
0x4b: {  	_ =	shalt  }
0x4c: {  	_ =	shalt  }
0x4d: {  	_ =	shalt  }
0x4e: {  	_ =	shalt  }
0x4f: {  	_ =	shalt  }
0x50: {  	_ =	shalt  }
0x51: {  	_ =	shalt  }
0x52: {  	_ =	shalt  }
0x53: {  	_ =	shalt  }
0x54: {  	_ =	shalt  }
0x55: {  	_ =	shalt  }
0x56: {  	_ =	shalt  }
0x57: {  	_ =	shalt  }
0x58: {  	_ =	shalt  }
0x59: {  	_ =	shalt  }
0x5a: {  	_ =	shalt  }
0x5b: {  	_ =	shalt  }
0x5c: {  	_ =	shalt  }
0x5d: {  	_ =	shalt  }
0x5e: {  	_ =	shalt  }
0x5f: {  	_ =	shalt  }
0x60: {  	_ =	shalt  }
0x61: {  	_ =	shalt  }
0x62: {  	_ =	shalt  }
0x63: {  	_ =	shalt  }
0x64: {  	_ =	shalt  }
0x65: {  	_ =	shalt  }
0x66: {  	_ =	shalt  }
0x67: {  	_ =	shalt  }
0x68: {  	_ =	shalt  }
0x69: {  	_ =	shalt  }
0x6a: {  	_ =	shalt  }
0x6b: {  	_ =	shalt  }
0x6c: {  	_ =	shalt  }
0x6d: {  	_ =	shalt  }
0x6e: {  	_ =	shalt  }
0x6f: {  	_ =	shalt  }
0x70: {  	_ =	shalt  }
0x71: {  	_ =	shalt  }
0x72: {  	_ =	shalt  }
0x73: {  	_ =	shalt  }
0x74: {  	_ =	shalt  }
0x75: {  	_ =	shalt  }
0x76: {  	_ =	shalt  }
0x77: {  	_ =	shalt  }
0x78: {  	_ =	shalt  }
0x79: {  	_ =	shalt  }
0x7a: {  	_ =	shalt  }
0x7b: {  	_ =	shalt  }
0x7c: {  	_ =	shalt  }
0x7d: {  	_ =	shalt  }
0x7e: {  	_ =	shalt  }
0x7f: {  	_ =	shalt  }
0x80: {  	_ =	shalt  }
0x81: {  	_ =	shalt  }
0x82: {  	_ =	shalt  }
0x83: {  	_ =	shalt  }
0x84: {  	_ =	shalt  }
0x85: {  	_ =	shalt  }
0x86: {  	_ =	shalt  }
0x87: {  	_ =	shalt  }
.Lfunc_end0:
.L_simem_size_0:
called_computation.3_lowered:
.L_overlay_start_0:
0x88: {  	s2 =	sld [smem:$0x3FD9]  }
0x89: {  	s3 =	sld [smem:$0x3FFE];
	_ =	sdelay $0x1  }
0x8a: {  	s1 =	srdreg.scid  }
0x8b: {  	s0 =	sand.u32 $0x1, s1  }
0x8c: {  	s16 =	sshll.u32 s0, $0xA;
	s2 =	sadd.s32 s3, s2  }
0x8d: {  	s2 =	sadd.s32 s2, s16  }
0x8e: {  	[smem:$0x3F5D] =	sst s2  }
0x8f: {  	_ = 	snop  }
0x90: {  	(tm) =	ssettm $0x1  }
0x91: {  	s17 =	sld [smem:$0x3FFB];
	_ =	sdelay $0x3  }
0x92: {  	_ =	strace s17  }
0x93: {  	s2 =	sld [smem:$0x3FFC];
	_ =	sdelay $0x3  }
0x94: {  	_ =	strace s2  }
0x95: {  	s2 =	sld [smem:$0x3FFD];
	_ =	sdelay $0x3  }
0x96: {  	_ =	strace s2  }
0x97: {  	_ =	strace $0x8FFFFFFF  }
0x98: {  	s18 =	sld [smem:$0x3FDB];
	_ =	sdelay $0x1  }
0x99: {  	s19 =	simm.s32 $_scs_section_size  }
0x9a: {  	s4 =	simm.s32 $_size__tile_overlayer_lowered;
	s5 =	simm.s32 $_tile_overlayer_lowered  }
0x9b: {  	s22 =	simm.s32 $0x1BFF;
	s21 =	sshll.u32 s5, $0x1;
	s2 =	sadd.s32 s19, s18  }
0x9c: {  	s6 =	simm.s32 $0x0;
	s20 =	sshll.u32 s4, $0x1;
	s4 =	sadd.s32 s21, s2  }
0x9d: {  	[timem:s6], [sflag:s22] =	dma.local [hbm:s4], s20  }
0x9e: {  	_ =	swait.ge [sflag:s22], s20  }
0x9f: {  	s3 =	ssub.s32 $0x0, s20;
	[sflag:s22] =	ssyncset.done $0x0  }
0xa0: {  	[sflag:s22] =	ssyncadd.s32 s3;
	_ =	sdelay $0x1  }
0xa1: {  	s23 =	simm.s32 $0x1B8B  }
0xa2: {  	_ =	swait.ge [sflag:s23], $0x1  }
0xa3: {  	[sflag:s23] =	ssyncset.done $0x0  }
0xa4: {  	s25 =	simm.s32 $0x1B8E;
	s24 =	sld [smem:$0x3FFE];
	[sflag:s23] =	ssyncadd.s32 $0xFFFFFFFF  }
0xa5: {  	s26 =	simm.s32 $execute0_lowered;
	[smem:$0x3FD2] =	sst s25  }
0xa6: {  	s4 =	sshll.u32 s26, $0x1;
	_ =	strace $0x80000046;
	[dreg:$0x1] =	wrdreg $0xFFFFFFFF  }
0xa7: {  	s28 =	simm.s32 $_size_execute0_lowered;
	s2 =	sadd.s32 s2, s4;
	[dreg:$0x0] =	wrdreg $0x0  }
0xa8: {  	s4 =	sshll.u32 s28, $0x1;
	[dreg:$0x2] =	wrdreg s2  }
0xa9: {  	[dreg:$0x3] =	wrdreg s4  }
0xaa: {  	[dreg:$0x4] =	wrdreg $0xC0  }
0xab: {  	_ =	task [dreg:s6], $0x5FFFF  }
0xac: {  	[dreg:$0x1] =	wrdreg $0xFFFFFFFF  }
0xad: {  	[dreg:$0x0] =	wrdreg $0x60  }
0xae: {  	[dreg:$0x2] =	wrdreg s24  }
0xaf: {  	[dreg:$0x3] =	wrdreg $0xC  }
0xb0: {  	_ =	task.clear_ibuf [dreg:s6], $0x4FFFF;
	_ =	strace $0x90000046  }
0xb1: {  	s29 =	simm.s32 $0xC;
	_ =	strace $0x80000048  }
0xb2: {  	_ =	swait.ge [sflag:s29], $0x1  }
0xb3: {  	[sflag:s29] =	ssyncadd.s32 $0xFFFFFFFF  }
0xb4: {  	_ =	strace $0x90000048  }
0xb5: {  	_ =	sfence  }
0xb6: {  	s30 =	sld [smem:$0x0];
	_ =	sdelay $0x2  }
0xb7: {  	s31 =	sshll.u32 s1, $0xD;
	s1 =	sshrl.u32 s1, $0x2  }
0xb8: {  	s3 =	sand.u32 $0x4000, s31;
	s1 =	sadd.s32 s1, s30  }
0xb9: {  	s0 =	sor.u32 s3, s0;
	s1 =	sshll.u32 s1, $0x11  }
0xba: {  	s0 =	sor.u32 s1, s0  }
0xbb: {  	s0 =	sadd.s32 $0x8F2B, s0  }
0xbc: {  	[sflag:s0] =	ssyncadd.remote.s32 $0x1  }
0xbd: {  	_ =	sfence.sel $0xFFFF  }
0xbe: {  	[dreg:$0x0] =	wrdreg $0xFFFFFFFF;
	(pc) =	sbr.abs _section_cstart, $3  }
0xbf: {  	[dreg:$0x1] =	wrdreg $0xFFFFFFFF  }
0xc0: {  	_ =	task.clear_ibuf [dreg:s6], $0x2FFFF;
	_ =	strace $0x9FFFFFFF  }
0xc1: {  	(tm) =	ssettm $0x7FFFFFFF  }
tec
execute0_lowered:
.L_overlay_start_1:
0x0: {  	(tag) =	ssettag $0x1  }
0x1: {  	s1 =	srdreg.scid  }
0x2: {  	s0 =	stileid.u32;
	s6 =	sand.u32 $0x1, s1  }
0x3: {  	s8 =	rddreg [dreg:$0x0];
	s30 =	sshll.u32 s0, $0x8;
	s2 =	sshll.u32 s6, $0x7  }
0x4: {  	s4 =	simm.s32 $0x3;
	s1 =	rddreg [dreg:$0x1];
	s7 =	sor.u32 s2, s30  }
0x5: {  	s5 =	sadd.s32 $0xCE00, s8;
	s2 =	simm.s32 $0x0;
	s3 =	sshrl.u32 s7, $0x3  }
0x6: {  	s10 =	ssub.s32 $0x2, s6;
	[smem:$0x7FF] =	sst s2;
	s3 =	sadd.s32 s3, s8  }
0x7: {  	s6 =	simm.s32 $0x80;
	_ =	strace $0x80000047;
	s3 =	sadd.s32 $0xCC00, s3  }
0x8: {  	[tilespmem:s2], [sflag:$0x3] =	stream.linear.gather [hbm4b:s3+s2], $0x80, $0x38;
	[tilespmem:$0x4080] =	vst v63  }
0x9: {  	s31 =	sshrl.u32 s10, $0x1;
	s9 =	sshll.u32 s7, $0x4;
	_ =	swait.ge [sflag:s4], $0x80  }
0xa: {  	s8 =	sadd.s32 s9, s8;
	s9 =	ssub.s32 s10, s31;
	[sflag:s4] =	ssyncset.done $0x0  }
0xb: {  	s7 =	simm.s32 $0x1;
	s10 =	smax.u32 s9, $0x1;
	[sflag:s4] =	ssyncadd.s32 $0xFFFFFF80  }
0xc: {  	[tilespmem:s6], [sflag:$0x1] =	stream.indirect.gather [hbm4b:s5+s6], $0x80, s2, s6, $0xb8;
	[tilespmem:$0x4080] =	vst v63  }
0xd: {  	p0 =	sne.s32 s10, $0x1;
	_ =	swait.ge [sflag:s7], $0x4000  }
.Ltmp0:
0xe: {  	[sflag:s7] =	ssyncset.done $0x0;
	(pc) =	sbr.rel @!p0 .LBB2_2-.Ltmp0, $4  }
0xf: {  	s8 =	sadd.s32 $0x1C800, s8;
	s9 =	simm.s32 $0x2;
	[sflag:s7] =	ssyncadd.s32 $0xFFFFC000  }
0x10: {  	[hbm4b:s8+s2] =	stream.linear.scatter [tilespmem:s6], [sflag:$0x2], $0x4000, $0x38;
	[tilespmem:$0x4080] =	vst v63  }
0x11: {  	_ =	swait.ge [sflag:s9], $0x4000  }
0x12: {  	s10 =	sadd.s32 $0xFFFFFFFF, s10;
	[sflag:s9] =	ssyncset.done $0x0  }
.LBB2_1:
0x13: {  	p0 =	sne.s32 s10, $0x1;
	s10 =	sadd.s32 $0xFFFFFFFF, s10;
	[sflag:s9] =	ssyncadd.s32 $0xFFFFC000  }
0x14: {  	[tilespmem:s2], [sflag:$0x3] =	stream.linear.gather [hbm4b:s3+s2], $0x80, $0x38;
	[tilespmem:$0x4080] =	vst v63  }
0x15: {  	_ =	swait.ge [sflag:s4], $0x80  }
0x16: {  	[sflag:s4] =	ssyncset.done $0x0  }
0x17: {  	[sflag:s4] =	ssyncadd.s32 $0xFFFFFF80  }
0x18: {  	[tilespmem:s6], [sflag:$0x1] =	stream.indirect.gather [hbm4b:s5+s6], $0x80, s2, s6, $0xb8;
	[tilespmem:$0x4080] =	vst v63  }
0x19: {  	_ =	swait.ge [sflag:s7], $0x4000  }
.Ltmp1:
0x1a: {  	[sflag:s7] =	ssyncset.done $0x0;
	(pc) =	sbr.rel @p0 .LBB2_1-.Ltmp1, $4  }
0x1b: {  	[sflag:s7] =	ssyncadd.s32 $0xFFFFC000  }
0x1c: {  	[hbm4b:s8+s2] =	stream.linear.scatter [tilespmem:s6], [sflag:$0x2], $0x4000, $0x38;
	[tilespmem:$0x4080] =	vst v63  }
0x1d: {  	_ =	swait.ge [sflag:s9], $0x4000  }
0x1e: {  	[sflag:s9] =	ssyncset.done $0x0  }
.LBB2_2:
0x1f: {  	[sflag:s9] =	ssyncadd.s32 $0xFFFFC000  }
0x20: {  	_ =	sfence.sel $0x180000  }
0x21: {  	[bflag:$0x0] =	sbarrier.arrive $0xFFFF  }
0x22: {  	p0 =	sne.s32 s0, $0x0;
	_ =	strace $0x90000047  }
0x23: {  	s0 =	sadd.s32 @!p0 $0x100000, s1;
	[bflag:$0x2] =	sbarrier.arrive $0xFFFF  }
0x24: {  	[sflag:s0] =	ssyncadd.tile.s32 @!p0 $0x1;
	_ =	shalt  }
.Lfunc_end2:
_tile_overlayer_lowered:
.L_overlay_start_2:
0x25: {  	(tag) =	ssettag $0x2  }
0x26: {  	s0 =	rddreg [dreg:$0x0];
	s2 =	stileid.u32  }
0x27: {  	s1 =	rddreg [dreg:$0x1];
	p0 =	sne.s32 s2, $0x0  }
0x28: {  	s3 =	rddreg [dreg:$0x2];
	[bflag:$0x3] =	sbarrier.arrive $0xFFFF;
	s2 =	simm.s32 @!p0 $0x1C03  }
0x29: {  	[timem:s3], [sflag:s2] =	dma.local @!p0 [hbm:s0], s1  }
0x2a: {  	s0 =	simm.s32 @!p0 $0x3  }
0x2b: {  	_ =	swait.ge @!p0 [sflag:s0], s1  }
0x2c: {  	s1 =	ssub.s32 @!p0 $0x0, s1;
	[sflag:s0] =	ssyncset.done @!p0 $0x0  }
0x2d: {  	[sflag:s0] =	ssyncadd.s32 @!p0 s1  }
0x2e: {  	[bflag:$0x3] =	sbarrier.arrive $0xFFFF  }
0x2f: {  	_ =	shalt  }

</sc_bundles>
